<compile_context>
chip_gen: v7x
topology: tpu7x:2x2x1
jax: 0.10.2.dev20260603
libtpu: 0.0.44.dev20260713+nightly
codegen_flags: <defaults>
</compile_context>

<pallas_src>
import functools

import jax
import jax.numpy as jnp
from jax import lax
from jax.experimental import pallas as pl
from jax.experimental.pallas import tpu as pltpu
from jax.experimental.pallas import tpu_sc as plsc

N = 10000
D = 128
HG = 2
CG = 64
DH = 64
FFD = 256
E = 320000

BLK = 1000
NB = N // BLK

NW = 32
CHUNK = 128
GPW = 79
E_PAD = NW * GPW * CHUNK
R = 10240
ZCH = R // CHUNK // 16
W = 144


def _k1_body(x_ref, w_ref, asr_ref, adr_ref, h_ref, a_ref):
    h = jnp.dot(x_ref[...], w_ref[...], preferred_element_type=jnp.float32)
    h_ref[...] = h
    hs = h * asr_ref[...]
    hd = h * adr_ref[...]
    a0 = jnp.sum(hs[:, :CG], axis=1, keepdims=True)
    a1 = jnp.sum(hs[:, CG:], axis=1, keepdims=True)
    d0 = jnp.sum(hd[:, :CG], axis=1, keepdims=True)
    d1 = jnp.sum(hd[:, CG:], axis=1, keepdims=True)
    z = jnp.zeros_like(a0)
    a_ref[...] = jnp.concatenate([a0, a1, d0, d1, z, z, z, z], axis=1)


def _k1(x, gat_w, asr, adr):
    return pl.pallas_call(
        _k1_body,
        grid=(NB,),
        in_specs=[
            pl.BlockSpec((BLK, D), lambda i: (i, 0)),
            pl.BlockSpec((D, D), lambda i: (0, 0)),
            pl.BlockSpec((1, D), lambda i: (0, 0)),
            pl.BlockSpec((1, D), lambda i: (0, 0)),
        ],
        out_specs=[
            pl.BlockSpec((BLK, D), lambda i: (i, 0)),
            pl.BlockSpec((BLK, 8), lambda i: (i, 0)),
        ],
        out_shape=[
            jax.ShapeDtypeStruct((N, D), jnp.float32),
            jax.ShapeDtypeStruct((N, 8), jnp.float32),
        ],
    )(x, gat_w, asr, adr)


def _edge_ex_sc(src, dst, atab):
    mesh = plsc.VectorSubcoreMesh(core_axis_name="c", subcore_axis_name="s")

    @functools.partial(
        pl.kernel,
        mesh=mesh,
        out_type=(
            jax.ShapeDtypeStruct((E_PAD,), jnp.float32),
            jax.ShapeDtypeStruct((E_PAD,), jnp.float32),
        ),
        scratch_types=[
            pltpu.VMEM((4 * N,), jnp.float32),
            pltpu.VMEM((CHUNK,), jnp.int32),
            pltpu.VMEM((CHUNK,), jnp.int32),
            pltpu.VMEM((CHUNK,), jnp.float32),
            pltpu.VMEM((CHUNK,), jnp.float32),
        ],
        compiler_params=pltpu.CompilerParams(needs_layout_passes=False),
    )
    def k(src_hbm, dst_hbm, atab_hbm, ex0_out, ex1_out,
          atab_v, sidx_v, didx_v, ex0_v, ex1_v):
        cid = lax.axis_index("c")
        sid = lax.axis_index("s")
        wid = sid * 2 + cid

        pltpu.sync_copy(atab_hbm, atab_v)

        def chunk_body(g, _):
            base = (wid * GPW + g) * CHUNK
            pltpu.sync_copy(src_hbm.at[pl.ds(base, CHUNK)], sidx_v)
            pltpu.sync_copy(dst_hbm.at[pl.ds(base, CHUNK)], didx_v)

            def exg(j, _):
                si = sidx_v[pl.ds(j * 16, 16)]
                di = jnp.minimum(didx_v[pl.ds(j * 16, 16)], N - 1)
                as0 = plsc.load_gather(atab_v, [si])
                as1 = plsc.load_gather(atab_v, [si + N])
                ad0 = plsc.load_gather(atab_v, [di + 2 * N])
                ad1 = plsc.load_gather(atab_v, [di + 3 * N])
                e0 = as0 + ad0
                e1 = as1 + ad1
                e0 = jnp.where(e0 > 0, e0, 0.2 * e0)
                e1 = jnp.where(e1 > 0, e1, 0.2 * e1)
                ex0_v[pl.ds(j * 16, 16)] = jnp.exp(e0)
                ex1_v[pl.ds(j * 16, 16)] = jnp.exp(e1)
                return 0
            lax.fori_loop(0, 8, exg, 0)
            pltpu.sync_copy(ex0_v, ex0_out.at[pl.ds(base, CHUNK)])
            pltpu.sync_copy(ex1_v, ex1_out.at[pl.ds(base, CHUNK)])
            return 0
        lax.fori_loop(0, GPW, chunk_body, 0)

    return k(src, dst, atab)


def _edge_agg_sc(src, dst, ex0, ex1, h):
    mesh = plsc.VectorSubcoreMesh(core_axis_name="c", subcore_axis_name="s")

    @functools.partial(
        pl.kernel,
        mesh=mesh,
        out_type=jax.ShapeDtypeStruct((2 * R, D), jnp.float32),
        scratch_types=[
            pltpu.VMEM((CHUNK,), jnp.int32),
            pltpu.VMEM((CHUNK,), jnp.int32),
            pltpu.VMEM((CHUNK,), jnp.int32),
            pltpu.VMEM((CHUNK, D), jnp.float32),
            pltpu.VMEM((CHUNK,), jnp.float32),
            pltpu.VMEM((CHUNK,), jnp.float32),
            pltpu.VMEM_SHARED((R, D), jnp.float32),
            pltpu.SemaphoreType.DMA,
        ],
        compiler_params=pltpu.CompilerParams(needs_layout_passes=False),
    )
    def k(src_hbm, dst_hbm, ex0_hbm, ex1_hbm, h_hbm, acc_out,
          sidx_v, didx_v, ridx_v, hrow_v, ex0_v, ex1_v, acc_s, sem):
        cid = lax.axis_index("c")
        sid = lax.axis_index("s")
        wid = sid * 2 + cid

        z16 = jnp.zeros((16,), jnp.float32)
        i16 = lax.iota(jnp.int32, 16)

        def zrow(r, _):
            for g in range(8):
                hrow_v[r, pl.ds(g * 16, 16)] = z16
            return 0
        lax.fori_loop(0, CHUNK, zrow, 0)

        def fill_ridx(c):
            def f(j16, _):
                ridx_v[pl.ds(j16 * 16, 16)] = c * CHUNK + j16 * 16 + i16
                return 0
            lax.fori_loop(0, 8, f, 0)

        def zacc(i, _):
            c = i * 16 + sid
            fill_ridx(c)
            pltpu.sync_copy(hrow_v, acc_s.at[ridx_v])
            return 0
        lax.fori_loop(0, ZCH, zacc, 0)
        plsc.subcore_barrier()

        def chunk_body(g, _):
            base = (wid * GPW + g) * CHUNK
            pltpu.sync_copy(src_hbm.at[pl.ds(base, CHUNK)], sidx_v)
            pltpu.sync_copy(dst_hbm.at[pl.ds(base, CHUNK)], didx_v)
            cp = pltpu.async_copy(h_hbm.at[sidx_v], hrow_v, sem)
            pltpu.sync_copy(ex0_hbm.at[pl.ds(base, CHUNK)], ex0_v)
            pltpu.sync_copy(ex1_hbm.at[pl.ds(base, CHUNK)], ex1_v)
            cp.wait()

            def scale(j16, _):
                exv0 = ex0_v[pl.ds(j16 * 16, 16)]
                exv1 = ex1_v[pl.ds(j16 * 16, 16)]
                for t in range(16):
                    x0 = exv0[t]
                    x1 = exv1[t]
                    jj = j16 * 16 + t
                    for g in range(4):
                        hrow_v[jj, pl.ds(g * 16, 16)] = (
                            hrow_v[jj, pl.ds(g * 16, 16)] * x0)
                    for g in range(4, 8):
                        hrow_v[jj, pl.ds(g * 16, 16)] = (
                            hrow_v[jj, pl.ds(g * 16, 16)] * x1)
                return 0
            lax.fori_loop(0, 8, scale, 0)

            pltpu.sync_copy(hrow_v, acc_s.at[didx_v], add=True)
            return 0
        lax.fori_loop(0, GPW, chunk_body, 0)
        plsc.subcore_barrier()

        def out_body(i, _):
            c = i * 16 + sid
            ro = cid * R + c * CHUNK
            fill_ridx(c)
            pltpu.async_copy(acc_s.at[ridx_v], hrow_v, sem).wait()
            pltpu.sync_copy(hrow_v, acc_out.at[pl.ds(ro, CHUNK)])
            return 0
        lax.fori_loop(0, ZCH, out_body, 0)

    return k(src, dst, ex0, ex1, h)


def _edge_den_sc(dst, ex0, ex1):
    mesh = plsc.VectorSubcoreMesh(core_axis_name="c", subcore_axis_name="s")

    @functools.partial(
        pl.kernel,
        mesh=mesh,
        out_type=jax.ShapeDtypeStruct((2 * R, D), jnp.float32),
        scratch_types=[
            pltpu.VMEM((CHUNK,), jnp.int32),
            pltpu.VMEM((CHUNK,), jnp.int32),
            pltpu.VMEM((CHUNK, D), jnp.float32),
            pltpu.VMEM((CHUNK,), jnp.float32),
            pltpu.VMEM((CHUNK,), jnp.float32),
            pltpu.VMEM_SHARED((R, D), jnp.float32),
            pltpu.SemaphoreType.DMA,
        ],
        compiler_params=pltpu.CompilerParams(needs_layout_passes=False),
    )
    def k(dst_hbm, ex0_hbm, ex1_hbm, den_out,
          didx_v, ridx_v, drow_v, ex0_v, ex1_v, den_s, sem):
        cid = lax.axis_index("c")
        sid = lax.axis_index("s")
        wid = sid * 2 + cid

        z16 = jnp.zeros((16,), jnp.float32)
        i16 = lax.iota(jnp.int32, 16)

        def zrow(r, _):
            for g in range(8):
                drow_v[r, pl.ds(g * 16, 16)] = z16
            return 0
        lax.fori_loop(0, CHUNK, zrow, 0)

        def fill_ridx(c):
            def f(j16, _):
                ridx_v[pl.ds(j16 * 16, 16)] = c * CHUNK + j16 * 16 + i16
                return 0
            lax.fori_loop(0, 8, f, 0)

        def zacc(i, _):
            c = i * 16 + sid
            fill_ridx(c)
            pltpu.sync_copy(drow_v, den_s.at[ridx_v])
            return 0
        lax.fori_loop(0, ZCH, zacc, 0)
        plsc.subcore_barrier()

        m0 = (i16 == 0).astype(jnp.float32)
        m1 = (i16 == 1).astype(jnp.float32)

        def chunk_body(g, _):
            base = (wid * GPW + g) * CHUNK
            pltpu.sync_copy(dst_hbm.at[pl.ds(base, CHUNK)], didx_v)
            pltpu.sync_copy(ex0_hbm.at[pl.ds(base, CHUNK)], ex0_v)
            pltpu.sync_copy(ex1_hbm.at[pl.ds(base, CHUNK)], ex1_v)

            def scale(j16, _):
                exv0 = ex0_v[pl.ds(j16 * 16, 16)]
                exv1 = ex1_v[pl.ds(j16 * 16, 16)]
                for t in range(16):
                    jj = j16 * 16 + t
                    drow_v[jj, pl.ds(0, 16)] = exv0[t] * m0 + exv1[t] * m1
                return 0
            lax.fori_loop(0, 8, scale, 0)

            pltpu.sync_copy(drow_v, den_s.at[didx_v], add=True)
            return 0
        lax.fori_loop(0, GPW, chunk_body, 0)
        plsc.subcore_barrier()

        def out_body(i, _):
            c = i * 16 + sid
            ro = cid * R + c * CHUNK
            fill_ridx(c)
            pltpu.async_copy(den_s.at[ridx_v], drow_v, sem).wait()
            pltpu.sync_copy(drow_v, den_out.at[pl.ds(ro, CHUNK)])
            return 0
        lax.fori_loop(0, ZCH, out_body, 0)

    return k(dst, ex0, ex1)


def _edge_sc(src, dst, h, atab):
    ex0, ex1 = _edge_ex_sc(src, dst, atab)
    acc2 = _edge_agg_sc(src, dst, ex0, ex1, h).reshape(2, R, D)
    den2 = _edge_den_sc(dst, ex0, ex1).reshape(2, R, D)
    return acc2, den2[:, :, :16]


def _k3_body(acc_ref, den_ref, h_ref, a_ref, bias_ref, y_ref):
    acc = acc_ref[0] + acc_ref[1]
    den = den_ref[0] + den_ref[1]
    a = a_ref[...]
    e0 = a[:, 0:1] + a[:, 2:3]
    e1 = a[:, 1:2] + a[:, 3:4]
    e0 = jnp.where(e0 > 0, e0, 0.2 * e0)
    e1 = jnp.where(e1 > 0, e1, 0.2 * e1)
    ex0 = jnp.exp(e0)
    ex1 = jnp.exp(e1)
    h = h_ref[...]
    io = lax.broadcasted_iota(jnp.int32, (BLK, D), 1)
    exb = jnp.where(io < CG, ex0, ex1)
    num = acc + h * exb
    denb = jnp.where(io < CG, den[:, 0:1] + ex0, den[:, 1:2] + ex1) + 1e-16
    y_ref[...] = num / denb + bias_ref[...]


def _k3(acc2, den2, h, a_all, bias):
    return pl.pallas_call(
        _k3_body,
        grid=(NB,),
        in_specs=[
            pl.BlockSpec((2, BLK, D), lambda i: (0, i, 0)),
            pl.BlockSpec((2, BLK, 16), lambda i: (0, i, 0)),
            pl.BlockSpec((BLK, D), lambda i: (i, 0)),
            pl.BlockSpec((BLK, 8), lambda i: (i, 0)),
            pl.BlockSpec((1, D), lambda i: (0, 0)),
        ],
        out_specs=pl.BlockSpec((BLK, D), lambda i: (i, 0)),
        out_shape=jax.ShapeDtypeStruct((N, D), jnp.float32),
    )(acc2, den2, h, a_all, bias)


def _kqkv_body(y_ref, wq_ref, wk_ref, wv_ref, bq_ref, bk_ref, bv_ref,
               q_ref, k_ref, v_ref):
    y = y_ref[...]
    for w_ref, b_ref, o_ref in ((wq_ref, bq_ref, q_ref),
                                (wk_ref, bk_ref, k_ref),
                                (wv_ref, bv_ref, v_ref)):
        o = jnp.dot(y, w_ref[...], preferred_element_type=jnp.float32)
        o = o + b_ref[...]
        o_ref[0] = o[:, :DH]
        o_ref[1] = o[:, DH:]


def _kqkv(y, wq, wk, wv, bq, bk, bv):
    hspec = pl.BlockSpec((2, BLK, DH), lambda i: (0, i, 0))
    wspec = pl.BlockSpec((D, D), lambda i: (0, 0))
    bspec = pl.BlockSpec((1, D), lambda i: (0, 0))
    return pl.pallas_call(
        _kqkv_body,
        grid=(NB,),
        in_specs=[pl.BlockSpec((BLK, D), lambda i: (i, 0)),
                  wspec, wspec, wspec, bspec, bspec, bspec],
        out_specs=[hspec, hspec, hspec],
        out_shape=[jax.ShapeDtypeStruct((HG, N, DH), jnp.float32)] * 3,
    )(y, wq, wk, wv, bq, bk, bv)


def _flash_body(q_ref, k_ref, v_ref, o_ref, m_scr, l_scr, acc_scr):
    j = pl.program_id(2)

    @pl.when(j == 0)
    def _():
        m_scr[...] = jnp.full_like(m_scr, -1e30)
        l_scr[...] = jnp.zeros_like(l_scr)
        acc_scr[...] = jnp.zeros_like(acc_scr)

    q = q_ref[0]
    k = k_ref[0]
    s = lax.dot_general(q, k, (((1,), (1,)), ((), ())),
                        preferred_element_type=jnp.float32) * 0.125
    m_prev = m_scr[:, 0:1]
    l_prev = l_scr[:, 0:1]
    m_cur = jnp.max(s, axis=1, keepdims=True)
    m_new = jnp.maximum(m_prev, m_cur)
    alpha = jnp.exp(m_prev - m_new)
    ps = jnp.exp(s - m_new)
    l_new = l_prev * alpha + jnp.sum(ps, axis=1, keepdims=True)
    acc_scr[...] = acc_scr[...] * alpha + jnp.dot(
        ps, v_ref[0], preferred_element_type=jnp.float32)
    m_scr[...] = jnp.broadcast_to(m_new, m_scr.shape)
    l_scr[...] = jnp.broadcast_to(l_new, l_scr.shape)

    @pl.when(j == NB - 1)
    def _():
        o_ref[0] = acc_scr[...] / l_scr[:, 0:1]


def _kflash(q, k, v):
    spec_i = pl.BlockSpec((1, BLK, DH), lambda h, i, j: (h, i, 0))
    spec_j = pl.BlockSpec((1, BLK, DH), lambda h, i, j: (h, j, 0))
    return pl.pallas_call(
        _flash_body,
        grid=(HG, NB, NB),
        in_specs=[spec_i, spec_j, spec_j],
        out_specs=spec_i,
        out_shape=jax.ShapeDtypeStruct((HG, N, DH), jnp.float32),
        scratch_shapes=[
            pltpu.VMEM((BLK, D), jnp.float32),
            pltpu.VMEM((BLK, D), jnp.float32),
            pltpu.VMEM((BLK, DH), jnp.float32),
        ],
        compiler_params=pltpu.CompilerParams(
            dimension_semantics=("parallel", "parallel", "arbitrary")),
    )(q, k, v)


def _ln(x, g, b):
    mu = jnp.mean(x, axis=-1, keepdims=True)
    var = jnp.mean((x - mu) ** 2, axis=-1, keepdims=True)
    return (x - mu) * lax.rsqrt(var + 1e-5) * g + b


def _ko_body(o_ref, y_ref, wo_ref, bo_ref, w1_ref, b1_ref, w2_ref, b2_ref,
             g1_ref, bl1_ref, g2_ref, bl2_ref, out_ref):
    oc = jnp.concatenate([o_ref[0], o_ref[1]], axis=1)
    o2 = jnp.dot(oc, wo_ref[...], preferred_element_type=jnp.float32)
    o2 = o2 + bo_ref[...]
    y1 = _ln(y_ref[...] + o2, g1_ref[...], bl1_ref[...])
    ffh = jnp.maximum(
        jnp.dot(y1, w1_ref[...], preferred_element_type=jnp.float32)
        + b1_ref[...], 0.0)
    ffo = jnp.dot(ffh, w2_ref[...], preferred_element_type=jnp.float32)
    ffo = ffo + b2_ref[...]
    out_ref[...] = _ln(y1 + ffo, g2_ref[...], bl2_ref[...])


def _ko(o, y, wo, bo, w1, b1, w2, b2, g1, bl1, g2, bl2):
    c = lambda shape: pl.BlockSpec(shape, lambda i: tuple(0 for _ in shape))
    return pl.pallas_call(
        _ko_body,
        grid=(NB,),
        in_specs=[
            pl.BlockSpec((2, BLK, DH), lambda i: (0, i, 0)),
            pl.BlockSpec((BLK, D), lambda i: (i, 0)),
            c((D, D)), c((1, D)),
            c((D, FFD)), c((1, FFD)),
            c((FFD, D)), c((1, D)),
            c((1, D)), c((1, D)), c((1, D)), c((1, D)),
        ],
        out_specs=pl.BlockSpec((BLK, D), lambda i: (i, 0)),
        out_shape=jax.ShapeDtypeStruct((N, D), jnp.float32),
    )(o, y, wo, bo, w1, b1, w2, b2, g1, bl1, g2, bl2)


def _row(v):
    return v.reshape(1, -1)


def kernel(x, edge_index, batch, params):
    p = params
    asr = jnp.concatenate([p['att_src'][0], p['att_src'][1]]).reshape(1, D)
    adr = jnp.concatenate([p['att_dst'][0], p['att_dst'][1]]).reshape(1, D)

    h, a_all = _k1(x, p['gat_W'], asr, adr)
    atab = a_all[:, :4].T.reshape(-1)

    npad = E_PAD - E
    src = jnp.concatenate([edge_index[0], jnp.zeros((npad,), jnp.int32)])
    dst = jnp.concatenate([edge_index[1], jnp.full((npad,), N, jnp.int32)])
    acc2, den2 = _edge_sc(src, dst, h, atab)

    y = _k3(acc2[:, :N], den2[:, :N], h, a_all, _row(p['gat_bias']))

    for l in range(2):
        g = lambda nme: p[f'l{l}_{nme}']
        q, k, v = _kqkv(y, g('Wq'), g('Wk'), g('Wv'),
                        _row(g('bq')), _row(g('bk')), _row(g('bv')))
        o = _kflash(q, k, v)
        y = _ko(o, y, g('Wo'), _row(g('bo')),
                g('W1'), _row(g('b1')), g('W2'), _row(g('b2')),
                _row(g('g1')), _row(g('bln1')), _row(g('g2')), _row(g('bln2')))
    return y

# --- scband reference (transcript-rebuilt; emitter-appended) ---
"""Pipeline reference for scband-graph-encoder-57870389347019 (READ-ONLY COPY).

The authoritative reference and input builder live on the scoring server;
editing this copy changes nothing except your own understanding.
"""

import jax, jax.numpy as jnp
import numpy as np

N_NODES = 10000
E_EDGES = 320000
IN_DIM = 128
H_GAT = 2
C_GAT = 64
D = 128
H_T = 2
DH = 64
FF = 256


def _make_params(key):
    ks = jax.random.split(key, 64)
    it = iter(range(64))
    def nrm(shape, scale=0.05):
        return jax.random.normal(ks[next(it)], shape, dtype=jnp.float32) * scale
    p = {}
    p['gat_W'] = nrm((IN_DIM, H_GAT * C_GAT))
    p['att_src'] = nrm((H_GAT, C_GAT))
    p['att_dst'] = nrm((H_GAT, C_GAT))
    p['gat_bias'] = jnp.zeros((H_GAT * C_GAT,), jnp.float32)
    for l in range(2):
        for nme in ['Wq', 'Wk', 'Wv', 'Wo']:
            p[f'l{l}_{nme}'] = nrm((D, D))
        for nme in ['bq', 'bk', 'bv', 'bo']:
            p[f'l{l}_{nme}'] = jnp.zeros((D,), jnp.float32)
        p[f'l{l}_W1'] = nrm((D, FF))
        p[f'l{l}_b1'] = jnp.zeros((FF,), jnp.float32)
        p[f'l{l}_W2'] = nrm((FF, D))
        p[f'l{l}_b2'] = jnp.zeros((D,), jnp.float32)
        p[f'l{l}_g1'] = jnp.ones((D,), jnp.float32)
        p[f'l{l}_bln1'] = jnp.zeros((D,), jnp.float32)
        p[f'l{l}_g2'] = jnp.ones((D,), jnp.float32)
        p[f'l{l}_bln2'] = jnp.zeros((D,), jnp.float32)
    return p


def setup_inputs(seed: int = 0):
    key = jax.random.key(seed)
    k1, k2, k3 = jax.random.split(key, 3)
    x = jax.random.normal(k1, (N_NODES, IN_DIM), dtype=jnp.float32)
    edge_index = jax.random.randint(k2, (2, E_EDGES), 0, N_NODES, dtype=jnp.int32)
    batch = jnp.zeros((N_NODES,), dtype=jnp.int32)
    params = _make_params(k3)
    return {'x': x, 'edge_index': edge_index, 'batch': batch, 'params': params}


def _layer_norm(x, g, b):
    mu = jnp.mean(x, axis=-1, keepdims=True)
    var = jnp.mean((x - mu) ** 2, axis=-1, keepdims=True)
    return (x - mu) / jnp.sqrt(var + 1e-5) * g + b


def _forward(x, edge_index, params):
    N = x.shape[0]
    loop = jnp.arange(N, dtype=edge_index.dtype)
    src = jnp.concatenate([edge_index[0], loop])
    dst = jnp.concatenate([edge_index[1], loop])
    # GATConv (v1 semantics, add_self_loops=True, concat heads)
    h = (x @ params['gat_W']).reshape(N, H_GAT, C_GAT)
    a_s = jnp.sum(h * params['att_src'][None], axis=-1)  # [N,H]
    a_d = jnp.sum(h * params['att_dst'][None], axis=-1)  # [N,H]
    e = jax.nn.leaky_relu(a_s[src] + a_d[dst], 0.2)  # [E,H]
    m = jax.lax.stop_gradient(jax.ops.segment_max(e, dst, num_segments=N))
    ex = jnp.exp(e - m[dst])
    den = jax.ops.segment_sum(ex, dst, num_segments=N)
    alpha = ex / (den[dst] + 1e-16)
    agg = jax.ops.segment_sum(h[src] * alpha[:, :, None], dst, num_segments=N)
    y = agg.reshape(N, H_GAT * C_GAT) + params['gat_bias']
    # TransformerEncoder, 2 layers, post-norm, relu FF; dropout = identity (eval)
    # input is y.unsqueeze(1) -> (S=N, B=1, E=D): attention over all N nodes
    for l in range(2):
        p = lambda nme: params[f'l{l}_{nme}']
        q = (y @ p('Wq') + p('bq')).reshape(N, H_T, DH).transpose(1, 0, 2)
        k = (y @ p('Wk') + p('bk')).reshape(N, H_T, DH).transpose(1, 0, 2)
        v = (y @ p('Wv') + p('bv')).reshape(N, H_T, DH).transpose(1, 0, 2)
        s = jnp.einsum('hnd,hmd->hnm', q, k) / np.sqrt(DH).astype(np.float32)
        a = jax.nn.softmax(s, axis=-1)
        o = jnp.einsum('hnm,hmd->hnd', a, v).transpose(1, 0, 2).reshape(N, D)
        o = o @ p('Wo') + p('bo')
        y = _layer_norm(y + o, p('g1'), p('bln1'))
        ff = jax.nn.relu(y @ p('W1') + p('b1')) @ p('W2') + p('b2')
        y = _layer_norm(y + ff, p('g2'), p('bln2'))
    return y


def reference(x, edge_index, batch, params):
    return _forward(x, edge_index, params)

if __name__ == "__main__":
    import jax
    _d = setup_inputs()
    print(jax.jit(kernel)(*tuple(_d.values())))

</pallas_src>

<mosaic_0001>
#map = affine_map<(d0, d1) -> (0)>
#map1 = affine_map<(d0, d1) -> (0, 0)>
module attributes {stable_mosaic.version = 14 : i64} {
  func.func @k(%arg0: i32, %arg1: i32, %arg2: memref<323584xi32, #tpu.memory_space<hbm>>, %arg3: memref<323584xf32, #tpu.memory_space<hbm>>, %arg4: memref<323584xf32, #tpu.memory_space<hbm>>, %arg5: memref<20480x128xf32, #tpu.memory_space<hbm>>, %arg6: memref<128xi32, #tpu.memory_space<vmem>>, %arg7: memref<128xi32, #tpu.memory_space<vmem>>, %arg8: memref<128x128xf32, #tpu.memory_space<vmem>>, %arg9: memref<128xf32, #tpu.memory_space<vmem>>, %arg10: memref<128xf32, #tpu.memory_space<vmem>>, %arg11: memref<10240x128xf32, #tpu.memory_space<vmem_shared>>, %arg12: memref<!tpu.dma_semaphore, #tpu.memory_space<semaphore_mem>>) attributes {dimension_semantics = [#tpu.dimension_semantics<core_parallel>, #tpu.dimension_semantics<subcore_parallel>], iteration_bounds = array<i64: 2, 16>, scalar_prefetch = 0 : i64, scratch_operands = 7 : i64, tpu.core_type = #tpu.core_type<sc_vector_subcore>, window_params = [{transform_indices = #map}, {transform_indices = #map}, {transform_indices = #map}, {transform_indices = #map1}]} {
    %mul3A = arith.constant 2 : i32
    %mul3A_0 = arith.muli %arg1, %mul3A : i32
    %add3A = arith.addi %mul3A_0, %arg0 : i32
    %broadcast_in_dim3A = arith.constant 0.000000e+00 : f32
    %broadcast_in_dim3A_1 = vector.broadcast %broadcast_in_dim3A : f32 to vector<16xf32>
    %iota3A = tpu.iota {dimensions = array<i32: 0>} : vector<16xi32>
    %scan3A = arith.constant 0 : i32
    %scan3A_2 = arith.constant 0 : i32
    %scan3A_3 = arith.constant 128 : i32
    %scan3A_4 = arith.addi %scan3A_2, %scan3A_3 : i32
    %scan3A_5 = arith.constant 1 : i32
    %scan3A_6 = scf.for %scan3A_38 = %scan3A_2 to %scan3A_4 step %scan3A_5 iter_args(%scan3A_39 = %scan3A) -> (i32)  : i32 {
      %swap3A = arith.index_cast %scan3A_38 : i32 to index
      %swap3A_40 = arith.constant 0 : index
      %swap3A_41 = tpu.vector_load %arg8[%swap3A, %swap3A_40] {strides = array<i32>} : memref<128x128xf32, #tpu.memory_space<vmem>>, vector<16xf32>,
      tpu.vector_store %arg8[%swap3A, %swap3A_40], %broadcast_in_dim3A_1 {strides = array<i32>} : memref<128x128xf32, #tpu.memory_space<vmem>>, vector<16xf32>,
      %swap3A_42 = arith.index_cast %scan3A_38 : i32 to index
      %swap3A_43 = arith.constant 16 : index
      %swap3A_44 = tpu.vector_load %arg8[%swap3A_42, %swap3A_43] {strides = array<i32>} : memref<128x128xf32, #tpu.memory_space<vmem>>, vector<16xf32>,
      tpu.vector_store %arg8[%swap3A_42, %swap3A_43], %broadcast_in_dim3A_1 {strides = array<i32>} : memref<128x128xf32, #tpu.memory_space<vmem>>, vector<16xf32>,
      %swap3A_45 = arith.index_cast %scan3A_38 : i32 to index
      %swap3A_46 = arith.constant 32 : index
      %swap3A_47 = tpu.vector_load %arg8[%swap3A_45, %swap3A_46] {strides = array<i32>} : memref<128x128xf32, #tpu.memory_space<vmem>>, vector<16xf32>,
      tpu.vector_store %arg8[%swap3A_45, %swap3A_46], %broadcast_in_dim3A_1 {strides = array<i32>} : memref<128x128xf32, #tpu.memory_space<vmem>>, vector<16xf32>,
      %swap3A_48 = arith.index_cast %scan3A_38 : i32 to index
      %swap3A_49 = arith.constant 48 : index
      %swap3A_50 = tpu.vector_load %arg8[%swap3A_48, %swap3A_49] {strides = array<i32>} : memref<128x128xf32, #tpu.memory_space<vmem>>, vector<16xf32>,
      tpu.vector_store %arg8[%swap3A_48, %swap3A_49], %broadcast_in_dim3A_1 {strides = array<i32>} : memref<128x128xf32, #tpu.memory_space<vmem>>, vector<16xf32>,
      %swap3A_51 = arith.index_cast %scan3A_38 : i32 to index
      %swap3A_52 = arith.constant 64 : index
      %swap3A_53 = tpu.vector_load %arg8[%swap3A_51, %swap3A_52] {strides = array<i32>} : memref<128x128xf32, #tpu.memory_space<vmem>>, vector<16xf32>,
      tpu.vector_store %arg8[%swap3A_51, %swap3A_52], %broadcast_in_dim3A_1 {strides = array<i32>} : memref<128x128xf32, #tpu.memory_space<vmem>>, vector<16xf32>,
      %swap3A_54 = arith.index_cast %scan3A_38 : i32 to index
      %swap3A_55 = arith.constant 80 : index
      %swap3A_56 = tpu.vector_load %arg8[%swap3A_54, %swap3A_55] {strides = array<i32>} : memref<128x128xf32, #tpu.memory_space<vmem>>, vector<16xf32>,
      tpu.vector_store %arg8[%swap3A_54, %swap3A_55], %broadcast_in_dim3A_1 {strides = array<i32>} : memref<128x128xf32, #tpu.memory_space<vmem>>, vector<16xf32>,
      %swap3A_57 = arith.index_cast %scan3A_38 : i32 to index
      %swap3A_58 = arith.constant 96 : index
      %swap3A_59 = tpu.vector_load %arg8[%swap3A_57, %swap3A_58] {strides = array<i32>} : memref<128x128xf32, #tpu.memory_space<vmem>>, vector<16xf32>,
      tpu.vector_store %arg8[%swap3A_57, %swap3A_58], %broadcast_in_dim3A_1 {strides = array<i32>} : memref<128x128xf32, #tpu.memory_space<vmem>>, vector<16xf32>,
      %swap3A_60 = arith.index_cast %scan3A_38 : i32 to index
      %swap3A_61 = arith.constant 112 : index
      %swap3A_62 = tpu.vector_load %arg8[%swap3A_60, %swap3A_61] {strides = array<i32>} : memref<128x128xf32, #tpu.memory_space<vmem>>, vector<16xf32>,
      tpu.vector_store %arg8[%swap3A_60, %swap3A_61], %broadcast_in_dim3A_1 {strides = array<i32>} : memref<128x128xf32, #tpu.memory_space<vmem>>, vector<16xf32>,
      %scan3A_63 = arith.constant 0 : i32
      scf.yield %scan3A_63 : i32
    }
    %scan3A_7 = arith.constant 128 : i32
    %scan3A_8 = arith.constant 0 : i32
    %scan3A_9 = arith.constant 0 : i32
    %scan3A_10 = arith.constant 5 : i32
    %scan3A_11 = arith.addi %scan3A_9, %scan3A_10 : i32
    %scan3A_12 = arith.constant 1 : i32
    %scan3A_13 = scf.for %scan3A_38 = %scan3A_9 to %scan3A_11 step %scan3A_12 iter_args(%scan3A_39 = %scan3A_8) -> (i32)  : i32 {
      %mul3A_40 = arith.constant 16 : i32
      %mul3A_41 = arith.muli %scan3A_38, %mul3A_40 : i32
      %add3A_42 = arith.addi %mul3A_41, %arg1 : i32
      %scan3A_43 = arith.constant 0 : i32
      %scan3A_44 = arith.constant 0 : i32
      %scan3A_45 = arith.constant 8 : i32
      %scan3A_46 = arith.addi %scan3A_44, %scan3A_45 : i32
      %scan3A_47 = arith.constant 1 : i32
      %scan3A_48 = scf.for %scan3A_51 = %scan3A_44 to %scan3A_46 step %scan3A_47 iter_args(%scan3A_52 = %scan3A_43) -> (i32)  : i32 {
        %mul3A_53 = arith.constant 128 : i32
        %mul3A_54 = arith.muli %add3A_42, %mul3A_53 : i32
        %mul3A_55 = arith.constant 16 : i32
        %mul3A_56 = arith.muli %scan3A_51, %mul3A_55 : i32
        %add3A_57 = arith.addi %mul3A_54, %mul3A_56 : i32
        %add3A_58 = vector.broadcast %add3A_57 : i32 to vector<16xi32>
        %add3A_59 = arith.addi %add3A_58, %iota3A : vector<16xi32>
        %mul3A_60 = arith.constant 16 : i32
        %mul3A_61 = arith.muli %scan3A_51, %mul3A_60 : i32
        %swap3A = arith.index_cast %mul3A_61 : i32 to index
        %swap3A_62 = tpu.vector_load %arg7[%swap3A] {strides = array<i32>} : memref<128xi32, #tpu.memory_space<vmem>>, vector<16xi32>,
        tpu.vector_store %arg7[%swap3A], %add3A_59 {strides = array<i32>} : memref<128xi32, #tpu.memory_space<vmem>>, vector<16xi32>,
        %scan3A_63 = arith.constant 0 : i32
        scf.yield %scan3A_63 : i32
      }
      %scan3A_49 = arith.constant 8 : i32
      "tpu.region"() ({
        %run_scoped3A = tpu.sem_alloc : memref<!tpu.dma_semaphore, #tpu.memory_space<semaphore_mem>>
        %dma_start3A = arith.constant 0 : i32
        %dma_start3A_51 = arith.constant 0 : i32
        %dma_start3A_52 = tpu.memref_slice %arg11[%dma_start3A, %dma_start3A_51] : memref<10240x128xf32, #tpu.memory_space<vmem_shared>> -> memref<10240x128xf32, #tpu.memory_space<vmem_shared>>
        tpu.enqueue_indirect_dma source(%arg8 : memref<128x128xf32, #tpu.memory_space<vmem>>) target(%dma_start3A_52 : memref<10240x128xf32, #tpu.memory_space<vmem_shared>>) offsets(%arg7 : memref<128xi32, #tpu.memory_space<vmem>>) semaphore(%run_scoped3A : memref<!tpu.dma_semaphore, #tpu.memory_space<semaphore_mem>>)
        %dma_wait3A = arith.constant 0 : i32
        %dma_wait3A_53 = arith.constant 0 : i32
        %dma_wait3A_54 = tpu.memref_slice %arg11[%dma_wait3A, %dma_wait3A_53] : memref<10240x128xf32, #tpu.memory_space<vmem_shared>> -> memref<10240x128xf32, #tpu.memory_space<vmem_shared>>
        tpu.wait_indirect_dma semaphore(%run_scoped3A : memref<!tpu.dma_semaphore, #tpu.memory_space<semaphore_mem>>) src(%arg8 : memref<128x128xf32, #tpu.memory_space<vmem>>) dst(%dma_wait3A_54 : memref<10240x128xf32, #tpu.memory_space<vmem_shared>>)
        tpu.yield
      }) : () -> ()
      %scan3A_50 = arith.constant 0 : i32
      scf.yield %scan3A_50 : i32
    }
    %scan3A_14 = arith.constant 5 : i32
    %barrier3A = arith.constant 0 : index
    tpu.barrier barrier_id(%barrier3A)
    %eq3A = arith.constant 0 : i32
    %eq3A_15 = vector.broadcast %eq3A : i32 to vector<16xi32>
    %eq3A_16 = arith.cmpi eq, %iota3A, %eq3A_15 : vector<16xi32>
    %convert_element_type3A = arith.extui %eq3A_16 : vector<16xi1> to vector<16xi32>
    %convert_element_type3A_17 = arith.sitofp %convert_element_type3A : vector<16xi32> to vector<16xf32>
    %eq3A_18 = arith.constant 1 : i32
    %eq3A_19 = vector.broadcast %eq3A_18 : i32 to vector<16xi32>
    %eq3A_20 = arith.cmpi eq, %iota3A, %eq3A_19 : vector<16xi32>
    %convert_element_type3A_21 = arith.extui %eq3A_20 : vector<16xi1> to vector<16xi32>
    %convert_element_type3A_22 = arith.sitofp %convert_element_type3A_21 : vector<16xi32> to vector<16xf32>
    %scan3A_23 = arith.constant 0 : i32
    %scan3A_24 = arith.constant 0 : i32
    %scan3A_25 = arith.constant 79 : i32
    %scan3A_26 = arith.addi %scan3A_24, %scan3A_25 : i32
    %scan3A_27 = arith.constant 1 : i32
    %scan3A_28 = scf.for %scan3A_38 = %scan3A_24 to %scan3A_26 step %scan3A_27 iter_args(%scan3A_39 = %scan3A_23) -> (i32)  : i32 {
      %mul3A_40 = arith.constant 79 : i32
      %mul3A_41 = arith.muli %add3A, %mul3A_40 : i32
      %add3A_42 = arith.addi %mul3A_41, %scan3A_38 : i32
      %mul3A_43 = arith.constant 128 : i32
      %mul3A_44 = arith.muli %add3A_42, %mul3A_43 : i32
      "tpu.region"() ({
        %run_scoped3A = tpu.sem_alloc : memref<!tpu.dma_semaphore, #tpu.memory_space<semaphore_mem>>
        %dma_start3A = tpu.memref_slice %arg2[%mul3A_44] : memref<323584xi32, #tpu.memory_space<hbm>> -> memref<128xi32, #tpu.memory_space<hbm>>
        %dma_start3A_53 = tpu.memref_slice %arg2[%mul3A_44] : memref<323584xi32, #tpu.memory_space<hbm>> -> memref<128xi32, #tpu.memory_space<hbm>>
        tpu.enqueue_dma source(%dma_start3A_53 : memref<128xi32, #tpu.memory_space<hbm>>) target(%arg6 : memref<128xi32, #tpu.memory_space<vmem>>) target_semaphore(%run_scoped3A : memref<!tpu.dma_semaphore, #tpu.memory_space<semaphore_mem>>)
        %dma_wait3A = tpu.memref_slice %arg2[%mul3A_44] : memref<323584xi32, #tpu.memory_space<hbm>> -> memref<128xi32, #tpu.memory_space<hbm>>
        %dma_wait3A_54 = tpu.memref_slice %arg2[%mul3A_44] : memref<323584xi32, #tpu.memory_space<hbm>> -> memref<128xi32, #tpu.memory_space<hbm>>
        tpu.wait_dma2 semaphore(%run_scoped3A : memref<!tpu.dma_semaphore, #tpu.memory_space<semaphore_mem>>) src(%dma_wait3A_54 : memref<128xi32, #tpu.memory_space<hbm>>) dst(%arg6 : memref<128xi32, #tpu.memory_space<vmem>>)
        tpu.yield
      }) : () -> ()
      "tpu.region"() ({
        %run_scoped3A = tpu.sem_alloc : memref<!tpu.dma_semaphore, #tpu.memory_space<semaphore_mem>>
        %dma_start3A = tpu.memref_slice %arg3[%mul3A_44] : memref<323584xf32, #tpu.memory_space<hbm>> -> memref<128xf32, #tpu.memory_space<hbm>>
        %dma_start3A_53 = tpu.memref_slice %arg3[%mul3A_44] : memref<323584xf32, #tpu.memory_space<hbm>> -> memref<128xf32, #tpu.memory_space<hbm>>
        tpu.enqueue_dma source(%dma_start3A_53 : memref<128xf32, #tpu.memory_space<hbm>>) target(%arg9 : memref<128xf32, #tpu.memory_space<vmem>>) target_semaphore(%run_scoped3A : memref<!tpu.dma_semaphore, #tpu.memory_space<semaphore_mem>>)
        %dma_wait3A = tpu.memref_slice %arg3[%mul3A_44] : memref<323584xf32, #tpu.memory_space<hbm>> -> memref<128xf32, #tpu.memory_space<hbm>>
        %dma_wait3A_54 = tpu.memref_slice %arg3[%mul3A_44] : memref<323584xf32, #tpu.memory_space<hbm>> -> memref<128xf32, #tpu.memory_space<hbm>>
        tpu.wait_dma2 semaphore(%run_scoped3A : memref<!tpu.dma_semaphore, #tpu.memory_space<semaphore_mem>>) src(%dma_wait3A_54 : memref<128xf32, #tpu.memory_space<hbm>>) dst(%arg9 : memref<128xf32, #tpu.memory_space<vmem>>)
        tpu.yield
      }) : () -> ()
      "tpu.region"() ({
        %run_scoped3A = tpu.sem_alloc : memref<!tpu.dma_semaphore, #tpu.memory_space<semaphore_mem>>
        %dma_start3A = tpu.memref_slice %arg4[%mul3A_44] : memref<323584xf32, #tpu.memory_space<hbm>> -> memref<128xf32, #tpu.memory_space<hbm>>
        %dma_start3A_53 = tpu.memref_slice %arg4[%mul3A_44] : memref<323584xf32, #tpu.memory_space<hbm>> -> memref<128xf32, #tpu.memory_space<hbm>>
        tpu.enqueue_dma source(%dma_start3A_53 : memref<128xf32, #tpu.memory_space<hbm>>) target(%arg10 : memref<128xf32, #tpu.memory_space<vmem>>) target_semaphore(%run_scoped3A : memref<!tpu.dma_semaphore, #tpu.memory_space<semaphore_mem>>)
        %dma_wait3A = tpu.memref_slice %arg4[%mul3A_44] : memref<323584xf32, #tpu.memory_space<hbm>> -> memref<128xf32, #tpu.memory_space<hbm>>
        %dma_wait3A_54 = tpu.memref_slice %arg4[%mul3A_44] : memref<323584xf32, #tpu.memory_space<hbm>> -> memref<128xf32, #tpu.memory_space<hbm>>
        tpu.wait_dma2 semaphore(%run_scoped3A : memref<!tpu.dma_semaphore, #tpu.memory_space<semaphore_mem>>) src(%dma_wait3A_54 : memref<128xf32, #tpu.memory_space<hbm>>) dst(%arg10 : memref<128xf32, #tpu.memory_space<vmem>>)
        tpu.yield
      }) : () -> ()
      %scan3A_45 = arith.constant 0 : i32
      %scan3A_46 = arith.constant 0 : i32
      %scan3A_47 = arith.constant 8 : i32
      %scan3A_48 = arith.addi %scan3A_46, %scan3A_47 : i32
      %scan3A_49 = arith.constant 1 : i32
      %scan3A_50 = scf.for %scan3A_53 = %scan3A_46 to %scan3A_48 step %scan3A_49 iter_args(%scan3A_54 = %scan3A_45) -> (i32)  : i32 {
        %mul3A_55 = arith.constant 16 : i32
        %mul3A_56 = arith.muli %scan3A_53, %mul3A_55 : i32
        %get3A = arith.index_cast %mul3A_56 : i32 to index
        %get3A_57 = tpu.vector_load %arg9[%get3A] {strides = array<i32>} : memref<128xf32, #tpu.memory_space<vmem>>, vector<16xf32>,
        %mul3A_58 = arith.constant 16 : i32
        %mul3A_59 = arith.muli %scan3A_53, %mul3A_58 : i32
        %get3A_60 = arith.index_cast %mul3A_59 : i32 to index
        %get3A_61 = tpu.vector_load %arg10[%get3A_60] {strides = array<i32>} : memref<128xf32, #tpu.memory_space<vmem>>, vector<16xf32>,
        %mul3A_62 = arith.constant 16 : i32
        %mul3A_63 = arith.muli %scan3A_53, %mul3A_62 : i32
        %add3A_64 = arith.constant 0 : i32
        %add3A_65 = arith.addi %mul3A_63, %add3A_64 : i32
        %slice3A = vector.extract_strided_slice %get3A_57 {offsets = [0], sizes = [1], strides = [1]} : vector<16xf32> to vector<1xf32>
        %squeeze3A = vector.extract %slice3A[0] : f32 from vector<1xf32>
        %mul3A_66 = vector.broadcast %squeeze3A : f32 to vector<16xf32>
        %mul3A_67 = arith.mulf %mul3A_66, %convert_element_type3A_17 : vector<16xf32>
        %slice3A_68 = vector.extract_strided_slice %get3A_61 {offsets = [0], sizes = [1], strides = [1]} : vector<16xf32> to vector<1xf32>
        %squeeze3A_69 = vector.extract %slice3A_68[0] : f32 from vector<1xf32>
        %mul3A_70 = vector.broadcast %squeeze3A_69 : f32 to vector<16xf32>
        %mul3A_71 = arith.mulf %mul3A_70, %convert_element_type3A_22 : vector<16xf32>
        %add3A_72 = arith.addf %mul3A_67, %mul3A_71 : vector<16xf32>
        %swap3A = arith.index_cast %add3A_65 : i32 to index
        %swap3A_73 = arith.constant 0 : index
        %swap3A_74 = tpu.vector_load %arg8[%swap3A, %swap3A_73] {strides = array<i32>} : memref<128x128xf32, #tpu.memory_space<vmem>>, vector<16xf32>,
        tpu.vector_store %arg8[%swap3A, %swap3A_73], %add3A_72 {strides = array<i32>} : memref<128x128xf32, #tpu.memory_space<vmem>>, vector<16xf32>,
        %mul3A_75 = arith.constant 16 : i32
        %mul3A_76 = arith.muli %scan3A_53, %mul3A_75 : i32
        %add3A_77 = arith.constant 1 : i32
        %add3A_78 = arith.addi %mul3A_76, %add3A_77 : i32
        %slice3A_79 = vector.extract_strided_slice %get3A_57 {offsets = [1], sizes = [1], strides = [1]} : vector<16xf32> to vector<1xf32>
        %squeeze3A_80 = vector.extract %slice3A_79[0] : f32 from vector<1xf32>
        %mul3A_81 = vector.broadcast %squeeze3A_80 : f32 to vector<16xf32>
        %mul3A_82 = arith.mulf %mul3A_81, %convert_element_type3A_17 : vector<16xf32>
        %slice3A_83 = vector.extract_strided_slice %get3A_61 {offsets = [1], sizes = [1], strides = [1]} : vector<16xf32> to vector<1xf32>
        %squeeze3A_84 = vector.extract %slice3A_83[0] : f32 from vector<1xf32>
        %mul3A_85 = vector.broadcast %squeeze3A_84 : f32 to vector<16xf32>
        %mul3A_86 = arith.mulf %mul3A_85, %convert_element_type3A_22 : vector<16xf32>
        %add3A_87 = arith.addf %mul3A_82, %mul3A_86 : vector<16xf32>
        %swap3A_88 = arith.index_cast %add3A_78 : i32 to index
        %swap3A_89 = arith.constant 0 : index
        %swap3A_90 = tpu.vector_load %arg8[%swap3A_88, %swap3A_89] {strides = array<i32>} : memref<128x128xf32, #tpu.memory_space<vmem>>, vector<16xf32>,
        tpu.vector_store %arg8[%swap3A_88, %swap3A_89], %add3A_87 {strides = array<i32>} : memref<128x128xf32, #tpu.memory_space<vmem>>, vector<16xf32>,
        %mul3A_91 = arith.constant 16 : i32
        %mul3A_92 = arith.muli %scan3A_53, %mul3A_91 : i32
        %add3A_93 = arith.constant 2 : i32
        %add3A_94 = arith.addi %mul3A_92, %add3A_93 : i32
        %slice3A_95 = vector.extract_strided_slice %get3A_57 {offsets = [2], sizes = [1], strides = [1]} : vector<16xf32> to vector<1xf32>
        %squeeze3A_96 = vector.extract %slice3A_95[0] : f32 from vector<1xf32>
        %mul3A_97 = vector.broadcast %squeeze3A_96 : f32 to vector<16xf32>
        %mul3A_98 = arith.mulf %mul3A_97, %convert_element_type3A_17 : vector<16xf32>
        %slice3A_99 = vector.extract_strided_slice %get3A_61 {offsets = [2], sizes = [1], strides = [1]} : vector<16xf32> to vector<1xf32>
        %squeeze3A_100 = vector.extract %slice3A_99[0] : f32 from vector<1xf32>
        %mul3A_101 = vector.broadcast %squeeze3A_100 : f32 to vector<16xf32>
        %mul3A_102 = arith.mulf %mul3A_101, %convert_element_type3A_22 : vector<16xf32>
        %add3A_103 = arith.addf %mul3A_98, %mul3A_102 : vector<16xf32>
        %swap3A_104 = arith.index_cast %add3A_94 : i32 to index
        %swap3A_105 = arith.constant 0 : index
        %swap3A_106 = tpu.vector_load %arg8[%swap3A_104, %swap3A_105] {strides = array<i32>} : memref<128x128xf32, #tpu.memory_space<vmem>>, vector<16xf32>,
        tpu.vector_store %arg8[%swap3A_104, %swap3A_105], %add3A_103 {strides = array<i32>} : memref<128x128xf32, #tpu.memory_space<vmem>>, vector<16xf32>,
        %mul3A_107 = arith.constant 16 : i32
        %mul3A_108 = arith.muli %scan3A_53, %mul3A_107 : i32
        %add3A_109 = arith.constant 3 : i32
        %add3A_110 = arith.addi %mul3A_108, %add3A_109 : i32
        %slice3A_111 = vector.extract_strided_slice %get3A_57 {offsets = [3], sizes = [1], strides = [1]} : vector<16xf32> to vector<1xf32>
        %squeeze3A_112 = vector.extract %slice3A_111[0] : f32 from vector<1xf32>
        %mul3A_113 = vector.broadcast %squeeze3A_112 : f32 to vector<16xf32>
        %mul3A_114 = arith.mulf %mul3A_113, %convert_element_type3A_17 : vector<16xf32>
        %slice3A_115 = vector.extract_strided_slice %get3A_61 {offsets = [3], sizes = [1], strides = [1]} : vector<16xf32> to vector<1xf32>
        %squeeze3A_116 = vector.extract %slice3A_115[0] : f32 from vector<1xf32>
        %mul3A_117 = vector.broadcast %squeeze3A_116 : f32 to vector<16xf32>
        %mul3A_118 = arith.mulf %mul3A_117, %convert_element_type3A_22 : vector<16xf32>
        %add3A_119 = arith.addf %mul3A_114, %mul3A_118 : vector<16xf32>
        %swap3A_120 = arith.index_cast %add3A_110 : i32 to index
        %swap3A_121 = arith.constant 0 : index
        %swap3A_122 = tpu.vector_load %arg8[%swap3A_120, %swap3A_121] {strides = array<i32>} : memref<128x128xf32, #tpu.memory_space<vmem>>, vector<16xf32>,
        tpu.vector_store %arg8[%swap3A_120, %swap3A_121], %add3A_119 {strides = array<i32>} : memref<128x128xf32, #tpu.memory_space<vmem>>, vector<16xf32>,
        %mul3A_123 = arith.constant 16 : i32
        %mul3A_124 = arith.muli %scan3A_53, %mul3A_123 : i32
        %add3A_125 = arith.constant 4 : i32
        %add3A_126 = arith.addi %mul3A_124, %add3A_125 : i32
        %slice3A_127 = vector.extract_strided_slice %get3A_57 {offsets = [4], sizes = [1], strides = [1]} : vector<16xf32> to vector<1xf32>
        %squeeze3A_128 = vector.extract %slice3A_127[0] : f32 from vector<1xf32>
        %mul3A_129 = vector.broadcast %squeeze3A_128 : f32 to vector<16xf32>
        %mul3A_130 = arith.mulf %mul3A_129, %convert_element_type3A_17 : vector<16xf32>
        %slice3A_131 = vector.extract_strided_slice %get3A_61 {offsets = [4], sizes = [1], strides = [1]} : vector<16xf32> to vector<1xf32>
        %squeeze3A_132 = vector.extract %slice3A_131[0] : f32 from vector<1xf32>
        %mul3A_133 = vector.broadcast %squeeze3A_132 : f32 to vector<16xf32>
        %mul3A_134 = arith.mulf %mul3A_133, %convert_element_type3A_22 : vector<16xf32>
        %add3A_135 = arith.addf %mul3A_130, %mul3A_134 : vector<16xf32>
        %swap3A_136 = arith.index_cast %add3A_126 : i32 to index
        %swap3A_137 = arith.constant 0 : index
        %swap3A_138 = tpu.vector_load %arg8[%swap3A_136, %swap3A_137] {strides = array<i32>} : memref<128x128xf32, #tpu.memory_space<vmem>>, vector<16xf32>,
        tpu.vector_store %arg8[%swap3A_136, %swap3A_137], %add3A_135 {strides = array<i32>} : memref<128x128xf32, #tpu.memory_space<vmem>>, vector<16xf32>,
        %mul3A_139 = arith.constant 16 : i32
        %mul3A_140 = arith.muli %scan3A_53, %mul3A_139 : i32
        %add3A_141 = arith.constant 5 : i32
        %add3A_142 = arith.addi %mul3A_140, %add3A_141 : i32
        %slice3A_143 = vector.extract_strided_slice %get3A_57 {offsets = [5], sizes = [1], strides = [1]} : vector<16xf32> to vector<1xf32>
        %squeeze3A_144 = vector.extract %slice3A_143[0] : f32 from vector<1xf32>
        %mul3A_145 = vector.broadcast %squeeze3A_144 : f32 to vector<16xf32>
        %mul3A_146 = arith.mulf %mul3A_145, %convert_element_type3A_17 : vector<16xf32>
        %slice3A_147 = vector.extract_strided_slice %get3A_61 {offsets = [5], sizes = [1], strides = [1]} : vector<16xf32> to vector<1xf32>
        %squeeze3A_148 = vector.extract %slice3A_147[0] : f32 from vector<1xf32>
        %mul3A_149 = vector.broadcast %squeeze3A_148 : f32 to vector<16xf32>
        %mul3A_150 = arith.mulf %mul3A_149, %convert_element_type3A_22 : vector<16xf32>
        %add3A_151 = arith.addf %mul3A_146, %mul3A_150 : vector<16xf32>
        %swap3A_152 = arith.index_cast %add3A_142 : i32 to index
        %swap3A_153 = arith.constant 0 : index
        %swap3A_154 = tpu.vector_load %arg8[%swap3A_152, %swap3A_153] {strides = array<i32>} : memref<128x128xf32, #tpu.memory_space<vmem>>, vector<16xf32>,
        tpu.vector_store %arg8[%swap3A_152, %swap3A_153], %add3A_151 {strides = array<i32>} : memref<128x128xf32, #tpu.memory_space<vmem>>, vector<16xf32>,
        %mul3A_155 = arith.constant 16 : i32
        %mul3A_156 = arith.muli %scan3A_53, %mul3A_155 : i32
        %add3A_157 = arith.constant 6 : i32
        %add3A_158 = arith.addi %mul3A_156, %add3A_157 : i32
        %slice3A_159 = vector.extract_strided_slice %get3A_57 {offsets = [6], sizes = [1], strides = [1]} : vector<16xf32> to vector<1xf32>
        %squeeze3A_160 = vector.extract %slice3A_159[0] : f32 from vector<1xf32>
        %mul3A_161 = vector.broadcast %squeeze3A_160 : f32 to vector<16xf32>
        %mul3A_162 = arith.mulf %mul3A_161, %convert_element_type3A_17 : vector<16xf32>
        %slice3A_163 = vector.extract_strided_slice %get3A_61 {offsets = [6], sizes = [1], strides = [1]} : vector<16xf32> to vector<1xf32>
        %squeeze3A_164 = vector.extract %slice3A_163[0] : f32 from vector<1xf32>
        %mul3A_165 = vector.broadcast %squeeze3A_164 : f32 to vector<16xf32>
        %mul3A_166 = arith.mulf %mul3A_165, %convert_element_type3A_22 : vector<16xf32>
        %add3A_167 = arith.addf %mul3A_162, %mul3A_166 : vector<16xf32>
        %swap3A_168 = arith.index_cast %add3A_158 : i32 to index
        %swap3A_169 = arith.constant 0 : index
        %swap3A_170 = tpu.vector_load %arg8[%swap3A_168, %swap3A_169] {strides = array<i32>} : memref<128x128xf32, #tpu.memory_space<vmem>>, vector<16xf32>,
        tpu.vector_store %arg8[%swap3A_168, %swap3A_169], %add3A_167 {strides = array<i32>} : memref<128x128xf32, #tpu.memory_space<vmem>>, vector<16xf32>,
        %mul3A_171 = arith.constant 16 : i32
        %mul3A_172 = arith.muli %scan3A_53, %mul3A_171 : i32
        %add3A_173 = arith.constant 7 : i32
        %add3A_174 = arith.addi %mul3A_172, %add3A_173 : i32
        %slice3A_175 = vector.extract_strided_slice %get3A_57 {offsets = [7], sizes = [1], strides = [1]} : vector<16xf32> to vector<1xf32>
        %squeeze3A_176 = vector.extract %slice3A_175[0] : f32 from vector<1xf32>
        %mul3A_177 = vector.broadcast %squeeze3A_176 : f32 to vector<16xf32>
        %mul3A_178 = arith.mulf %mul3A_177, %convert_element_type3A_17 : vector<16xf32>
        %slice3A_179 = vector.extract_strided_slice %get3A_61 {offsets = [7], sizes = [1], strides = [1]} : vector<16xf32> to vector<1xf32>
        %squeeze3A_180 = vector.extract %slice3A_179[0] : f32 from vector<1xf32>
        %mul3A_181 = vector.broadcast %squeeze3A_180 : f32 to vector<16xf32>
        %mul3A_182 = arith.mulf %mul3A_181, %convert_element_type3A_22 : vector<16xf32>
        %add3A_183 = arith.addf %mul3A_178, %mul3A_182 : vector<16xf32>
        %swap3A_184 = arith.index_cast %add3A_174 : i32 to index
        %swap3A_185 = arith.constant 0 : index
        %swap3A_186 = tpu.vector_load %arg8[%swap3A_184, %swap3A_185] {strides = array<i32>} : memref<128x128xf32, #tpu.memory_space<vmem>>, vector<16xf32>,
        tpu.vector_store %arg8[%swap3A_184, %swap3A_185], %add3A_183 {strides = array<i32>} : memref<128x128xf32, #tpu.memory_space<vmem>>, vector<16xf32>,
        %mul3A_187 = arith.constant 16 : i32
        %mul3A_188 = arith.muli %scan3A_53, %mul3A_187 : i32
        %add3A_189 = arith.constant 8 : i32
        %add3A_190 = arith.addi %mul3A_188, %add3A_189 : i32
        %slice3A_191 = vector.extract_strided_slice %get3A_57 {offsets = [8], sizes = [1], strides = [1]} : vector<16xf32> to vector<1xf32>
        %squeeze3A_192 = vector.extract %slice3A_191[0] : f32 from vector<1xf32>
        %mul3A_193 = vector.broadcast %squeeze3A_192 : f32 to vector<16xf32>
        %mul3A_194 = arith.mulf %mul3A_193, %convert_element_type3A_17 : vector<16xf32>
        %slice3A_195 = vector.extract_strided_slice %get3A_61 {offsets = [8], sizes = [1], strides = [1]} : vector<16xf32> to vector<1xf32>
        %squeeze3A_196 = vector.extract %slice3A_195[0] : f32 from vector<1xf32>
        %mul3A_197 = vector.broadcast %squeeze3A_196 : f32 to vector<16xf32>
        %mul3A_198 = arith.mulf %mul3A_197, %convert_element_type3A_22 : vector<16xf32>
        %add3A_199 = arith.addf %mul3A_194, %mul3A_198 : vector<16xf32>
        %swap3A_200 = arith.index_cast %add3A_190 : i32 to index
        %swap3A_201 = arith.constant 0 : index
        %swap3A_202 = tpu.vector_load %arg8[%swap3A_200, %swap3A_201] {strides = array<i32>} : memref<128x128xf32, #tpu.memory_space<vmem>>, vector<16xf32>,
        tpu.vector_store %arg8[%swap3A_200, %swap3A_201], %add3A_199 {strides = array<i32>} : memref<128x128xf32, #tpu.memory_space<vmem>>, vector<16xf32>,
        %mul3A_203 = arith.constant 16 : i32
        %mul3A_204 = arith.muli %scan3A_53, %mul3A_203 : i32
        %add3A_205 = arith.constant 9 : i32
        %add3A_206 = arith.addi %mul3A_204, %add3A_205 : i32
        %slice3A_207 = vector.extract_strided_slice %get3A_57 {offsets = [9], sizes = [1], strides = [1]} : vector<16xf32> to vector<1xf32>
        %squeeze3A_208 = vector.extract %slice3A_207[0] : f32 from vector<1xf32>
        %mul3A_209 = vector.broadcast %squeeze3A_208 : f32 to vector<16xf32>
        %mul3A_210 = arith.mulf %mul3A_209, %convert_element_type3A_17 : vector<16xf32>
        %slice3A_211 = vector.extract_strided_slice %get3A_61 {offsets = [9], sizes = [1], strides = [1]} : vector<16xf32> to vector<1xf32>
        %squeeze3A_212 = vector.extract %slice3A_211[0] : f32 from vector<1xf32>
        %mul3A_213 = vector.broadcast %squeeze3A_212 : f32 to vector<16xf32>
        %mul3A_214 = arith.mulf %mul3A_213, %convert_element_type3A_22 : vector<16xf32>
        %add3A_215 = arith.addf %mul3A_210, %mul3A_214 : vector<16xf32>
        %swap3A_216 = arith.index_cast %add3A_206 : i32 to index
        %swap3A_217 = arith.constant 0 : index
        %swap3A_218 = tpu.vector_load %arg8[%swap3A_216, %swap3A_217] {strides = array<i32>} : memref<128x128xf32, #tpu.memory_space<vmem>>, vector<16xf32>,
        tpu.vector_store %arg8[%swap3A_216, %swap3A_217], %add3A_215 {strides = array<i32>} : memref<128x128xf32, #tpu.memory_space<vmem>>, vector<16xf32>,
        %mul3A_219 = arith.constant 16 : i32
        %mul3A_220 = arith.muli %scan3A_53, %mul3A_219 : i32
        %add3A_221 = arith.constant 10 : i32
        %add3A_222 = arith.addi %mul3A_220, %add3A_221 : i32
        %slice3A_223 = vector.extract_strided_slice %get3A_57 {offsets = [10], sizes = [1], strides = [1]} : vector<16xf32> to vector<1xf32>
        %squeeze3A_224 = vector.extract %slice3A_223[0] : f32 from vector<1xf32>
        %mul3A_225 = vector.broadcast %squeeze3A_224 : f32 to vector<16xf32>
        %mul3A_226 = arith.mulf %mul3A_225, %convert_element_type3A_17 : vector<16xf32>
        %slice3A_227 = vector.extract_strided_slice %get3A_61 {offsets = [10], sizes = [1], strides = [1]} : vector<16xf32> to vector<1xf32>
        %squeeze3A_228 = vector.extract %slice3A_227[0] : f32 from vector<1xf32>
        %mul3A_229 = vector.broadcast %squeeze3A_228 : f32 to vector<16xf32>
        %mul3A_230 = arith.mulf %mul3A_229, %convert_element_type3A_22 : vector<16xf32>
        %add3A_231 = arith.addf %mul3A_226, %mul3A_230 : vector<16xf32>
        %swap3A_232 = arith.index_cast %add3A_222 : i32 to index
        %swap3A_233 = arith.constant 0 : index
        %swap3A_234 = tpu.vector_load %arg8[%swap3A_232, %swap3A_233] {strides = array<i32>} : memref<128x128xf32, #tpu.memory_space<vmem>>, vector<16xf32>,
        tpu.vector_store %arg8[%swap3A_232, %swap3A_233], %add3A_231 {strides = array<i32>} : memref<128x128xf32, #tpu.memory_space<vmem>>, vector<16xf32>,
        %mul3A_235 = arith.constant 16 : i32
        %mul3A_236 = arith.muli %scan3A_53, %mul3A_235 : i32
        %add3A_237 = arith.constant 11 : i32
        %add3A_238 = arith.addi %mul3A_236, %add3A_237 : i32
        %slice3A_239 = vector.extract_strided_slice %get3A_57 {offsets = [11], sizes = [1], strides = [1]} : vector<16xf32> to vector<1xf32>
        %squeeze3A_240 = vector.extract %slice3A_239[0] : f32 from vector<1xf32>
        %mul3A_241 = vector.broadcast %squeeze3A_240 : f32 to vector<16xf32>
        %mul3A_242 = arith.mulf %mul3A_241, %convert_element_type3A_17 : vector<16xf32>
        %slice3A_243 = vector.extract_strided_slice %get3A_61 {offsets = [11], sizes = [1], strides = [1]} : vector<16xf32> to vector<1xf32>
        %squeeze3A_244 = vector.extract %slice3A_243[0] : f32 from vector<1xf32>
        %mul3A_245 = vector.broadcast %squeeze3A_244 : f32 to vector<16xf32>
        %mul3A_246 = arith.mulf %mul3A_245, %convert_element_type3A_22 : vector<16xf32>
        %add3A_247 = arith.addf %mul3A_242, %mul3A_246 : vector<16xf32>
        %swap3A_248 = arith.index_cast %add3A_238 : i32 to index
        %swap3A_249 = arith.constant 0 : index
        %swap3A_250 = tpu.vector_load %arg8[%swap3A_248, %swap3A_249] {strides = array<i32>} : memref<128x128xf32, #tpu.memory_space<vmem>>, vector<16xf32>,
        tpu.vector_store %arg8[%swap3A_248, %swap3A_249], %add3A_247 {strides = array<i32>} : memref<128x128xf32, #tpu.memory_space<vmem>>, vector<16xf32>,
        %mul3A_251 = arith.constant 16 : i32
        %mul3A_252 = arith.muli %scan3A_53, %mul3A_251 : i32
        %add3A_253 = arith.constant 12 : i32
        %add3A_254 = arith.addi %mul3A_252, %add3A_253 : i32
        %slice3A_255 = vector.extract_strided_slice %get3A_57 {offsets = [12], sizes = [1], strides = [1]} : vector<16xf32> to vector<1xf32>
        %squeeze3A_256 = vector.extract %slice3A_255[0] : f32 from vector<1xf32>
        %mul3A_257 = vector.broadcast %squeeze3A_256 : f32 to vector<16xf32>
        %mul3A_258 = arith.mulf %mul3A_257, %convert_element_type3A_17 : vector<16xf32>
        %slice3A_259 = vector.extract_strided_slice %get3A_61 {offsets = [12], sizes = [1], strides = [1]} : vector<16xf32> to vector<1xf32>
        %squeeze3A_260 = vector.extract %slice3A_259[0] : f32 from vector<1xf32>
        %mul3A_261 = vector.broadcast %squeeze3A_260 : f32 to vector<16xf32>
        %mul3A_262 = arith.mulf %mul3A_261, %convert_element_type3A_22 : vector<16xf32>
        %add3A_263 = arith.addf %mul3A_258, %mul3A_262 : vector<16xf32>
        %swap3A_264 = arith.index_cast %add3A_254 : i32 to index
        %swap3A_265 = arith.constant 0 : index
        %swap3A_266 = tpu.vector_load %arg8[%swap3A_264, %swap3A_265] {strides = array<i32>} : memref<128x128xf32, #tpu.memory_space<vmem>>, vector<16xf32>,
        tpu.vector_store %arg8[%swap3A_264, %swap3A_265], %add3A_263 {strides = array<i32>} : memref<128x128xf32, #tpu.memory_space<vmem>>, vector<16xf32>,
        %mul3A_267 = arith.constant 16 : i32
        %mul3A_268 = arith.muli %scan3A_53, %mul3A_267 : i32
        %add3A_269 = arith.constant 13 : i32
        %add3A_270 = arith.addi %mul3A_268, %add3A_269 : i32
        %slice3A_271 = vector.extract_strided_slice %get3A_57 {offsets = [13], sizes = [1], strides = [1]} : vector<16xf32> to vector<1xf32>
        %squeeze3A_272 = vector.extract %slice3A_271[0] : f32 from vector<1xf32>
        %mul3A_273 = vector.broadcast %squeeze3A_272 : f32 to vector<16xf32>
        %mul3A_274 = arith.mulf %mul3A_273, %convert_element_type3A_17 : vector<16xf32>
        %slice3A_275 = vector.extract_strided_slice %get3A_61 {offsets = [13], sizes = [1], strides = [1]} : vector<16xf32> to vector<1xf32>
        %squeeze3A_276 = vector.extract %slice3A_275[0] : f32 from vector<1xf32>
        %mul3A_277 = vector.broadcast %squeeze3A_276 : f32 to vector<16xf32>
        %mul3A_278 = arith.mulf %mul3A_277, %convert_element_type3A_22 : vector<16xf32>
        %add3A_279 = arith.addf %mul3A_274, %mul3A_278 : vector<16xf32>
        %swap3A_280 = arith.index_cast %add3A_270 : i32 to index
        %swap3A_281 = arith.constant 0 : index
        %swap3A_282 = tpu.vector_load %arg8[%swap3A_280, %swap3A_281] {strides = array<i32>} : memref<128x128xf32, #tpu.memory_space<vmem>>, vector<16xf32>,
        tpu.vector_store %arg8[%swap3A_280, %swap3A_281], %add3A_279 {strides = array<i32>} : memref<128x128xf32, #tpu.memory_space<vmem>>, vector<16xf32>,
        %mul3A_283 = arith.constant 16 : i32
        %mul3A_284 = arith.muli %scan3A_53, %mul3A_283 : i32
        %add3A_285 = arith.constant 14 : i32
        %add3A_286 = arith.addi %mul3A_284, %add3A_285 : i32
        %slice3A_287 = vector.extract_strided_slice %get3A_57 {offsets = [14], sizes = [1], strides = [1]} : vector<16xf32> to vector<1xf32>
        %squeeze3A_288 = vector.extract %slice3A_287[0] : f32 from vector<1xf32>
        %mul3A_289 = vector.broadcast %squeeze3A_288 : f32 to vector<16xf32>
        %mul3A_290 = arith.mulf %mul3A_289, %convert_element_type3A_17 : vector<16xf32>
        %slice3A_291 = vector.extract_strided_slice %get3A_61 {offsets = [14], sizes = [1], strides = [1]} : vector<16xf32> to vector<1xf32>
        %squeeze3A_292 = vector.extract %slice3A_291[0] : f32 from vector<1xf32>
        %mul3A_293 = vector.broadcast %squeeze3A_292 : f32 to vector<16xf32>
        %mul3A_294 = arith.mulf %mul3A_293, %convert_element_type3A_22 : vector<16xf32>
        %add3A_295 = arith.addf %mul3A_290, %mul3A_294 : vector<16xf32>
        %swap3A_296 = arith.index_cast %add3A_286 : i32 to index
        %swap3A_297 = arith.constant 0 : index
        %swap3A_298 = tpu.vector_load %arg8[%swap3A_296, %swap3A_297] {strides = array<i32>} : memref<128x128xf32, #tpu.memory_space<vmem>>, vector<16xf32>,
        tpu.vector_store %arg8[%swap3A_296, %swap3A_297], %add3A_295 {strides = array<i32>} : memref<128x128xf32, #tpu.memory_space<vmem>>, vector<16xf32>,
        %mul3A_299 = arith.constant 16 : i32
        %mul3A_300 = arith.muli %scan3A_53, %mul3A_299 : i32
        %add3A_301 = arith.constant 15 : i32
        %add3A_302 = arith.addi %mul3A_300, %add3A_301 : i32
        %slice3A_303 = vector.extract_strided_slice %get3A_57 {offsets = [15], sizes = [1], strides = [1]} : vector<16xf32> to vector<1xf32>
        %squeeze3A_304 = vector.extract %slice3A_303[0] : f32 from vector<1xf32>
        %mul3A_305 = vector.broadcast %squeeze3A_304 : f32 to vector<16xf32>
        %mul3A_306 = arith.mulf %mul3A_305, %convert_element_type3A_17 : vector<16xf32>
        %slice3A_307 = vector.extract_strided_slice %get3A_61 {offsets = [15], sizes = [1], strides = [1]} : vector<16xf32> to vector<1xf32>
        %squeeze3A_308 = vector.extract %slice3A_307[0] : f32 from vector<1xf32>
        %mul3A_309 = vector.broadcast %squeeze3A_308 : f32 to vector<16xf32>
        %mul3A_310 = arith.mulf %mul3A_309, %convert_element_type3A_22 : vector<16xf32>
        %add3A_311 = arith.addf %mul3A_306, %mul3A_310 : vector<16xf32>
        %swap3A_312 = arith.index_cast %add3A_302 : i32 to index
        %swap3A_313 = arith.constant 0 : index
        %swap3A_314 = tpu.vector_load %arg8[%swap3A_312, %swap3A_313] {strides = array<i32>} : memref<128x128xf32, #tpu.memory_space<vmem>>, vector<16xf32>,
        tpu.vector_store %arg8[%swap3A_312, %swap3A_313], %add3A_311 {strides = array<i32>} : memref<128x128xf32, #tpu.memory_space<vmem>>, vector<16xf32>,
        %scan3A_315 = arith.constant 0 : i32
        scf.yield %scan3A_315 : i32
      }
      %scan3A_51 = arith.constant 8 : i32
      "tpu.region"() ({
        %run_scoped3A = tpu.sem_alloc : memref<!tpu.dma_semaphore, #tpu.memory_space<semaphore_mem>>
        %dma_start3A = arith.constant 0 : i32
        %dma_start3A_53 = arith.constant 0 : i32
        %dma_start3A_54 = tpu.memref_slice %arg11[%dma_start3A, %dma_start3A_53] : memref<10240x128xf32, #tpu.memory_space<vmem_shared>> -> memref<10240x128xf32, #tpu.memory_space<vmem_shared>>
        tpu.enqueue_indirect_dma source(%arg8 : memref<128x128xf32, #tpu.memory_space<vmem>>) target(%dma_start3A_54 : memref<10240x128xf32, #tpu.memory_space<vmem_shared>>) offsets(%arg6 : memref<128xi32, #tpu.memory_space<vmem>>) semaphore(%run_scoped3A : memref<!tpu.dma_semaphore, #tpu.memory_space<semaphore_mem>>) {add = true}
        %dma_wait3A = arith.constant 0 : i32
        %dma_wait3A_55 = arith.constant 0 : i32
        %dma_wait3A_56 = tpu.memref_slice %arg11[%dma_wait3A, %dma_wait3A_55] : memref<10240x128xf32, #tpu.memory_space<vmem_shared>> -> memref<10240x128xf32, #tpu.memory_space<vmem_shared>>
        tpu.wait_indirect_dma semaphore(%run_scoped3A : memref<!tpu.dma_semaphore, #tpu.memory_space<semaphore_mem>>) src(%arg8 : memref<128x128xf32, #tpu.memory_space<vmem>>) dst(%dma_wait3A_56 : memref<10240x128xf32, #tpu.memory_space<vmem_shared>>)
        tpu.yield
      }) : () -> ()
      %scan3A_52 = arith.constant 0 : i32
      scf.yield %scan3A_52 : i32
    }
    %scan3A_29 = arith.constant 79 : i32
    %barrier3A_30 = arith.constant 0 : index
    tpu.barrier barrier_id(%barrier3A_30)
    %scan3A_31 = arith.constant 0 : i32
    %scan3A_32 = arith.constant 0 : i32
    %scan3A_33 = arith.constant 5 : i32
    %scan3A_34 = arith.addi %scan3A_32, %scan3A_33 : i32
    %scan3A_35 = arith.constant 1 : i32
    %scan3A_36 = scf.for %scan3A_38 = %scan3A_32 to %scan3A_34 step %scan3A_35 iter_args(%scan3A_39 = %scan3A_31) -> (i32)  : i32 {
      %mul3A_40 = arith.constant 16 : i32
      %mul3A_41 = arith.muli %scan3A_38, %mul3A_40 : i32
      %add3A_42 = arith.addi %mul3A_41, %arg1 : i32
      %mul3A_43 = arith.constant 10240 : i32
      %mul3A_44 = arith.muli %arg0, %mul3A_43 : i32
      %mul3A_45 = arith.constant 128 : i32
      %mul3A_46 = arith.muli %add3A_42, %mul3A_45 : i32
      %add3A_47 = arith.addi %mul3A_44, %mul3A_46 : i32
      %scan3A_48 = arith.constant 0 : i32
      %scan3A_49 = arith.constant 0 : i32
      %scan3A_50 = arith.constant 8 : i32
      %scan3A_51 = arith.addi %scan3A_49, %scan3A_50 : i32
      %scan3A_52 = arith.constant 1 : i32
      %scan3A_53 = scf.for %scan3A_60 = %scan3A_49 to %scan3A_51 step %scan3A_52 iter_args(%scan3A_61 = %scan3A_48) -> (i32)  : i32 {
        %mul3A_62 = arith.constant 128 : i32
        %mul3A_63 = arith.muli %add3A_42, %mul3A_62 : i32
        %mul3A_64 = arith.constant 16 : i32
        %mul3A_65 = arith.muli %scan3A_60, %mul3A_64 : i32
        %add3A_66 = arith.addi %mul3A_63, %mul3A_65 : i32
        %add3A_67 = vector.broadcast %add3A_66 : i32 to vector<16xi32>
        %add3A_68 = arith.addi %add3A_67, %iota3A : vector<16xi32>
        %mul3A_69 = arith.constant 16 : i32
        %mul3A_70 = arith.muli %scan3A_60, %mul3A_69 : i32
        %swap3A = arith.index_cast %mul3A_70 : i32 to index
        %swap3A_71 = tpu.vector_load %arg7[%swap3A] {strides = array<i32>} : memref<128xi32, #tpu.memory_space<vmem>>, vector<16xi32>,
        tpu.vector_store %arg7[%swap3A], %add3A_68 {strides = array<i32>} : memref<128xi32, #tpu.memory_space<vmem>>, vector<16xi32>,
        %scan3A_72 = arith.constant 0 : i32
        scf.yield %scan3A_72 : i32
      }
      %scan3A_54 = arith.constant 8 : i32
      %dma_start3A = arith.constant 0 : i32
      %dma_start3A_55 = arith.constant 0 : i32
      %dma_start3A_56 = tpu.memref_slice %arg11[%dma_start3A, %dma_start3A_55] : memref<10240x128xf32, #tpu.memory_space<vmem_shared>> -> memref<10240x128xf32, #tpu.memory_space<vmem_shared>>
      tpu.enqueue_indirect_dma source(%dma_start3A_56 : memref<10240x128xf32, #tpu.memory_space<vmem_shared>>) target(%arg8 : memref<128x128xf32, #tpu.memory_space<vmem>>) offsets(%arg7 : memref<128xi32, #tpu.memory_space<vmem>>) semaphore(%arg12 : memref<!tpu.dma_semaphore, #tpu.memory_space<semaphore_mem>>)
      %dma_wait3A = arith.constant 0 : i32
      %dma_wait3A_57 = arith.constant 0 : i32
      %dma_wait3A_58 = tpu.memref_slice %arg11[%dma_wait3A, %dma_wait3A_57] : memref<10240x128xf32, #tpu.memory_space<vmem_shared>> -> memref<10240x128xf32, #tpu.memory_space<vmem_shared>>
      tpu.wait_indirect_dma semaphore(%arg12 : memref<!tpu.dma_semaphore, #tpu.memory_space<semaphore_mem>>) src(%dma_wait3A_58 : memref<10240x128xf32, #tpu.memory_space<vmem_shared>>) dst(%arg8 : memref<128x128xf32, #tpu.memory_space<vmem>>)
      "tpu.region"() ({
        %run_scoped3A = tpu.sem_alloc : memref<!tpu.dma_semaphore, #tpu.memory_space<semaphore_mem>>
        %dma_start3A_60 = arith.constant 0 : i32
        %dma_start3A_61 = tpu.memref_slice %arg5[%add3A_47, %dma_start3A_60] : memref<20480x128xf32, #tpu.memory_space<hbm>> -> memref<128x128xf32, #tpu.memory_space<hbm>>
        %dma_start3A_62 = arith.constant 0 : i32
        %dma_start3A_63 = tpu.memref_slice %arg5[%add3A_47, %dma_start3A_62] : memref<20480x128xf32, #tpu.memory_space<hbm>> -> memref<128x128xf32, #tpu.memory_space<hbm>>
        tpu.enqueue_dma source(%arg8 : memref<128x128xf32, #tpu.memory_space<vmem>>) target(%dma_start3A_63 : memref<128x128xf32, #tpu.memory_space<hbm>>) target_semaphore(%run_scoped3A : memref<!tpu.dma_semaphore, #tpu.memory_space<semaphore_mem>>)
        %dma_wait3A_64 = arith.constant 0 : i32
        %dma_wait3A_65 = tpu.memref_slice %arg5[%add3A_47, %dma_wait3A_64] : memref<20480x128xf32, #tpu.memory_space<hbm>> -> memref<128x128xf32, #tpu.memory_space<hbm>>
        %dma_wait3A_66 = arith.constant 0 : i32
        %dma_wait3A_67 = tpu.memref_slice %arg5[%add3A_47, %dma_wait3A_66] : memref<20480x128xf32, #tpu.memory_space<hbm>> -> memref<128x128xf32, #tpu.memory_space<hbm>>
        tpu.wait_dma2 semaphore(%run_scoped3A : memref<!tpu.dma_semaphore, #tpu.memory_space<semaphore_mem>>) src(%arg8 : memref<128x128xf32, #tpu.memory_space<vmem>>) dst(%dma_wait3A_67 : memref<128x128xf32, #tpu.memory_space<hbm>>)
        tpu.yield
      }) : () -> ()
      %scan3A_59 = arith.constant 0 : i32
      scf.yield %scan3A_59 : i32
    }
    %scan3A_37 = arith.constant 5 : i32
    return
  }
}

#map = affine_map<(d0, d1) -> (0)>
module attributes {stable_mosaic.version = 14 : i64} {
  func.func @k(%arg0: i32, %arg1: i32, %arg2: memref<323584xi32, #tpu.memory_space<hbm>>, %arg3: memref<323584xi32, #tpu.memory_space<hbm>>, %arg4: memref<40000xf32, #tpu.memory_space<hbm>>, %arg5: memref<323584xf32, #tpu.memory_space<hbm>>, %arg6: memref<323584xf32, #tpu.memory_space<hbm>>, %arg7: memref<40000xf32, #tpu.memory_space<vmem>>, %arg8: memref<128xi32, #tpu.memory_space<vmem>>, %arg9: memref<128xi32, #tpu.memory_space<vmem>>, %arg10: memref<128xf32, #tpu.memory_space<vmem>>, %arg11: memref<128xf32, #tpu.memory_space<vmem>>) attributes {dimension_semantics = [#tpu.dimension_semantics<core_parallel>, #tpu.dimension_semantics<subcore_parallel>], iteration_bounds = array<i64: 2, 16>, scalar_prefetch = 0 : i64, scratch_operands = 5 : i64, tpu.core_type = #tpu.core_type<sc_vector_subcore>, window_params = [{transform_indices = #map}, {transform_indices = #map}, {transform_indices = #map}, {transform_indices = #map}, {transform_indices = #map}]} {
    %mul3A = arith.constant 2 : i32
    %mul3A_0 = arith.muli %arg1, %mul3A : i32
    %add3A = arith.addi %mul3A_0, %arg0 : i32
    "tpu.region"() ({
      %run_scoped3A = tpu.sem_alloc : memref<!tpu.dma_semaphore, #tpu.memory_space<semaphore_mem>>
      tpu.enqueue_dma source(%arg4 : memref<40000xf32, #tpu.memory_space<hbm>>) target(%arg7 : memref<40000xf32, #tpu.memory_space<vmem>>) target_semaphore(%run_scoped3A : memref<!tpu.dma_semaphore, #tpu.memory_space<semaphore_mem>>)
      tpu.wait_dma2 semaphore(%run_scoped3A : memref<!tpu.dma_semaphore, #tpu.memory_space<semaphore_mem>>) src(%arg4 : memref<40000xf32, #tpu.memory_space<hbm>>) dst(%arg7 : memref<40000xf32, #tpu.memory_space<vmem>>)
      tpu.yield
    }) : () -> ()
    %scan3A = arith.constant 0 : i32
    %scan3A_1 = arith.constant 0 : i32
    %scan3A_2 = arith.constant 79 : i32
    %scan3A_3 = arith.addi %scan3A_1, %scan3A_2 : i32
    %scan3A_4 = arith.constant 1 : i32
    %scan3A_5 = scf.for %scan3A_7 = %scan3A_1 to %scan3A_3 step %scan3A_4 iter_args(%scan3A_8 = %scan3A) -> (i32)  : i32 {
      %mul3A_9 = arith.constant 79 : i32
      %mul3A_10 = arith.muli %add3A, %mul3A_9 : i32
      %add3A_11 = arith.addi %mul3A_10, %scan3A_7 : i32
      %mul3A_12 = arith.constant 128 : i32
      %mul3A_13 = arith.muli %add3A_11, %mul3A_12 : i32
      "tpu.region"() ({
        %run_scoped3A = tpu.sem_alloc : memref<!tpu.dma_semaphore, #tpu.memory_space<semaphore_mem>>
        %dma_start3A = tpu.memref_slice %arg2[%mul3A_13] : memref<323584xi32, #tpu.memory_space<hbm>> -> memref<128xi32, #tpu.memory_space<hbm>>
        %dma_start3A_22 = tpu.memref_slice %arg2[%mul3A_13] : memref<323584xi32, #tpu.memory_space<hbm>> -> memref<128xi32, #tpu.memory_space<hbm>>
        tpu.enqueue_dma source(%dma_start3A_22 : memref<128xi32, #tpu.memory_space<hbm>>) target(%arg8 : memref<128xi32, #tpu.memory_space<vmem>>) target_semaphore(%run_scoped3A : memref<!tpu.dma_semaphore, #tpu.memory_space<semaphore_mem>>)
        %dma_wait3A = tpu.memref_slice %arg2[%mul3A_13] : memref<323584xi32, #tpu.memory_space<hbm>> -> memref<128xi32, #tpu.memory_space<hbm>>
        %dma_wait3A_23 = tpu.memref_slice %arg2[%mul3A_13] : memref<323584xi32, #tpu.memory_space<hbm>> -> memref<128xi32, #tpu.memory_space<hbm>>
        tpu.wait_dma2 semaphore(%run_scoped3A : memref<!tpu.dma_semaphore, #tpu.memory_space<semaphore_mem>>) src(%dma_wait3A_23 : memref<128xi32, #tpu.memory_space<hbm>>) dst(%arg8 : memref<128xi32, #tpu.memory_space<vmem>>)
        tpu.yield
      }) : () -> ()
      "tpu.region"() ({
        %run_scoped3A = tpu.sem_alloc : memref<!tpu.dma_semaphore, #tpu.memory_space<semaphore_mem>>
        %dma_start3A = tpu.memref_slice %arg3[%mul3A_13] : memref<323584xi32, #tpu.memory_space<hbm>> -> memref<128xi32, #tpu.memory_space<hbm>>
        %dma_start3A_22 = tpu.memref_slice %arg3[%mul3A_13] : memref<323584xi32, #tpu.memory_space<hbm>> -> memref<128xi32, #tpu.memory_space<hbm>>
        tpu.enqueue_dma source(%dma_start3A_22 : memref<128xi32, #tpu.memory_space<hbm>>) target(%arg9 : memref<128xi32, #tpu.memory_space<vmem>>) target_semaphore(%run_scoped3A : memref<!tpu.dma_semaphore, #tpu.memory_space<semaphore_mem>>)
        %dma_wait3A = tpu.memref_slice %arg3[%mul3A_13] : memref<323584xi32, #tpu.memory_space<hbm>> -> memref<128xi32, #tpu.memory_space<hbm>>
        %dma_wait3A_23 = tpu.memref_slice %arg3[%mul3A_13] : memref<323584xi32, #tpu.memory_space<hbm>> -> memref<128xi32, #tpu.memory_space<hbm>>
        tpu.wait_dma2 semaphore(%run_scoped3A : memref<!tpu.dma_semaphore, #tpu.memory_space<semaphore_mem>>) src(%dma_wait3A_23 : memref<128xi32, #tpu.memory_space<hbm>>) dst(%arg9 : memref<128xi32, #tpu.memory_space<vmem>>)
        tpu.yield
      }) : () -> ()
      %scan3A_14 = arith.constant 0 : i32
      %scan3A_15 = arith.constant 0 : i32
      %scan3A_16 = arith.constant 8 : i32
      %scan3A_17 = arith.addi %scan3A_15, %scan3A_16 : i32
      %scan3A_18 = arith.constant 1 : i32
      %scan3A_19 = scf.for %scan3A_22 = %scan3A_15 to %scan3A_17 step %scan3A_18 iter_args(%scan3A_23 = %scan3A_14) -> (i32)  : i32 {
        %mul3A_24 = arith.constant 16 : i32
        %mul3A_25 = arith.muli %scan3A_22, %mul3A_24 : i32
        %get3A = arith.index_cast %mul3A_25 : i32 to index
        %get3A_26 = tpu.vector_load %arg8[%get3A] {strides = array<i32>} : memref<128xi32, #tpu.memory_space<vmem>>, vector<16xi32>,
        %mul3A_27 = arith.constant 16 : i32
        %mul3A_28 = arith.muli %scan3A_22, %mul3A_27 : i32
        %get3A_29 = arith.index_cast %mul3A_28 : i32 to index
        %get3A_30 = tpu.vector_load %arg9[%get3A_29] {strides = array<i32>} : memref<128xi32, #tpu.memory_space<vmem>>, vector<16xi32>,
        %min3A = arith.constant 9999 : i32
        %min3A_31 = vector.broadcast %min3A : i32 to vector<16xi32>
        %min3A_32 = arith.minsi %get3A_30, %min3A_31 : vector<16xi32>
        %gather3A = tpu.vector_load_idx %arg7[%get3A_26] : memref<40000xf32, #tpu.memory_space<vmem>>[vector<16xi32>], vector<16xf32>,
        %add3A_33 = arith.constant 10000 : i32
        %add3A_34 = vector.broadcast %add3A_33 : i32 to vector<16xi32>
        %add3A_35 = arith.addi %get3A_26, %add3A_34 : vector<16xi32>
        %gather3A_36 = tpu.vector_load_idx %arg7[%add3A_35] : memref<40000xf32, #tpu.memory_space<vmem>>[vector<16xi32>], vector<16xf32>,
        %add3A_37 = arith.constant 20000 : i32
        %add3A_38 = vector.broadcast %add3A_37 : i32 to vector<16xi32>
        %add3A_39 = arith.addi %min3A_32, %add3A_38 : vector<16xi32>
        %gather3A_40 = tpu.vector_load_idx %arg7[%add3A_39] : memref<40000xf32, #tpu.memory_space<vmem>>[vector<16xi32>], vector<16xf32>,
        %add3A_41 = arith.constant 30000 : i32
        %add3A_42 = vector.broadcast %add3A_41 : i32 to vector<16xi32>
        %add3A_43 = arith.addi %min3A_32, %add3A_42 : vector<16xi32>
        %gather3A_44 = tpu.vector_load_idx %arg7[%add3A_43] : memref<40000xf32, #tpu.memory_space<vmem>>[vector<16xi32>], vector<16xf32>,
        %add3A_45 = arith.addf %gather3A, %gather3A_40 : vector<16xf32>
        %add3A_46 = arith.addf %gather3A_36, %gather3A_44 : vector<16xf32>
        %gt3A = arith.constant 0.000000e+00 : f32
        %gt3A_47 = vector.broadcast %gt3A : f32 to vector<16xf32>
        %gt3A_48 = arith.cmpf ogt, %add3A_45, %gt3A_47 : vector<16xf32>
        %mul3A_49 = arith.constant 2.000000e-01 : f32
        %mul3A_50 = vector.broadcast %mul3A_49 : f32 to vector<16xf32>
        %mul3A_51 = arith.mulf %mul3A_50, %add3A_45 : vector<16xf32>
        %select_n3A = arith.select %gt3A_48, %add3A_45, %mul3A_51 : vector<16xi1>, vector<16xf32>
        %gt3A_52 = arith.constant 0.000000e+00 : f32
        %gt3A_53 = vector.broadcast %gt3A_52 : f32 to vector<16xf32>
        %gt3A_54 = arith.cmpf ogt, %add3A_46, %gt3A_53 : vector<16xf32>
        %mul3A_55 = arith.constant 2.000000e-01 : f32
        %mul3A_56 = vector.broadcast %mul3A_55 : f32 to vector<16xf32>
        %mul3A_57 = arith.mulf %mul3A_56, %add3A_46 : vector<16xf32>
        %select_n3A_58 = arith.select %gt3A_54, %add3A_46, %mul3A_57 : vector<16xi1>, vector<16xf32>
        %exp3A = math.exp %select_n3A : vector<16xf32>
        %mul3A_59 = arith.constant 16 : i32
        %mul3A_60 = arith.muli %scan3A_22, %mul3A_59 : i32
        %swap3A = arith.index_cast %mul3A_60 : i32 to index
        %swap3A_61 = tpu.vector_load %arg10[%swap3A] {strides = array<i32>} : memref<128xf32, #tpu.memory_space<vmem>>, vector<16xf32>,
        tpu.vector_store %arg10[%swap3A], %exp3A {strides = array<i32>} : memref<128xf32, #tpu.memory_space<vmem>>, vector<16xf32>,
        %exp3A_62 = math.exp %select_n3A_58 : vector<16xf32>
        %mul3A_63 = arith.constant 16 : i32
        %mul3A_64 = arith.muli %scan3A_22, %mul3A_63 : i32
        %swap3A_65 = arith.index_cast %mul3A_64 : i32 to index
        %swap3A_66 = tpu.vector_load %arg11[%swap3A_65] {strides = array<i32>} : memref<128xf32, #tpu.memory_space<vmem>>, vector<16xf32>,
        tpu.vector_store %arg11[%swap3A_65], %exp3A_62 {strides = array<i32>} : memref<128xf32, #tpu.memory_space<vmem>>, vector<16xf32>,
        %scan3A_67 = arith.constant 0 : i32
        scf.yield %scan3A_67 : i32
      }
      %scan3A_20 = arith.constant 8 : i32
      "tpu.region"() ({
        %run_scoped3A = tpu.sem_alloc : memref<!tpu.dma_semaphore, #tpu.memory_space<semaphore_mem>>
        %dma_start3A = tpu.memref_slice %arg5[%mul3A_13] : memref<323584xf32, #tpu.memory_space<hbm>> -> memref<128xf32, #tpu.memory_space<hbm>>
        %dma_start3A_22 = tpu.memref_slice %arg5[%mul3A_13] : memref<323584xf32, #tpu.memory_space<hbm>> -> memref<128xf32, #tpu.memory_space<hbm>>
        tpu.enqueue_dma source(%arg10 : memref<128xf32, #tpu.memory_space<vmem>>) target(%dma_start3A_22 : memref<128xf32, #tpu.memory_space<hbm>>) target_semaphore(%run_scoped3A : memref<!tpu.dma_semaphore, #tpu.memory_space<semaphore_mem>>)
        %dma_wait3A = tpu.memref_slice %arg5[%mul3A_13] : memref<323584xf32, #tpu.memory_space<hbm>> -> memref<128xf32, #tpu.memory_space<hbm>>
        %dma_wait3A_23 = tpu.memref_slice %arg5[%mul3A_13] : memref<323584xf32, #tpu.memory_space<hbm>> -> memref<128xf32, #tpu.memory_space<hbm>>
        tpu.wait_dma2 semaphore(%run_scoped3A : memref<!tpu.dma_semaphore, #tpu.memory_space<semaphore_mem>>) src(%arg10 : memref<128xf32, #tpu.memory_space<vmem>>) dst(%dma_wait3A_23 : memref<128xf32, #tpu.memory_space<hbm>>)
        tpu.yield
      }) : () -> ()
      "tpu.region"() ({
        %run_scoped3A = tpu.sem_alloc : memref<!tpu.dma_semaphore, #tpu.memory_space<semaphore_mem>>
        %dma_start3A = tpu.memref_slice %arg6[%mul3A_13] : memref<323584xf32, #tpu.memory_space<hbm>> -> memref<128xf32, #tpu.memory_space<hbm>>
        %dma_start3A_22 = tpu.memref_slice %arg6[%mul3A_13] : memref<323584xf32, #tpu.memory_space<hbm>> -> memref<128xf32, #tpu.memory_space<hbm>>
        tpu.enqueue_dma source(%arg11 : memref<128xf32, #tpu.memory_space<vmem>>) target(%dma_start3A_22 : memref<128xf32, #tpu.memory_space<hbm>>) target_semaphore(%run_scoped3A : memref<!tpu.dma_semaphore, #tpu.memory_space<semaphore_mem>>)
        %dma_wait3A = tpu.memref_slice %arg6[%mul3A_13] : memref<323584xf32, #tpu.memory_space<hbm>> -> memref<128xf32, #tpu.memory_space<hbm>>
        %dma_wait3A_23 = tpu.memref_slice %arg6[%mul3A_13] : memref<323584xf32, #tpu.memory_space<hbm>> -> memref<128xf32, #tpu.memory_space<hbm>>
        tpu.wait_dma2 semaphore(%run_scoped3A : memref<!tpu.dma_semaphore, #tpu.memory_space<semaphore_mem>>) src(%arg11 : memref<128xf32, #tpu.memory_space<vmem>>) dst(%dma_wait3A_23 : memref<128xf32, #tpu.memory_space<hbm>>)
        tpu.yield
      }) : () -> ()
      %scan3A_21 = arith.constant 0 : i32
      scf.yield %scan3A_21 : i32
    }
    %scan3A_6 = arith.constant 79 : i32
    return
  }
}

#map = affine_map<(d0, d1) -> (0)>
#map1 = affine_map<(d0, d1) -> (0, 0)>
module attributes {stable_mosaic.version = 14 : i64} {
  func.func @k(%arg0: i32, %arg1: i32, %arg2: memref<323584xi32, #tpu.memory_space<hbm>>, %arg3: memref<323584xi32, #tpu.memory_space<hbm>>, %arg4: memref<323584xf32, #tpu.memory_space<hbm>>, %arg5: memref<323584xf32, #tpu.memory_space<hbm>>, %arg6: memref<10000x128xf32, #tpu.memory_space<hbm>>, %arg7: memref<20480x128xf32, #tpu.memory_space<hbm>>, %arg8: memref<128xi32, #tpu.memory_space<vmem>>, %arg9: memref<128xi32, #tpu.memory_space<vmem>>, %arg10: memref<128xi32, #tpu.memory_space<vmem>>, %arg11: memref<128x128xf32, #tpu.memory_space<vmem>>, %arg12: memref<128xf32, #tpu.memory_space<vmem>>, %arg13: memref<128xf32, #tpu.memory_space<vmem>>, %arg14: memref<10240x128xf32, #tpu.memory_space<vmem_shared>>, %arg15: memref<!tpu.dma_semaphore, #tpu.memory_space<semaphore_mem>>) attributes {dimension_semantics = [#tpu.dimension_semantics<core_parallel>, #tpu.dimension_semantics<subcore_parallel>], iteration_bounds = array<i64: 2, 16>, scalar_prefetch = 0 : i64, scratch_operands = 8 : i64, tpu.core_type = #tpu.core_type<sc_vector_subcore>, window_params = [{transform_indices = #map}, {transform_indices = #map}, {transform_indices = #map}, {transform_indices = #map}, {transform_indices = #map1}, {transform_indices = #map1}]} {
    %mul3A = arith.constant 2 : i32
    %mul3A_0 = arith.muli %arg1, %mul3A : i32
    %add3A = arith.addi %mul3A_0, %arg0 : i32
    %broadcast_in_dim3A = arith.constant 0.000000e+00 : f32
    %broadcast_in_dim3A_1 = vector.broadcast %broadcast_in_dim3A : f32 to vector<16xf32>
    %iota3A = tpu.iota {dimensions = array<i32: 0>} : vector<16xi32>
    %scan3A = arith.constant 0 : i32
    %scan3A_2 = arith.constant 0 : i32
    %scan3A_3 = arith.constant 128 : i32
    %scan3A_4 = arith.addi %scan3A_2, %scan3A_3 : i32
    %scan3A_5 = arith.constant 1 : i32
    %scan3A_6 = scf.for %scan3A_30 = %scan3A_2 to %scan3A_4 step %scan3A_5 iter_args(%scan3A_31 = %scan3A) -> (i32)  : i32 {
      %swap3A = arith.index_cast %scan3A_30 : i32 to index
      %swap3A_32 = arith.constant 0 : index
      %swap3A_33 = tpu.vector_load %arg11[%swap3A, %swap3A_32] {strides = array<i32>} : memref<128x128xf32, #tpu.memory_space<vmem>>, vector<16xf32>,
      tpu.vector_store %arg11[%swap3A, %swap3A_32], %broadcast_in_dim3A_1 {strides = array<i32>} : memref<128x128xf32, #tpu.memory_space<vmem>>, vector<16xf32>,
      %swap3A_34 = arith.index_cast %scan3A_30 : i32 to index
      %swap3A_35 = arith.constant 16 : index
      %swap3A_36 = tpu.vector_load %arg11[%swap3A_34, %swap3A_35] {strides = array<i32>} : memref<128x128xf32, #tpu.memory_space<vmem>>, vector<16xf32>,
      tpu.vector_store %arg11[%swap3A_34, %swap3A_35], %broadcast_in_dim3A_1 {strides = array<i32>} : memref<128x128xf32, #tpu.memory_space<vmem>>, vector<16xf32>,
      %swap3A_37 = arith.index_cast %scan3A_30 : i32 to index
      %swap3A_38 = arith.constant 32 : index
      %swap3A_39 = tpu.vector_load %arg11[%swap3A_37, %swap3A_38] {strides = array<i32>} : memref<128x128xf32, #tpu.memory_space<vmem>>, vector<16xf32>,
      tpu.vector_store %arg11[%swap3A_37, %swap3A_38], %broadcast_in_dim3A_1 {strides = array<i32>} : memref<128x128xf32, #tpu.memory_space<vmem>>, vector<16xf32>,
      %swap3A_40 = arith.index_cast %scan3A_30 : i32 to index
      %swap3A_41 = arith.constant 48 : index
      %swap3A_42 = tpu.vector_load %arg11[%swap3A_40, %swap3A_41] {strides = array<i32>} : memref<128x128xf32, #tpu.memory_space<vmem>>, vector<16xf32>,
      tpu.vector_store %arg11[%swap3A_40, %swap3A_41], %broadcast_in_dim3A_1 {strides = array<i32>} : memref<128x128xf32, #tpu.memory_space<vmem>>, vector<16xf32>,
      %swap3A_43 = arith.index_cast %scan3A_30 : i32 to index
      %swap3A_44 = arith.constant 64 : index
      %swap3A_45 = tpu.vector_load %arg11[%swap3A_43, %swap3A_44] {strides = array<i32>} : memref<128x128xf32, #tpu.memory_space<vmem>>, vector<16xf32>,
      tpu.vector_store %arg11[%swap3A_43, %swap3A_44], %broadcast_in_dim3A_1 {strides = array<i32>} : memref<128x128xf32, #tpu.memory_space<vmem>>, vector<16xf32>,
      %swap3A_46 = arith.index_cast %scan3A_30 : i32 to index
      %swap3A_47 = arith.constant 80 : index
      %swap3A_48 = tpu.vector_load %arg11[%swap3A_46, %swap3A_47] {strides = array<i32>} : memref<128x128xf32, #tpu.memory_space<vmem>>, vector<16xf32>,
      tpu.vector_store %arg11[%swap3A_46, %swap3A_47], %broadcast_in_dim3A_1 {strides = array<i32>} : memref<128x128xf32, #tpu.memory_space<vmem>>, vector<16xf32>,
      %swap3A_49 = arith.index_cast %scan3A_30 : i32 to index
      %swap3A_50 = arith.constant 96 : index
      %swap3A_51 = tpu.vector_load %arg11[%swap3A_49, %swap3A_50] {strides = array<i32>} : memref<128x128xf32, #tpu.memory_space<vmem>>, vector<16xf32>,
      tpu.vector_store %arg11[%swap3A_49, %swap3A_50], %broadcast_in_dim3A_1 {strides = array<i32>} : memref<128x128xf32, #tpu.memory_space<vmem>>, vector<16xf32>,
      %swap3A_52 = arith.index_cast %scan3A_30 : i32 to index
      %swap3A_53 = arith.constant 112 : index
      %swap3A_54 = tpu.vector_load %arg11[%swap3A_52, %swap3A_53] {strides = array<i32>} : memref<128x128xf32, #tpu.memory_space<vmem>>, vector<16xf32>,
      tpu.vector_store %arg11[%swap3A_52, %swap3A_53], %broadcast_in_dim3A_1 {strides = array<i32>} : memref<128x128xf32, #tpu.memory_space<vmem>>, vector<16xf32>,
      %scan3A_55 = arith.constant 0 : i32
      scf.yield %scan3A_55 : i32
    }
    %scan3A_7 = arith.constant 128 : i32
    %scan3A_8 = arith.constant 0 : i32
    %scan3A_9 = arith.constant 0 : i32
    %scan3A_10 = arith.constant 5 : i32
    %scan3A_11 = arith.addi %scan3A_9, %scan3A_10 : i32
    %scan3A_12 = arith.constant 1 : i32
    %scan3A_13 = scf.for %scan3A_30 = %scan3A_9 to %scan3A_11 step %scan3A_12 iter_args(%scan3A_31 = %scan3A_8) -> (i32)  : i32 {
      %mul3A_32 = arith.constant 16 : i32
      %mul3A_33 = arith.muli %scan3A_30, %mul3A_32 : i32
      %add3A_34 = arith.addi %mul3A_33, %arg1 : i32
      %scan3A_35 = arith.constant 0 : i32
      %scan3A_36 = arith.constant 0 : i32
      %scan3A_37 = arith.constant 8 : i32
      %scan3A_38 = arith.addi %scan3A_36, %scan3A_37 : i32
      %scan3A_39 = arith.constant 1 : i32
      %scan3A_40 = scf.for %scan3A_43 = %scan3A_36 to %scan3A_38 step %scan3A_39 iter_args(%scan3A_44 = %scan3A_35) -> (i32)  : i32 {
        %mul3A_45 = arith.constant 128 : i32
        %mul3A_46 = arith.muli %add3A_34, %mul3A_45 : i32
        %mul3A_47 = arith.constant 16 : i32
        %mul3A_48 = arith.muli %scan3A_43, %mul3A_47 : i32
        %add3A_49 = arith.addi %mul3A_46, %mul3A_48 : i32
        %add3A_50 = vector.broadcast %add3A_49 : i32 to vector<16xi32>
        %add3A_51 = arith.addi %add3A_50, %iota3A : vector<16xi32>
        %mul3A_52 = arith.constant 16 : i32
        %mul3A_53 = arith.muli %scan3A_43, %mul3A_52 : i32
        %swap3A = arith.index_cast %mul3A_53 : i32 to index
        %swap3A_54 = tpu.vector_load %arg10[%swap3A] {strides = array<i32>} : memref<128xi32, #tpu.memory_space<vmem>>, vector<16xi32>,
        tpu.vector_store %arg10[%swap3A], %add3A_51 {strides = array<i32>} : memref<128xi32, #tpu.memory_space<vmem>>, vector<16xi32>,
        %scan3A_55 = arith.constant 0 : i32
        scf.yield %scan3A_55 : i32
      }
      %scan3A_41 = arith.constant 8 : i32
      "tpu.region"() ({
        %run_scoped3A = tpu.sem_alloc : memref<!tpu.dma_semaphore, #tpu.memory_space<semaphore_mem>>
        %dma_start3A = arith.constant 0 : i32
        %dma_start3A_43 = arith.constant 0 : i32
        %dma_start3A_44 = tpu.memref_slice %arg14[%dma_start3A, %dma_start3A_43] : memref<10240x128xf32, #tpu.memory_space<vmem_shared>> -> memref<10240x128xf32, #tpu.memory_space<vmem_shared>>
        tpu.enqueue_indirect_dma source(%arg11 : memref<128x128xf32, #tpu.memory_space<vmem>>) target(%dma_start3A_44 : memref<10240x128xf32, #tpu.memory_space<vmem_shared>>) offsets(%arg10 : memref<128xi32, #tpu.memory_space<vmem>>) semaphore(%run_scoped3A : memref<!tpu.dma_semaphore, #tpu.memory_space<semaphore_mem>>)
        %dma_wait3A = arith.constant 0 : i32
        %dma_wait3A_45 = arith.constant 0 : i32
        %dma_wait3A_46 = tpu.memref_slice %arg14[%dma_wait3A, %dma_wait3A_45] : memref<10240x128xf32, #tpu.memory_space<vmem_shared>> -> memref<10240x128xf32, #tpu.memory_space<vmem_shared>>
        tpu.wait_indirect_dma semaphore(%run_scoped3A : memref<!tpu.dma_semaphore, #tpu.memory_space<semaphore_mem>>) src(%arg11 : memref<128x128xf32, #tpu.memory_space<vmem>>) dst(%dma_wait3A_46 : memref<10240x128xf32, #tpu.memory_space<vmem_shared>>)
        tpu.yield
      }) : () -> ()
      %scan3A_42 = arith.constant 0 : i32
      scf.yield %scan3A_42 : i32
    }
    %scan3A_14 = arith.constant 5 : i32
    %barrier3A = arith.constant 0 : index
    tpu.barrier barrier_id(%barrier3A)
    %scan3A_15 = arith.constant 0 : i32
    %scan3A_16 = arith.constant 0 : i32
    %scan3A_17 = arith.constant 79 : i32
    %scan3A_18 = arith.addi %scan3A_16, %scan3A_17 : i32
    %scan3A_19 = arith.constant 1 : i32
    %scan3A_20 = scf.for %scan3A_30 = %scan3A_16 to %scan3A_18 step %scan3A_19 iter_args(%scan3A_31 = %scan3A_15) -> (i32)  : i32 {
      %mul3A_32 = arith.constant 79 : i32
      %mul3A_33 = arith.muli %add3A, %mul3A_32 : i32
      %add3A_34 = arith.addi %mul3A_33, %scan3A_30 : i32
      %mul3A_35 = arith.constant 128 : i32
      %mul3A_36 = arith.muli %add3A_34, %mul3A_35 : i32
      "tpu.region"() ({
        %run_scoped3A = tpu.sem_alloc : memref<!tpu.dma_semaphore, #tpu.memory_space<semaphore_mem>>
        %dma_start3A_49 = tpu.memref_slice %arg2[%mul3A_36] : memref<323584xi32, #tpu.memory_space<hbm>> -> memref<128xi32, #tpu.memory_space<hbm>>
        %dma_start3A_50 = tpu.memref_slice %arg2[%mul3A_36] : memref<323584xi32, #tpu.memory_space<hbm>> -> memref<128xi32, #tpu.memory_space<hbm>>
        tpu.enqueue_dma source(%dma_start3A_50 : memref<128xi32, #tpu.memory_space<hbm>>) target(%arg8 : memref<128xi32, #tpu.memory_space<vmem>>) target_semaphore(%run_scoped3A : memref<!tpu.dma_semaphore, #tpu.memory_space<semaphore_mem>>)
        %dma_wait3A_51 = tpu.memref_slice %arg2[%mul3A_36] : memref<323584xi32, #tpu.memory_space<hbm>> -> memref<128xi32, #tpu.memory_space<hbm>>
        %dma_wait3A_52 = tpu.memref_slice %arg2[%mul3A_36] : memref<323584xi32, #tpu.memory_space<hbm>> -> memref<128xi32, #tpu.memory_space<hbm>>
        tpu.wait_dma2 semaphore(%run_scoped3A : memref<!tpu.dma_semaphore, #tpu.memory_space<semaphore_mem>>) src(%dma_wait3A_52 : memref<128xi32, #tpu.memory_space<hbm>>) dst(%arg8 : memref<128xi32, #tpu.memory_space<vmem>>)
        tpu.yield
      }) : () -> ()
      "tpu.region"() ({
        %run_scoped3A = tpu.sem_alloc : memref<!tpu.dma_semaphore, #tpu.memory_space<semaphore_mem>>
        %dma_start3A_49 = tpu.memref_slice %arg3[%mul3A_36] : memref<323584xi32, #tpu.memory_space<hbm>> -> memref<128xi32, #tpu.memory_space<hbm>>
        %dma_start3A_50 = tpu.memref_slice %arg3[%mul3A_36] : memref<323584xi32, #tpu.memory_space<hbm>> -> memref<128xi32, #tpu.memory_space<hbm>>
        tpu.enqueue_dma source(%dma_start3A_50 : memref<128xi32, #tpu.memory_space<hbm>>) target(%arg9 : memref<128xi32, #tpu.memory_space<vmem>>) target_semaphore(%run_scoped3A : memref<!tpu.dma_semaphore, #tpu.memory_space<semaphore_mem>>)
        %dma_wait3A_51 = tpu.memref_slice %arg3[%mul3A_36] : memref<323584xi32, #tpu.memory_space<hbm>> -> memref<128xi32, #tpu.memory_space<hbm>>
        %dma_wait3A_52 = tpu.memref_slice %arg3[%mul3A_36] : memref<323584xi32, #tpu.memory_space<hbm>> -> memref<128xi32, #tpu.memory_space<hbm>>
        tpu.wait_dma2 semaphore(%run_scoped3A : memref<!tpu.dma_semaphore, #tpu.memory_space<semaphore_mem>>) src(%dma_wait3A_52 : memref<128xi32, #tpu.memory_space<hbm>>) dst(%arg9 : memref<128xi32, #tpu.memory_space<vmem>>)
        tpu.yield
      }) : () -> ()
      %dma_start3A = arith.constant 0 : i32
      %dma_start3A_37 = arith.constant 0 : i32
      %dma_start3A_38 = tpu.memref_slice %arg6[%dma_start3A, %dma_start3A_37] : memref<10000x128xf32, #tpu.memory_space<hbm>> -> memref<10000x128xf32, #tpu.memory_space<hbm>>
      tpu.enqueue_indirect_dma source(%dma_start3A_38 : memref<10000x128xf32, #tpu.memory_space<hbm>>) target(%arg11 : memref<128x128xf32, #tpu.memory_space<vmem>>) offsets(%arg8 : memref<128xi32, #tpu.memory_space<vmem>>) semaphore(%arg15 : memref<!tpu.dma_semaphore, #tpu.memory_space<semaphore_mem>>)
      "tpu.region"() ({
        %run_scoped3A = tpu.sem_alloc : memref<!tpu.dma_semaphore, #tpu.memory_space<semaphore_mem>>
        %dma_start3A_49 = tpu.memref_slice %arg4[%mul3A_36] : memref<323584xf32, #tpu.memory_space<hbm>> -> memref<128xf32, #tpu.memory_space<hbm>>
        %dma_start3A_50 = tpu.memref_slice %arg4[%mul3A_36] : memref<323584xf32, #tpu.memory_space<hbm>> -> memref<128xf32, #tpu.memory_space<hbm>>
        tpu.enqueue_dma source(%dma_start3A_50 : memref<128xf32, #tpu.memory_space<hbm>>) target(%arg12 : memref<128xf32, #tpu.memory_space<vmem>>) target_semaphore(%run_scoped3A : memref<!tpu.dma_semaphore, #tpu.memory_space<semaphore_mem>>)
        %dma_wait3A_51 = tpu.memref_slice %arg4[%mul3A_36] : memref<323584xf32, #tpu.memory_space<hbm>> -> memref<128xf32, #tpu.memory_space<hbm>>
        %dma_wait3A_52 = tpu.memref_slice %arg4[%mul3A_36] : memref<323584xf32, #tpu.memory_space<hbm>> -> memref<128xf32, #tpu.memory_space<hbm>>
        tpu.wait_dma2 semaphore(%run_scoped3A : memref<!tpu.dma_semaphore, #tpu.memory_space<semaphore_mem>>) src(%dma_wait3A_52 : memref<128xf32, #tpu.memory_space<hbm>>) dst(%arg12 : memref<128xf32, #tpu.memory_space<vmem>>)
        tpu.yield
      }) : () -> ()
      "tpu.region"() ({
        %run_scoped3A = tpu.sem_alloc : memref<!tpu.dma_semaphore, #tpu.memory_space<semaphore_mem>>
        %dma_start3A_49 = tpu.memref_slice %arg5[%mul3A_36] : memref<323584xf32, #tpu.memory_space<hbm>> -> memref<128xf32, #tpu.memory_space<hbm>>
        %dma_start3A_50 = tpu.memref_slice %arg5[%mul3A_36] : memref<323584xf32, #tpu.memory_space<hbm>> -> memref<128xf32, #tpu.memory_space<hbm>>
        tpu.enqueue_dma source(%dma_start3A_50 : memref<128xf32, #tpu.memory_space<hbm>>) target(%arg13 : memref<128xf32, #tpu.memory_space<vmem>>) target_semaphore(%run_scoped3A : memref<!tpu.dma_semaphore, #tpu.memory_space<semaphore_mem>>)
        %dma_wait3A_51 = tpu.memref_slice %arg5[%mul3A_36] : memref<323584xf32, #tpu.memory_space<hbm>> -> memref<128xf32, #tpu.memory_space<hbm>>
        %dma_wait3A_52 = tpu.memref_slice %arg5[%mul3A_36] : memref<323584xf32, #tpu.memory_space<hbm>> -> memref<128xf32, #tpu.memory_space<hbm>>
        tpu.wait_dma2 semaphore(%run_scoped3A : memref<!tpu.dma_semaphore, #tpu.memory_space<semaphore_mem>>) src(%dma_wait3A_52 : memref<128xf32, #tpu.memory_space<hbm>>) dst(%arg13 : memref<128xf32, #tpu.memory_space<vmem>>)
        tpu.yield
      }) : () -> ()
      %dma_wait3A = arith.constant 0 : i32
      %dma_wait3A_39 = arith.constant 0 : i32
      %dma_wait3A_40 = tpu.memref_slice %arg6[%dma_wait3A, %dma_wait3A_39] : memref<10000x128xf32, #tpu.memory_space<hbm>> -> memref<10000x128xf32, #tpu.memory_space<hbm>>
      tpu.wait_indirect_dma semaphore(%arg15 : memref<!tpu.dma_semaphore, #tpu.memory_space<semaphore_mem>>) src(%dma_wait3A_40 : memref<10000x128xf32, #tpu.memory_space<hbm>>) dst(%arg11 : memref<128x128xf32, #tpu.memory_space<vmem>>)
      %scan3A_41 = arith.constant 0 : i32
      %scan3A_42 = arith.constant 0 : i32
      %scan3A_43 = arith.constant 8 : i32
      %scan3A_44 = arith.addi %scan3A_42, %scan3A_43 : i32
      %scan3A_45 = arith.constant 1 : i32
      %scan3A_46 = scf.for %scan3A_49 = %scan3A_42 to %scan3A_44 step %scan3A_45 iter_args(%scan3A_50 = %scan3A_41) -> (i32)  : i32 {
        %mul3A_51 = arith.constant 16 : i32
        %mul3A_52 = arith.muli %scan3A_49, %mul3A_51 : i32
        %get3A = arith.index_cast %mul3A_52 : i32 to index
        %get3A_53 = tpu.vector_load %arg12[%get3A] {strides = array<i32>} : memref<128xf32, #tpu.memory_space<vmem>>, vector<16xf32>,
        %mul3A_54 = arith.constant 16 : i32
        %mul3A_55 = arith.muli %scan3A_49, %mul3A_54 : i32
        %get3A_56 = arith.index_cast %mul3A_55 : i32 to index
        %get3A_57 = tpu.vector_load %arg13[%get3A_56] {strides = array<i32>} : memref<128xf32, #tpu.memory_space<vmem>>, vector<16xf32>,
        %slice3A = vector.extract_strided_slice %get3A_53 {offsets = [0], sizes = [1], strides = [1]} : vector<16xf32> to vector<1xf32>
        %squeeze3A = vector.extract %slice3A[0] : f32 from vector<1xf32>
        %slice3A_58 = vector.extract_strided_slice %get3A_57 {offsets = [0], sizes = [1], strides = [1]} : vector<16xf32> to vector<1xf32>
        %squeeze3A_59 = vector.extract %slice3A_58[0] : f32 from vector<1xf32>
        %mul3A_60 = arith.constant 16 : i32
        %mul3A_61 = arith.muli %scan3A_49, %mul3A_60 : i32
        %add3A_62 = arith.constant 0 : i32
        %add3A_63 = arith.addi %mul3A_61, %add3A_62 : i32
        %get3A_64 = arith.index_cast %add3A_63 : i32 to index
        %get3A_65 = arith.constant 0 : index
        %get3A_66 = tpu.vector_load %arg11[%get3A_64, %get3A_65] {strides = array<i32>} : memref<128x128xf32, #tpu.memory_space<vmem>>, vector<16xf32>,
        %mul3A_67 = vector.broadcast %squeeze3A : f32 to vector<16xf32>
        %mul3A_68 = arith.mulf %get3A_66, %mul3A_67 : vector<16xf32>
        %swap3A = arith.index_cast %add3A_63 : i32 to index
        %swap3A_69 = arith.constant 0 : index
        %swap3A_70 = tpu.vector_load %arg11[%swap3A, %swap3A_69] {strides = array<i32>} : memref<128x128xf32, #tpu.memory_space<vmem>>, vector<16xf32>,
        tpu.vector_store %arg11[%swap3A, %swap3A_69], %mul3A_68 {strides = array<i32>} : memref<128x128xf32, #tpu.memory_space<vmem>>, vector<16xf32>,
        %get3A_71 = arith.index_cast %add3A_63 : i32 to index
        %get3A_72 = arith.constant 16 : index
        %get3A_73 = tpu.vector_load %arg11[%get3A_71, %get3A_72] {strides = array<i32>} : memref<128x128xf32, #tpu.memory_space<vmem>>, vector<16xf32>,
        %mul3A_74 = vector.broadcast %squeeze3A : f32 to vector<16xf32>
        %mul3A_75 = arith.mulf %get3A_73, %mul3A_74 : vector<16xf32>
        %swap3A_76 = arith.index_cast %add3A_63 : i32 to index
        %swap3A_77 = arith.constant 16 : index
        %swap3A_78 = tpu.vector_load %arg11[%swap3A_76, %swap3A_77] {strides = array<i32>} : memref<128x128xf32, #tpu.memory_space<vmem>>, vector<16xf32>,
        tpu.vector_store %arg11[%swap3A_76, %swap3A_77], %mul3A_75 {strides = array<i32>} : memref<128x128xf32, #tpu.memory_space<vmem>>, vector<16xf32>,
        %get3A_79 = arith.index_cast %add3A_63 : i32 to index
        %get3A_80 = arith.constant 32 : index
        %get3A_81 = tpu.vector_load %arg11[%get3A_79, %get3A_80] {strides = array<i32>} : memref<128x128xf32, #tpu.memory_space<vmem>>, vector<16xf32>,
        %mul3A_82 = vector.broadcast %squeeze3A : f32 to vector<16xf32>
        %mul3A_83 = arith.mulf %get3A_81, %mul3A_82 : vector<16xf32>
        %swap3A_84 = arith.index_cast %add3A_63 : i32 to index
        %swap3A_85 = arith.constant 32 : index
        %swap3A_86 = tpu.vector_load %arg11[%swap3A_84, %swap3A_85] {strides = array<i32>} : memref<128x128xf32, #tpu.memory_space<vmem>>, vector<16xf32>,
        tpu.vector_store %arg11[%swap3A_84, %swap3A_85], %mul3A_83 {strides = array<i32>} : memref<128x128xf32, #tpu.memory_space<vmem>>, vector<16xf32>,
        %get3A_87 = arith.index_cast %add3A_63 : i32 to index
        %get3A_88 = arith.constant 48 : index
        %get3A_89 = tpu.vector_load %arg11[%get3A_87, %get3A_88] {strides = array<i32>} : memref<128x128xf32, #tpu.memory_space<vmem>>, vector<16xf32>,
        %mul3A_90 = vector.broadcast %squeeze3A : f32 to vector<16xf32>
        %mul3A_91 = arith.mulf %get3A_89, %mul3A_90 : vector<16xf32>
        %swap3A_92 = arith.index_cast %add3A_63 : i32 to index
        %swap3A_93 = arith.constant 48 : index
        %swap3A_94 = tpu.vector_load %arg11[%swap3A_92, %swap3A_93] {strides = array<i32>} : memref<128x128xf32, #tpu.memory_space<vmem>>, vector<16xf32>,
        tpu.vector_store %arg11[%swap3A_92, %swap3A_93], %mul3A_91 {strides = array<i32>} : memref<128x128xf32, #tpu.memory_space<vmem>>, vector<16xf32>,
        %get3A_95 = arith.index_cast %add3A_63 : i32 to index
        %get3A_96 = arith.constant 64 : index
        %get3A_97 = tpu.vector_load %arg11[%get3A_95, %get3A_96] {strides = array<i32>} : memref<128x128xf32, #tpu.memory_space<vmem>>, vector<16xf32>,
        %mul3A_98 = vector.broadcast %squeeze3A_59 : f32 to vector<16xf32>
        %mul3A_99 = arith.mulf %get3A_97, %mul3A_98 : vector<16xf32>
        %swap3A_100 = arith.index_cast %add3A_63 : i32 to index
        %swap3A_101 = arith.constant 64 : index
        %swap3A_102 = tpu.vector_load %arg11[%swap3A_100, %swap3A_101] {strides = array<i32>} : memref<128x128xf32, #tpu.memory_space<vmem>>, vector<16xf32>,
        tpu.vector_store %arg11[%swap3A_100, %swap3A_101], %mul3A_99 {strides = array<i32>} : memref<128x128xf32, #tpu.memory_space<vmem>>, vector<16xf32>,
        %get3A_103 = arith.index_cast %add3A_63 : i32 to index
        %get3A_104 = arith.constant 80 : index
        %get3A_105 = tpu.vector_load %arg11[%get3A_103, %get3A_104] {strides = array<i32>} : memref<128x128xf32, #tpu.memory_space<vmem>>, vector<16xf32>,
        %mul3A_106 = vector.broadcast %squeeze3A_59 : f32 to vector<16xf32>
        %mul3A_107 = arith.mulf %get3A_105, %mul3A_106 : vector<16xf32>
        %swap3A_108 = arith.index_cast %add3A_63 : i32 to index
        %swap3A_109 = arith.constant 80 : index
        %swap3A_110 = tpu.vector_load %arg11[%swap3A_108, %swap3A_109] {strides = array<i32>} : memref<128x128xf32, #tpu.memory_space<vmem>>, vector<16xf32>,
        tpu.vector_store %arg11[%swap3A_108, %swap3A_109], %mul3A_107 {strides = array<i32>} : memref<128x128xf32, #tpu.memory_space<vmem>>, vector<16xf32>,
        %get3A_111 = arith.index_cast %add3A_63 : i32 to index
        %get3A_112 = arith.constant 96 : index
        %get3A_113 = tpu.vector_load %arg11[%get3A_111, %get3A_112] {strides = array<i32>} : memref<128x128xf32, #tpu.memory_space<vmem>>, vector<16xf32>,
        %mul3A_114 = vector.broadcast %squeeze3A_59 : f32 to vector<16xf32>
        %mul3A_115 = arith.mulf %get3A_113, %mul3A_114 : vector<16xf32>
        %swap3A_116 = arith.index_cast %add3A_63 : i32 to index
        %swap3A_117 = arith.constant 96 : index
        %swap3A_118 = tpu.vector_load %arg11[%swap3A_116, %swap3A_117] {strides = array<i32>} : memref<128x128xf32, #tpu.memory_space<vmem>>, vector<16xf32>,
        tpu.vector_store %arg11[%swap3A_116, %swap3A_117], %mul3A_115 {strides = array<i32>} : memref<128x128xf32, #tpu.memory_space<vmem>>, vector<16xf32>,
        %get3A_119 = arith.index_cast %add3A_63 : i32 to index
        %get3A_120 = arith.constant 112 : index
        %get3A_121 = tpu.vector_load %arg11[%get3A_119, %get3A_120] {strides = array<i32>} : memref<128x128xf32, #tpu.memory_space<vmem>>, vector<16xf32>,
        %mul3A_122 = vector.broadcast %squeeze3A_59 : f32 to vector<16xf32>
        %mul3A_123 = arith.mulf %get3A_121, %mul3A_122 : vector<16xf32>
        %swap3A_124 = arith.index_cast %add3A_63 : i32 to index
        %swap3A_125 = arith.constant 112 : index
        %swap3A_126 = tpu.vector_load %arg11[%swap3A_124, %swap3A_125] {strides = array<i32>} : memref<128x128xf32, #tpu.memory_space<vmem>>, vector<16xf32>,
        tpu.vector_store %arg11[%swap3A_124, %swap3A_125], %mul3A_123 {strides = array<i32>} : memref<128x128xf32, #tpu.memory_space<vmem>>, vector<16xf32>,
        %slice3A_127 = vector.extract_strided_slice %get3A_53 {offsets = [1], sizes = [1], strides = [1]} : vector<16xf32> to vector<1xf32>
        %squeeze3A_128 = vector.extract %slice3A_127[0] : f32 from vector<1xf32>
        %slice3A_129 = vector.extract_strided_slice %get3A_57 {offsets = [1], sizes = [1], strides = [1]} : vector<16xf32> to vector<1xf32>
        %squeeze3A_130 = vector.extract %slice3A_129[0] : f32 from vector<1xf32>
        %mul3A_131 = arith.constant 16 : i32
        %mul3A_132 = arith.muli %scan3A_49, %mul3A_131 : i32
        %add3A_133 = arith.constant 1 : i32
        %add3A_134 = arith.addi %mul3A_132, %add3A_133 : i32
        %get3A_135 = arith.index_cast %add3A_134 : i32 to index
        %get3A_136 = arith.constant 0 : index
        %get3A_137 = tpu.vector_load %arg11[%get3A_135, %get3A_136] {strides = array<i32>} : memref<128x128xf32, #tpu.memory_space<vmem>>, vector<16xf32>,
        %mul3A_138 = vector.broadcast %squeeze3A_128 : f32 to vector<16xf32>
        %mul3A_139 = arith.mulf %get3A_137, %mul3A_138 : vector<16xf32>
        %swap3A_140 = arith.index_cast %add3A_134 : i32 to index
        %swap3A_141 = arith.constant 0 : index
        %swap3A_142 = tpu.vector_load %arg11[%swap3A_140, %swap3A_141] {strides = array<i32>} : memref<128x128xf32, #tpu.memory_space<vmem>>, vector<16xf32>,
        tpu.vector_store %arg11[%swap3A_140, %swap3A_141], %mul3A_139 {strides = array<i32>} : memref<128x128xf32, #tpu.memory_space<vmem>>, vector<16xf32>,
        %get3A_143 = arith.index_cast %add3A_134 : i32 to index
        %get3A_144 = arith.constant 16 : index
        %get3A_145 = tpu.vector_load %arg11[%get3A_143, %get3A_144] {strides = array<i32>} : memref<128x128xf32, #tpu.memory_space<vmem>>, vector<16xf32>,
        %mul3A_146 = vector.broadcast %squeeze3A_128 : f32 to vector<16xf32>
        %mul3A_147 = arith.mulf %get3A_145, %mul3A_146 : vector<16xf32>
        %swap3A_148 = arith.index_cast %add3A_134 : i32 to index
        %swap3A_149 = arith.constant 16 : index
        %swap3A_150 = tpu.vector_load %arg11[%swap3A_148, %swap3A_149] {strides = array<i32>} : memref<128x128xf32, #tpu.memory_space<vmem>>, vector<16xf32>,
        tpu.vector_store %arg11[%swap3A_148, %swap3A_149], %mul3A_147 {strides = array<i32>} : memref<128x128xf32, #tpu.memory_space<vmem>>, vector<16xf32>,
        %get3A_151 = arith.index_cast %add3A_134 : i32 to index
        %get3A_152 = arith.constant 32 : index
        %get3A_153 = tpu.vector_load %arg11[%get3A_151, %get3A_152] {strides = array<i32>} : memref<128x128xf32, #tpu.memory_space<vmem>>, vector<16xf32>,
        %mul3A_154 = vector.broadcast %squeeze3A_128 : f32 to vector<16xf32>
        %mul3A_155 = arith.mulf %get3A_153, %mul3A_154 : vector<16xf32>
        %swap3A_156 = arith.index_cast %add3A_134 : i32 to index
        %swap3A_157 = arith.constant 32 : index
        %swap3A_158 = tpu.vector_load %arg11[%swap3A_156, %swap3A_157] {strides = array<i32>} : memref<128x128xf32, #tpu.memory_space<vmem>>, vector<16xf32>,
        tpu.vector_store %arg11[%swap3A_156, %swap3A_157], %mul3A_155 {strides = array<i32>} : memref<128x128xf32, #tpu.memory_space<vmem>>, vector<16xf32>,
        %get3A_159 = arith.index_cast %add3A_134 : i32 to index
        %get3A_160 = arith.constant 48 : index
        %get3A_161 = tpu.vector_load %arg11[%get3A_159, %get3A_160] {strides = array<i32>} : memref<128x128xf32, #tpu.memory_space<vmem>>, vector<16xf32>,
        %mul3A_162 = vector.broadcast %squeeze3A_128 : f32 to vector<16xf32>
        %mul3A_163 = arith.mulf %get3A_161, %mul3A_162 : vector<16xf32>
        %swap3A_164 = arith.index_cast %add3A_134 : i32 to index
        %swap3A_165 = arith.constant 48 : index
        %swap3A_166 = tpu.vector_load %arg11[%swap3A_164, %swap3A_165] {strides = array<i32>} : memref<128x128xf32, #tpu.memory_space<vmem>>, vector<16xf32>,
        tpu.vector_store %arg11[%swap3A_164, %swap3A_165], %mul3A_163 {strides = array<i32>} : memref<128x128xf32, #tpu.memory_space<vmem>>, vector<16xf32>,
        %get3A_167 = arith.index_cast %add3A_134 : i32 to index
        %get3A_168 = arith.constant 64 : index
        %get3A_169 = tpu.vector_load %arg11[%get3A_167, %get3A_168] {strides = array<i32>} : memref<128x128xf32, #tpu.memory_space<vmem>>, vector<16xf32>,
        %mul3A_170 = vector.broadcast %squeeze3A_130 : f32 to vector<16xf32>
        %mul3A_171 = arith.mulf %get3A_169, %mul3A_170 : vector<16xf32>
        %swap3A_172 = arith.index_cast %add3A_134 : i32 to index
        %swap3A_173 = arith.constant 64 : index
        %swap3A_174 = tpu.vector_load %arg11[%swap3A_172, %swap3A_173] {strides = array<i32>} : memref<128x128xf32, #tpu.memory_space<vmem>>, vector<16xf32>,
        tpu.vector_store %arg11[%swap3A_172, %swap3A_173], %mul3A_171 {strides = array<i32>} : memref<128x128xf32, #tpu.memory_space<vmem>>, vector<16xf32>,
        %get3A_175 = arith.index_cast %add3A_134 : i32 to index
        %get3A_176 = arith.constant 80 : index
        %get3A_177 = tpu.vector_load %arg11[%get3A_175, %get3A_176] {strides = array<i32>} : memref<128x128xf32, #tpu.memory_space<vmem>>, vector<16xf32>,
        %mul3A_178 = vector.broadcast %squeeze3A_130 : f32 to vector<16xf32>
        %mul3A_179 = arith.mulf %get3A_177, %mul3A_178 : vector<16xf32>
        %swap3A_180 = arith.index_cast %add3A_134 : i32 to index
        %swap3A_181 = arith.constant 80 : index
        %swap3A_182 = tpu.vector_load %arg11[%swap3A_180, %swap3A_181] {strides = array<i32>} : memref<128x128xf32, #tpu.memory_space<vmem>>, vector<16xf32>,
        tpu.vector_store %arg11[%swap3A_180, %swap3A_181], %mul3A_179 {strides = array<i32>} : memref<128x128xf32, #tpu.memory_space<vmem>>, vector<16xf32>,
        %get3A_183 = arith.index_cast %add3A_134 : i32 to index
        %get3A_184 = arith.constant 96 : index
        %get3A_185 = tpu.vector_load %arg11[%get3A_183, %get3A_184] {strides = array<i32>} : memref<128x128xf32, #tpu.memory_space<vmem>>, vector<16xf32>,
        %mul3A_186 = vector.broadcast %squeeze3A_130 : f32 to vector<16xf32>
        %mul3A_187 = arith.mulf %get3A_185, %mul3A_186 : vector<16xf32>
        %swap3A_188 = arith.index_cast %add3A_134 : i32 to index
        %swap3A_189 = arith.constant 96 : index
        %swap3A_190 = tpu.vector_load %arg11[%swap3A_188, %swap3A_189] {strides = array<i32>} : memref<128x128xf32, #tpu.memory_space<vmem>>, vector<16xf32>,
        tpu.vector_store %arg11[%swap3A_188, %swap3A_189], %mul3A_187 {strides = array<i32>} : memref<128x128xf32, #tpu.memory_space<vmem>>, vector<16xf32>,
        %get3A_191 = arith.index_cast %add3A_134 : i32 to index
        %get3A_192 = arith.constant 112 : index
        %get3A_193 = tpu.vector_load %arg11[%get3A_191, %get3A_192] {strides = array<i32>} : memref<128x128xf32, #tpu.memory_space<vmem>>, vector<16xf32>,
        %mul3A_194 = vector.broadcast %squeeze3A_130 : f32 to vector<16xf32>
        %mul3A_195 = arith.mulf %get3A_193, %mul3A_194 : vector<16xf32>
        %swap3A_196 = arith.index_cast %add3A_134 : i32 to index
        %swap3A_197 = arith.constant 112 : index
        %swap3A_198 = tpu.vector_load %arg11[%swap3A_196, %swap3A_197] {strides = array<i32>} : memref<128x128xf32, #tpu.memory_space<vmem>>, vector<16xf32>,
        tpu.vector_store %arg11[%swap3A_196, %swap3A_197], %mul3A_195 {strides = array<i32>} : memref<128x128xf32, #tpu.memory_space<vmem>>, vector<16xf32>,
        %slice3A_199 = vector.extract_strided_slice %get3A_53 {offsets = [2], sizes = [1], strides = [1]} : vector<16xf32> to vector<1xf32>
        %squeeze3A_200 = vector.extract %slice3A_199[0] : f32 from vector<1xf32>
        %slice3A_201 = vector.extract_strided_slice %get3A_57 {offsets = [2], sizes = [1], strides = [1]} : vector<16xf32> to vector<1xf32>
        %squeeze3A_202 = vector.extract %slice3A_201[0] : f32 from vector<1xf32>
        %mul3A_203 = arith.constant 16 : i32
        %mul3A_204 = arith.muli %scan3A_49, %mul3A_203 : i32
        %add3A_205 = arith.constant 2 : i32
        %add3A_206 = arith.addi %mul3A_204, %add3A_205 : i32
        %get3A_207 = arith.index_cast %add3A_206 : i32 to index
        %get3A_208 = arith.constant 0 : index
        %get3A_209 = tpu.vector_load %arg11[%get3A_207, %get3A_208] {strides = array<i32>} : memref<128x128xf32, #tpu.memory_space<vmem>>, vector<16xf32>,
        %mul3A_210 = vector.broadcast %squeeze3A_200 : f32 to vector<16xf32>
        %mul3A_211 = arith.mulf %get3A_209, %mul3A_210 : vector<16xf32>
        %swap3A_212 = arith.index_cast %add3A_206 : i32 to index
        %swap3A_213 = arith.constant 0 : index
        %swap3A_214 = tpu.vector_load %arg11[%swap3A_212, %swap3A_213] {strides = array<i32>} : memref<128x128xf32, #tpu.memory_space<vmem>>, vector<16xf32>,
        tpu.vector_store %arg11[%swap3A_212, %swap3A_213], %mul3A_211 {strides = array<i32>} : memref<128x128xf32, #tpu.memory_space<vmem>>, vector<16xf32>,
        %get3A_215 = arith.index_cast %add3A_206 : i32 to index
        %get3A_216 = arith.constant 16 : index
        %get3A_217 = tpu.vector_load %arg11[%get3A_215, %get3A_216] {strides = array<i32>} : memref<128x128xf32, #tpu.memory_space<vmem>>, vector<16xf32>,
        %mul3A_218 = vector.broadcast %squeeze3A_200 : f32 to vector<16xf32>
        %mul3A_219 = arith.mulf %get3A_217, %mul3A_218 : vector<16xf32>
        %swap3A_220 = arith.index_cast %add3A_206 : i32 to index
        %swap3A_221 = arith.constant 16 : index
        %swap3A_222 = tpu.vector_load %arg11[%swap3A_220, %swap3A_221] {strides = array<i32>} : memref<128x128xf32, #tpu.memory_space<vmem>>, vector<16xf32>,
        tpu.vector_store %arg11[%swap3A_220, %swap3A_221], %mul3A_219 {strides = array<i32>} : memref<128x128xf32, #tpu.memory_space<vmem>>, vector<16xf32>,
        %get3A_223 = arith.index_cast %add3A_206 : i32 to index
        %get3A_224 = arith.constant 32 : index
        %get3A_225 = tpu.vector_load %arg11[%get3A_223, %get3A_224] {strides = array<i32>} : memref<128x128xf32, #tpu.memory_space<vmem>>, vector<16xf32>,
        %mul3A_226 = vector.broadcast %squeeze3A_200 : f32 to vector<16xf32>
        %mul3A_227 = arith.mulf %get3A_225, %mul3A_226 : vector<16xf32>
        %swap3A_228 = arith.index_cast %add3A_206 : i32 to index
        %swap3A_229 = arith.constant 32 : index
        %swap3A_230 = tpu.vector_load %arg11[%swap3A_228, %swap3A_229] {strides = array<i32>} : memref<128x128xf32, #tpu.memory_space<vmem>>, vector<16xf32>,
        tpu.vector_store %arg11[%swap3A_228, %swap3A_229], %mul3A_227 {strides = array<i32>} : memref<128x128xf32, #tpu.memory_space<vmem>>, vector<16xf32>,
        %get3A_231 = arith.index_cast %add3A_206 : i32 to index
        %get3A_232 = arith.constant 48 : index
        %get3A_233 = tpu.vector_load %arg11[%get3A_231, %get3A_232] {strides = array<i32>} : memref<128x128xf32, #tpu.memory_space<vmem>>, vector<16xf32>,
        %mul3A_234 = vector.broadcast %squeeze3A_200 : f32 to vector<16xf32>
        %mul3A_235 = arith.mulf %get3A_233, %mul3A_234 : vector<16xf32>
        %swap3A_236 = arith.index_cast %add3A_206 : i32 to index
        %swap3A_237 = arith.constant 48 : index
        %swap3A_238 = tpu.vector_load %arg11[%swap3A_236, %swap3A_237] {strides = array<i32>} : memref<128x128xf32, #tpu.memory_space<vmem>>, vector<16xf32>,
        tpu.vector_store %arg11[%swap3A_236, %swap3A_237], %mul3A_235 {strides = array<i32>} : memref<128x128xf32, #tpu.memory_space<vmem>>, vector<16xf32>,
        %get3A_239 = arith.index_cast %add3A_206 : i32 to index
        %get3A_240 = arith.constant 64 : index
        %get3A_241 = tpu.vector_load %arg11[%get3A_239, %get3A_240] {strides = array<i32>} : memref<128x128xf32, #tpu.memory_space<vmem>>, vector<16xf32>,
        %mul3A_242 = vector.broadcast %squeeze3A_202 : f32 to vector<16xf32>
        %mul3A_243 = arith.mulf %get3A_241, %mul3A_242 : vector<16xf32>
        %swap3A_244 = arith.index_cast %add3A_206 : i32 to index
        %swap3A_245 = arith.constant 64 : index
        %swap3A_246 = tpu.vector_load %arg11[%swap3A_244, %swap3A_245] {strides = array<i32>} : memref<128x128xf32, #tpu.memory_space<vmem>>, vector<16xf32>,
        tpu.vector_store %arg11[%swap3A_244, %swap3A_245], %mul3A_243 {strides = array<i32>} : memref<128x128xf32, #tpu.memory_space<vmem>>, vector<16xf32>,
        %get3A_247 = arith.index_cast %add3A_206 : i32 to index
        %get3A_248 = arith.constant 80 : index
        %get3A_249 = tpu.vector_load %arg11[%get3A_247, %get3A_248] {strides = array<i32>} : memref<128x128xf32, #tpu.memory_space<vmem>>, vector<16xf32>,
        %mul3A_250 = vector.broadcast %squeeze3A_202 : f32 to vector<16xf32>
        %mul3A_251 = arith.mulf %get3A_249, %mul3A_250 : vector<16xf32>
        %swap3A_252 = arith.index_cast %add3A_206 : i32 to index
        %swap3A_253 = arith.constant 80 : index
        %swap3A_254 = tpu.vector_load %arg11[%swap3A_252, %swap3A_253] {strides = array<i32>} : memref<128x128xf32, #tpu.memory_space<vmem>>, vector<16xf32>,
        tpu.vector_store %arg11[%swap3A_252, %swap3A_253], %mul3A_251 {strides = array<i32>} : memref<128x128xf32, #tpu.memory_space<vmem>>, vector<16xf32>,
        %get3A_255 = arith.index_cast %add3A_206 : i32 to index
        %get3A_256 = arith.constant 96 : index
        %get3A_257 = tpu.vector_load %arg11[%get3A_255, %get3A_256] {strides = array<i32>} : memref<128x128xf32, #tpu.memory_space<vmem>>, vector<16xf32>,
        %mul3A_258 = vector.broadcast %squeeze3A_202 : f32 to vector<16xf32>
        %mul3A_259 = arith.mulf %get3A_257, %mul3A_258 : vector<16xf32>
        %swap3A_260 = arith.index_cast %add3A_206 : i32 to index
        %swap3A_261 = arith.constant 96 : index
        %swap3A_262 = tpu.vector_load %arg11[%swap3A_260, %swap3A_261] {strides = array<i32>} : memref<128x128xf32, #tpu.memory_space<vmem>>, vector<16xf32>,
        tpu.vector_store %arg11[%swap3A_260, %swap3A_261], %mul3A_259 {strides = array<i32>} : memref<128x128xf32, #tpu.memory_space<vmem>>, vector<16xf32>,
        %get3A_263 = arith.index_cast %add3A_206 : i32 to index
        %get3A_264 = arith.constant 112 : index
        %get3A_265 = tpu.vector_load %arg11[%get3A_263, %get3A_264] {strides = array<i32>} : memref<128x128xf32, #tpu.memory_space<vmem>>, vector<16xf32>,
        %mul3A_266 = vector.broadcast %squeeze3A_202 : f32 to vector<16xf32>
        %mul3A_267 = arith.mulf %get3A_265, %mul3A_266 : vector<16xf32>
        %swap3A_268 = arith.index_cast %add3A_206 : i32 to index
        %swap3A_269 = arith.constant 112 : index
        %swap3A_270 = tpu.vector_load %arg11[%swap3A_268, %swap3A_269] {strides = array<i32>} : memref<128x128xf32, #tpu.memory_space<vmem>>, vector<16xf32>,
        tpu.vector_store %arg11[%swap3A_268, %swap3A_269], %mul3A_267 {strides = array<i32>} : memref<128x128xf32, #tpu.memory_space<vmem>>, vector<16xf32>,
        %slice3A_271 = vector.extract_strided_slice %get3A_53 {offsets = [3], sizes = [1], strides = [1]} : vector<16xf32> to vector<1xf32>
        %squeeze3A_272 = vector.extract %slice3A_271[0] : f32 from vector<1xf32>
        %slice3A_273 = vector.extract_strided_slice %get3A_57 {offsets = [3], sizes = [1], strides = [1]} : vector<16xf32> to vector<1xf32>
        %squeeze3A_274 = vector.extract %slice3A_273[0] : f32 from vector<1xf32>
        %mul3A_275 = arith.constant 16 : i32
        %mul3A_276 = arith.muli %scan3A_49, %mul3A_275 : i32
        %add3A_277 = arith.constant 3 : i32
        %add3A_278 = arith.addi %mul3A_276, %add3A_277 : i32
        %get3A_279 = arith.index_cast %add3A_278 : i32 to index
        %get3A_280 = arith.constant 0 : index
        %get3A_281 = tpu.vector_load %arg11[%get3A_279, %get3A_280] {strides = array<i32>} : memref<128x128xf32, #tpu.memory_space<vmem>>, vector<16xf32>,
        %mul3A_282 = vector.broadcast %squeeze3A_272 : f32 to vector<16xf32>
        %mul3A_283 = arith.mulf %get3A_281, %mul3A_282 : vector<16xf32>
        %swap3A_284 = arith.index_cast %add3A_278 : i32 to index
        %swap3A_285 = arith.constant 0 : index
        %swap3A_286 = tpu.vector_load %arg11[%swap3A_284, %swap3A_285] {strides = array<i32>} : memref<128x128xf32, #tpu.memory_space<vmem>>, vector<16xf32>,
        tpu.vector_store %arg11[%swap3A_284, %swap3A_285], %mul3A_283 {strides = array<i32>} : memref<128x128xf32, #tpu.memory_space<vmem>>, vector<16xf32>,
        %get3A_287 = arith.index_cast %add3A_278 : i32 to index
        %get3A_288 = arith.constant 16 : index
        %get3A_289 = tpu.vector_load %arg11[%get3A_287, %get3A_288] {strides = array<i32>} : memref<128x128xf32, #tpu.memory_space<vmem>>, vector<16xf32>,
        %mul3A_290 = vector.broadcast %squeeze3A_272 : f32 to vector<16xf32>
        %mul3A_291 = arith.mulf %get3A_289, %mul3A_290 : vector<16xf32>
        %swap3A_292 = arith.index_cast %add3A_278 : i32 to index
        %swap3A_293 = arith.constant 16 : index
        %swap3A_294 = tpu.vector_load %arg11[%swap3A_292, %swap3A_293] {strides = array<i32>} : memref<128x128xf32, #tpu.memory_space<vmem>>, vector<16xf32>,
        tpu.vector_store %arg11[%swap3A_292, %swap3A_293], %mul3A_291 {strides = array<i32>} : memref<128x128xf32, #tpu.memory_space<vmem>>, vector<16xf32>,
        %get3A_295 = arith.index_cast %add3A_278 : i32 to index
        %get3A_296 = arith.constant 32 : index
        %get3A_297 = tpu.vector_load %arg11[%get3A_295, %get3A_296] {strides = array<i32>} : memref<128x128xf32, #tpu.memory_space<vmem>>, vector<16xf32>,
        %mul3A_298 = vector.broadcast %squeeze3A_272 : f32 to vector<16xf32>
        %mul3A_299 = arith.mulf %get3A_297, %mul3A_298 : vector<16xf32>
        %swap3A_300 = arith.index_cast %add3A_278 : i32 to index
        %swap3A_301 = arith.constant 32 : index
        %swap3A_302 = tpu.vector_load %arg11[%swap3A_300, %swap3A_301] {strides = array<i32>} : memref<128x128xf32, #tpu.memory_space<vmem>>, vector<16xf32>,
        tpu.vector_store %arg11[%swap3A_300, %swap3A_301], %mul3A_299 {strides = array<i32>} : memref<128x128xf32, #tpu.memory_space<vmem>>, vector<16xf32>,
        %get3A_303 = arith.index_cast %add3A_278 : i32 to index
        %get3A_304 = arith.constant 48 : index
        %get3A_305 = tpu.vector_load %arg11[%get3A_303, %get3A_304] {strides = array<i32>} : memref<128x128xf32, #tpu.memory_space<vmem>>, vector<16xf32>,
        %mul3A_306 = vector.broadcast %squeeze3A_272 : f32 to vector<16xf32>
        %mul3A_307 = arith.mulf %get3A_305, %mul3A_306 : vector<16xf32>
        %swap3A_308 = arith.index_cast %add3A_278 : i32 to index
        %swap3A_309 = arith.constant 48 : index
        %swap3A_310 = tpu.vector_load %arg11[%swap3A_308, %swap3A_309] {strides = array<i32>} : memref<128x128xf32, #tpu.memory_space<vmem>>, vector<16xf32>,
        tpu.vector_store %arg11[%swap3A_308, %swap3A_309], %mul3A_307 {strides = array<i32>} : memref<128x128xf32, #tpu.memory_space<vmem>>, vector<16xf32>,
        %get3A_311 = arith.index_cast %add3A_278 : i32 to index
        %get3A_312 = arith.constant 64 : index
        %get3A_313 = tpu.vector_load %arg11[%get3A_311, %get3A_312] {strides = array<i32>} : memref<128x128xf32, #tpu.memory_space<vmem>>, vector<16xf32>,
        %mul3A_314 = vector.broadcast %squeeze3A_274 : f32 to vector<16xf32>
        %mul3A_315 = arith.mulf %get3A_313, %mul3A_314 : vector<16xf32>
        %swap3A_316 = arith.index_cast %add3A_278 : i32 to index
        %swap3A_317 = arith.constant 64 : index
        %swap3A_318 = tpu.vector_load %arg11[%swap3A_316, %swap3A_317] {strides = array<i32>} : memref<128x128xf32, #tpu.memory_space<vmem>>, vector<16xf32>,
        tpu.vector_store %arg11[%swap3A_316, %swap3A_317], %mul3A_315 {strides = array<i32>} : memref<128x128xf32, #tpu.memory_space<vmem>>, vector<16xf32>,
        %get3A_319 = arith.index_cast %add3A_278 : i32 to index
        %get3A_320 = arith.constant 80 : index
        %get3A_321 = tpu.vector_load %arg11[%get3A_319, %get3A_320] {strides = array<i32>} : memref<128x128xf32, #tpu.memory_space<vmem>>, vector<16xf32>,
        %mul3A_322 = vector.broadcast %squeeze3A_274 : f32 to vector<16xf32>
        %mul3A_323 = arith.mulf %get3A_321, %mul3A_322 : vector<16xf32>
        %swap3A_324 = arith.index_cast %add3A_278 : i32 to index
        %swap3A_325 = arith.constant 80 : index
        %swap3A_326 = tpu.vector_load %arg11[%swap3A_324, %swap3A_325] {strides = array<i32>} : memref<128x128xf32, #tpu.memory_space<vmem>>, vector<16xf32>,
        tpu.vector_store %arg11[%swap3A_324, %swap3A_325], %mul3A_323 {strides = array<i32>} : memref<128x128xf32, #tpu.memory_space<vmem>>, vector<16xf32>,
        %get3A_327 = arith.index_cast %add3A_278 : i32 to index
        %get3A_328 = arith.constant 96 : index
        %get3A_329 = tpu.vector_load %arg11[%get3A_327, %get3A_328] {strides = array<i32>} : memref<128x128xf32, #tpu.memory_space<vmem>>, vector<16xf32>,
        %mul3A_330 = vector.broadcast %squeeze3A_274 : f32 to vector<16xf32>
        %mul3A_331 = arith.mulf %get3A_329, %mul3A_330 : vector<16xf32>
        %swap3A_332 = arith.index_cast %add3A_278 : i32 to index
        %swap3A_333 = arith.constant 96 : index
        %swap3A_334 = tpu.vector_load %arg11[%swap3A_332, %swap3A_333] {strides = array<i32>} : memref<128x128xf32, #tpu.memory_space<vmem>>, vector<16xf32>,
        tpu.vector_store %arg11[%swap3A_332, %swap3A_333], %mul3A_331 {strides = array<i32>} : memref<128x128xf32, #tpu.memory_space<vmem>>, vector<16xf32>,
        %get3A_335 = arith.index_cast %add3A_278 : i32 to index
        %get3A_336 = arith.constant 112 : index
        %get3A_337 = tpu.vector_load %arg11[%get3A_335, %get3A_336] {strides = array<i32>} : memref<128x128xf32, #tpu.memory_space<vmem>>, vector<16xf32>,
        %mul3A_338 = vector.broadcast %squeeze3A_274 : f32 to vector<16xf32>
        %mul3A_339 = arith.mulf %get3A_337, %mul3A_338 : vector<16xf32>
        %swap3A_340 = arith.index_cast %add3A_278 : i32 to index
        %swap3A_341 = arith.constant 112 : index
        %swap3A_342 = tpu.vector_load %arg11[%swap3A_340, %swap3A_341] {strides = array<i32>} : memref<128x128xf32, #tpu.memory_space<vmem>>, vector<16xf32>,
        tpu.vector_store %arg11[%swap3A_340, %swap3A_341], %mul3A_339 {strides = array<i32>} : memref<128x128xf32, #tpu.memory_space<vmem>>, vector<16xf32>,
        %slice3A_343 = vector.extract_strided_slice %get3A_53 {offsets = [4], sizes = [1], strides = [1]} : vector<16xf32> to vector<1xf32>
        %squeeze3A_344 = vector.extract %slice3A_343[0] : f32 from vector<1xf32>
        %slice3A_345 = vector.extract_strided_slice %get3A_57 {offsets = [4], sizes = [1], strides = [1]} : vector<16xf32> to vector<1xf32>
        %squeeze3A_346 = vector.extract %slice3A_345[0] : f32 from vector<1xf32>
        %mul3A_347 = arith.constant 16 : i32
        %mul3A_348 = arith.muli %scan3A_49, %mul3A_347 : i32
        %add3A_349 = arith.constant 4 : i32
        %add3A_350 = arith.addi %mul3A_348, %add3A_349 : i32
        %get3A_351 = arith.index_cast %add3A_350 : i32 to index
        %get3A_352 = arith.constant 0 : index
        %get3A_353 = tpu.vector_load %arg11[%get3A_351, %get3A_352] {strides = array<i32>} : memref<128x128xf32, #tpu.memory_space<vmem>>, vector<16xf32>,
        %mul3A_354 = vector.broadcast %squeeze3A_344 : f32 to vector<16xf32>
        %mul3A_355 = arith.mulf %get3A_353, %mul3A_354 : vector<16xf32>
        %swap3A_356 = arith.index_cast %add3A_350 : i32 to index
        %swap3A_357 = arith.constant 0 : index
        %swap3A_358 = tpu.vector_load %arg11[%swap3A_356, %swap3A_357] {strides = array<i32>} : memref<128x128xf32, #tpu.memory_space<vmem>>, vector<16xf32>,
        tpu.vector_store %arg11[%swap3A_356, %swap3A_357], %mul3A_355 {strides = array<i32>} : memref<128x128xf32, #tpu.memory_space<vmem>>, vector<16xf32>,
        %get3A_359 = arith.index_cast %add3A_350 : i32 to index
        %get3A_360 = arith.constant 16 : index
        %get3A_361 = tpu.vector_load %arg11[%get3A_359, %get3A_360] {strides = array<i32>} : memref<128x128xf32, #tpu.memory_space<vmem>>, vector<16xf32>,
        %mul3A_362 = vector.broadcast %squeeze3A_344 : f32 to vector<16xf32>
        %mul3A_363 = arith.mulf %get3A_361, %mul3A_362 : vector<16xf32>
        %swap3A_364 = arith.index_cast %add3A_350 : i32 to index
        %swap3A_365 = arith.constant 16 : index
        %swap3A_366 = tpu.vector_load %arg11[%swap3A_364, %swap3A_365] {strides = array<i32>} : memref<128x128xf32, #tpu.memory_space<vmem>>, vector<16xf32>,
        tpu.vector_store %arg11[%swap3A_364, %swap3A_365], %mul3A_363 {strides = array<i32>} : memref<128x128xf32, #tpu.memory_space<vmem>>, vector<16xf32>,
        %get3A_367 = arith.index_cast %add3A_350 : i32 to index
        %get3A_368 = arith.constant 32 : index
        %get3A_369 = tpu.vector_load %arg11[%get3A_367, %get3A_368] {strides = array<i32>} : memref<128x128xf32, #tpu.memory_space<vmem>>, vector<16xf32>,
        %mul3A_370 = vector.broadcast %squeeze3A_344 : f32 to vector<16xf32>
        %mul3A_371 = arith.mulf %get3A_369, %mul3A_370 : vector<16xf32>
        %swap3A_372 = arith.index_cast %add3A_350 : i32 to index
        %swap3A_373 = arith.constant 32 : index
        %swap3A_374 = tpu.vector_load %arg11[%swap3A_372, %swap3A_373] {strides = array<i32>} : memref<128x128xf32, #tpu.memory_space<vmem>>, vector<16xf32>,
        tpu.vector_store %arg11[%swap3A_372, %swap3A_373], %mul3A_371 {strides = array<i32>} : memref<128x128xf32, #tpu.memory_space<vmem>>, vector<16xf32>,
        %get3A_375 = arith.index_cast %add3A_350 : i32 to index
        %get3A_376 = arith.constant 48 : index
        %get3A_377 = tpu.vector_load %arg11[%get3A_375, %get3A_376] {strides = array<i32>} : memref<128x128xf32, #tpu.memory_space<vmem>>, vector<16xf32>,
        %mul3A_378 = vector.broadcast %squeeze3A_344 : f32 to vector<16xf32>
        %mul3A_379 = arith.mulf %get3A_377, %mul3A_378 : vector<16xf32>
        %swap3A_380 = arith.index_cast %add3A_350 : i32 to index
        %swap3A_381 = arith.constant 48 : index
        %swap3A_382 = tpu.vector_load %arg11[%swap3A_380, %swap3A_381] {strides = array<i32>} : memref<128x128xf32, #tpu.memory_space<vmem>>, vector<16xf32>,
        tpu.vector_store %arg11[%swap3A_380, %swap3A_381], %mul3A_379 {strides = array<i32>} : memref<128x128xf32, #tpu.memory_space<vmem>>, vector<16xf32>,
        %get3A_383 = arith.index_cast %add3A_350 : i32 to index
        %get3A_384 = arith.constant 64 : index
        %get3A_385 = tpu.vector_load %arg11[%get3A_383, %get3A_384] {strides = array<i32>} : memref<128x128xf32, #tpu.memory_space<vmem>>, vector<16xf32>,
        %mul3A_386 = vector.broadcast %squeeze3A_346 : f32 to vector<16xf32>
        %mul3A_387 = arith.mulf %get3A_385, %mul3A_386 : vector<16xf32>
        %swap3A_388 = arith.index_cast %add3A_350 : i32 to index
        %swap3A_389 = arith.constant 64 : index
        %swap3A_390 = tpu.vector_load %arg11[%swap3A_388, %swap3A_389] {strides = array<i32>} : memref<128x128xf32, #tpu.memory_space<vmem>>, vector<16xf32>,
        tpu.vector_store %arg11[%swap3A_388, %swap3A_389], %mul3A_387 {strides = array<i32>} : memref<128x128xf32, #tpu.memory_space<vmem>>, vector<16xf32>,
        %get3A_391 = arith.index_cast %add3A_350 : i32 to index
        %get3A_392 = arith.constant 80 : index
        %get3A_393 = tpu.vector_load %arg11[%get3A_391, %get3A_392] {strides = array<i32>} : memref<128x128xf32, #tpu.memory_space<vmem>>, vector<16xf32>,
        %mul3A_394 = vector.broadcast %squeeze3A_346 : f32 to vector<16xf32>
        %mul3A_395 = arith.mulf %get3A_393, %mul3A_394 : vector<16xf32>
        %swap3A_396 = arith.index_cast %add3A_350 : i32 to index
        %swap3A_397 = arith.constant 80 : index
        %swap3A_398 = tpu.vector_load %arg11[%swap3A_396, %swap3A_397] {strides = array<i32>} : memref<128x128xf32, #tpu.memory_space<vmem>>, vector<16xf32>,
        tpu.vector_store %arg11[%swap3A_396, %swap3A_397], %mul3A_395 {strides = array<i32>} : memref<128x128xf32, #tpu.memory_space<vmem>>, vector<16xf32>,
        %get3A_399 = arith.index_cast %add3A_350 : i32 to index
        %get3A_400 = arith.constant 96 : index
        %get3A_401 = tpu.vector_load %arg11[%get3A_399, %get3A_400] {strides = array<i32>} : memref<128x128xf32, #tpu.memory_space<vmem>>, vector<16xf32>,
        %mul3A_402 = vector.broadcast %squeeze3A_346 : f32 to vector<16xf32>
        %mul3A_403 = arith.mulf %get3A_401, %mul3A_402 : vector<16xf32>
        %swap3A_404 = arith.index_cast %add3A_350 : i32 to index
        %swap3A_405 = arith.constant 96 : index
        %swap3A_406 = tpu.vector_load %arg11[%swap3A_404, %swap3A_405] {strides = array<i32>} : memref<128x128xf32, #tpu.memory_space<vmem>>, vector<16xf32>,
        tpu.vector_store %arg11[%swap3A_404, %swap3A_405], %mul3A_403 {strides = array<i32>} : memref<128x128xf32, #tpu.memory_space<vmem>>, vector<16xf32>,
        %get3A_407 = arith.index_cast %add3A_350 : i32 to index
        %get3A_408 = arith.constant 112 : index
        %get3A_409 = tpu.vector_load %arg11[%get3A_407, %get3A_408] {strides = array<i32>} : memref<128x128xf32, #tpu.memory_space<vmem>>, vector<16xf32>,
        %mul3A_410 = vector.broadcast %squeeze3A_346 : f32 to vector<16xf32>
        %mul3A_411 = arith.mulf %get3A_409, %mul3A_410 : vector<16xf32>
        %swap3A_412 = arith.index_cast %add3A_350 : i32 to index
        %swap3A_413 = arith.constant 112 : index
        %swap3A_414 = tpu.vector_load %arg11[%swap3A_412, %swap3A_413] {strides = array<i32>} : memref<128x128xf32, #tpu.memory_space<vmem>>, vector<16xf32>,
        tpu.vector_store %arg11[%swap3A_412, %swap3A_413], %mul3A_411 {strides = array<i32>} : memref<128x128xf32, #tpu.memory_space<vmem>>, vector<16xf32>,
        %slice3A_415 = vector.extract_strided_slice %get3A_53 {offsets = [5], sizes = [1], strides = [1]} : vector<16xf32> to vector<1xf32>
        %squeeze3A_416 = vector.extract %slice3A_415[0] : f32 from vector<1xf32>
        %slice3A_417 = vector.extract_strided_slice %get3A_57 {offsets = [5], sizes = [1], strides = [1]} : vector<16xf32> to vector<1xf32>
        %squeeze3A_418 = vector.extract %slice3A_417[0] : f32 from vector<1xf32>
        %mul3A_419 = arith.constant 16 : i32
        %mul3A_420 = arith.muli %scan3A_49, %mul3A_419 : i32
        %add3A_421 = arith.constant 5 : i32
        %add3A_422 = arith.addi %mul3A_420, %add3A_421 : i32
        %get3A_423 = arith.index_cast %add3A_422 : i32 to index
        %get3A_424 = arith.constant 0 : index
        %get3A_425 = tpu.vector_load %arg11[%get3A_423, %get3A_424] {strides = array<i32>} : memref<128x128xf32, #tpu.memory_space<vmem>>, vector<16xf32>,
        %mul3A_426 = vector.broadcast %squeeze3A_416 : f32 to vector<16xf32>
        %mul3A_427 = arith.mulf %get3A_425, %mul3A_426 : vector<16xf32>
        %swap3A_428 = arith.index_cast %add3A_422 : i32 to index
        %swap3A_429 = arith.constant 0 : index
        %swap3A_430 = tpu.vector_load %arg11[%swap3A_428, %swap3A_429] {strides = array<i32>} : memref<128x128xf32, #tpu.memory_space<vmem>>, vector<16xf32>,
        tpu.vector_store %arg11[%swap3A_428, %swap3A_429], %mul3A_427 {strides = array<i32>} : memref<128x128xf32, #tpu.memory_space<vmem>>, vector<16xf32>,
        %get3A_431 = arith.index_cast %add3A_422 : i32 to index
        %get3A_432 = arith.constant 16 : index
        %get3A_433 = tpu.vector_load %arg11[%get3A_431, %get3A_432] {strides = array<i32>} : memref<128x128xf32, #tpu.memory_space<vmem>>, vector<16xf32>,
        %mul3A_434 = vector.broadcast %squeeze3A_416 : f32 to vector<16xf32>
        %mul3A_435 = arith.mulf %get3A_433, %mul3A_434 : vector<16xf32>
        %swap3A_436 = arith.index_cast %add3A_422 : i32 to index
        %swap3A_437 = arith.constant 16 : index
        %swap3A_438 = tpu.vector_load %arg11[%swap3A_436, %swap3A_437] {strides = array<i32>} : memref<128x128xf32, #tpu.memory_space<vmem>>, vector<16xf32>,
        tpu.vector_store %arg11[%swap3A_436, %swap3A_437], %mul3A_435 {strides = array<i32>} : memref<128x128xf32, #tpu.memory_space<vmem>>, vector<16xf32>,
        %get3A_439 = arith.index_cast %add3A_422 : i32 to index
        %get3A_440 = arith.constant 32 : index
        %get3A_441 = tpu.vector_load %arg11[%get3A_439, %get3A_440] {strides = array<i32>} : memref<128x128xf32, #tpu.memory_space<vmem>>, vector<16xf32>,
        %mul3A_442 = vector.broadcast %squeeze3A_416 : f32 to vector<16xf32>
        %mul3A_443 = arith.mulf %get3A_441, %mul3A_442 : vector<16xf32>
        %swap3A_444 = arith.index_cast %add3A_422 : i32 to index
        %swap3A_445 = arith.constant 32 : index
        %swap3A_446 = tpu.vector_load %arg11[%swap3A_444, %swap3A_445] {strides = array<i32>} : memref<128x128xf32, #tpu.memory_space<vmem>>, vector<16xf32>,
        tpu.vector_store %arg11[%swap3A_444, %swap3A_445], %mul3A_443 {strides = array<i32>} : memref<128x128xf32, #tpu.memory_space<vmem>>, vector<16xf32>,
        %get3A_447 = arith.index_cast %add3A_422 : i32 to index
        %get3A_448 = arith.constant 48 : index
        %get3A_449 = tpu.vector_load %arg11[%get3A_447, %get3A_448] {strides = array<i32>} : memref<128x128xf32, #tpu.memory_space<vmem>>, vector<16xf32>,
        %mul3A_450 = vector.broadcast %squeeze3A_416 : f32 to vector<16xf32>
        %mul3A_451 = arith.mulf %get3A_449, %mul3A_450 : vector<16xf32>
        %swap3A_452 = arith.index_cast %add3A_422 : i32 to index
        %swap3A_453 = arith.constant 48 : index
        %swap3A_454 = tpu.vector_load %arg11[%swap3A_452, %swap3A_453] {strides = array<i32>} : memref<128x128xf32, #tpu.memory_space<vmem>>, vector<16xf32>,
        tpu.vector_store %arg11[%swap3A_452, %swap3A_453], %mul3A_451 {strides = array<i32>} : memref<128x128xf32, #tpu.memory_space<vmem>>, vector<16xf32>,
        %get3A_455 = arith.index_cast %add3A_422 : i32 to index
        %get3A_456 = arith.constant 64 : index
        %get3A_457 = tpu.vector_load %arg11[%get3A_455, %get3A_456] {strides = array<i32>} : memref<128x128xf32, #tpu.memory_space<vmem>>, vector<16xf32>,
        %mul3A_458 = vector.broadcast %squeeze3A_418 : f32 to vector<16xf32>
        %mul3A_459 = arith.mulf %get3A_457, %mul3A_458 : vector<16xf32>
        %swap3A_460 = arith.index_cast %add3A_422 : i32 to index
        %swap3A_461 = arith.constant 64 : index
        %swap3A_462 = tpu.vector_load %arg11[%swap3A_460, %swap3A_461] {strides = array<i32>} : memref<128x128xf32, #tpu.memory_space<vmem>>, vector<16xf32>,
        tpu.vector_store %arg11[%swap3A_460, %swap3A_461], %mul3A_459 {strides = array<i32>} : memref<128x128xf32, #tpu.memory_space<vmem>>, vector<16xf32>,
        %get3A_463 = arith.index_cast %add3A_422 : i32 to index
        %get3A_464 = arith.constant 80 : index
        %get3A_465 = tpu.vector_load %arg11[%get3A_463, %get3A_464] {strides = array<i32>} : memref<128x128xf32, #tpu.memory_space<vmem>>, vector<16xf32>,
        %mul3A_466 = vector.broadcast %squeeze3A_418 : f32 to vector<16xf32>
        %mul3A_467 = arith.mulf %get3A_465, %mul3A_466 : vector<16xf32>
        %swap3A_468 = arith.index_cast %add3A_422 : i32 to index
        %swap3A_469 = arith.constant 80 : index
        %swap3A_470 = tpu.vector_load %arg11[%swap3A_468, %swap3A_469] {strides = array<i32>} : memref<128x128xf32, #tpu.memory_space<vmem>>, vector<16xf32>,
        tpu.vector_store %arg11[%swap3A_468, %swap3A_469], %mul3A_467 {strides = array<i32>} : memref<128x128xf32, #tpu.memory_space<vmem>>, vector<16xf32>,
        %get3A_471 = arith.index_cast %add3A_422 : i32 to index
        %get3A_472 = arith.constant 96 : index
        %get3A_473 = tpu.vector_load %arg11[%get3A_471, %get3A_472] {strides = array<i32>} : memref<128x128xf32, #tpu.memory_space<vmem>>, vector<16xf32>,
        %mul3A_474 = vector.broadcast %squeeze3A_418 : f32 to vector<16xf32>
        %mul3A_475 = arith.mulf %get3A_473, %mul3A_474 : vector<16xf32>
        %swap3A_476 = arith.index_cast %add3A_422 : i32 to index
        %swap3A_477 = arith.constant 96 : index
        %swap3A_478 = tpu.vector_load %arg11[%swap3A_476, %swap3A_477] {strides = array<i32>} : memref<128x128xf32, #tpu.memory_space<vmem>>, vector<16xf32>,
        tpu.vector_store %arg11[%swap3A_476, %swap3A_477], %mul3A_475 {strides = array<i32>} : memref<128x128xf32, #tpu.memory_space<vmem>>, vector<16xf32>,
        %get3A_479 = arith.index_cast %add3A_422 : i32 to index
        %get3A_480 = arith.constant 112 : index
        %get3A_481 = tpu.vector_load %arg11[%get3A_479, %get3A_480] {strides = array<i32>} : memref<128x128xf32, #tpu.memory_space<vmem>>, vector<16xf32>,
        %mul3A_482 = vector.broadcast %squeeze3A_418 : f32 to vector<16xf32>
        %mul3A_483 = arith.mulf %get3A_481, %mul3A_482 : vector<16xf32>
        %swap3A_484 = arith.index_cast %add3A_422 : i32 to index
        %swap3A_485 = arith.constant 112 : index
        %swap3A_486 = tpu.vector_load %arg11[%swap3A_484, %swap3A_485] {strides = array<i32>} : memref<128x128xf32, #tpu.memory_space<vmem>>, vector<16xf32>,
        tpu.vector_store %arg11[%swap3A_484, %swap3A_485], %mul3A_483 {strides = array<i32>} : memref<128x128xf32, #tpu.memory_space<vmem>>, vector<16xf32>,
        %slice3A_487 = vector.extract_strided_slice %get3A_53 {offsets = [6], sizes = [1], strides = [1]} : vector<16xf32> to vector<1xf32>
        %squeeze3A_488 = vector.extract %slice3A_487[0] : f32 from vector<1xf32>
        %slice3A_489 = vector.extract_strided_slice %get3A_57 {offsets = [6], sizes = [1], strides = [1]} : vector<16xf32> to vector<1xf32>
        %squeeze3A_490 = vector.extract %slice3A_489[0] : f32 from vector<1xf32>
        %mul3A_491 = arith.constant 16 : i32
        %mul3A_492 = arith.muli %scan3A_49, %mul3A_491 : i32
        %add3A_493 = arith.constant 6 : i32
        %add3A_494 = arith.addi %mul3A_492, %add3A_493 : i32
        %get3A_495 = arith.index_cast %add3A_494 : i32 to index
        %get3A_496 = arith.constant 0 : index
        %get3A_497 = tpu.vector_load %arg11[%get3A_495, %get3A_496] {strides = array<i32>} : memref<128x128xf32, #tpu.memory_space<vmem>>, vector<16xf32>,
        %mul3A_498 = vector.broadcast %squeeze3A_488 : f32 to vector<16xf32>
        %mul3A_499 = arith.mulf %get3A_497, %mul3A_498 : vector<16xf32>
        %swap3A_500 = arith.index_cast %add3A_494 : i32 to index
        %swap3A_501 = arith.constant 0 : index
        %swap3A_502 = tpu.vector_load %arg11[%swap3A_500, %swap3A_501] {strides = array<i32>} : memref<128x128xf32, #tpu.memory_space<vmem>>, vector<16xf32>,
        tpu.vector_store %arg11[%swap3A_500, %swap3A_501], %mul3A_499 {strides = array<i32>} : memref<128x128xf32, #tpu.memory_space<vmem>>, vector<16xf32>,
        %get3A_503 = arith.index_cast %add3A_494 : i32 to index
        %get3A_504 = arith.constant 16 : index
        %get3A_505 = tpu.vector_load %arg11[%get3A_503, %get3A_504] {strides = array<i32>} : memref<128x128xf32, #tpu.memory_space<vmem>>, vector<16xf32>,
        %mul3A_506 = vector.broadcast %squeeze3A_488 : f32 to vector<16xf32>
        %mul3A_507 = arith.mulf %get3A_505, %mul3A_506 : vector<16xf32>
        %swap3A_508 = arith.index_cast %add3A_494 : i32 to index
        %swap3A_509 = arith.constant 16 : index
        %swap3A_510 = tpu.vector_load %arg11[%swap3A_508, %swap3A_509] {strides = array<i32>} : memref<128x128xf32, #tpu.memory_space<vmem>>, vector<16xf32>,
        tpu.vector_store %arg11[%swap3A_508, %swap3A_509], %mul3A_507 {strides = array<i32>} : memref<128x128xf32, #tpu.memory_space<vmem>>, vector<16xf32>,
        %get3A_511 = arith.index_cast %add3A_494 : i32 to index
        %get3A_512 = arith.constant 32 : index
        %get3A_513 = tpu.vector_load %arg11[%get3A_511, %get3A_512] {strides = array<i32>} : memref<128x128xf32, #tpu.memory_space<vmem>>, vector<16xf32>,
        %mul3A_514 = vector.broadcast %squeeze3A_488 : f32 to vector<16xf32>
        %mul3A_515 = arith.mulf %get3A_513, %mul3A_514 : vector<16xf32>
        %swap3A_516 = arith.index_cast %add3A_494 : i32 to index
        %swap3A_517 = arith.constant 32 : index
        %swap3A_518 = tpu.vector_load %arg11[%swap3A_516, %swap3A_517] {strides = array<i32>} : memref<128x128xf32, #tpu.memory_space<vmem>>, vector<16xf32>,
        tpu.vector_store %arg11[%swap3A_516, %swap3A_517], %mul3A_515 {strides = array<i32>} : memref<128x128xf32, #tpu.memory_space<vmem>>, vector<16xf32>,
        %get3A_519 = arith.index_cast %add3A_494 : i32 to index
        %get3A_520 = arith.constant 48 : index
        %get3A_521 = tpu.vector_load %arg11[%get3A_519, %get3A_520] {strides = array<i32>} : memref<128x128xf32, #tpu.memory_space<vmem>>, vector<16xf32>,
        %mul3A_522 = vector.broadcast %squeeze3A_488 : f32 to vector<16xf32>
        %mul3A_523 = arith.mulf %get3A_521, %mul3A_522 : vector<16xf32>
        %swap3A_524 = arith.index_cast %add3A_494 : i32 to index
        %swap3A_525 = arith.constant 48 : index
        %swap3A_526 = tpu.vector_load %arg11[%swap3A_524, %swap3A_525] {strides = array<i32>} : memref<128x128xf32, #tpu.memory_space<vmem>>, vector<16xf32>,
        tpu.vector_store %arg11[%swap3A_524, %swap3A_525], %mul3A_523 {strides = array<i32>} : memref<128x128xf32, #tpu.memory_space<vmem>>, vector<16xf32>,
        %get3A_527 = arith.index_cast %add3A_494 : i32 to index
        %get3A_528 = arith.constant 64 : index
        %get3A_529 = tpu.vector_load %arg11[%get3A_527, %get3A_528] {strides = array<i32>} : memref<128x128xf32, #tpu.memory_space<vmem>>, vector<16xf32>,
        %mul3A_530 = vector.broadcast %squeeze3A_490 : f32 to vector<16xf32>
        %mul3A_531 = arith.mulf %get3A_529, %mul3A_530 : vector<16xf32>
        %swap3A_532 = arith.index_cast %add3A_494 : i32 to index
        %swap3A_533 = arith.constant 64 : index
        %swap3A_534 = tpu.vector_load %arg11[%swap3A_532, %swap3A_533] {strides = array<i32>} : memref<128x128xf32, #tpu.memory_space<vmem>>, vector<16xf32>,
        tpu.vector_store %arg11[%swap3A_532, %swap3A_533], %mul3A_531 {strides = array<i32>} : memref<128x128xf32, #tpu.memory_space<vmem>>, vector<16xf32>,
        %get3A_535 = arith.index_cast %add3A_494 : i32 to index
        %get3A_536 = arith.constant 80 : index
        %get3A_537 = tpu.vector_load %arg11[%get3A_535, %get3A_536] {strides = array<i32>} : memref<128x128xf32, #tpu.memory_space<vmem>>, vector<16xf32>,
        %mul3A_538 = vector.broadcast %squeeze3A_490 : f32 to vector<16xf32>
        %mul3A_539 = arith.mulf %get3A_537, %mul3A_538 : vector<16xf32>
        %swap3A_540 = arith.index_cast %add3A_494 : i32 to index
        %swap3A_541 = arith.constant 80 : index
        %swap3A_542 = tpu.vector_load %arg11[%swap3A_540, %swap3A_541] {strides = array<i32>} : memref<128x128xf32, #tpu.memory_space<vmem>>, vector<16xf32>,
        tpu.vector_store %arg11[%swap3A_540, %swap3A_541], %mul3A_539 {strides = array<i32>} : memref<128x128xf32, #tpu.memory_space<vmem>>, vector<16xf32>,
        %get3A_543 = arith.index_cast %add3A_494 : i32 to index
        %get3A_544 = arith.constant 96 : index
        %get3A_545 = tpu.vector_load %arg11[%get3A_543, %get3A_544] {strides = array<i32>} : memref<128x128xf32, #tpu.memory_space<vmem>>, vector<16xf32>,
        %mul3A_546 = vector.broadcast %squeeze3A_490 : f32 to vector<16xf32>
        %mul3A_547 = arith.mulf %get3A_545, %mul3A_546 : vector<16xf32>
        %swap3A_548 = arith.index_cast %add3A_494 : i32 to index
        %swap3A_549 = arith.constant 96 : index
        %swap3A_550 = tpu.vector_load %arg11[%swap3A_548, %swap3A_549] {strides = array<i32>} : memref<128x128xf32, #tpu.memory_space<vmem>>, vector<16xf32>,
        tpu.vector_store %arg11[%swap3A_548, %swap3A_549], %mul3A_547 {strides = array<i32>} : memref<128x128xf32, #tpu.memory_space<vmem>>, vector<16xf32>,
        %get3A_551 = arith.index_cast %add3A_494 : i32 to index
        %get3A_552 = arith.constant 112 : index
        %get3A_553 = tpu.vector_load %arg11[%get3A_551, %get3A_552] {strides = array<i32>} : memref<128x128xf32, #tpu.memory_space<vmem>>, vector<16xf32>,
        %mul3A_554 = vector.broadcast %squeeze3A_490 : f32 to vector<16xf32>
        %mul3A_555 = arith.mulf %get3A_553, %mul3A_554 : vector<16xf32>
        %swap3A_556 = arith.index_cast %add3A_494 : i32 to index
        %swap3A_557 = arith.constant 112 : index
        %swap3A_558 = tpu.vector_load %arg11[%swap3A_556, %swap3A_557] {strides = array<i32>} : memref<128x128xf32, #tpu.memory_space<vmem>>, vector<16xf32>,
        tpu.vector_store %arg11[%swap3A_556, %swap3A_557], %mul3A_555 {strides = array<i32>} : memref<128x128xf32, #tpu.memory_space<vmem>>, vector<16xf32>,
        %slice3A_559 = vector.extract_strided_slice %get3A_53 {offsets = [7], sizes = [1], strides = [1]} : vector<16xf32> to vector<1xf32>
        %squeeze3A_560 = vector.extract %slice3A_559[0] : f32 from vector<1xf32>
        %slice3A_561 = vector.extract_strided_slice %get3A_57 {offsets = [7], sizes = [1], strides = [1]} : vector<16xf32> to vector<1xf32>
        %squeeze3A_562 = vector.extract %slice3A_561[0] : f32 from vector<1xf32>
        %mul3A_563 = arith.constant 16 : i32
        %mul3A_564 = arith.muli %scan3A_49, %mul3A_563 : i32
        %add3A_565 = arith.constant 7 : i32
        %add3A_566 = arith.addi %mul3A_564, %add3A_565 : i32
        %get3A_567 = arith.index_cast %add3A_566 : i32 to index
        %get3A_568 = arith.constant 0 : index
        %get3A_569 = tpu.vector_load %arg11[%get3A_567, %get3A_568] {strides = array<i32>} : memref<128x128xf32, #tpu.memory_space<vmem>>, vector<16xf32>,
        %mul3A_570 = vector.broadcast %squeeze3A_560 : f32 to vector<16xf32>
        %mul3A_571 = arith.mulf %get3A_569, %mul3A_570 : vector<16xf32>
        %swap3A_572 = arith.index_cast %add3A_566 : i32 to index
        %swap3A_573 = arith.constant 0 : index
        %swap3A_574 = tpu.vector_load %arg11[%swap3A_572, %swap3A_573] {strides = array<i32>} : memref<128x128xf32, #tpu.memory_space<vmem>>, vector<16xf32>,
        tpu.vector_store %arg11[%swap3A_572, %swap3A_573], %mul3A_571 {strides = array<i32>} : memref<128x128xf32, #tpu.memory_space<vmem>>, vector<16xf32>,
        %get3A_575 = arith.index_cast %add3A_566 : i32 to index
        %get3A_576 = arith.constant 16 : index
        %get3A_577 = tpu.vector_load %arg11[%get3A_575, %get3A_576] {strides = array<i32>} : memref<128x128xf32, #tpu.memory_space<vmem>>, vector<16xf32>,
        %mul3A_578 = vector.broadcast %squeeze3A_560 : f32 to vector<16xf32>
        %mul3A_579 = arith.mulf %get3A_577, %mul3A_578 : vector<16xf32>
        %swap3A_580 = arith.index_cast %add3A_566 : i32 to index
        %swap3A_581 = arith.constant 16 : index
        %swap3A_582 = tpu.vector_load %arg11[%swap3A_580, %swap3A_581] {strides = array<i32>} : memref<128x128xf32, #tpu.memory_space<vmem>>, vector<16xf32>,
        tpu.vector_store %arg11[%swap3A_580, %swap3A_581], %mul3A_579 {strides = array<i32>} : memref<128x128xf32, #tpu.memory_space<vmem>>, vector<16xf32>,
        %get3A_583 = arith.index_cast %add3A_566 : i32 to index
        %get3A_584 = arith.constant 32 : index
        %get3A_585 = tpu.vector_load %arg11[%get3A_583, %get3A_584] {strides = array<i32>} : memref<128x128xf32, #tpu.memory_space<vmem>>, vector<16xf32>,
        %mul3A_586 = vector.broadcast %squeeze3A_560 : f32 to vector<16xf32>
        %mul3A_587 = arith.mulf %get3A_585, %mul3A_586 : vector<16xf32>
        %swap3A_588 = arith.index_cast %add3A_566 : i32 to index
        %swap3A_589 = arith.constant 32 : index
        %swap3A_590 = tpu.vector_load %arg11[%swap3A_588, %swap3A_589] {strides = array<i32>} : memref<128x128xf32, #tpu.memory_space<vmem>>, vector<16xf32>,
        tpu.vector_store %arg11[%swap3A_588, %swap3A_589], %mul3A_587 {strides = array<i32>} : memref<128x128xf32, #tpu.memory_space<vmem>>, vector<16xf32>,
        %get3A_591 = arith.index_cast %add3A_566 : i32 to index
        %get3A_592 = arith.constant 48 : index
        %get3A_593 = tpu.vector_load %arg11[%get3A_591, %get3A_592] {strides = array<i32>} : memref<128x128xf32, #tpu.memory_space<vmem>>, vector<16xf32>,
        %mul3A_594 = vector.broadcast %squeeze3A_560 : f32 to vector<16xf32>
        %mul3A_595 = arith.mulf %get3A_593, %mul3A_594 : vector<16xf32>
        %swap3A_596 = arith.index_cast %add3A_566 : i32 to index
        %swap3A_597 = arith.constant 48 : index
        %swap3A_598 = tpu.vector_load %arg11[%swap3A_596, %swap3A_597] {strides = array<i32>} : memref<128x128xf32, #tpu.memory_space<vmem>>, vector<16xf32>,
        tpu.vector_store %arg11[%swap3A_596, %swap3A_597], %mul3A_595 {strides = array<i32>} : memref<128x128xf32, #tpu.memory_space<vmem>>, vector<16xf32>,
        %get3A_599 = arith.index_cast %add3A_566 : i32 to index
        %get3A_600 = arith.constant 64 : index
        %get3A_601 = tpu.vector_load %arg11[%get3A_599, %get3A_600] {strides = array<i32>} : memref<128x128xf32, #tpu.memory_space<vmem>>, vector<16xf32>,
        %mul3A_602 = vector.broadcast %squeeze3A_562 : f32 to vector<16xf32>
        %mul3A_603 = arith.mulf %get3A_601, %mul3A_602 : vector<16xf32>
        %swap3A_604 = arith.index_cast %add3A_566 : i32 to index
        %swap3A_605 = arith.constant 64 : index
        %swap3A_606 = tpu.vector_load %arg11[%swap3A_604, %swap3A_605] {strides = array<i32>} : memref<128x128xf32, #tpu.memory_space<vmem>>, vector<16xf32>,
        tpu.vector_store %arg11[%swap3A_604, %swap3A_605], %mul3A_603 {strides = array<i32>} : memref<128x128xf32, #tpu.memory_space<vmem>>, vector<16xf32>,
        %get3A_607 = arith.index_cast %add3A_566 : i32 to index
        %get3A_608 = arith.constant 80 : index
        %get3A_609 = tpu.vector_load %arg11[%get3A_607, %get3A_608] {strides = array<i32>} : memref<128x128xf32, #tpu.memory_space<vmem>>, vector<16xf32>,
        %mul3A_610 = vector.broadcast %squeeze3A_562 : f32 to vector<16xf32>
        %mul3A_611 = arith.mulf %get3A_609, %mul3A_610 : vector<16xf32>
        %swap3A_612 = arith.index_cast %add3A_566 : i32 to index
        %swap3A_613 = arith.constant 80 : index
        %swap3A_614 = tpu.vector_load %arg11[%swap3A_612, %swap3A_613] {strides = array<i32>} : memref<128x128xf32, #tpu.memory_space<vmem>>, vector<16xf32>,
        tpu.vector_store %arg11[%swap3A_612, %swap3A_613], %mul3A_611 {strides = array<i32>} : memref<128x128xf32, #tpu.memory_space<vmem>>, vector<16xf32>,
        %get3A_615 = arith.index_cast %add3A_566 : i32 to index
        %get3A_616 = arith.constant 96 : index
        %get3A_617 = tpu.vector_load %arg11[%get3A_615, %get3A_616] {strides = array<i32>} : memref<128x128xf32, #tpu.memory_space<vmem>>, vector<16xf32>,
        %mul3A_618 = vector.broadcast %squeeze3A_562 : f32 to vector<16xf32>
        %mul3A_619 = arith.mulf %get3A_617, %mul3A_618 : vector<16xf32>
        %swap3A_620 = arith.index_cast %add3A_566 : i32 to index
        %swap3A_621 = arith.constant 96 : index
        %swap3A_622 = tpu.vector_load %arg11[%swap3A_620, %swap3A_621] {strides = array<i32>} : memref<128x128xf32, #tpu.memory_space<vmem>>, vector<16xf32>,
        tpu.vector_store %arg11[%swap3A_620, %swap3A_621], %mul3A_619 {strides = array<i32>} : memref<128x128xf32, #tpu.memory_space<vmem>>, vector<16xf32>,
        %get3A_623 = arith.index_cast %add3A_566 : i32 to index
        %get3A_624 = arith.constant 112 : index
        %get3A_625 = tpu.vector_load %arg11[%get3A_623, %get3A_624] {strides = array<i32>} : memref<128x128xf32, #tpu.memory_space<vmem>>, vector<16xf32>,
        %mul3A_626 = vector.broadcast %squeeze3A_562 : f32 to vector<16xf32>
        %mul3A_627 = arith.mulf %get3A_625, %mul3A_626 : vector<16xf32>
        %swap3A_628 = arith.index_cast %add3A_566 : i32 to index
        %swap3A_629 = arith.constant 112 : index
        %swap3A_630 = tpu.vector_load %arg11[%swap3A_628, %swap3A_629] {strides = array<i32>} : memref<128x128xf32, #tpu.memory_space<vmem>>, vector<16xf32>,
        tpu.vector_store %arg11[%swap3A_628, %swap3A_629], %mul3A_627 {strides = array<i32>} : memref<128x128xf32, #tpu.memory_space<vmem>>, vector<16xf32>,
        %slice3A_631 = vector.extract_strided_slice %get3A_53 {offsets = [8], sizes = [1], strides = [1]} : vector<16xf32> to vector<1xf32>
        %squeeze3A_632 = vector.extract %slice3A_631[0] : f32 from vector<1xf32>
        %slice3A_633 = vector.extract_strided_slice %get3A_57 {offsets = [8], sizes = [1], strides = [1]} : vector<16xf32> to vector<1xf32>
        %squeeze3A_634 = vector.extract %slice3A_633[0] : f32 from vector<1xf32>
        %mul3A_635 = arith.constant 16 : i32
        %mul3A_636 = arith.muli %scan3A_49, %mul3A_635 : i32
        %add3A_637 = arith.constant 8 : i32
        %add3A_638 = arith.addi %mul3A_636, %add3A_637 : i32
        %get3A_639 = arith.index_cast %add3A_638 : i32 to index
        %get3A_640 = arith.constant 0 : index
        %get3A_641 = tpu.vector_load %arg11[%get3A_639, %get3A_640] {strides = array<i32>} : memref<128x128xf32, #tpu.memory_space<vmem>>, vector<16xf32>,
        %mul3A_642 = vector.broadcast %squeeze3A_632 : f32 to vector<16xf32>
        %mul3A_643 = arith.mulf %get3A_641, %mul3A_642 : vector<16xf32>
        %swap3A_644 = arith.index_cast %add3A_638 : i32 to index
        %swap3A_645 = arith.constant 0 : index
        %swap3A_646 = tpu.vector_load %arg11[%swap3A_644, %swap3A_645] {strides = array<i32>} : memref<128x128xf32, #tpu.memory_space<vmem>>, vector<16xf32>,
        tpu.vector_store %arg11[%swap3A_644, %swap3A_645], %mul3A_643 {strides = array<i32>} : memref<128x128xf32, #tpu.memory_space<vmem>>, vector<16xf32>,
        %get3A_647 = arith.index_cast %add3A_638 : i32 to index
        %get3A_648 = arith.constant 16 : index
        %get3A_649 = tpu.vector_load %arg11[%get3A_647, %get3A_648] {strides = array<i32>} : memref<128x128xf32, #tpu.memory_space<vmem>>, vector<16xf32>,
        %mul3A_650 = vector.broadcast %squeeze3A_632 : f32 to vector<16xf32>
        %mul3A_651 = arith.mulf %get3A_649, %mul3A_650 : vector<16xf32>
        %swap3A_652 = arith.index_cast %add3A_638 : i32 to index
        %swap3A_653 = arith.constant 16 : index
        %swap3A_654 = tpu.vector_load %arg11[%swap3A_652, %swap3A_653] {strides = array<i32>} : memref<128x128xf32, #tpu.memory_space<vmem>>, vector<16xf32>,
        tpu.vector_store %arg11[%swap3A_652, %swap3A_653], %mul3A_651 {strides = array<i32>} : memref<128x128xf32, #tpu.memory_space<vmem>>, vector<16xf32>,
        %get3A_655 = arith.index_cast %add3A_638 : i32 to index
        %get3A_656 = arith.constant 32 : index
        %get3A_657 = tpu.vector_load %arg11[%get3A_655, %get3A_656] {strides = array<i32>} : memref<128x128xf32, #tpu.memory_space<vmem>>, vector<16xf32>,
        %mul3A_658 = vector.broadcast %squeeze3A_632 : f32 to vector<16xf32>
        %mul3A_659 = arith.mulf %get3A_657, %mul3A_658 : vector<16xf32>
        %swap3A_660 = arith.index_cast %add3A_638 : i32 to index
        %swap3A_661 = arith.constant 32 : index
        %swap3A_662 = tpu.vector_load %arg11[%swap3A_660, %swap3A_661] {strides = array<i32>} : memref<128x128xf32, #tpu.memory_space<vmem>>, vector<16xf32>,
        tpu.vector_store %arg11[%swap3A_660, %swap3A_661], %mul3A_659 {strides = array<i32>} : memref<128x128xf32, #tpu.memory_space<vmem>>, vector<16xf32>,
        %get3A_663 = arith.index_cast %add3A_638 : i32 to index
        %get3A_664 = arith.constant 48 : index
        %get3A_665 = tpu.vector_load %arg11[%get3A_663, %get3A_664] {strides = array<i32>} : memref<128x128xf32, #tpu.memory_space<vmem>>, vector<16xf32>,
        %mul3A_666 = vector.broadcast %squeeze3A_632 : f32 to vector<16xf32>
        %mul3A_667 = arith.mulf %get3A_665, %mul3A_666 : vector<16xf32>
        %swap3A_668 = arith.index_cast %add3A_638 : i32 to index
        %swap3A_669 = arith.constant 48 : index
        %swap3A_670 = tpu.vector_load %arg11[%swap3A_668, %swap3A_669] {strides = array<i32>} : memref<128x128xf32, #tpu.memory_space<vmem>>, vector<16xf32>,
        tpu.vector_store %arg11[%swap3A_668, %swap3A_669], %mul3A_667 {strides = array<i32>} : memref<128x128xf32, #tpu.memory_space<vmem>>, vector<16xf32>,
        %get3A_671 = arith.index_cast %add3A_638 : i32 to index
        %get3A_672 = arith.constant 64 : index
        %get3A_673 = tpu.vector_load %arg11[%get3A_671, %get3A_672] {strides = array<i32>} : memref<128x128xf32, #tpu.memory_space<vmem>>, vector<16xf32>,
        %mul3A_674 = vector.broadcast %squeeze3A_634 : f32 to vector<16xf32>
        %mul3A_675 = arith.mulf %get3A_673, %mul3A_674 : vector<16xf32>
        %swap3A_676 = arith.index_cast %add3A_638 : i32 to index
        %swap3A_677 = arith.constant 64 : index
        %swap3A_678 = tpu.vector_load %arg11[%swap3A_676, %swap3A_677] {strides = array<i32>} : memref<128x128xf32, #tpu.memory_space<vmem>>, vector<16xf32>,
        tpu.vector_store %arg11[%swap3A_676, %swap3A_677], %mul3A_675 {strides = array<i32>} : memref<128x128xf32, #tpu.memory_space<vmem>>, vector<16xf32>,
        %get3A_679 = arith.index_cast %add3A_638 : i32 to index
        %get3A_680 = arith.constant 80 : index
        %get3A_681 = tpu.vector_load %arg11[%get3A_679, %get3A_680] {strides = array<i32>} : memref<128x128xf32, #tpu.memory_space<vmem>>, vector<16xf32>,
        %mul3A_682 = vector.broadcast %squeeze3A_634 : f32 to vector<16xf32>
        %mul3A_683 = arith.mulf %get3A_681, %mul3A_682 : vector<16xf32>
        %swap3A_684 = arith.index_cast %add3A_638 : i32 to index
        %swap3A_685 = arith.constant 80 : index
        %swap3A_686 = tpu.vector_load %arg11[%swap3A_684, %swap3A_685] {strides = array<i32>} : memref<128x128xf32, #tpu.memory_space<vmem>>, vector<16xf32>,
        tpu.vector_store %arg11[%swap3A_684, %swap3A_685], %mul3A_683 {strides = array<i32>} : memref<128x128xf32, #tpu.memory_space<vmem>>, vector<16xf32>,
        %get3A_687 = arith.index_cast %add3A_638 : i32 to index
        %get3A_688 = arith.constant 96 : index
        %get3A_689 = tpu.vector_load %arg11[%get3A_687, %get3A_688] {strides = array<i32>} : memref<128x128xf32, #tpu.memory_space<vmem>>, vector<16xf32>,
        %mul3A_690 = vector.broadcast %squeeze3A_634 : f32 to vector<16xf32>
        %mul3A_691 = arith.mulf %get3A_689, %mul3A_690 : vector<16xf32>
        %swap3A_692 = arith.index_cast %add3A_638 : i32 to index
        %swap3A_693 = arith.constant 96 : index
        %swap3A_694 = tpu.vector_load %arg11[%swap3A_692, %swap3A_693] {strides = array<i32>} : memref<128x128xf32, #tpu.memory_space<vmem>>, vector<16xf32>,
        tpu.vector_store %arg11[%swap3A_692, %swap3A_693], %mul3A_691 {strides = array<i32>} : memref<128x128xf32, #tpu.memory_space<vmem>>, vector<16xf32>,
        %get3A_695 = arith.index_cast %add3A_638 : i32 to index
        %get3A_696 = arith.constant 112 : index
        %get3A_697 = tpu.vector_load %arg11[%get3A_695, %get3A_696] {strides = array<i32>} : memref<128x128xf32, #tpu.memory_space<vmem>>, vector<16xf32>,
        %mul3A_698 = vector.broadcast %squeeze3A_634 : f32 to vector<16xf32>
        %mul3A_699 = arith.mulf %get3A_697, %mul3A_698 : vector<16xf32>
        %swap3A_700 = arith.index_cast %add3A_638 : i32 to index
        %swap3A_701 = arith.constant 112 : index
        %swap3A_702 = tpu.vector_load %arg11[%swap3A_700, %swap3A_701] {strides = array<i32>} : memref<128x128xf32, #tpu.memory_space<vmem>>, vector<16xf32>,
        tpu.vector_store %arg11[%swap3A_700, %swap3A_701], %mul3A_699 {strides = array<i32>} : memref<128x128xf32, #tpu.memory_space<vmem>>, vector<16xf32>,
        %slice3A_703 = vector.extract_strided_slice %get3A_53 {offsets = [9], sizes = [1], strides = [1]} : vector<16xf32> to vector<1xf32>
        %squeeze3A_704 = vector.extract %slice3A_703[0] : f32 from vector<1xf32>
        %slice3A_705 = vector.extract_strided_slice %get3A_57 {offsets = [9], sizes = [1], strides = [1]} : vector<16xf32> to vector<1xf32>
        %squeeze3A_706 = vector.extract %slice3A_705[0] : f32 from vector<1xf32>
        %mul3A_707 = arith.constant 16 : i32
        %mul3A_708 = arith.muli %scan3A_49, %mul3A_707 : i32
        %add3A_709 = arith.constant 9 : i32
        %add3A_710 = arith.addi %mul3A_708, %add3A_709 : i32
        %get3A_711 = arith.index_cast %add3A_710 : i32 to index
        %get3A_712 = arith.constant 0 : index
        %get3A_713 = tpu.vector_load %arg11[%get3A_711, %get3A_712] {strides = array<i32>} : memref<128x128xf32, #tpu.memory_space<vmem>>, vector<16xf32>,
        %mul3A_714 = vector.broadcast %squeeze3A_704 : f32 to vector<16xf32>
        %mul3A_715 = arith.mulf %get3A_713, %mul3A_714 : vector<16xf32>
        %swap3A_716 = arith.index_cast %add3A_710 : i32 to index
        %swap3A_717 = arith.constant 0 : index
        %swap3A_718 = tpu.vector_load %arg11[%swap3A_716, %swap3A_717] {strides = array<i32>} : memref<128x128xf32, #tpu.memory_space<vmem>>, vector<16xf32>,
        tpu.vector_store %arg11[%swap3A_716, %swap3A_717], %mul3A_715 {strides = array<i32>} : memref<128x128xf32, #tpu.memory_space<vmem>>, vector<16xf32>,
        %get3A_719 = arith.index_cast %add3A_710 : i32 to index
        %get3A_720 = arith.constant 16 : index
        %get3A_721 = tpu.vector_load %arg11[%get3A_719, %get3A_720] {strides = array<i32>} : memref<128x128xf32, #tpu.memory_space<vmem>>, vector<16xf32>,
        %mul3A_722 = vector.broadcast %squeeze3A_704 : f32 to vector<16xf32>
        %mul3A_723 = arith.mulf %get3A_721, %mul3A_722 : vector<16xf32>
        %swap3A_724 = arith.index_cast %add3A_710 : i32 to index
        %swap3A_725 = arith.constant 16 : index
        %swap3A_726 = tpu.vector_load %arg11[%swap3A_724, %swap3A_725] {strides = array<i32>} : memref<128x128xf32, #tpu.memory_space<vmem>>, vector<16xf32>,
        tpu.vector_store %arg11[%swap3A_724, %swap3A_725], %mul3A_723 {strides = array<i32>} : memref<128x128xf32, #tpu.memory_space<vmem>>, vector<16xf32>,
        %get3A_727 = arith.index_cast %add3A_710 : i32 to index
        %get3A_728 = arith.constant 32 : index
        %get3A_729 = tpu.vector_load %arg11[%get3A_727, %get3A_728] {strides = array<i32>} : memref<128x128xf32, #tpu.memory_space<vmem>>, vector<16xf32>,
        %mul3A_730 = vector.broadcast %squeeze3A_704 : f32 to vector<16xf32>
        %mul3A_731 = arith.mulf %get3A_729, %mul3A_730 : vector<16xf32>
        %swap3A_732 = arith.index_cast %add3A_710 : i32 to index
        %swap3A_733 = arith.constant 32 : index
        %swap3A_734 = tpu.vector_load %arg11[%swap3A_732, %swap3A_733] {strides = array<i32>} : memref<128x128xf32, #tpu.memory_space<vmem>>, vector<16xf32>,
        tpu.vector_store %arg11[%swap3A_732, %swap3A_733], %mul3A_731 {strides = array<i32>} : memref<128x128xf32, #tpu.memory_space<vmem>>, vector<16xf32>,
        %get3A_735 = arith.index_cast %add3A_710 : i32 to index
        %get3A_736 = arith.constant 48 : index
        %get3A_737 = tpu.vector_load %arg11[%get3A_735, %get3A_736] {strides = array<i32>} : memref<128x128xf32, #tpu.memory_space<vmem>>, vector<16xf32>,
        %mul3A_738 = vector.broadcast %squeeze3A_704 : f32 to vector<16xf32>
        %mul3A_739 = arith.mulf %get3A_737, %mul3A_738 : vector<16xf32>
        %swap3A_740 = arith.index_cast %add3A_710 : i32 to index
        %swap3A_741 = arith.constant 48 : index
        %swap3A_742 = tpu.vector_load %arg11[%swap3A_740, %swap3A_741] {strides = array<i32>} : memref<128x128xf32, #tpu.memory_space<vmem>>, vector<16xf32>,
        tpu.vector_store %arg11[%swap3A_740, %swap3A_741], %mul3A_739 {strides = array<i32>} : memref<128x128xf32, #tpu.memory_space<vmem>>, vector<16xf32>,
        %get3A_743 = arith.index_cast %add3A_710 : i32 to index
        %get3A_744 = arith.constant 64 : index
        %get3A_745 = tpu.vector_load %arg11[%get3A_743, %get3A_744] {strides = array<i32>} : memref<128x128xf32, #tpu.memory_space<vmem>>, vector<16xf32>,
        %mul3A_746 = vector.broadcast %squeeze3A_706 : f32 to vector<16xf32>
        %mul3A_747 = arith.mulf %get3A_745, %mul3A_746 : vector<16xf32>
        %swap3A_748 = arith.index_cast %add3A_710 : i32 to index
        %swap3A_749 = arith.constant 64 : index
        %swap3A_750 = tpu.vector_load %arg11[%swap3A_748, %swap3A_749] {strides = array<i32>} : memref<128x128xf32, #tpu.memory_space<vmem>>, vector<16xf32>,
        tpu.vector_store %arg11[%swap3A_748, %swap3A_749], %mul3A_747 {strides = array<i32>} : memref<128x128xf32, #tpu.memory_space<vmem>>, vector<16xf32>,
        %get3A_751 = arith.index_cast %add3A_710 : i32 to index
        %get3A_752 = arith.constant 80 : index
        %get3A_753 = tpu.vector_load %arg11[%get3A_751, %get3A_752] {strides = array<i32>} : memref<128x128xf32, #tpu.memory_space<vmem>>, vector<16xf32>,
        %mul3A_754 = vector.broadcast %squeeze3A_706 : f32 to vector<16xf32>
        %mul3A_755 = arith.mulf %get3A_753, %mul3A_754 : vector<16xf32>
        %swap3A_756 = arith.index_cast %add3A_710 : i32 to index
        %swap3A_757 = arith.constant 80 : index
        %swap3A_758 = tpu.vector_load %arg11[%swap3A_756, %swap3A_757] {strides = array<i32>} : memref<128x128xf32, #tpu.memory_space<vmem>>, vector<16xf32>,
        tpu.vector_store %arg11[%swap3A_756, %swap3A_757], %mul3A_755 {strides = array<i32>} : memref<128x128xf32, #tpu.memory_space<vmem>>, vector<16xf32>,
        %get3A_759 = arith.index_cast %add3A_710 : i32 to index
        %get3A_760 = arith.constant 96 : index
        %get3A_761 = tpu.vector_load %arg11[%get3A_759, %get3A_760] {strides = array<i32>} : memref<128x128xf32, #tpu.memory_space<vmem>>, vector<16xf32>,
        %mul3A_762 = vector.broadcast %squeeze3A_706 : f32 to vector<16xf32>
        %mul3A_763 = arith.mulf %get3A_761, %mul3A_762 : vector<16xf32>
        %swap3A_764 = arith.index_cast %add3A_710 : i32 to index
        %swap3A_765 = arith.constant 96 : index
        %swap3A_766 = tpu.vector_load %arg11[%swap3A_764, %swap3A_765] {strides = array<i32>} : memref<128x128xf32, #tpu.memory_space<vmem>>, vector<16xf32>,
        tpu.vector_store %arg11[%swap3A_764, %swap3A_765], %mul3A_763 {strides = array<i32>} : memref<128x128xf32, #tpu.memory_space<vmem>>, vector<16xf32>,
        %get3A_767 = arith.index_cast %add3A_710 : i32 to index
        %get3A_768 = arith.constant 112 : index
        %get3A_769 = tpu.vector_load %arg11[%get3A_767, %get3A_768] {strides = array<i32>} : memref<128x128xf32, #tpu.memory_space<vmem>>, vector<16xf32>,
        %mul3A_770 = vector.broadcast %squeeze3A_706 : f32 to vector<16xf32>
        %mul3A_771 = arith.mulf %get3A_769, %mul3A_770 : vector<16xf32>
        %swap3A_772 = arith.index_cast %add3A_710 : i32 to index
        %swap3A_773 = arith.constant 112 : index
        %swap3A_774 = tpu.vector_load %arg11[%swap3A_772, %swap3A_773] {strides = array<i32>} : memref<128x128xf32, #tpu.memory_space<vmem>>, vector<16xf32>,
        tpu.vector_store %arg11[%swap3A_772, %swap3A_773], %mul3A_771 {strides = array<i32>} : memref<128x128xf32, #tpu.memory_space<vmem>>, vector<16xf32>,
        %slice3A_775 = vector.extract_strided_slice %get3A_53 {offsets = [10], sizes = [1], strides = [1]} : vector<16xf32> to vector<1xf32>
        %squeeze3A_776 = vector.extract %slice3A_775[0] : f32 from vector<1xf32>
        %slice3A_777 = vector.extract_strided_slice %get3A_57 {offsets = [10], sizes = [1], strides = [1]} : vector<16xf32> to vector<1xf32>
        %squeeze3A_778 = vector.extract %slice3A_777[0] : f32 from vector<1xf32>
        %mul3A_779 = arith.constant 16 : i32
        %mul3A_780 = arith.muli %scan3A_49, %mul3A_779 : i32
        %add3A_781 = arith.constant 10 : i32
        %add3A_782 = arith.addi %mul3A_780, %add3A_781 : i32
        %get3A_783 = arith.index_cast %add3A_782 : i32 to index
        %get3A_784 = arith.constant 0 : index
        %get3A_785 = tpu.vector_load %arg11[%get3A_783, %get3A_784] {strides = array<i32>} : memref<128x128xf32, #tpu.memory_space<vmem>>, vector<16xf32>,
        %mul3A_786 = vector.broadcast %squeeze3A_776 : f32 to vector<16xf32>
        %mul3A_787 = arith.mulf %get3A_785, %mul3A_786 : vector<16xf32>
        %swap3A_788 = arith.index_cast %add3A_782 : i32 to index
        %swap3A_789 = arith.constant 0 : index
        %swap3A_790 = tpu.vector_load %arg11[%swap3A_788, %swap3A_789] {strides = array<i32>} : memref<128x128xf32, #tpu.memory_space<vmem>>, vector<16xf32>,
        tpu.vector_store %arg11[%swap3A_788, %swap3A_789], %mul3A_787 {strides = array<i32>} : memref<128x128xf32, #tpu.memory_space<vmem>>, vector<16xf32>,
        %get3A_791 = arith.index_cast %add3A_782 : i32 to index
        %get3A_792 = arith.constant 16 : index
        %get3A_793 = tpu.vector_load %arg11[%get3A_791, %get3A_792] {strides = array<i32>} : memref<128x128xf32, #tpu.memory_space<vmem>>, vector<16xf32>,
        %mul3A_794 = vector.broadcast %squeeze3A_776 : f32 to vector<16xf32>
        %mul3A_795 = arith.mulf %get3A_793, %mul3A_794 : vector<16xf32>
        %swap3A_796 = arith.index_cast %add3A_782 : i32 to index
        %swap3A_797 = arith.constant 16 : index
        %swap3A_798 = tpu.vector_load %arg11[%swap3A_796, %swap3A_797] {strides = array<i32>} : memref<128x128xf32, #tpu.memory_space<vmem>>, vector<16xf32>,
        tpu.vector_store %arg11[%swap3A_796, %swap3A_797], %mul3A_795 {strides = array<i32>} : memref<128x128xf32, #tpu.memory_space<vmem>>, vector<16xf32>,
        %get3A_799 = arith.index_cast %add3A_782 : i32 to index
        %get3A_800 = arith.constant 32 : index
        %get3A_801 = tpu.vector_load %arg11[%get3A_799, %get3A_800] {strides = array<i32>} : memref<128x128xf32, #tpu.memory_space<vmem>>, vector<16xf32>,
        %mul3A_802 = vector.broadcast %squeeze3A_776 : f32 to vector<16xf32>
        %mul3A_803 = arith.mulf %get3A_801, %mul3A_802 : vector<16xf32>
        %swap3A_804 = arith.index_cast %add3A_782 : i32 to index
        %swap3A_805 = arith.constant 32 : index
        %swap3A_806 = tpu.vector_load %arg11[%swap3A_804, %swap3A_805] {strides = array<i32>} : memref<128x128xf32, #tpu.memory_space<vmem>>, vector<16xf32>,
        tpu.vector_store %arg11[%swap3A_804, %swap3A_805], %mul3A_803 {strides = array<i32>} : memref<128x128xf32, #tpu.memory_space<vmem>>, vector<16xf32>,
        %get3A_807 = arith.index_cast %add3A_782 : i32 to index
        %get3A_808 = arith.constant 48 : index
        %get3A_809 = tpu.vector_load %arg11[%get3A_807, %get3A_808] {strides = array<i32>} : memref<128x128xf32, #tpu.memory_space<vmem>>, vector<16xf32>,
        %mul3A_810 = vector.broadcast %squeeze3A_776 : f32 to vector<16xf32>
        %mul3A_811 = arith.mulf %get3A_809, %mul3A_810 : vector<16xf32>
        %swap3A_812 = arith.index_cast %add3A_782 : i32 to index
        %swap3A_813 = arith.constant 48 : index
        %swap3A_814 = tpu.vector_load %arg11[%swap3A_812, %swap3A_813] {strides = array<i32>} : memref<128x128xf32, #tpu.memory_space<vmem>>, vector<16xf32>,
        tpu.vector_store %arg11[%swap3A_812, %swap3A_813], %mul3A_811 {strides = array<i32>} : memref<128x128xf32, #tpu.memory_space<vmem>>, vector<16xf32>,
        %get3A_815 = arith.index_cast %add3A_782 : i32 to index
        %get3A_816 = arith.constant 64 : index
        %get3A_817 = tpu.vector_load %arg11[%get3A_815, %get3A_816] {strides = array<i32>} : memref<128x128xf32, #tpu.memory_space<vmem>>, vector<16xf32>,
        %mul3A_818 = vector.broadcast %squeeze3A_778 : f32 to vector<16xf32>
        %mul3A_819 = arith.mulf %get3A_817, %mul3A_818 : vector<16xf32>
        %swap3A_820 = arith.index_cast %add3A_782 : i32 to index
        %swap3A_821 = arith.constant 64 : index
        %swap3A_822 = tpu.vector_load %arg11[%swap3A_820, %swap3A_821] {strides = array<i32>} : memref<128x128xf32, #tpu.memory_space<vmem>>, vector<16xf32>,
        tpu.vector_store %arg11[%swap3A_820, %swap3A_821], %mul3A_819 {strides = array<i32>} : memref<128x128xf32, #tpu.memory_space<vmem>>, vector<16xf32>,
        %get3A_823 = arith.index_cast %add3A_782 : i32 to index
        %get3A_824 = arith.constant 80 : index
        %get3A_825 = tpu.vector_load %arg11[%get3A_823, %get3A_824] {strides = array<i32>} : memref<128x128xf32, #tpu.memory_space<vmem>>, vector<16xf32>,
        %mul3A_826 = vector.broadcast %squeeze3A_778 : f32 to vector<16xf32>
        %mul3A_827 = arith.mulf %get3A_825, %mul3A_826 : vector<16xf32>
        %swap3A_828 = arith.index_cast %add3A_782 : i32 to index
        %swap3A_829 = arith.constant 80 : index
        %swap3A_830 = tpu.vector_load %arg11[%swap3A_828, %swap3A_829] {strides = array<i32>} : memref<128x128xf32, #tpu.memory_space<vmem>>, vector<16xf32>,
        tpu.vector_store %arg11[%swap3A_828, %swap3A_829], %mul3A_827 {strides = array<i32>} : memref<128x128xf32, #tpu.memory_space<vmem>>, vector<16xf32>,
        %get3A_831 = arith.index_cast %add3A_782 : i32 to index
        %get3A_832 = arith.constant 96 : index
        %get3A_833 = tpu.vector_load %arg11[%get3A_831, %get3A_832] {strides = array<i32>} : memref<128x128xf32, #tpu.memory_space<vmem>>, vector<16xf32>,
        %mul3A_834 = vector.broadcast %squeeze3A_778 : f32 to vector<16xf32>
        %mul3A_835 = arith.mulf %get3A_833, %mul3A_834 : vector<16xf32>
        %swap3A_836 = arith.index_cast %add3A_782 : i32 to index
        %swap3A_837 = arith.constant 96 : index
        %swap3A_838 = tpu.vector_load %arg11[%swap3A_836, %swap3A_837] {strides = array<i32>} : memref<128x128xf32, #tpu.memory_space<vmem>>, vector<16xf32>,
        tpu.vector_store %arg11[%swap3A_836, %swap3A_837], %mul3A_835 {strides = array<i32>} : memref<128x128xf32, #tpu.memory_space<vmem>>, vector<16xf32>,
        %get3A_839 = arith.index_cast %add3A_782 : i32 to index
        %get3A_840 = arith.constant 112 : index
        %get3A_841 = tpu.vector_load %arg11[%get3A_839, %get3A_840] {strides = array<i32>} : memref<128x128xf32, #tpu.memory_space<vmem>>, vector<16xf32>,
        %mul3A_842 = vector.broadcast %squeeze3A_778 : f32 to vector<16xf32>
        %mul3A_843 = arith.mulf %get3A_841, %mul3A_842 : vector<16xf32>
        %swap3A_844 = arith.index_cast %add3A_782 : i32 to index
        %swap3A_845 = arith.constant 112 : index
        %swap3A_846 = tpu.vector_load %arg11[%swap3A_844, %swap3A_845] {strides = array<i32>} : memref<128x128xf32, #tpu.memory_space<vmem>>, vector<16xf32>,
        tpu.vector_store %arg11[%swap3A_844, %swap3A_845], %mul3A_843 {strides = array<i32>} : memref<128x128xf32, #tpu.memory_space<vmem>>, vector<16xf32>,
        %slice3A_847 = vector.extract_strided_slice %get3A_53 {offsets = [11], sizes = [1], strides = [1]} : vector<16xf32> to vector<1xf32>
        %squeeze3A_848 = vector.extract %slice3A_847[0] : f32 from vector<1xf32>
        %slice3A_849 = vector.extract_strided_slice %get3A_57 {offsets = [11], sizes = [1], strides = [1]} : vector<16xf32> to vector<1xf32>
        %squeeze3A_850 = vector.extract %slice3A_849[0] : f32 from vector<1xf32>
        %mul3A_851 = arith.constant 16 : i32
        %mul3A_852 = arith.muli %scan3A_49, %mul3A_851 : i32
        %add3A_853 = arith.constant 11 : i32
        %add3A_854 = arith.addi %mul3A_852, %add3A_853 : i32
        %get3A_855 = arith.index_cast %add3A_854 : i32 to index
        %get3A_856 = arith.constant 0 : index
        %get3A_857 = tpu.vector_load %arg11[%get3A_855, %get3A_856] {strides = array<i32>} : memref<128x128xf32, #tpu.memory_space<vmem>>, vector<16xf32>,
        %mul3A_858 = vector.broadcast %squeeze3A_848 : f32 to vector<16xf32>
        %mul3A_859 = arith.mulf %get3A_857, %mul3A_858 : vector<16xf32>
        %swap3A_860 = arith.index_cast %add3A_854 : i32 to index
        %swap3A_861 = arith.constant 0 : index
        %swap3A_862 = tpu.vector_load %arg11[%swap3A_860, %swap3A_861] {strides = array<i32>} : memref<128x128xf32, #tpu.memory_space<vmem>>, vector<16xf32>,
        tpu.vector_store %arg11[%swap3A_860, %swap3A_861], %mul3A_859 {strides = array<i32>} : memref<128x128xf32, #tpu.memory_space<vmem>>, vector<16xf32>,
        %get3A_863 = arith.index_cast %add3A_854 : i32 to index
        %get3A_864 = arith.constant 16 : index
        %get3A_865 = tpu.vector_load %arg11[%get3A_863, %get3A_864] {strides = array<i32>} : memref<128x128xf32, #tpu.memory_space<vmem>>, vector<16xf32>,
        %mul3A_866 = vector.broadcast %squeeze3A_848 : f32 to vector<16xf32>
        %mul3A_867 = arith.mulf %get3A_865, %mul3A_866 : vector<16xf32>
        %swap3A_868 = arith.index_cast %add3A_854 : i32 to index
        %swap3A_869 = arith.constant 16 : index
        %swap3A_870 = tpu.vector_load %arg11[%swap3A_868, %swap3A_869] {strides = array<i32>} : memref<128x128xf32, #tpu.memory_space<vmem>>, vector<16xf32>,
        tpu.vector_store %arg11[%swap3A_868, %swap3A_869], %mul3A_867 {strides = array<i32>} : memref<128x128xf32, #tpu.memory_space<vmem>>, vector<16xf32>,
        %get3A_871 = arith.index_cast %add3A_854 : i32 to index
        %get3A_872 = arith.constant 32 : index
        %get3A_873 = tpu.vector_load %arg11[%get3A_871, %get3A_872] {strides = array<i32>} : memref<128x128xf32, #tpu.memory_space<vmem>>, vector<16xf32>,
        %mul3A_874 = vector.broadcast %squeeze3A_848 : f32 to vector<16xf32>
        %mul3A_875 = arith.mulf %get3A_873, %mul3A_874 : vector<16xf32>
        %swap3A_876 = arith.index_cast %add3A_854 : i32 to index
        %swap3A_877 = arith.constant 32 : index
        %swap3A_878 = tpu.vector_load %arg11[%swap3A_876, %swap3A_877] {strides = array<i32>} : memref<128x128xf32, #tpu.memory_space<vmem>>, vector<16xf32>,
        tpu.vector_store %arg11[%swap3A_876, %swap3A_877], %mul3A_875 {strides = array<i32>} : memref<128x128xf32, #tpu.memory_space<vmem>>, vector<16xf32>,
        %get3A_879 = arith.index_cast %add3A_854 : i32 to index
        %get3A_880 = arith.constant 48 : index
        %get3A_881 = tpu.vector_load %arg11[%get3A_879, %get3A_880] {strides = array<i32>} : memref<128x128xf32, #tpu.memory_space<vmem>>, vector<16xf32>,
        %mul3A_882 = vector.broadcast %squeeze3A_848 : f32 to vector<16xf32>
        %mul3A_883 = arith.mulf %get3A_881, %mul3A_882 : vector<16xf32>
        %swap3A_884 = arith.index_cast %add3A_854 : i32 to index
        %swap3A_885 = arith.constant 48 : index
        %swap3A_886 = tpu.vector_load %arg11[%swap3A_884, %swap3A_885] {strides = array<i32>} : memref<128x128xf32, #tpu.memory_space<vmem>>, vector<16xf32>,
        tpu.vector_store %arg11[%swap3A_884, %swap3A_885], %mul3A_883 {strides = array<i32>} : memref<128x128xf32, #tpu.memory_space<vmem>>, vector<16xf32>,
        %get3A_887 = arith.index_cast %add3A_854 : i32 to index
        %get3A_888 = arith.constant 64 : index
        %get3A_889 = tpu.vector_load %arg11[%get3A_887, %get3A_888] {strides = array<i32>} : memref<128x128xf32, #tpu.memory_space<vmem>>, vector<16xf32>,
        %mul3A_890 = vector.broadcast %squeeze3A_850 : f32 to vector<16xf32>
        %mul3A_891 = arith.mulf %get3A_889, %mul3A_890 : vector<16xf32>
        %swap3A_892 = arith.index_cast %add3A_854 : i32 to index
        %swap3A_893 = arith.constant 64 : index
        %swap3A_894 = tpu.vector_load %arg11[%swap3A_892, %swap3A_893] {strides = array<i32>} : memref<128x128xf32, #tpu.memory_space<vmem>>, vector<16xf32>,
        tpu.vector_store %arg11[%swap3A_892, %swap3A_893], %mul3A_891 {strides = array<i32>} : memref<128x128xf32, #tpu.memory_space<vmem>>, vector<16xf32>,
        %get3A_895 = arith.index_cast %add3A_854 : i32 to index
        %get3A_896 = arith.constant 80 : index
        %get3A_897 = tpu.vector_load %arg11[%get3A_895, %get3A_896] {strides = array<i32>} : memref<128x128xf32, #tpu.memory_space<vmem>>, vector<16xf32>,
        %mul3A_898 = vector.broadcast %squeeze3A_850 : f32 to vector<16xf32>
        %mul3A_899 = arith.mulf %get3A_897, %mul3A_898 : vector<16xf32>
        %swap3A_900 = arith.index_cast %add3A_854 : i32 to index
        %swap3A_901 = arith.constant 80 : index
        %swap3A_902 = tpu.vector_load %arg11[%swap3A_900, %swap3A_901] {strides = array<i32>} : memref<128x128xf32, #tpu.memory_space<vmem>>, vector<16xf32>,
        tpu.vector_store %arg11[%swap3A_900, %swap3A_901], %mul3A_899 {strides = array<i32>} : memref<128x128xf32, #tpu.memory_space<vmem>>, vector<16xf32>,
        %get3A_903 = arith.index_cast %add3A_854 : i32 to index
        %get3A_904 = arith.constant 96 : index
        %get3A_905 = tpu.vector_load %arg11[%get3A_903, %get3A_904] {strides = array<i32>} : memref<128x128xf32, #tpu.memory_space<vmem>>, vector<16xf32>,
        %mul3A_906 = vector.broadcast %squeeze3A_850 : f32 to vector<16xf32>
        %mul3A_907 = arith.mulf %get3A_905, %mul3A_906 : vector<16xf32>
        %swap3A_908 = arith.index_cast %add3A_854 : i32 to index
        %swap3A_909 = arith.constant 96 : index
        %swap3A_910 = tpu.vector_load %arg11[%swap3A_908, %swap3A_909] {strides = array<i32>} : memref<128x128xf32, #tpu.memory_space<vmem>>, vector<16xf32>,
        tpu.vector_store %arg11[%swap3A_908, %swap3A_909], %mul3A_907 {strides = array<i32>} : memref<128x128xf32, #tpu.memory_space<vmem>>, vector<16xf32>,
        %get3A_911 = arith.index_cast %add3A_854 : i32 to index
        %get3A_912 = arith.constant 112 : index
        %get3A_913 = tpu.vector_load %arg11[%get3A_911, %get3A_912] {strides = array<i32>} : memref<128x128xf32, #tpu.memory_space<vmem>>, vector<16xf32>,
        %mul3A_914 = vector.broadcast %squeeze3A_850 : f32 to vector<16xf32>
        %mul3A_915 = arith.mulf %get3A_913, %mul3A_914 : vector<16xf32>
        %swap3A_916 = arith.index_cast %add3A_854 : i32 to index
        %swap3A_917 = arith.constant 112 : index
        %swap3A_918 = tpu.vector_load %arg11[%swap3A_916, %swap3A_917] {strides = array<i32>} : memref<128x128xf32, #tpu.memory_space<vmem>>, vector<16xf32>,
        tpu.vector_store %arg11[%swap3A_916, %swap3A_917], %mul3A_915 {strides = array<i32>} : memref<128x128xf32, #tpu.memory_space<vmem>>, vector<16xf32>,
        %slice3A_919 = vector.extract_strided_slice %get3A_53 {offsets = [12], sizes = [1], strides = [1]} : vector<16xf32> to vector<1xf32>
        %squeeze3A_920 = vector.extract %slice3A_919[0] : f32 from vector<1xf32>
        %slice3A_921 = vector.extract_strided_slice %get3A_57 {offsets = [12], sizes = [1], strides = [1]} : vector<16xf32> to vector<1xf32>
        %squeeze3A_922 = vector.extract %slice3A_921[0] : f32 from vector<1xf32>
        %mul3A_923 = arith.constant 16 : i32
        %mul3A_924 = arith.muli %scan3A_49, %mul3A_923 : i32
        %add3A_925 = arith.constant 12 : i32
        %add3A_926 = arith.addi %mul3A_924, %add3A_925 : i32
        %get3A_927 = arith.index_cast %add3A_926 : i32 to index
        %get3A_928 = arith.constant 0 : index
        %get3A_929 = tpu.vector_load %arg11[%get3A_927, %get3A_928] {strides = array<i32>} : memref<128x128xf32, #tpu.memory_space<vmem>>, vector<16xf32>,
        %mul3A_930 = vector.broadcast %squeeze3A_920 : f32 to vector<16xf32>
        %mul3A_931 = arith.mulf %get3A_929, %mul3A_930 : vector<16xf32>
        %swap3A_932 = arith.index_cast %add3A_926 : i32 to index
        %swap3A_933 = arith.constant 0 : index
        %swap3A_934 = tpu.vector_load %arg11[%swap3A_932, %swap3A_933] {strides = array<i32>} : memref<128x128xf32, #tpu.memory_space<vmem>>, vector<16xf32>,
        tpu.vector_store %arg11[%swap3A_932, %swap3A_933], %mul3A_931 {strides = array<i32>} : memref<128x128xf32, #tpu.memory_space<vmem>>, vector<16xf32>,
        %get3A_935 = arith.index_cast %add3A_926 : i32 to index
        %get3A_936 = arith.constant 16 : index
        %get3A_937 = tpu.vector_load %arg11[%get3A_935, %get3A_936] {strides = array<i32>} : memref<128x128xf32, #tpu.memory_space<vmem>>, vector<16xf32>,
        %mul3A_938 = vector.broadcast %squeeze3A_920 : f32 to vector<16xf32>
        %mul3A_939 = arith.mulf %get3A_937, %mul3A_938 : vector<16xf32>
        %swap3A_940 = arith.index_cast %add3A_926 : i32 to index
        %swap3A_941 = arith.constant 16 : index
        %swap3A_942 = tpu.vector_load %arg11[%swap3A_940, %swap3A_941] {strides = array<i32>} : memref<128x128xf32, #tpu.memory_space<vmem>>, vector<16xf32>,
        tpu.vector_store %arg11[%swap3A_940, %swap3A_941], %mul3A_939 {strides = array<i32>} : memref<128x128xf32, #tpu.memory_space<vmem>>, vector<16xf32>,
        %get3A_943 = arith.index_cast %add3A_926 : i32 to index
        %get3A_944 = arith.constant 32 : index
        %get3A_945 = tpu.vector_load %arg11[%get3A_943, %get3A_944] {strides = array<i32>} : memref<128x128xf32, #tpu.memory_space<vmem>>, vector<16xf32>,
        %mul3A_946 = vector.broadcast %squeeze3A_920 : f32 to vector<16xf32>
        %mul3A_947 = arith.mulf %get3A_945, %mul3A_946 : vector<16xf32>
        %swap3A_948 = arith.index_cast %add3A_926 : i32 to index
        %swap3A_949 = arith.constant 32 : index
        %swap3A_950 = tpu.vector_load %arg11[%swap3A_948, %swap3A_949] {strides = array<i32>} : memref<128x128xf32, #tpu.memory_space<vmem>>, vector<16xf32>,
        tpu.vector_store %arg11[%swap3A_948, %swap3A_949], %mul3A_947 {strides = array<i32>} : memref<128x128xf32, #tpu.memory_space<vmem>>, vector<16xf32>,
        %get3A_951 = arith.index_cast %add3A_926 : i32 to index
        %get3A_952 = arith.constant 48 : index
        %get3A_953 = tpu.vector_load %arg11[%get3A_951, %get3A_952] {strides = array<i32>} : memref<128x128xf32, #tpu.memory_space<vmem>>, vector<16xf32>,
        %mul3A_954 = vector.broadcast %squeeze3A_920 : f32 to vector<16xf32>
        %mul3A_955 = arith.mulf %get3A_953, %mul3A_954 : vector<16xf32>
        %swap3A_956 = arith.index_cast %add3A_926 : i32 to index
        %swap3A_957 = arith.constant 48 : index
        %swap3A_958 = tpu.vector_load %arg11[%swap3A_956, %swap3A_957] {strides = array<i32>} : memref<128x128xf32, #tpu.memory_space<vmem>>, vector<16xf32>,
        tpu.vector_store %arg11[%swap3A_956, %swap3A_957], %mul3A_955 {strides = array<i32>} : memref<128x128xf32, #tpu.memory_space<vmem>>, vector<16xf32>,
        %get3A_959 = arith.index_cast %add3A_926 : i32 to index
        %get3A_960 = arith.constant 64 : index
        %get3A_961 = tpu.vector_load %arg11[%get3A_959, %get3A_960] {strides = array<i32>} : memref<128x128xf32, #tpu.memory_space<vmem>>, vector<16xf32>,
        %mul3A_962 = vector.broadcast %squeeze3A_922 : f32 to vector<16xf32>
        %mul3A_963 = arith.mulf %get3A_961, %mul3A_962 : vector<16xf32>
        %swap3A_964 = arith.index_cast %add3A_926 : i32 to index
        %swap3A_965 = arith.constant 64 : index
        %swap3A_966 = tpu.vector_load %arg11[%swap3A_964, %swap3A_965] {strides = array<i32>} : memref<128x128xf32, #tpu.memory_space<vmem>>, vector<16xf32>,
        tpu.vector_store %arg11[%swap3A_964, %swap3A_965], %mul3A_963 {strides = array<i32>} : memref<128x128xf32, #tpu.memory_space<vmem>>, vector<16xf32>,
        %get3A_967 = arith.index_cast %add3A_926 : i32 to index
        %get3A_968 = arith.constant 80 : index
        %get3A_969 = tpu.vector_load %arg11[%get3A_967, %get3A_968] {strides = array<i32>} : memref<128x128xf32, #tpu.memory_space<vmem>>, vector<16xf32>,
        %mul3A_970 = vector.broadcast %squeeze3A_922 : f32 to vector<16xf32>
        %mul3A_971 = arith.mulf %get3A_969, %mul3A_970 : vector<16xf32>
        %swap3A_972 = arith.index_cast %add3A_926 : i32 to index
        %swap3A_973 = arith.constant 80 : index
        %swap3A_974 = tpu.vector_load %arg11[%swap3A_972, %swap3A_973] {strides = array<i32>} : memref<128x128xf32, #tpu.memory_space<vmem>>, vector<16xf32>,
        tpu.vector_store %arg11[%swap3A_972, %swap3A_973], %mul3A_971 {strides = array<i32>} : memref<128x128xf32, #tpu.memory_space<vmem>>, vector<16xf32>,
        %get3A_975 = arith.index_cast %add3A_926 : i32 to index
        %get3A_976 = arith.constant 96 : index
        %get3A_977 = tpu.vector_load %arg11[%get3A_975, %get3A_976] {strides = array<i32>} : memref<128x128xf32, #tpu.memory_space<vmem>>, vector<16xf32>,
        %mul3A_978 = vector.broadcast %squeeze3A_922 : f32 to vector<16xf32>
        %mul3A_979 = arith.mulf %get3A_977, %mul3A_978 : vector<16xf32>
        %swap3A_980 = arith.index_cast %add3A_926 : i32 to index
        %swap3A_981 = arith.constant 96 : index
        %swap3A_982 = tpu.vector_load %arg11[%swap3A_980, %swap3A_981] {strides = array<i32>} : memref<128x128xf32, #tpu.memory_space<vmem>>, vector<16xf32>,
        tpu.vector_store %arg11[%swap3A_980, %swap3A_981], %mul3A_979 {strides = array<i32>} : memref<128x128xf32, #tpu.memory_space<vmem>>, vector<16xf32>,
        %get3A_983 = arith.index_cast %add3A_926 : i32 to index
        %get3A_984 = arith.constant 112 : index
        %get3A_985 = tpu.vector_load %arg11[%get3A_983, %get3A_984] {strides = array<i32>} : memref<128x128xf32, #tpu.memory_space<vmem>>, vector<16xf32>,
        %mul3A_986 = vector.broadcast %squeeze3A_922 : f32 to vector<16xf32>
        %mul3A_987 = arith.mulf %get3A_985, %mul3A_986 : vector<16xf32>
        %swap3A_988 = arith.index_cast %add3A_926 : i32 to index
        %swap3A_989 = arith.constant 112 : index
        %swap3A_990 = tpu.vector_load %arg11[%swap3A_988, %swap3A_989] {strides = array<i32>} : memref<128x128xf32, #tpu.memory_space<vmem>>, vector<16xf32>,
        tpu.vector_store %arg11[%swap3A_988, %swap3A_989], %mul3A_987 {strides = array<i32>} : memref<128x128xf32, #tpu.memory_space<vmem>>, vector<16xf32>,
        %slice3A_991 = vector.extract_strided_slice %get3A_53 {offsets = [13], sizes = [1], strides = [1]} : vector<16xf32> to vector<1xf32>
        %squeeze3A_992 = vector.extract %slice3A_991[0] : f32 from vector<1xf32>
        %slice3A_993 = vector.extract_strided_slice %get3A_57 {offsets = [13], sizes = [1], strides = [1]} : vector<16xf32> to vector<1xf32>
        %squeeze3A_994 = vector.extract %slice3A_993[0] : f32 from vector<1xf32>
        %mul3A_995 = arith.constant 16 : i32
        %mul3A_996 = arith.muli %scan3A_49, %mul3A_995 : i32
        %add3A_997 = arith.constant 13 : i32
        %add3A_998 = arith.addi %mul3A_996, %add3A_997 : i32
        %get3A_999 = arith.index_cast %add3A_998 : i32 to index
        %get3A_1000 = arith.constant 0 : index
        %get3A_1001 = tpu.vector_load %arg11[%get3A_999, %get3A_1000] {strides = array<i32>} : memref<128x128xf32, #tpu.memory_space<vmem>>, vector<16xf32>,
        %mul3A_1002 = vector.broadcast %squeeze3A_992 : f32 to vector<16xf32>
        %mul3A_1003 = arith.mulf %get3A_1001, %mul3A_1002 : vector<16xf32>
        %swap3A_1004 = arith.index_cast %add3A_998 : i32 to index
        %swap3A_1005 = arith.constant 0 : index
        %swap3A_1006 = tpu.vector_load %arg11[%swap3A_1004, %swap3A_1005] {strides = array<i32>} : memref<128x128xf32, #tpu.memory_space<vmem>>, vector<16xf32>,
        tpu.vector_store %arg11[%swap3A_1004, %swap3A_1005], %mul3A_1003 {strides = array<i32>} : memref<128x128xf32, #tpu.memory_space<vmem>>, vector<16xf32>,
        %get3A_1007 = arith.index_cast %add3A_998 : i32 to index
        %get3A_1008 = arith.constant 16 : index
        %get3A_1009 = tpu.vector_load %arg11[%get3A_1007, %get3A_1008] {strides = array<i32>} : memref<128x128xf32, #tpu.memory_space<vmem>>, vector<16xf32>,
        %mul3A_1010 = vector.broadcast %squeeze3A_992 : f32 to vector<16xf32>
        %mul3A_1011 = arith.mulf %get3A_1009, %mul3A_1010 : vector<16xf32>
        %swap3A_1012 = arith.index_cast %add3A_998 : i32 to index
        %swap3A_1013 = arith.constant 16 : index
        %swap3A_1014 = tpu.vector_load %arg11[%swap3A_1012, %swap3A_1013] {strides = array<i32>} : memref<128x128xf32, #tpu.memory_space<vmem>>, vector<16xf32>,
        tpu.vector_store %arg11[%swap3A_1012, %swap3A_1013], %mul3A_1011 {strides = array<i32>} : memref<128x128xf32, #tpu.memory_space<vmem>>, vector<16xf32>,
        %get3A_1015 = arith.index_cast %add3A_998 : i32 to index
        %get3A_1016 = arith.constant 32 : index
        %get3A_1017 = tpu.vector_load %arg11[%get3A_1015, %get3A_1016] {strides = array<i32>} : memref<128x128xf32, #tpu.memory_space<vmem>>, vector<16xf32>,
        %mul3A_1018 = vector.broadcast %squeeze3A_992 : f32 to vector<16xf32>
        %mul3A_1019 = arith.mulf %get3A_1017, %mul3A_1018 : vector<16xf32>
        %swap3A_1020 = arith.index_cast %add3A_998 : i32 to index
        %swap3A_1021 = arith.constant 32 : index
        %swap3A_1022 = tpu.vector_load %arg11[%swap3A_1020, %swap3A_1021] {strides = array<i32>} : memref<128x128xf32, #tpu.memory_space<vmem>>, vector<16xf32>,
        tpu.vector_store %arg11[%swap3A_1020, %swap3A_1021], %mul3A_1019 {strides = array<i32>} : memref<128x128xf32, #tpu.memory_space<vmem>>, vector<16xf32>,
        %get3A_1023 = arith.index_cast %add3A_998 : i32 to index
        %get3A_1024 = arith.constant 48 : index
        %get3A_1025 = tpu.vector_load %arg11[%get3A_1023, %get3A_1024] {strides = array<i32>} : memref<128x128xf32, #tpu.memory_space<vmem>>, vector<16xf32>,
        %mul3A_1026 = vector.broadcast %squeeze3A_992 : f32 to vector<16xf32>
        %mul3A_1027 = arith.mulf %get3A_1025, %mul3A_1026 : vector<16xf32>
        %swap3A_1028 = arith.index_cast %add3A_998 : i32 to index
        %swap3A_1029 = arith.constant 48 : index
        %swap3A_1030 = tpu.vector_load %arg11[%swap3A_1028, %swap3A_1029] {strides = array<i32>} : memref<128x128xf32, #tpu.memory_space<vmem>>, vector<16xf32>,
        tpu.vector_store %arg11[%swap3A_1028, %swap3A_1029], %mul3A_1027 {strides = array<i32>} : memref<128x128xf32, #tpu.memory_space<vmem>>, vector<16xf32>,
        %get3A_1031 = arith.index_cast %add3A_998 : i32 to index
        %get3A_1032 = arith.constant 64 : index
        %get3A_1033 = tpu.vector_load %arg11[%get3A_1031, %get3A_1032] {strides = array<i32>} : memref<128x128xf32, #tpu.memory_space<vmem>>, vector<16xf32>,
        %mul3A_1034 = vector.broadcast %squeeze3A_994 : f32 to vector<16xf32>
        %mul3A_1035 = arith.mulf %get3A_1033, %mul3A_1034 : vector<16xf32>
        %swap3A_1036 = arith.index_cast %add3A_998 : i32 to index
        %swap3A_1037 = arith.constant 64 : index
        %swap3A_1038 = tpu.vector_load %arg11[%swap3A_1036, %swap3A_1037] {strides = array<i32>} : memref<128x128xf32, #tpu.memory_space<vmem>>, vector<16xf32>,
        tpu.vector_store %arg11[%swap3A_1036, %swap3A_1037], %mul3A_1035 {strides = array<i32>} : memref<128x128xf32, #tpu.memory_space<vmem>>, vector<16xf32>,
        %get3A_1039 = arith.index_cast %add3A_998 : i32 to index
        %get3A_1040 = arith.constant 80 : index
        %get3A_1041 = tpu.vector_load %arg11[%get3A_1039, %get3A_1040] {strides = array<i32>} : memref<128x128xf32, #tpu.memory_space<vmem>>, vector<16xf32>,
        %mul3A_1042 = vector.broadcast %squeeze3A_994 : f32 to vector<16xf32>
        %mul3A_1043 = arith.mulf %get3A_1041, %mul3A_1042 : vector<16xf32>
        %swap3A_1044 = arith.index_cast %add3A_998 : i32 to index
        %swap3A_1045 = arith.constant 80 : index
        %swap3A_1046 = tpu.vector_load %arg11[%swap3A_1044, %swap3A_1045] {strides = array<i32>} : memref<128x128xf32, #tpu.memory_space<vmem>>, vector<16xf32>,
        tpu.vector_store %arg11[%swap3A_1044, %swap3A_1045], %mul3A_1043 {strides = array<i32>} : memref<128x128xf32, #tpu.memory_space<vmem>>, vector<16xf32>,
        %get3A_1047 = arith.index_cast %add3A_998 : i32 to index
        %get3A_1048 = arith.constant 96 : index
        %get3A_1049 = tpu.vector_load %arg11[%get3A_1047, %get3A_1048] {strides = array<i32>} : memref<128x128xf32, #tpu.memory_space<vmem>>, vector<16xf32>,
        %mul3A_1050 = vector.broadcast %squeeze3A_994 : f32 to vector<16xf32>
        %mul3A_1051 = arith.mulf %get3A_1049, %mul3A_1050 : vector<16xf32>
        %swap3A_1052 = arith.index_cast %add3A_998 : i32 to index
        %swap3A_1053 = arith.constant 96 : index
        %swap3A_1054 = tpu.vector_load %arg11[%swap3A_1052, %swap3A_1053] {strides = array<i32>} : memref<128x128xf32, #tpu.memory_space<vmem>>, vector<16xf32>,
        tpu.vector_store %arg11[%swap3A_1052, %swap3A_1053], %mul3A_1051 {strides = array<i32>} : memref<128x128xf32, #tpu.memory_space<vmem>>, vector<16xf32>,
        %get3A_1055 = arith.index_cast %add3A_998 : i32 to index
        %get3A_1056 = arith.constant 112 : index
        %get3A_1057 = tpu.vector_load %arg11[%get3A_1055, %get3A_1056] {strides = array<i32>} : memref<128x128xf32, #tpu.memory_space<vmem>>, vector<16xf32>,
        %mul3A_1058 = vector.broadcast %squeeze3A_994 : f32 to vector<16xf32>
        %mul3A_1059 = arith.mulf %get3A_1057, %mul3A_1058 : vector<16xf32>
        %swap3A_1060 = arith.index_cast %add3A_998 : i32 to index
        %swap3A_1061 = arith.constant 112 : index
        %swap3A_1062 = tpu.vector_load %arg11[%swap3A_1060, %swap3A_1061] {strides = array<i32>} : memref<128x128xf32, #tpu.memory_space<vmem>>, vector<16xf32>,
        tpu.vector_store %arg11[%swap3A_1060, %swap3A_1061], %mul3A_1059 {strides = array<i32>} : memref<128x128xf32, #tpu.memory_space<vmem>>, vector<16xf32>,
        %slice3A_1063 = vector.extract_strided_slice %get3A_53 {offsets = [14], sizes = [1], strides = [1]} : vector<16xf32> to vector<1xf32>
        %squeeze3A_1064 = vector.extract %slice3A_1063[0] : f32 from vector<1xf32>
        %slice3A_1065 = vector.extract_strided_slice %get3A_57 {offsets = [14], sizes = [1], strides = [1]} : vector<16xf32> to vector<1xf32>
        %squeeze3A_1066 = vector.extract %slice3A_1065[0] : f32 from vector<1xf32>
        %mul3A_1067 = arith.constant 16 : i32
        %mul3A_1068 = arith.muli %scan3A_49, %mul3A_1067 : i32
        %add3A_1069 = arith.constant 14 : i32
        %add3A_1070 = arith.addi %mul3A_1068, %add3A_1069 : i32
        %get3A_1071 = arith.index_cast %add3A_1070 : i32 to index
        %get3A_1072 = arith.constant 0 : index
        %get3A_1073 = tpu.vector_load %arg11[%get3A_1071, %get3A_1072] {strides = array<i32>} : memref<128x128xf32, #tpu.memory_space<vmem>>, vector<16xf32>,
        %mul3A_1074 = vector.broadcast %squeeze3A_1064 : f32 to vector<16xf32>
        %mul3A_1075 = arith.mulf %get3A_1073, %mul3A_1074 : vector<16xf32>
        %swap3A_1076 = arith.index_cast %add3A_1070 : i32 to index
        %swap3A_1077 = arith.constant 0 : index
        %swap3A_1078 = tpu.vector_load %arg11[%swap3A_1076, %swap3A_1077] {strides = array<i32>} : memref<128x128xf32, #tpu.memory_space<vmem>>, vector<16xf32>,
        tpu.vector_store %arg11[%swap3A_1076, %swap3A_1077], %mul3A_1075 {strides = array<i32>} : memref<128x128xf32, #tpu.memory_space<vmem>>, vector<16xf32>,
        %get3A_1079 = arith.index_cast %add3A_1070 : i32 to index
        %get3A_1080 = arith.constant 16 : index
        %get3A_1081 = tpu.vector_load %arg11[%get3A_1079, %get3A_1080] {strides = array<i32>} : memref<128x128xf32, #tpu.memory_space<vmem>>, vector<16xf32>,
        %mul3A_1082 = vector.broadcast %squeeze3A_1064 : f32 to vector<16xf32>
        %mul3A_1083 = arith.mulf %get3A_1081, %mul3A_1082 : vector<16xf32>
        %swap3A_1084 = arith.index_cast %add3A_1070 : i32 to index
        %swap3A_1085 = arith.constant 16 : index
        %swap3A_1086 = tpu.vector_load %arg11[%swap3A_1084, %swap3A_1085] {strides = array<i32>} : memref<128x128xf32, #tpu.memory_space<vmem>>, vector<16xf32>,
        tpu.vector_store %arg11[%swap3A_1084, %swap3A_1085], %mul3A_1083 {strides = array<i32>} : memref<128x128xf32, #tpu.memory_space<vmem>>, vector<16xf32>,
        %get3A_1087 = arith.index_cast %add3A_1070 : i32 to index
        %get3A_1088 = arith.constant 32 : index
        %get3A_1089 = tpu.vector_load %arg11[%get3A_1087, %get3A_1088] {strides = array<i32>} : memref<128x128xf32, #tpu.memory_space<vmem>>, vector<16xf32>,
        %mul3A_1090 = vector.broadcast %squeeze3A_1064 : f32 to vector<16xf32>
        %mul3A_1091 = arith.mulf %get3A_1089, %mul3A_1090 : vector<16xf32>
        %swap3A_1092 = arith.index_cast %add3A_1070 : i32 to index
        %swap3A_1093 = arith.constant 32 : index
        %swap3A_1094 = tpu.vector_load %arg11[%swap3A_1092, %swap3A_1093] {strides = array<i32>} : memref<128x128xf32, #tpu.memory_space<vmem>>, vector<16xf32>,
        tpu.vector_store %arg11[%swap3A_1092, %swap3A_1093], %mul3A_1091 {strides = array<i32>} : memref<128x128xf32, #tpu.memory_space<vmem>>, vector<16xf32>,
        %get3A_1095 = arith.index_cast %add3A_1070 : i32 to index
        %get3A_1096 = arith.constant 48 : index
        %get3A_1097 = tpu.vector_load %arg11[%get3A_1095, %get3A_1096] {strides = array<i32>} : memref<128x128xf32, #tpu.memory_space<vmem>>, vector<16xf32>,
        %mul3A_1098 = vector.broadcast %squeeze3A_1064 : f32 to vector<16xf32>
        %mul3A_1099 = arith.mulf %get3A_1097, %mul3A_1098 : vector<16xf32>
        %swap3A_1100 = arith.index_cast %add3A_1070 : i32 to index
        %swap3A_1101 = arith.constant 48 : index
        %swap3A_1102 = tpu.vector_load %arg11[%swap3A_1100, %swap3A_1101] {strides = array<i32>} : memref<128x128xf32, #tpu.memory_space<vmem>>, vector<16xf32>,
        tpu.vector_store %arg11[%swap3A_1100, %swap3A_1101], %mul3A_1099 {strides = array<i32>} : memref<128x128xf32, #tpu.memory_space<vmem>>, vector<16xf32>,
        %get3A_1103 = arith.index_cast %add3A_1070 : i32 to index
        %get3A_1104 = arith.constant 64 : index
        %get3A_1105 = tpu.vector_load %arg11[%get3A_1103, %get3A_1104] {strides = array<i32>} : memref<128x128xf32, #tpu.memory_space<vmem>>, vector<16xf32>,
        %mul3A_1106 = vector.broadcast %squeeze3A_1066 : f32 to vector<16xf32>
        %mul3A_1107 = arith.mulf %get3A_1105, %mul3A_1106 : vector<16xf32>
        %swap3A_1108 = arith.index_cast %add3A_1070 : i32 to index
        %swap3A_1109 = arith.constant 64 : index
        %swap3A_1110 = tpu.vector_load %arg11[%swap3A_1108, %swap3A_1109] {strides = array<i32>} : memref<128x128xf32, #tpu.memory_space<vmem>>, vector<16xf32>,
        tpu.vector_store %arg11[%swap3A_1108, %swap3A_1109], %mul3A_1107 {strides = array<i32>} : memref<128x128xf32, #tpu.memory_space<vmem>>, vector<16xf32>,
        %get3A_1111 = arith.index_cast %add3A_1070 : i32 to index
        %get3A_1112 = arith.constant 80 : index
        %get3A_1113 = tpu.vector_load %arg11[%get3A_1111, %get3A_1112] {strides = array<i32>} : memref<128x128xf32, #tpu.memory_space<vmem>>, vector<16xf32>,
        %mul3A_1114 = vector.broadcast %squeeze3A_1066 : f32 to vector<16xf32>
        %mul3A_1115 = arith.mulf %get3A_1113, %mul3A_1114 : vector<16xf32>
        %swap3A_1116 = arith.index_cast %add3A_1070 : i32 to index
        %swap3A_1117 = arith.constant 80 : index
        %swap3A_1118 = tpu.vector_load %arg11[%swap3A_1116, %swap3A_1117] {strides = array<i32>} : memref<128x128xf32, #tpu.memory_space<vmem>>, vector<16xf32>,
        tpu.vector_store %arg11[%swap3A_1116, %swap3A_1117], %mul3A_1115 {strides = array<i32>} : memref<128x128xf32, #tpu.memory_space<vmem>>, vector<16xf32>,
        %get3A_1119 = arith.index_cast %add3A_1070 : i32 to index
        %get3A_1120 = arith.constant 96 : index
        %get3A_1121 = tpu.vector_load %arg11[%get3A_1119, %get3A_1120] {strides = array<i32>} : memref<128x128xf32, #tpu.memory_space<vmem>>, vector<16xf32>,
        %mul3A_1122 = vector.broadcast %squeeze3A_1066 : f32 to vector<16xf32>
        %mul3A_1123 = arith.mulf %get3A_1121, %mul3A_1122 : vector<16xf32>
        %swap3A_1124 = arith.index_cast %add3A_1070 : i32 to index
        %swap3A_1125 = arith.constant 96 : index
        %swap3A_1126 = tpu.vector_load %arg11[%swap3A_1124, %swap3A_1125] {strides = array<i32>} : memref<128x128xf32, #tpu.memory_space<vmem>>, vector<16xf32>,
        tpu.vector_store %arg11[%swap3A_1124, %swap3A_1125], %mul3A_1123 {strides = array<i32>} : memref<128x128xf32, #tpu.memory_space<vmem>>, vector<16xf32>,
        %get3A_1127 = arith.index_cast %add3A_1070 : i32 to index
        %get3A_1128 = arith.constant 112 : index
        %get3A_1129 = tpu.vector_load %arg11[%get3A_1127, %get3A_1128] {strides = array<i32>} : memref<128x128xf32, #tpu.memory_space<vmem>>, vector<16xf32>,
        %mul3A_1130 = vector.broadcast %squeeze3A_1066 : f32 to vector<16xf32>
        %mul3A_1131 = arith.mulf %get3A_1129, %mul3A_1130 : vector<16xf32>
        %swap3A_1132 = arith.index_cast %add3A_1070 : i32 to index
        %swap3A_1133 = arith.constant 112 : index
        %swap3A_1134 = tpu.vector_load %arg11[%swap3A_1132, %swap3A_1133] {strides = array<i32>} : memref<128x128xf32, #tpu.memory_space<vmem>>, vector<16xf32>,
        tpu.vector_store %arg11[%swap3A_1132, %swap3A_1133], %mul3A_1131 {strides = array<i32>} : memref<128x128xf32, #tpu.memory_space<vmem>>, vector<16xf32>,
        %slice3A_1135 = vector.extract_strided_slice %get3A_53 {offsets = [15], sizes = [1], strides = [1]} : vector<16xf32> to vector<1xf32>
        %squeeze3A_1136 = vector.extract %slice3A_1135[0] : f32 from vector<1xf32>
        %slice3A_1137 = vector.extract_strided_slice %get3A_57 {offsets = [15], sizes = [1], strides = [1]} : vector<16xf32> to vector<1xf32>
        %squeeze3A_1138 = vector.extract %slice3A_1137[0] : f32 from vector<1xf32>
        %mul3A_1139 = arith.constant 16 : i32
        %mul3A_1140 = arith.muli %scan3A_49, %mul3A_1139 : i32
        %add3A_1141 = arith.constant 15 : i32
        %add3A_1142 = arith.addi %mul3A_1140, %add3A_1141 : i32
        %get3A_1143 = arith.index_cast %add3A_1142 : i32 to index
        %get3A_1144 = arith.constant 0 : index
        %get3A_1145 = tpu.vector_load %arg11[%get3A_1143, %get3A_1144] {strides = array<i32>} : memref<128x128xf32, #tpu.memory_space<vmem>>, vector<16xf32>,
        %mul3A_1146 = vector.broadcast %squeeze3A_1136 : f32 to vector<16xf32>
        %mul3A_1147 = arith.mulf %get3A_1145, %mul3A_1146 : vector<16xf32>
        %swap3A_1148 = arith.index_cast %add3A_1142 : i32 to index
        %swap3A_1149 = arith.constant 0 : index
        %swap3A_1150 = tpu.vector_load %arg11[%swap3A_1148, %swap3A_1149] {strides = array<i32>} : memref<128x128xf32, #tpu.memory_space<vmem>>, vector<16xf32>,
        tpu.vector_store %arg11[%swap3A_1148, %swap3A_1149], %mul3A_1147 {strides = array<i32>} : memref<128x128xf32, #tpu.memory_space<vmem>>, vector<16xf32>,
        %get3A_1151 = arith.index_cast %add3A_1142 : i32 to index
        %get3A_1152 = arith.constant 16 : index
        %get3A_1153 = tpu.vector_load %arg11[%get3A_1151, %get3A_1152] {strides = array<i32>} : memref<128x128xf32, #tpu.memory_space<vmem>>, vector<16xf32>,
        %mul3A_1154 = vector.broadcast %squeeze3A_1136 : f32 to vector<16xf32>
        %mul3A_1155 = arith.mulf %get3A_1153, %mul3A_1154 : vector<16xf32>
        %swap3A_1156 = arith.index_cast %add3A_1142 : i32 to index
        %swap3A_1157 = arith.constant 16 : index
        %swap3A_1158 = tpu.vector_load %arg11[%swap3A_1156, %swap3A_1157] {strides = array<i32>} : memref<128x128xf32, #tpu.memory_space<vmem>>, vector<16xf32>,
        tpu.vector_store %arg11[%swap3A_1156, %swap3A_1157], %mul3A_1155 {strides = array<i32>} : memref<128x128xf32, #tpu.memory_space<vmem>>, vector<16xf32>,
        %get3A_1159 = arith.index_cast %add3A_1142 : i32 to index
        %get3A_1160 = arith.constant 32 : index
        %get3A_1161 = tpu.vector_load %arg11[%get3A_1159, %get3A_1160] {strides = array<i32>} : memref<128x128xf32, #tpu.memory_space<vmem>>, vector<16xf32>,
        %mul3A_1162 = vector.broadcast %squeeze3A_1136 : f32 to vector<16xf32>
        %mul3A_1163 = arith.mulf %get3A_1161, %mul3A_1162 : vector<16xf32>
        %swap3A_1164 = arith.index_cast %add3A_1142 : i32 to index
        %swap3A_1165 = arith.constant 32 : index
        %swap3A_1166 = tpu.vector_load %arg11[%swap3A_1164, %swap3A_1165] {strides = array<i32>} : memref<128x128xf32, #tpu.memory_space<vmem>>, vector<16xf32>,
        tpu.vector_store %arg11[%swap3A_1164, %swap3A_1165], %mul3A_1163 {strides = array<i32>} : memref<128x128xf32, #tpu.memory_space<vmem>>, vector<16xf32>,
        %get3A_1167 = arith.index_cast %add3A_1142 : i32 to index
        %get3A_1168 = arith.constant 48 : index
        %get3A_1169 = tpu.vector_load %arg11[%get3A_1167, %get3A_1168] {strides = array<i32>} : memref<128x128xf32, #tpu.memory_space<vmem>>, vector<16xf32>,
        %mul3A_1170 = vector.broadcast %squeeze3A_1136 : f32 to vector<16xf32>
        %mul3A_1171 = arith.mulf %get3A_1169, %mul3A_1170 : vector<16xf32>
        %swap3A_1172 = arith.index_cast %add3A_1142 : i32 to index
        %swap3A_1173 = arith.constant 48 : index
        %swap3A_1174 = tpu.vector_load %arg11[%swap3A_1172, %swap3A_1173] {strides = array<i32>} : memref<128x128xf32, #tpu.memory_space<vmem>>, vector<16xf32>,
        tpu.vector_store %arg11[%swap3A_1172, %swap3A_1173], %mul3A_1171 {strides = array<i32>} : memref<128x128xf32, #tpu.memory_space<vmem>>, vector<16xf32>,
        %get3A_1175 = arith.index_cast %add3A_1142 : i32 to index
        %get3A_1176 = arith.constant 64 : index
        %get3A_1177 = tpu.vector_load %arg11[%get3A_1175, %get3A_1176] {strides = array<i32>} : memref<128x128xf32, #tpu.memory_space<vmem>>, vector<16xf32>,
        %mul3A_1178 = vector.broadcast %squeeze3A_1138 : f32 to vector<16xf32>
        %mul3A_1179 = arith.mulf %get3A_1177, %mul3A_1178 : vector<16xf32>
        %swap3A_1180 = arith.index_cast %add3A_1142 : i32 to index
        %swap3A_1181 = arith.constant 64 : index
        %swap3A_1182 = tpu.vector_load %arg11[%swap3A_1180, %swap3A_1181] {strides = array<i32>} : memref<128x128xf32, #tpu.memory_space<vmem>>, vector<16xf32>,
        tpu.vector_store %arg11[%swap3A_1180, %swap3A_1181], %mul3A_1179 {strides = array<i32>} : memref<128x128xf32, #tpu.memory_space<vmem>>, vector<16xf32>,
        %get3A_1183 = arith.index_cast %add3A_1142 : i32 to index
        %get3A_1184 = arith.constant 80 : index
        %get3A_1185 = tpu.vector_load %arg11[%get3A_1183, %get3A_1184] {strides = array<i32>} : memref<128x128xf32, #tpu.memory_space<vmem>>, vector<16xf32>,
        %mul3A_1186 = vector.broadcast %squeeze3A_1138 : f32 to vector<16xf32>
        %mul3A_1187 = arith.mulf %get3A_1185, %mul3A_1186 : vector<16xf32>
        %swap3A_1188 = arith.index_cast %add3A_1142 : i32 to index
        %swap3A_1189 = arith.constant 80 : index
        %swap3A_1190 = tpu.vector_load %arg11[%swap3A_1188, %swap3A_1189] {strides = array<i32>} : memref<128x128xf32, #tpu.memory_space<vmem>>, vector<16xf32>,
        tpu.vector_store %arg11[%swap3A_1188, %swap3A_1189], %mul3A_1187 {strides = array<i32>} : memref<128x128xf32, #tpu.memory_space<vmem>>, vector<16xf32>,
        %get3A_1191 = arith.index_cast %add3A_1142 : i32 to index
        %get3A_1192 = arith.constant 96 : index
        %get3A_1193 = tpu.vector_load %arg11[%get3A_1191, %get3A_1192] {strides = array<i32>} : memref<128x128xf32, #tpu.memory_space<vmem>>, vector<16xf32>,
        %mul3A_1194 = vector.broadcast %squeeze3A_1138 : f32 to vector<16xf32>
        %mul3A_1195 = arith.mulf %get3A_1193, %mul3A_1194 : vector<16xf32>
        %swap3A_1196 = arith.index_cast %add3A_1142 : i32 to index
        %swap3A_1197 = arith.constant 96 : index
        %swap3A_1198 = tpu.vector_load %arg11[%swap3A_1196, %swap3A_1197] {strides = array<i32>} : memref<128x128xf32, #tpu.memory_space<vmem>>, vector<16xf32>,
        tpu.vector_store %arg11[%swap3A_1196, %swap3A_1197], %mul3A_1195 {strides = array<i32>} : memref<128x128xf32, #tpu.memory_space<vmem>>, vector<16xf32>,
        %get3A_1199 = arith.index_cast %add3A_1142 : i32 to index
        %get3A_1200 = arith.constant 112 : index
        %get3A_1201 = tpu.vector_load %arg11[%get3A_1199, %get3A_1200] {strides = array<i32>} : memref<128x128xf32, #tpu.memory_space<vmem>>, vector<16xf32>,
        %mul3A_1202 = vector.broadcast %squeeze3A_1138 : f32 to vector<16xf32>
        %mul3A_1203 = arith.mulf %get3A_1201, %mul3A_1202 : vector<16xf32>
        %swap3A_1204 = arith.index_cast %add3A_1142 : i32 to index
        %swap3A_1205 = arith.constant 112 : index
        %swap3A_1206 = tpu.vector_load %arg11[%swap3A_1204, %swap3A_1205] {strides = array<i32>} : memref<128x128xf32, #tpu.memory_space<vmem>>, vector<16xf32>,
        tpu.vector_store %arg11[%swap3A_1204, %swap3A_1205], %mul3A_1203 {strides = array<i32>} : memref<128x128xf32, #tpu.memory_space<vmem>>, vector<16xf32>,
        %scan3A_1207 = arith.constant 0 : i32
        scf.yield %scan3A_1207 : i32
      }
      %scan3A_47 = arith.constant 8 : i32
      "tpu.region"() ({
        %run_scoped3A = tpu.sem_alloc : memref<!tpu.dma_semaphore, #tpu.memory_space<semaphore_mem>>
        %dma_start3A_49 = arith.constant 0 : i32
        %dma_start3A_50 = arith.constant 0 : i32
        %dma_start3A_51 = tpu.memref_slice %arg14[%dma_start3A_49, %dma_start3A_50] : memref<10240x128xf32, #tpu.memory_space<vmem_shared>> -> memref<10240x128xf32, #tpu.memory_space<vmem_shared>>
        tpu.enqueue_indirect_dma source(%arg11 : memref<128x128xf32, #tpu.memory_space<vmem>>) target(%dma_start3A_51 : memref<10240x128xf32, #tpu.memory_space<vmem_shared>>) offsets(%arg9 : memref<128xi32, #tpu.memory_space<vmem>>) semaphore(%run_scoped3A : memref<!tpu.dma_semaphore, #tpu.memory_space<semaphore_mem>>) {add = true}
        %dma_wait3A_52 = arith.constant 0 : i32
        %dma_wait3A_53 = arith.constant 0 : i32
        %dma_wait3A_54 = tpu.memref_slice %arg14[%dma_wait3A_52, %dma_wait3A_53] : memref<10240x128xf32, #tpu.memory_space<vmem_shared>> -> memref<10240x128xf32, #tpu.memory_space<vmem_shared>>
        tpu.wait_indirect_dma semaphore(%run_scoped3A : memref<!tpu.dma_semaphore, #tpu.memory_space<semaphore_mem>>) src(%arg11 : memref<128x128xf32, #tpu.memory_space<vmem>>) dst(%dma_wait3A_54 : memref<10240x128xf32, #tpu.memory_space<vmem_shared>>)
        tpu.yield
      }) : () -> ()
      %scan3A_48 = arith.constant 0 : i32
      scf.yield %scan3A_48 : i32
    }
    %scan3A_21 = arith.constant 79 : i32
    %barrier3A_22 = arith.constant 0 : index
    tpu.barrier barrier_id(%barrier3A_22)
    %scan3A_23 = arith.constant 0 : i32
    %scan3A_24 = arith.constant 0 : i32
    %scan3A_25 = arith.constant 5 : i32
    %scan3A_26 = arith.addi %scan3A_24, %scan3A_25 : i32
    %scan3A_27 = arith.constant 1 : i32
    %scan3A_28 = scf.for %scan3A_30 = %scan3A_24 to %scan3A_26 step %scan3A_27 iter_args(%scan3A_31 = %scan3A_23) -> (i32)  : i32 {
      %mul3A_32 = arith.constant 16 : i32
      %mul3A_33 = arith.muli %scan3A_30, %mul3A_32 : i32
      %add3A_34 = arith.addi %mul3A_33, %arg1 : i32
      %mul3A_35 = arith.constant 10240 : i32
      %mul3A_36 = arith.muli %arg0, %mul3A_35 : i32
      %mul3A_37 = arith.constant 128 : i32
      %mul3A_38 = arith.muli %add3A_34, %mul3A_37 : i32
      %add3A_39 = arith.addi %mul3A_36, %mul3A_38 : i32
      %scan3A_40 = arith.constant 0 : i32
      %scan3A_41 = arith.constant 0 : i32
      %scan3A_42 = arith.constant 8 : i32
      %scan3A_43 = arith.addi %scan3A_41, %scan3A_42 : i32
      %scan3A_44 = arith.constant 1 : i32
      %scan3A_45 = scf.for %scan3A_52 = %scan3A_41 to %scan3A_43 step %scan3A_44 iter_args(%scan3A_53 = %scan3A_40) -> (i32)  : i32 {
        %mul3A_54 = arith.constant 128 : i32
        %mul3A_55 = arith.muli %add3A_34, %mul3A_54 : i32
        %mul3A_56 = arith.constant 16 : i32
        %mul3A_57 = arith.muli %scan3A_52, %mul3A_56 : i32
        %add3A_58 = arith.addi %mul3A_55, %mul3A_57 : i32
        %add3A_59 = vector.broadcast %add3A_58 : i32 to vector<16xi32>
        %add3A_60 = arith.addi %add3A_59, %iota3A : vector<16xi32>
        %mul3A_61 = arith.constant 16 : i32
        %mul3A_62 = arith.muli %scan3A_52, %mul3A_61 : i32
        %swap3A = arith.index_cast %mul3A_62 : i32 to index
        %swap3A_63 = tpu.vector_load %arg10[%swap3A] {strides = array<i32>} : memref<128xi32, #tpu.memory_space<vmem>>, vector<16xi32>,
        tpu.vector_store %arg10[%swap3A], %add3A_60 {strides = array<i32>} : memref<128xi32, #tpu.memory_space<vmem>>, vector<16xi32>,
        %scan3A_64 = arith.constant 0 : i32
        scf.yield %scan3A_64 : i32
      }
      %scan3A_46 = arith.constant 8 : i32
      %dma_start3A = arith.constant 0 : i32
      %dma_start3A_47 = arith.constant 0 : i32
      %dma_start3A_48 = tpu.memref_slice %arg14[%dma_start3A, %dma_start3A_47] : memref<10240x128xf32, #tpu.memory_space<vmem_shared>> -> memref<10240x128xf32, #tpu.memory_space<vmem_shared>>
      tpu.enqueue_indirect_dma source(%dma_start3A_48 : memref<10240x128xf32, #tpu.memory_space<vmem_shared>>) target(%arg11 : memref<128x128xf32, #tpu.memory_space<vmem>>) offsets(%arg10 : memref<128xi32, #tpu.memory_space<vmem>>) semaphore(%arg15 : memref<!tpu.dma_semaphore, #tpu.memory_space<semaphore_mem>>)
      %dma_wait3A = arith.constant 0 : i32
      %dma_wait3A_49 = arith.constant 0 : i32
      %dma_wait3A_50 = tpu.memref_slice %arg14[%dma_wait3A, %dma_wait3A_49] : memref<10240x128xf32, #tpu.memory_space<vmem_shared>> -> memref<10240x128xf32, #tpu.memory_space<vmem_shared>>
      tpu.wait_indirect_dma semaphore(%arg15 : memref<!tpu.dma_semaphore, #tpu.memory_space<semaphore_mem>>) src(%dma_wait3A_50 : memref<10240x128xf32, #tpu.memory_space<vmem_shared>>) dst(%arg11 : memref<128x128xf32, #tpu.memory_space<vmem>>)
      "tpu.region"() ({
        %run_scoped3A = tpu.sem_alloc : memref<!tpu.dma_semaphore, #tpu.memory_space<semaphore_mem>>
        %dma_start3A_52 = arith.constant 0 : i32
        %dma_start3A_53 = tpu.memref_slice %arg7[%add3A_39, %dma_start3A_52] : memref<20480x128xf32, #tpu.memory_space<hbm>> -> memref<128x128xf32, #tpu.memory_space<hbm>>
        %dma_start3A_54 = arith.constant 0 : i32
        %dma_start3A_55 = tpu.memref_slice %arg7[%add3A_39, %dma_start3A_54] : memref<20480x128xf32, #tpu.memory_space<hbm>> -> memref<128x128xf32, #tpu.memory_space<hbm>>
        tpu.enqueue_dma source(%arg11 : memref<128x128xf32, #tpu.memory_space<vmem>>) target(%dma_start3A_55 : memref<128x128xf32, #tpu.memory_space<hbm>>) target_semaphore(%run_scoped3A : memref<!tpu.dma_semaphore, #tpu.memory_space<semaphore_mem>>)
        %dma_wait3A_56 = arith.constant 0 : i32
        %dma_wait3A_57 = tpu.memref_slice %arg7[%add3A_39, %dma_wait3A_56] : memref<20480x128xf32, #tpu.memory_space<hbm>> -> memref<128x128xf32, #tpu.memory_space<hbm>>
        %dma_wait3A_58 = arith.constant 0 : i32
        %dma_wait3A_59 = tpu.memref_slice %arg7[%add3A_39, %dma_wait3A_58] : memref<20480x128xf32, #tpu.memory_space<hbm>> -> memref<128x128xf32, #tpu.memory_space<hbm>>
        tpu.wait_dma2 semaphore(%run_scoped3A : memref<!tpu.dma_semaphore, #tpu.memory_space<semaphore_mem>>) src(%arg11 : memref<128x128xf32, #tpu.memory_space<vmem>>) dst(%dma_wait3A_59 : memref<128x128xf32, #tpu.memory_space<hbm>>)
        tpu.yield
      }) : () -> ()
      %scan3A_51 = arith.constant 0 : i32
      scf.yield %scan3A_51 : i32
    }
    %scan3A_29 = arith.constant 5 : i32
    return
  }
}

module attributes {stable_mosaic.version = 14 : i64} {
  func.func @_k1_body(%arg0: i32, %arg1: memref<1000x128xf32, #tpu.memory_space<vmem>>, %arg2: memref<128x128xf32, #tpu.memory_space<vmem>>, %arg3: memref<1x128xf32, #tpu.memory_space<vmem>>, %arg4: memref<1x128xf32, #tpu.memory_space<vmem>>, %arg5: memref<1000x128xf32, #tpu.memory_space<vmem>>, %arg6: memref<1000x8xf32, #tpu.memory_space<vmem>>) attributes {dimension_semantics = [#tpu.dimension_semantics<arbitrary>], iteration_bounds = array<i64: 10>, scalar_prefetch = 0 : i64, scratch_operands = 0 : i64, tpu.core_type = #tpu.core_type<tc>, window_params = [{transform_indices = @transform_0, window_bounds = array<i64: 1000, 128>}, {pipeline_mode = #tpu.pipeline_mode<synchronous>, transform_indices = @transform_1, window_bounds = array<i64: 128, 128>}, {pipeline_mode = #tpu.pipeline_mode<synchronous>, transform_indices = @transform_2, window_bounds = array<i64: 1, 128>}, {pipeline_mode = #tpu.pipeline_mode<synchronous>, transform_indices = @transform_3, window_bounds = array<i64: 1, 128>}, {transform_indices = @transform_4, window_bounds = array<i64: 1000, 128>}, {transform_indices = @transform_5, window_bounds = array<i64: 1000, 8>}]} {
    %get3A = arith.constant 0 : index
    %get3A_0 = arith.constant 0 : index
    %get3A_1 = vector.load %arg1[%get3A, %get3A_0] : memref<1000x128xf32, #tpu.memory_space<vmem>>, vector<1000x128xf32>
    %get3A_2 = arith.constant 0 : index
    %get3A_3 = arith.constant 0 : index
    %get3A_4 = vector.load %arg2[%get3A_2, %get3A_3] : memref<128x128xf32, #tpu.memory_space<vmem>>, vector<128x128xf32>
    %dot_general3A = arith.constant dense<0.000000e+00> : vector<1000x128xf32>
    %dot_general3A_5 = tpu.matmul %get3A_1, %get3A_4, %dot_general3A {dimension_numbers = #tpu.dot_dimension_numbers<[1], [0], [0], [1], [0, 0, 1, 1], [], []>, transpose_lhs_hint = false} : vector<1000x128xf32>, vector<128x128xf32>, vector<1000x128xf32> -> vector<1000x128xf32>
    %swap3A = arith.constant 0 : index
    %swap3A_6 = arith.constant 0 : index
    %swap3A_7 = vector.load %arg5[%swap3A, %swap3A_6] : memref<1000x128xf32, #tpu.memory_space<vmem>>, vector<1000x128xf32>
    tpu.vector_store %arg5[%swap3A, %swap3A_6], %dot_general3A_5 {strides = array<i32>} : memref<1000x128xf32, #tpu.memory_space<vmem>>, vector<1000x128xf32>,
    %get3A_8 = arith.constant 0 : index
    %get3A_9 = arith.constant 0 : index
    %get3A_10 = vector.load %arg3[%get3A_8, %get3A_9] : memref<1x128xf32, #tpu.memory_space<vmem>>, vector<1x128xf32>
    %mul3A = vector.broadcast %get3A_10 : vector<1x128xf32> to vector<1000x128xf32>
    %mul3A_11 = arith.mulf %dot_general3A_5, %mul3A : vector<1000x128xf32>
    %get3A_12 = arith.constant 0 : index
    %get3A_13 = arith.constant 0 : index
    %get3A_14 = vector.load %arg4[%get3A_12, %get3A_13] : memref<1x128xf32, #tpu.memory_space<vmem>>, vector<1x128xf32>
    %mul3A_15 = vector.broadcast %get3A_14 : vector<1x128xf32> to vector<1000x128xf32>
    %mul3A_16 = arith.mulf %dot_general3A_5, %mul3A_15 : vector<1000x128xf32>
    %slice3A = vector.extract_strided_slice %mul3A_11 {offsets = [0, 0], sizes = [1000, 64], strides = [1, 1]} : vector<1000x128xf32> to vector<1000x64xf32>
    %reduce_sum3A = arith.constant dense<0.000000e+00> : vector<1000xf32>
    %reduce_sum3A_17 = vector.multi_reduction <add>, %slice3A, %reduce_sum3A [1] : vector<1000x64xf32> to vector<1000xf32>
    %broadcast_in_dim3A = vector.shape_cast %reduce_sum3A_17 : vector<1000xf32> to vector<1000x1xf32>
    %slice3A_18 = vector.extract_strided_slice %mul3A_11 {offsets = [0, 64], sizes = [1000, 64], strides = [1, 1]} : vector<1000x128xf32> to vector<1000x64xf32>
    %reduce_sum3A_19 = arith.constant dense<0.000000e+00> : vector<1000xf32>
    %reduce_sum3A_20 = vector.multi_reduction <add>, %slice3A_18, %reduce_sum3A_19 [1] : vector<1000x64xf32> to vector<1000xf32>
    %broadcast_in_dim3A_21 = vector.shape_cast %reduce_sum3A_20 : vector<1000xf32> to vector<1000x1xf32>
    %slice3A_22 = vector.extract_strided_slice %mul3A_16 {offsets = [0, 0], sizes = [1000, 64], strides = [1, 1]} : vector<1000x128xf32> to vector<1000x64xf32>
    %reduce_sum3A_23 = arith.constant dense<0.000000e+00> : vector<1000xf32>
    %reduce_sum3A_24 = vector.multi_reduction <add>, %slice3A_22, %reduce_sum3A_23 [1] : vector<1000x64xf32> to vector<1000xf32>
    %broadcast_in_dim3A_25 = vector.shape_cast %reduce_sum3A_24 : vector<1000xf32> to vector<1000x1xf32>
    %slice3A_26 = vector.extract_strided_slice %mul3A_16 {offsets = [0, 64], sizes = [1000, 64], strides = [1, 1]} : vector<1000x128xf32> to vector<1000x64xf32>
    %reduce_sum3A_27 = arith.constant dense<0.000000e+00> : vector<1000xf32>
    %reduce_sum3A_28 = vector.multi_reduction <add>, %slice3A_26, %reduce_sum3A_27 [1] : vector<1000x64xf32> to vector<1000xf32>
    %broadcast_in_dim3A_29 = vector.shape_cast %reduce_sum3A_28 : vector<1000xf32> to vector<1000x1xf32>
    %broadcast_in_dim3A_30 = arith.constant 0.000000e+00 : f32
    %broadcast_in_dim3A_31 = vector.broadcast %broadcast_in_dim3A_30 : f32 to vector<1000x1xf32>
    %concatenate3A = tpu.concatenate %broadcast_in_dim3A, %broadcast_in_dim3A_21, %broadcast_in_dim3A_25, %broadcast_in_dim3A_29, %broadcast_in_dim3A_31, %broadcast_in_dim3A_31, %broadcast_in_dim3A_31, %broadcast_in_dim3A_31 in 1 : vector<1000x1xf32>, vector<1000x1xf32>, vector<1000x1xf32>, vector<1000x1xf32>, vector<1000x1xf32>, vector<1000x1xf32>, vector<1000x1xf32>, vector<1000x1xf32> -> vector<1000x8xf32>
    %swap3A_32 = arith.constant 0 : index
    %swap3A_33 = arith.constant 0 : index
    %swap3A_34 = vector.load %arg6[%swap3A_32, %swap3A_33] : memref<1000x8xf32, #tpu.memory_space<vmem>>, vector<1000x8xf32>
    tpu.vector_store %arg6[%swap3A_32, %swap3A_33], %concatenate3A {strides = array<i32>} : memref<1000x8xf32, #tpu.memory_space<vmem>>, vector<1000x8xf32>,
    return
  }
  func.func @transform_0(%arg0: i32) -> (i32, i32) {
    %c0_i32 = arith.constant 0 : i32
    %c0_i32_0 = arith.constant 0 : i32
    return %arg0, %c0_i32 : i32, i32
  }
  func.func @transform_1(%arg0: i32) -> (i32, i32) {
    %c0_i32 = arith.constant 0 : i32
    %c0_i32_0 = arith.constant 0 : i32
    %c0_i32_1 = arith.constant 0 : i32
    return %c0_i32, %c0_i32_0 : i32, i32
  }
  func.func @transform_2(%arg0: i32) -> (i32, i32) {
    %c0_i32 = arith.constant 0 : i32
    %c0_i32_0 = arith.constant 0 : i32
    %c0_i32_1 = arith.constant 0 : i32
    return %c0_i32, %c0_i32_0 : i32, i32
  }
  func.func @transform_3(%arg0: i32) -> (i32, i32) {
    %c0_i32 = arith.constant 0 : i32
    %c0_i32_0 = arith.constant 0 : i32
    %c0_i32_1 = arith.constant 0 : i32
    return %c0_i32, %c0_i32_0 : i32, i32
  }
  func.func @transform_4(%arg0: i32) -> (i32, i32) {
    %c0_i32 = arith.constant 0 : i32
    %c0_i32_0 = arith.constant 0 : i32
    return %arg0, %c0_i32 : i32, i32
  }
  func.func @transform_5(%arg0: i32) -> (i32, i32) {
    %c0_i32 = arith.constant 0 : i32
    %c0_i32_0 = arith.constant 0 : i32
    return %arg0, %c0_i32 : i32, i32
  }
}

module attributes {stable_mosaic.version = 14 : i64} {
  func.func @_k3_body(%arg0: i32, %arg1: memref<2x1000x128xf32, #tpu.memory_space<vmem>>, %arg2: memref<2x1000x16xf32, #tpu.memory_space<vmem>>, %arg3: memref<1000x128xf32, #tpu.memory_space<vmem>>, %arg4: memref<1000x8xf32, #tpu.memory_space<vmem>>, %arg5: memref<1x128xf32, #tpu.memory_space<vmem>>, %arg6: memref<1000x128xf32, #tpu.memory_space<vmem>>) attributes {dimension_semantics = [#tpu.dimension_semantics<arbitrary>], iteration_bounds = array<i64: 10>, scalar_prefetch = 0 : i64, scratch_operands = 0 : i64, tpu.core_type = #tpu.core_type<tc>, window_params = [{transform_indices = @transform_0, window_bounds = array<i64: 2, 1000, 128>}, {transform_indices = @transform_1, window_bounds = array<i64: 2, 1000, 16>}, {transform_indices = @transform_2, window_bounds = array<i64: 1000, 128>}, {transform_indices = @transform_3, window_bounds = array<i64: 1000, 8>}, {pipeline_mode = #tpu.pipeline_mode<synchronous>, transform_indices = @transform_4, window_bounds = array<i64: 1, 128>}, {transform_indices = @transform_5, window_bounds = array<i64: 1000, 128>}]} {
    %get3A = arith.constant 0 : index
    %get3A_0 = arith.constant 0 : index
    %get3A_1 = arith.constant 0 : index
    %get3A_2 = vector.load %arg1[%get3A, %get3A_0, %get3A_1] : memref<2x1000x128xf32, #tpu.memory_space<vmem>>, vector<1x1000x128xf32>
    %get3A_3 = vector.shape_cast %get3A_2 : vector<1x1000x128xf32> to vector<1000x128xf32>
    %get3A_4 = arith.constant 1 : index
    %get3A_5 = arith.constant 0 : index
    %get3A_6 = arith.constant 0 : index
    %get3A_7 = vector.load %arg1[%get3A_4, %get3A_5, %get3A_6] : memref<2x1000x128xf32, #tpu.memory_space<vmem>>, vector<1x1000x128xf32>
    %get3A_8 = vector.shape_cast %get3A_7 : vector<1x1000x128xf32> to vector<1000x128xf32>
    %add3A = arith.addf %get3A_3, %get3A_8 : vector<1000x128xf32>
    %get3A_9 = arith.constant 0 : index
    %get3A_10 = arith.constant 0 : index
    %get3A_11 = arith.constant 0 : index
    %get3A_12 = vector.load %arg2[%get3A_9, %get3A_10, %get3A_11] : memref<2x1000x16xf32, #tpu.memory_space<vmem>>, vector<1x1000x16xf32>
    %get3A_13 = vector.shape_cast %get3A_12 : vector<1x1000x16xf32> to vector<1000x16xf32>
    %get3A_14 = arith.constant 1 : index
    %get3A_15 = arith.constant 0 : index
    %get3A_16 = arith.constant 0 : index
    %get3A_17 = vector.load %arg2[%get3A_14, %get3A_15, %get3A_16] : memref<2x1000x16xf32, #tpu.memory_space<vmem>>, vector<1x1000x16xf32>
    %get3A_18 = vector.shape_cast %get3A_17 : vector<1x1000x16xf32> to vector<1000x16xf32>
    %add3A_19 = arith.addf %get3A_13, %get3A_18 : vector<1000x16xf32>
    %get3A_20 = arith.constant 0 : index
    %get3A_21 = arith.constant 0 : index
    %get3A_22 = vector.load %arg4[%get3A_20, %get3A_21] : memref<1000x8xf32, #tpu.memory_space<vmem>>, vector<1000x8xf32>
    %slice3A = vector.extract_strided_slice %get3A_22 {offsets = [0, 0], sizes = [1000, 1], strides = [1, 1]} : vector<1000x8xf32> to vector<1000x1xf32>
    %slice3A_23 = vector.extract_strided_slice %get3A_22 {offsets = [0, 2], sizes = [1000, 1], strides = [1, 1]} : vector<1000x8xf32> to vector<1000x1xf32>
    %add3A_24 = arith.addf %slice3A, %slice3A_23 : vector<1000x1xf32>
    %slice3A_25 = vector.extract_strided_slice %get3A_22 {offsets = [0, 1], sizes = [1000, 1], strides = [1, 1]} : vector<1000x8xf32> to vector<1000x1xf32>
    %slice3A_26 = vector.extract_strided_slice %get3A_22 {offsets = [0, 3], sizes = [1000, 1], strides = [1, 1]} : vector<1000x8xf32> to vector<1000x1xf32>
    %add3A_27 = arith.addf %slice3A_25, %slice3A_26 : vector<1000x1xf32>
    %gt3A = arith.constant 0.000000e+00 : f32
    %gt3A_28 = vector.broadcast %gt3A : f32 to vector<1000x1xf32>
    %gt3A_29 = arith.cmpf ogt, %add3A_24, %gt3A_28 : vector<1000x1xf32>
    %mul3A = arith.constant 2.000000e-01 : f32
    %mul3A_30 = vector.broadcast %mul3A : f32 to vector<1000x1xf32>
    %mul3A_31 = arith.mulf %mul3A_30, %add3A_24 : vector<1000x1xf32>
    %select_n3A = arith.select %gt3A_29, %add3A_24, %mul3A_31 : vector<1000x1xi1>, vector<1000x1xf32>
    %gt3A_32 = arith.constant 0.000000e+00 : f32
    %gt3A_33 = vector.broadcast %gt3A_32 : f32 to vector<1000x1xf32>
    %gt3A_34 = arith.cmpf ogt, %add3A_27, %gt3A_33 : vector<1000x1xf32>
    %mul3A_35 = arith.constant 2.000000e-01 : f32
    %mul3A_36 = vector.broadcast %mul3A_35 : f32 to vector<1000x1xf32>
    %mul3A_37 = arith.mulf %mul3A_36, %add3A_27 : vector<1000x1xf32>
    %select_n3A_38 = arith.select %gt3A_34, %add3A_27, %mul3A_37 : vector<1000x1xi1>, vector<1000x1xf32>
    %exp3A = math.exp %select_n3A : vector<1000x1xf32>
    %exp3A_39 = math.exp %select_n3A_38 : vector<1000x1xf32>
    %get3A_40 = arith.constant 0 : index
    %get3A_41 = arith.constant 0 : index
    %get3A_42 = vector.load %arg3[%get3A_40, %get3A_41] : memref<1000x128xf32, #tpu.memory_space<vmem>>, vector<1000x128xf32>
    %iota3A = tpu.iota {dimensions = array<i32: 1>} : vector<1000x128xi32>
    %lt3A = arith.constant 64 : i32
    %lt3A_43 = vector.broadcast %lt3A : i32 to vector<1000x128xi32>
    %lt3A_44 = arith.cmpi slt, %iota3A, %lt3A_43 : vector<1000x128xi32>
    %broadcast_in_dim3A = vector.shape_cast %exp3A : vector<1000x1xf32> to vector<1000x1xf32>
    %broadcast_in_dim3A_45 = vector.broadcast %broadcast_in_dim3A : vector<1000x1xf32> to vector<1000x128xf32>
    %broadcast_in_dim3A_46 = vector.shape_cast %exp3A_39 : vector<1000x1xf32> to vector<1000x1xf32>
    %broadcast_in_dim3A_47 = vector.broadcast %broadcast_in_dim3A_46 : vector<1000x1xf32> to vector<1000x128xf32>
    %select_n3A_48 = arith.select %lt3A_44, %broadcast_in_dim3A_45, %broadcast_in_dim3A_47 : vector<1000x128xi1>, vector<1000x128xf32>
    %mul3A_49 = arith.mulf %get3A_42, %select_n3A_48 : vector<1000x128xf32>
    %add3A_50 = arith.addf %add3A, %mul3A_49 : vector<1000x128xf32>
    %lt3A_51 = arith.constant 64 : i32
    %lt3A_52 = vector.broadcast %lt3A_51 : i32 to vector<1000x128xi32>
    %lt3A_53 = arith.cmpi slt, %iota3A, %lt3A_52 : vector<1000x128xi32>
    %slice3A_54 = vector.extract_strided_slice %add3A_19 {offsets = [0, 0], sizes = [1000, 1], strides = [1, 1]} : vector<1000x16xf32> to vector<1000x1xf32>
    %add3A_55 = arith.addf %slice3A_54, %exp3A : vector<1000x1xf32>
    %slice3A_56 = vector.extract_strided_slice %add3A_19 {offsets = [0, 1], sizes = [1000, 1], strides = [1, 1]} : vector<1000x16xf32> to vector<1000x1xf32>
    %add3A_57 = arith.addf %slice3A_56, %exp3A_39 : vector<1000x1xf32>
    %broadcast_in_dim3A_58 = vector.shape_cast %add3A_55 : vector<1000x1xf32> to vector<1000x1xf32>
    %broadcast_in_dim3A_59 = vector.broadcast %broadcast_in_dim3A_58 : vector<1000x1xf32> to vector<1000x128xf32>
    %broadcast_in_dim3A_60 = vector.shape_cast %add3A_57 : vector<1000x1xf32> to vector<1000x1xf32>
    %broadcast_in_dim3A_61 = vector.broadcast %broadcast_in_dim3A_60 : vector<1000x1xf32> to vector<1000x128xf32>
    %select_n3A_62 = arith.select %lt3A_53, %broadcast_in_dim3A_59, %broadcast_in_dim3A_61 : vector<1000x128xi1>, vector<1000x128xf32>
    %add3A_63 = arith.constant 1.000000e-16 : f32
    %add3A_64 = vector.broadcast %add3A_63 : f32 to vector<1000x128xf32>
    %add3A_65 = arith.addf %select_n3A_62, %add3A_64 : vector<1000x128xf32>
    %div3A = arith.divf %add3A_50, %add3A_65 : vector<1000x128xf32>
    %get3A_66 = arith.constant 0 : index
    %get3A_67 = arith.constant 0 : index
    %get3A_68 = vector.load %arg5[%get3A_66, %get3A_67] : memref<1x128xf32, #tpu.memory_space<vmem>>, vector<1x128xf32>
    %add3A_69 = vector.broadcast %get3A_68 : vector<1x128xf32> to vector<1000x128xf32>
    %add3A_70 = arith.addf %div3A, %add3A_69 : vector<1000x128xf32>
    %swap3A = arith.constant 0 : index
    %swap3A_71 = arith.constant 0 : index
    %swap3A_72 = vector.load %arg6[%swap3A, %swap3A_71] : memref<1000x128xf32, #tpu.memory_space<vmem>>, vector<1000x128xf32>
    tpu.vector_store %arg6[%swap3A, %swap3A_71], %add3A_70 {strides = array<i32>} : memref<1000x128xf32, #tpu.memory_space<vmem>>, vector<1000x128xf32>,
    return
  }
  func.func @transform_0(%arg0: i32) -> (i32, i32, i32) {
    %c0_i32 = arith.constant 0 : i32
    %c0_i32_0 = arith.constant 0 : i32
    %c0_i32_1 = arith.constant 0 : i32
    return %c0_i32, %arg0, %c0_i32_0 : i32, i32, i32
  }
  func.func @transform_1(%arg0: i32) -> (i32, i32, i32) {
    %c0_i32 = arith.constant 0 : i32
    %c0_i32_0 = arith.constant 0 : i32
    %c0_i32_1 = arith.constant 0 : i32
    return %c0_i32, %arg0, %c0_i32_0 : i32, i32, i32
  }
  func.func @transform_2(%arg0: i32) -> (i32, i32) {
    %c0_i32 = arith.constant 0 : i32
    %c0_i32_0 = arith.constant 0 : i32
    return %arg0, %c0_i32 : i32, i32
  }
  func.func @transform_3(%arg0: i32) -> (i32, i32) {
    %c0_i32 = arith.constant 0 : i32
    %c0_i32_0 = arith.constant 0 : i32
    return %arg0, %c0_i32 : i32, i32
  }
  func.func @transform_4(%arg0: i32) -> (i32, i32) {
    %c0_i32 = arith.constant 0 : i32
    %c0_i32_0 = arith.constant 0 : i32
    %c0_i32_1 = arith.constant 0 : i32
    return %c0_i32, %c0_i32_0 : i32, i32
  }
  func.func @transform_5(%arg0: i32) -> (i32, i32) {
    %c0_i32 = arith.constant 0 : i32
    %c0_i32_0 = arith.constant 0 : i32
    return %arg0, %c0_i32 : i32, i32
  }
}

module attributes {stable_mosaic.version = 14 : i64} {
  func.func @_kqkv_body(%arg0: i32, %arg1: memref<1000x128xf32, #tpu.memory_space<vmem>>, %arg2: memref<128x128xf32, #tpu.memory_space<vmem>>, %arg3: memref<128x128xf32, #tpu.memory_space<vmem>>, %arg4: memref<128x128xf32, #tpu.memory_space<vmem>>, %arg5: memref<1x128xf32, #tpu.memory_space<vmem>>, %arg6: memref<1x128xf32, #tpu.memory_space<vmem>>, %arg7: memref<1x128xf32, #tpu.memory_space<vmem>>, %arg8: memref<2x1000x64xf32, #tpu.memory_space<vmem>>, %arg9: memref<2x1000x64xf32, #tpu.memory_space<vmem>>, %arg10: memref<2x1000x64xf32, #tpu.memory_space<vmem>>) attributes {dimension_semantics = [#tpu.dimension_semantics<arbitrary>], iteration_bounds = array<i64: 10>, scalar_prefetch = 0 : i64, scratch_operands = 0 : i64, tpu.core_type = #tpu.core_type<tc>, window_params = [{transform_indices = @transform_0, window_bounds = array<i64: 1000, 128>}, {pipeline_mode = #tpu.pipeline_mode<synchronous>, transform_indices = @transform_1, window_bounds = array<i64: 128, 128>}, {pipeline_mode = #tpu.pipeline_mode<synchronous>, transform_indices = @transform_2, window_bounds = array<i64: 128, 128>}, {pipeline_mode = #tpu.pipeline_mode<synchronous>, transform_indices = @transform_3, window_bounds = array<i64: 128, 128>}, {pipeline_mode = #tpu.pipeline_mode<synchronous>, transform_indices = @transform_4, window_bounds = array<i64: 1, 128>}, {pipeline_mode = #tpu.pipeline_mode<synchronous>, transform_indices = @transform_5, window_bounds = array<i64: 1, 128>}, {pipeline_mode = #tpu.pipeline_mode<synchronous>, transform_indices = @transform_6, window_bounds = array<i64: 1, 128>}, {transform_indices = @transform_7, window_bounds = array<i64: 2, 1000, 64>}, {transform_indices = @transform_8, window_bounds = array<i64: 2, 1000, 64>}, {transform_indices = @transform_9, window_bounds = array<i64: 2, 1000, 64>}]} {
    %get3A = arith.constant 0 : index
    %get3A_0 = arith.constant 0 : index
    %get3A_1 = vector.load %arg1[%get3A, %get3A_0] : memref<1000x128xf32, #tpu.memory_space<vmem>>, vector<1000x128xf32>
    %get3A_2 = arith.constant 0 : index
    %get3A_3 = arith.constant 0 : index
    %get3A_4 = vector.load %arg2[%get3A_2, %get3A_3] : memref<128x128xf32, #tpu.memory_space<vmem>>, vector<128x128xf32>
    %dot_general3A = arith.constant dense<0.000000e+00> : vector<1000x128xf32>
    %dot_general3A_5 = tpu.matmul %get3A_1, %get3A_4, %dot_general3A {dimension_numbers = #tpu.dot_dimension_numbers<[1], [0], [0], [1], [0, 0, 1, 1], [], []>, transpose_lhs_hint = false} : vector<1000x128xf32>, vector<128x128xf32>, vector<1000x128xf32> -> vector<1000x128xf32>
    %get3A_6 = arith.constant 0 : index
    %get3A_7 = arith.constant 0 : index
    %get3A_8 = vector.load %arg5[%get3A_6, %get3A_7] : memref<1x128xf32, #tpu.memory_space<vmem>>, vector<1x128xf32>
    %add3A = vector.broadcast %get3A_8 : vector<1x128xf32> to vector<1000x128xf32>
    %add3A_9 = arith.addf %dot_general3A_5, %add3A : vector<1000x128xf32>
    %slice3A = vector.extract_strided_slice %add3A_9 {offsets = [0, 0], sizes = [1000, 64], strides = [1, 1]} : vector<1000x128xf32> to vector<1000x64xf32>
    %swap3A = arith.constant 0 : index
    %swap3A_10 = arith.constant 0 : index
    %swap3A_11 = arith.constant 0 : index
    %swap3A_12 = vector.load %arg8[%swap3A, %swap3A_10, %swap3A_11] : memref<2x1000x64xf32, #tpu.memory_space<vmem>>, vector<1x1000x64xf32>
    %swap3A_13 = vector.shape_cast %swap3A_12 : vector<1x1000x64xf32> to vector<1000x64xf32>
    %swap3A_14 = vector.shape_cast %slice3A : vector<1000x64xf32> to vector<1x1000x64xf32>
    tpu.vector_store %arg8[%swap3A, %swap3A_10, %swap3A_11], %swap3A_14 {strides = array<i32>} : memref<2x1000x64xf32, #tpu.memory_space<vmem>>, vector<1x1000x64xf32>,
    %slice3A_15 = vector.extract_strided_slice %add3A_9 {offsets = [0, 64], sizes = [1000, 64], strides = [1, 1]} : vector<1000x128xf32> to vector<1000x64xf32>
    %swap3A_16 = arith.constant 1 : index
    %swap3A_17 = arith.constant 0 : index
    %swap3A_18 = arith.constant 0 : index
    %swap3A_19 = vector.load %arg8[%swap3A_16, %swap3A_17, %swap3A_18] : memref<2x1000x64xf32, #tpu.memory_space<vmem>>, vector<1x1000x64xf32>
    %swap3A_20 = vector.shape_cast %swap3A_19 : vector<1x1000x64xf32> to vector<1000x64xf32>
    %swap3A_21 = vector.shape_cast %slice3A_15 : vector<1000x64xf32> to vector<1x1000x64xf32>
    tpu.vector_store %arg8[%swap3A_16, %swap3A_17, %swap3A_18], %swap3A_21 {strides = array<i32>} : memref<2x1000x64xf32, #tpu.memory_space<vmem>>, vector<1x1000x64xf32>,
    %get3A_22 = arith.constant 0 : index
    %get3A_23 = arith.constant 0 : index
    %get3A_24 = vector.load %arg3[%get3A_22, %get3A_23] : memref<128x128xf32, #tpu.memory_space<vmem>>, vector<128x128xf32>
    %dot_general3A_25 = arith.constant dense<0.000000e+00> : vector<1000x128xf32>
    %dot_general3A_26 = tpu.matmul %get3A_1, %get3A_24, %dot_general3A_25 {dimension_numbers = #tpu.dot_dimension_numbers<[1], [0], [0], [1], [0, 0, 1, 1], [], []>, transpose_lhs_hint = false} : vector<1000x128xf32>, vector<128x128xf32>, vector<1000x128xf32> -> vector<1000x128xf32>
    %get3A_27 = arith.constant 0 : index
    %get3A_28 = arith.constant 0 : index
    %get3A_29 = vector.load %arg6[%get3A_27, %get3A_28] : memref<1x128xf32, #tpu.memory_space<vmem>>, vector<1x128xf32>
    %add3A_30 = vector.broadcast %get3A_29 : vector<1x128xf32> to vector<1000x128xf32>
    %add3A_31 = arith.addf %dot_general3A_26, %add3A_30 : vector<1000x128xf32>
    %slice3A_32 = vector.extract_strided_slice %add3A_31 {offsets = [0, 0], sizes = [1000, 64], strides = [1, 1]} : vector<1000x128xf32> to vector<1000x64xf32>
    %swap3A_33 = arith.constant 0 : index
    %swap3A_34 = arith.constant 0 : index
    %swap3A_35 = arith.constant 0 : index
    %swap3A_36 = vector.load %arg9[%swap3A_33, %swap3A_34, %swap3A_35] : memref<2x1000x64xf32, #tpu.memory_space<vmem>>, vector<1x1000x64xf32>
    %swap3A_37 = vector.shape_cast %swap3A_36 : vector<1x1000x64xf32> to vector<1000x64xf32>
    %swap3A_38 = vector.shape_cast %slice3A_32 : vector<1000x64xf32> to vector<1x1000x64xf32>
    tpu.vector_store %arg9[%swap3A_33, %swap3A_34, %swap3A_35], %swap3A_38 {strides = array<i32>} : memref<2x1000x64xf32, #tpu.memory_space<vmem>>, vector<1x1000x64xf32>,
    %slice3A_39 = vector.extract_strided_slice %add3A_31 {offsets = [0, 64], sizes = [1000, 64], strides = [1, 1]} : vector<1000x128xf32> to vector<1000x64xf32>
    %swap3A_40 = arith.constant 1 : index
    %swap3A_41 = arith.constant 0 : index
    %swap3A_42 = arith.constant 0 : index
    %swap3A_43 = vector.load %arg9[%swap3A_40, %swap3A_41, %swap3A_42] : memref<2x1000x64xf32, #tpu.memory_space<vmem>>, vector<1x1000x64xf32>
    %swap3A_44 = vector.shape_cast %swap3A_43 : vector<1x1000x64xf32> to vector<1000x64xf32>
    %swap3A_45 = vector.shape_cast %slice3A_39 : vector<1000x64xf32> to vector<1x1000x64xf32>
    tpu.vector_store %arg9[%swap3A_40, %swap3A_41, %swap3A_42], %swap3A_45 {strides = array<i32>} : memref<2x1000x64xf32, #tpu.memory_space<vmem>>, vector<1x1000x64xf32>,
    %get3A_46 = arith.constant 0 : index
    %get3A_47 = arith.constant 0 : index
    %get3A_48 = vector.load %arg4[%get3A_46, %get3A_47] : memref<128x128xf32, #tpu.memory_space<vmem>>, vector<128x128xf32>
    %dot_general3A_49 = arith.constant dense<0.000000e+00> : vector<1000x128xf32>
    %dot_general3A_50 = tpu.matmul %get3A_1, %get3A_48, %dot_general3A_49 {dimension_numbers = #tpu.dot_dimension_numbers<[1], [0], [0], [1], [0, 0, 1, 1], [], []>, transpose_lhs_hint = false} : vector<1000x128xf32>, vector<128x128xf32>, vector<1000x128xf32> -> vector<1000x128xf32>
    %get3A_51 = arith.constant 0 : index
    %get3A_52 = arith.constant 0 : index
    %get3A_53 = vector.load %arg7[%get3A_51, %get3A_52] : memref<1x128xf32, #tpu.memory_space<vmem>>, vector<1x128xf32>
    %add3A_54 = vector.broadcast %get3A_53 : vector<1x128xf32> to vector<1000x128xf32>
    %add3A_55 = arith.addf %dot_general3A_50, %add3A_54 : vector<1000x128xf32>
    %slice3A_56 = vector.extract_strided_slice %add3A_55 {offsets = [0, 0], sizes = [1000, 64], strides = [1, 1]} : vector<1000x128xf32> to vector<1000x64xf32>
    %swap3A_57 = arith.constant 0 : index
    %swap3A_58 = arith.constant 0 : index
    %swap3A_59 = arith.constant 0 : index
    %swap3A_60 = vector.load %arg10[%swap3A_57, %swap3A_58, %swap3A_59] : memref<2x1000x64xf32, #tpu.memory_space<vmem>>, vector<1x1000x64xf32>
    %swap3A_61 = vector.shape_cast %swap3A_60 : vector<1x1000x64xf32> to vector<1000x64xf32>
    %swap3A_62 = vector.shape_cast %slice3A_56 : vector<1000x64xf32> to vector<1x1000x64xf32>
    tpu.vector_store %arg10[%swap3A_57, %swap3A_58, %swap3A_59], %swap3A_62 {strides = array<i32>} : memref<2x1000x64xf32, #tpu.memory_space<vmem>>, vector<1x1000x64xf32>,
    %slice3A_63 = vector.extract_strided_slice %add3A_55 {offsets = [0, 64], sizes = [1000, 64], strides = [1, 1]} : vector<1000x128xf32> to vector<1000x64xf32>
    %swap3A_64 = arith.constant 1 : index
    %swap3A_65 = arith.constant 0 : index
    %swap3A_66 = arith.constant 0 : index
    %swap3A_67 = vector.load %arg10[%swap3A_64, %swap3A_65, %swap3A_66] : memref<2x1000x64xf32, #tpu.memory_space<vmem>>, vector<1x1000x64xf32>
    %swap3A_68 = vector.shape_cast %swap3A_67 : vector<1x1000x64xf32> to vector<1000x64xf32>
    %swap3A_69 = vector.shape_cast %slice3A_63 : vector<1000x64xf32> to vector<1x1000x64xf32>
    tpu.vector_store %arg10[%swap3A_64, %swap3A_65, %swap3A_66], %swap3A_69 {strides = array<i32>} : memref<2x1000x64xf32, #tpu.memory_space<vmem>>, vector<1x1000x64xf32>,
    return
  }
  func.func @transform_0(%arg0: i32) -> (i32, i32) {
    %c0_i32 = arith.constant 0 : i32
    %c0_i32_0 = arith.constant 0 : i32
    return %arg0, %c0_i32 : i32, i32
  }
  func.func @transform_1(%arg0: i32) -> (i32, i32) {
    %c0_i32 = arith.constant 0 : i32
    %c0_i32_0 = arith.constant 0 : i32
    %c0_i32_1 = arith.constant 0 : i32
    return %c0_i32, %c0_i32_0 : i32, i32
  }
  func.func @transform_2(%arg0: i32) -> (i32, i32) {
    %c0_i32 = arith.constant 0 : i32
    %c0_i32_0 = arith.constant 0 : i32
    %c0_i32_1 = arith.constant 0 : i32
    return %c0_i32, %c0_i32_0 : i32, i32
  }
  func.func @transform_3(%arg0: i32) -> (i32, i32) {
    %c0_i32 = arith.constant 0 : i32
    %c0_i32_0 = arith.constant 0 : i32
    %c0_i32_1 = arith.constant 0 : i32
    return %c0_i32, %c0_i32_0 : i32, i32
  }
  func.func @transform_4(%arg0: i32) -> (i32, i32) {
    %c0_i32 = arith.constant 0 : i32
    %c0_i32_0 = arith.constant 0 : i32
    %c0_i32_1 = arith.constant 0 : i32
    return %c0_i32, %c0_i32_0 : i32, i32
  }
  func.func @transform_5(%arg0: i32) -> (i32, i32) {
    %c0_i32 = arith.constant 0 : i32
    %c0_i32_0 = arith.constant 0 : i32
    %c0_i32_1 = arith.constant 0 : i32
    return %c0_i32, %c0_i32_0 : i32, i32
  }
  func.func @transform_6(%arg0: i32) -> (i32, i32) {
    %c0_i32 = arith.constant 0 : i32
    %c0_i32_0 = arith.constant 0 : i32
    %c0_i32_1 = arith.constant 0 : i32
    return %c0_i32, %c0_i32_0 : i32, i32
  }
  func.func @transform_7(%arg0: i32) -> (i32, i32, i32) {
    %c0_i32 = arith.constant 0 : i32
    %c0_i32_0 = arith.constant 0 : i32
    %c0_i32_1 = arith.constant 0 : i32
    return %c0_i32, %arg0, %c0_i32_0 : i32, i32, i32
  }
  func.func @transform_8(%arg0: i32) -> (i32, i32, i32) {
    %c0_i32 = arith.constant 0 : i32
    %c0_i32_0 = arith.constant 0 : i32
    %c0_i32_1 = arith.constant 0 : i32
    return %c0_i32, %arg0, %c0_i32_0 : i32, i32, i32
  }
  func.func @transform_9(%arg0: i32) -> (i32, i32, i32) {
    %c0_i32 = arith.constant 0 : i32
    %c0_i32_0 = arith.constant 0 : i32
    %c0_i32_1 = arith.constant 0 : i32
    return %c0_i32, %arg0, %c0_i32_0 : i32, i32, i32
  }
}

module attributes {stable_mosaic.version = 14 : i64} {
  func.func @_flash_body(%arg0: i32, %arg1: i32, %arg2: i32, %arg3: memref<1x1000x64xf32, #tpu.memory_space<vmem>>, %arg4: memref<1x1000x64xf32, #tpu.memory_space<vmem>>, %arg5: memref<1x1000x64xf32, #tpu.memory_space<vmem>>, %arg6: memref<1x1000x64xf32, #tpu.memory_space<vmem>>, %arg7: memref<1000x128xf32, #tpu.memory_space<vmem>>, %arg8: memref<1000x128xf32, #tpu.memory_space<vmem>>, %arg9: memref<1000x64xf32, #tpu.memory_space<vmem>>) attributes {dimension_semantics = [#tpu.dimension_semantics<parallel>, #tpu.dimension_semantics<parallel>, #tpu.dimension_semantics<arbitrary>], iteration_bounds = array<i64: 2, 10, 10>, scalar_prefetch = 0 : i64, scratch_operands = 3 : i64, tpu.core_type = #tpu.core_type<tc>, window_params = [{transform_indices = @transform_0, window_bounds = array<i64: 1, 1000, 64>}, {transform_indices = @transform_1, window_bounds = array<i64: 1, 1000, 64>}, {transform_indices = @transform_2, window_bounds = array<i64: 1, 1000, 64>}, {transform_indices = @transform_3, window_bounds = array<i64: 1, 1000, 64>}]} {
    %eq3A = arith.constant 0 : i32
    %eq3A_0 = arith.cmpi eq, %arg2, %eq3A : i32
    %convert_element_type3A = arith.extui %eq3A_0 : i1 to i32
    %cond3A = arith.constant 0 : i32
    %cond3A_1 = arith.cmpi ne, %convert_element_type3A, %cond3A : i32
    scf.if %cond3A_1 {
      %broadcast_in_dim3A_57 = arith.constant -1.000000e+30 : f32
      %broadcast_in_dim3A_58 = vector.broadcast %broadcast_in_dim3A_57 : f32 to vector<1000x128xf32>
      %swap3A_59 = arith.constant 0 : index
      %swap3A_60 = arith.constant 0 : index
      %swap3A_61 = vector.load %arg7[%swap3A_59, %swap3A_60] : memref<1000x128xf32, #tpu.memory_space<vmem>>, vector<1000x128xf32>
      tpu.vector_store %arg7[%swap3A_59, %swap3A_60], %broadcast_in_dim3A_58 {strides = array<i32>} : memref<1000x128xf32, #tpu.memory_space<vmem>>, vector<1000x128xf32>,
      %broadcast_in_dim3A_62 = arith.constant 0.000000e+00 : f32
      %broadcast_in_dim3A_63 = vector.broadcast %broadcast_in_dim3A_62 : f32 to vector<1000x128xf32>
      %swap3A_64 = arith.constant 0 : index
      %swap3A_65 = arith.constant 0 : index
      %swap3A_66 = vector.load %arg8[%swap3A_64, %swap3A_65] : memref<1000x128xf32, #tpu.memory_space<vmem>>, vector<1000x128xf32>
      tpu.vector_store %arg8[%swap3A_64, %swap3A_65], %broadcast_in_dim3A_63 {strides = array<i32>} : memref<1000x128xf32, #tpu.memory_space<vmem>>, vector<1000x128xf32>,
      %broadcast_in_dim3A_67 = arith.constant 0.000000e+00 : f32
      %broadcast_in_dim3A_68 = vector.broadcast %broadcast_in_dim3A_67 : f32 to vector<1000x64xf32>
      %swap3A_69 = arith.constant 0 : index
      %swap3A_70 = arith.constant 0 : index
      %swap3A_71 = vector.load %arg9[%swap3A_69, %swap3A_70] : memref<1000x64xf32, #tpu.memory_space<vmem>>, vector<1000x64xf32>
      tpu.vector_store %arg9[%swap3A_69, %swap3A_70], %broadcast_in_dim3A_68 {strides = array<i32>} : memref<1000x64xf32, #tpu.memory_space<vmem>>, vector<1000x64xf32>,
    } else {
    }
    %get3A = arith.constant 0 : index
    %get3A_2 = arith.constant 0 : index
    %get3A_3 = arith.constant 0 : index
    %get3A_4 = vector.load %arg3[%get3A, %get3A_2, %get3A_3] : memref<1x1000x64xf32, #tpu.memory_space<vmem>>, vector<1x1000x64xf32>
    %get3A_5 = vector.shape_cast %get3A_4 : vector<1x1000x64xf32> to vector<1000x64xf32>
    %get3A_6 = arith.constant 0 : index
    %get3A_7 = arith.constant 0 : index
    %get3A_8 = arith.constant 0 : index
    %get3A_9 = vector.load %arg4[%get3A_6, %get3A_7, %get3A_8] : memref<1x1000x64xf32, #tpu.memory_space<vmem>>, vector<1x1000x64xf32>
    %get3A_10 = vector.shape_cast %get3A_9 : vector<1x1000x64xf32> to vector<1000x64xf32>
    %dot_general3A = arith.constant dense<0.000000e+00> : vector<1000x1000xf32>
    %dot_general3A_11 = tpu.matmul %get3A_5, %get3A_10, %dot_general3A {dimension_numbers = #tpu.dot_dimension_numbers<[1], [1], [0], [0], [0, 0, 1, 0], [], []>, transpose_lhs_hint = false} : vector<1000x64xf32>, vector<1000x64xf32>, vector<1000x1000xf32> -> vector<1000x1000xf32>
    %mul3A = arith.constant 1.250000e-01 : f32
    %mul3A_12 = vector.broadcast %mul3A : f32 to vector<1000x1000xf32>
    %mul3A_13 = arith.mulf %dot_general3A_11, %mul3A_12 : vector<1000x1000xf32>
    %get3A_14 = arith.constant 0 : index
    %get3A_15 = arith.constant 0 : index
    %get3A_16 = vector.load %arg7[%get3A_14, %get3A_15] : memref<1000x128xf32, #tpu.memory_space<vmem>>, vector<1000x1xf32>
    %get3A_17 = arith.constant 0 : index
    %get3A_18 = arith.constant 0 : index
    %get3A_19 = vector.load %arg8[%get3A_17, %get3A_18] : memref<1000x128xf32, #tpu.memory_space<vmem>>, vector<1000x1xf32>
    %reduce_max3A = arith.constant dense<0xFF800000> : vector<1000xf32>
    %reduce_max3A_20 = vector.multi_reduction <maximumf>, %mul3A_13, %reduce_max3A [1] : vector<1000x1000xf32> to vector<1000xf32>
    %broadcast_in_dim3A = vector.shape_cast %reduce_max3A_20 : vector<1000xf32> to vector<1000x1xf32>
    %max3A = arith.maximumf %get3A_16, %broadcast_in_dim3A : vector<1000x1xf32>
    %sub3A = arith.subf %get3A_16, %max3A : vector<1000x1xf32>
    %exp3A = math.exp %sub3A : vector<1000x1xf32>
    %sub3A_21 = vector.broadcast %max3A : vector<1000x1xf32> to vector<1000x1000xf32>
    %sub3A_22 = arith.subf %mul3A_13, %sub3A_21 : vector<1000x1000xf32>
    %exp3A_23 = math.exp %sub3A_22 : vector<1000x1000xf32>
    %mul3A_24 = arith.mulf %get3A_19, %exp3A : vector<1000x1xf32>
    %reduce_sum3A = arith.constant dense<0.000000e+00> : vector<1000xf32>
    %reduce_sum3A_25 = vector.multi_reduction <add>, %exp3A_23, %reduce_sum3A [1] : vector<1000x1000xf32> to vector<1000xf32>
    %broadcast_in_dim3A_26 = vector.shape_cast %reduce_sum3A_25 : vector<1000xf32> to vector<1000x1xf32>
    %add3A = arith.addf %mul3A_24, %broadcast_in_dim3A_26 : vector<1000x1xf32>
    %get3A_27 = arith.constant 0 : index
    %get3A_28 = arith.constant 0 : index
    %get3A_29 = vector.load %arg9[%get3A_27, %get3A_28] : memref<1000x64xf32, #tpu.memory_space<vmem>>, vector<1000x64xf32>
    %mul3A_30 = vector.broadcast %exp3A : vector<1000x1xf32> to vector<1000x64xf32>
    %mul3A_31 = arith.mulf %get3A_29, %mul3A_30 : vector<1000x64xf32>
    %get3A_32 = arith.constant 0 : index
    %get3A_33 = arith.constant 0 : index
    %get3A_34 = arith.constant 0 : index
    %get3A_35 = vector.load %arg5[%get3A_32, %get3A_33, %get3A_34] : memref<1x1000x64xf32, #tpu.memory_space<vmem>>, vector<1x1000x64xf32>
    %get3A_36 = vector.shape_cast %get3A_35 : vector<1x1000x64xf32> to vector<1000x64xf32>
    %dot_general3A_37 = arith.constant dense<0.000000e+00> : vector<1000x64xf32>
    %dot_general3A_38 = tpu.matmul %exp3A_23, %get3A_36, %dot_general3A_37 {dimension_numbers = #tpu.dot_dimension_numbers<[1], [0], [0], [1], [0, 0, 1, 1], [], []>, transpose_lhs_hint = false} : vector<1000x1000xf32>, vector<1000x64xf32>, vector<1000x64xf32> -> vector<1000x64xf32>
    %add3A_39 = arith.addf %mul3A_31, %dot_general3A_38 : vector<1000x64xf32>
    %swap3A = arith.constant 0 : index
    %swap3A_40 = arith.constant 0 : index
    %swap3A_41 = vector.load %arg9[%swap3A, %swap3A_40] : memref<1000x64xf32, #tpu.memory_space<vmem>>, vector<1000x64xf32>
    tpu.vector_store %arg9[%swap3A, %swap3A_40], %add3A_39 {strides = array<i32>} : memref<1000x64xf32, #tpu.memory_space<vmem>>, vector<1000x64xf32>,
    %broadcast_in_dim3A_42 = vector.shape_cast %max3A : vector<1000x1xf32> to vector<1000x1xf32>
    %broadcast_in_dim3A_43 = vector.broadcast %broadcast_in_dim3A_42 : vector<1000x1xf32> to vector<1000x128xf32>
    %swap3A_44 = arith.constant 0 : index
    %swap3A_45 = arith.constant 0 : index
    %swap3A_46 = vector.load %arg7[%swap3A_44, %swap3A_45] : memref<1000x128xf32, #tpu.memory_space<vmem>>, vector<1000x128xf32>
    tpu.vector_store %arg7[%swap3A_44, %swap3A_45], %broadcast_in_dim3A_43 {strides = array<i32>} : memref<1000x128xf32, #tpu.memory_space<vmem>>, vector<1000x128xf32>,
    %broadcast_in_dim3A_47 = vector.shape_cast %add3A : vector<1000x1xf32> to vector<1000x1xf32>
    %broadcast_in_dim3A_48 = vector.broadcast %broadcast_in_dim3A_47 : vector<1000x1xf32> to vector<1000x128xf32>
    %swap3A_49 = arith.constant 0 : index
    %swap3A_50 = arith.constant 0 : index
    %swap3A_51 = vector.load %arg8[%swap3A_49, %swap3A_50] : memref<1000x128xf32, #tpu.memory_space<vmem>>, vector<1000x128xf32>
    tpu.vector_store %arg8[%swap3A_49, %swap3A_50], %broadcast_in_dim3A_48 {strides = array<i32>} : memref<1000x128xf32, #tpu.memory_space<vmem>>, vector<1000x128xf32>,
    %eq3A_52 = arith.constant 9 : i32
    %eq3A_53 = arith.cmpi eq, %arg2, %eq3A_52 : i32
    %convert_element_type3A_54 = arith.extui %eq3A_53 : i1 to i32
    %cond3A_55 = arith.constant 0 : i32
    %cond3A_56 = arith.cmpi ne, %convert_element_type3A_54, %cond3A_55 : i32
    scf.if %cond3A_56 {
      %get3A_57 = arith.constant 0 : index
      %get3A_58 = arith.constant 0 : index
      %get3A_59 = vector.load %arg9[%get3A_57, %get3A_58] : memref<1000x64xf32, #tpu.memory_space<vmem>>, vector<1000x64xf32>
      %get3A_60 = arith.constant 0 : index
      %get3A_61 = arith.constant 0 : index
      %get3A_62 = vector.load %arg8[%get3A_60, %get3A_61] : memref<1000x128xf32, #tpu.memory_space<vmem>>, vector<1000x1xf32>
      %div3A = vector.broadcast %get3A_62 : vector<1000x1xf32> to vector<1000x64xf32>
      %div3A_63 = arith.divf %get3A_59, %div3A : vector<1000x64xf32>
      %swap3A_64 = arith.constant 0 : index
      %swap3A_65 = arith.constant 0 : index
      %swap3A_66 = arith.constant 0 : index
      %swap3A_67 = vector.load %arg6[%swap3A_64, %swap3A_65, %swap3A_66] : memref<1x1000x64xf32, #tpu.memory_space<vmem>>, vector<1x1000x64xf32>
      %swap3A_68 = vector.shape_cast %swap3A_67 : vector<1x1000x64xf32> to vector<1000x64xf32>
      %swap3A_69 = vector.shape_cast %div3A_63 : vector<1000x64xf32> to vector<1x1000x64xf32>
      tpu.vector_store %arg6[%swap3A_64, %swap3A_65, %swap3A_66], %swap3A_69 {strides = array<i32>} : memref<1x1000x64xf32, #tpu.memory_space<vmem>>, vector<1x1000x64xf32>,
    } else {
    }
    return
  }
  func.func @transform_0(%arg0: i32, %arg1: i32, %arg2: i32) -> (i32, i32, i32) {
    %c0_i32 = arith.constant 0 : i32
    %c0_i32_0 = arith.constant 0 : i32
    return %arg0, %arg1, %c0_i32 : i32, i32, i32
  }
  func.func @transform_1(%arg0: i32, %arg1: i32, %arg2: i32) -> (i32, i32, i32) {
    %c0_i32 = arith.constant 0 : i32
    %c0_i32_0 = arith.constant 0 : i32
    return %arg0, %arg2, %c0_i32 : i32, i32, i32
  }
  func.func @transform_2(%arg0: i32, %arg1: i32, %arg2: i32) -> (i32, i32, i32) {
    %c0_i32 = arith.constant 0 : i32
    %c0_i32_0 = arith.constant 0 : i32
    return %arg0, %arg2, %c0_i32 : i32, i32, i32
  }
  func.func @transform_3(%arg0: i32, %arg1: i32, %arg2: i32) -> (i32, i32, i32) {
    %c0_i32 = arith.constant 0 : i32
    %c0_i32_0 = arith.constant 0 : i32
    return %arg0, %arg1, %c0_i32 : i32, i32, i32
  }
}

module attributes {stable_mosaic.version = 14 : i64} {
  func.func @_ko_body(%arg0: i32, %arg1: memref<2x1000x64xf32, #tpu.memory_space<vmem>>, %arg2: memref<1000x128xf32, #tpu.memory_space<vmem>>, %arg3: memref<128x128xf32, #tpu.memory_space<vmem>>, %arg4: memref<1x128xf32, #tpu.memory_space<vmem>>, %arg5: memref<128x256xf32, #tpu.memory_space<vmem>>, %arg6: memref<1x256xf32, #tpu.memory_space<vmem>>, %arg7: memref<256x128xf32, #tpu.memory_space<vmem>>, %arg8: memref<1x128xf32, #tpu.memory_space<vmem>>, %arg9: memref<1x128xf32, #tpu.memory_space<vmem>>, %arg10: memref<1x128xf32, #tpu.memory_space<vmem>>, %arg11: memref<1x128xf32, #tpu.memory_space<vmem>>, %arg12: memref<1x128xf32, #tpu.memory_space<vmem>>, %arg13: memref<1000x128xf32, #tpu.memory_space<vmem>>) attributes {dimension_semantics = [#tpu.dimension_semantics<arbitrary>], iteration_bounds = array<i64: 10>, scalar_prefetch = 0 : i64, scratch_operands = 0 : i64, tpu.core_type = #tpu.core_type<tc>, window_params = [{transform_indices = @transform_0, window_bounds = array<i64: 2, 1000, 64>}, {transform_indices = @transform_1, window_bounds = array<i64: 1000, 128>}, {pipeline_mode = #tpu.pipeline_mode<synchronous>, transform_indices = @transform_2, window_bounds = array<i64: 128, 128>}, {pipeline_mode = #tpu.pipeline_mode<synchronous>, transform_indices = @transform_3, window_bounds = array<i64: 1, 128>}, {pipeline_mode = #tpu.pipeline_mode<synchronous>, transform_indices = @transform_4, window_bounds = array<i64: 128, 256>}, {pipeline_mode = #tpu.pipeline_mode<synchronous>, transform_indices = @transform_5, window_bounds = array<i64: 1, 256>}, {pipeline_mode = #tpu.pipeline_mode<synchronous>, transform_indices = @transform_6, window_bounds = array<i64: 256, 128>}, {pipeline_mode = #tpu.pipeline_mode<synchronous>, transform_indices = @transform_7, window_bounds = array<i64: 1, 128>}, {pipeline_mode = #tpu.pipeline_mode<synchronous>, transform_indices = @transform_8, window_bounds = array<i64: 1, 128>}, {pipeline_mode = #tpu.pipeline_mode<synchronous>, transform_indices = @transform_9, window_bounds = array<i64: 1, 128>}, {pipeline_mode = #tpu.pipeline_mode<synchronous>, transform_indices = @transform_10, window_bounds = array<i64: 1, 128>}, {pipeline_mode = #tpu.pipeline_mode<synchronous>, transform_indices = @transform_11, window_bounds = array<i64: 1, 128>}, {transform_indices = @transform_12, window_bounds = array<i64: 1000, 128>}]} {
    %get3A = arith.constant 0 : index
    %get3A_0 = arith.constant 0 : index
    %get3A_1 = arith.constant 0 : index
    %get3A_2 = vector.load %arg1[%get3A, %get3A_0, %get3A_1] : memref<2x1000x64xf32, #tpu.memory_space<vmem>>, vector<1x1000x64xf32>
    %get3A_3 = vector.shape_cast %get3A_2 : vector<1x1000x64xf32> to vector<1000x64xf32>
    %get3A_4 = arith.constant 1 : index
    %get3A_5 = arith.constant 0 : index
    %get3A_6 = arith.constant 0 : index
    %get3A_7 = vector.load %arg1[%get3A_4, %get3A_5, %get3A_6] : memref<2x1000x64xf32, #tpu.memory_space<vmem>>, vector<1x1000x64xf32>
    %get3A_8 = vector.shape_cast %get3A_7 : vector<1x1000x64xf32> to vector<1000x64xf32>
    %concatenate3A = tpu.concatenate %get3A_3, %get3A_8 in 1 : vector<1000x64xf32>, vector<1000x64xf32> -> vector<1000x128xf32>
    %get3A_9 = arith.constant 0 : index
    %get3A_10 = arith.constant 0 : index
    %get3A_11 = vector.load %arg3[%get3A_9, %get3A_10] : memref<128x128xf32, #tpu.memory_space<vmem>>, vector<128x128xf32>
    %dot_general3A = arith.constant dense<0.000000e+00> : vector<1000x128xf32>
    %dot_general3A_12 = tpu.matmul %concatenate3A, %get3A_11, %dot_general3A {dimension_numbers = #tpu.dot_dimension_numbers<[1], [0], [0], [1], [0, 0, 1, 1], [], []>, transpose_lhs_hint = false} : vector<1000x128xf32>, vector<128x128xf32>, vector<1000x128xf32> -> vector<1000x128xf32>
    %get3A_13 = arith.constant 0 : index
    %get3A_14 = arith.constant 0 : index
    %get3A_15 = vector.load %arg4[%get3A_13, %get3A_14] : memref<1x128xf32, #tpu.memory_space<vmem>>, vector<1x128xf32>
    %add3A = vector.broadcast %get3A_15 : vector<1x128xf32> to vector<1000x128xf32>
    %add3A_16 = arith.addf %dot_general3A_12, %add3A : vector<1000x128xf32>
    %get3A_17 = arith.constant 0 : index
    %get3A_18 = arith.constant 0 : index
    %get3A_19 = vector.load %arg2[%get3A_17, %get3A_18] : memref<1000x128xf32, #tpu.memory_space<vmem>>, vector<1000x128xf32>
    %add3A_20 = arith.addf %get3A_19, %add3A_16 : vector<1000x128xf32>
    %get3A_21 = arith.constant 0 : index
    %get3A_22 = arith.constant 0 : index
    %get3A_23 = vector.load %arg9[%get3A_21, %get3A_22] : memref<1x128xf32, #tpu.memory_space<vmem>>, vector<1x128xf32>
    %get3A_24 = arith.constant 0 : index
    %get3A_25 = arith.constant 0 : index
    %get3A_26 = vector.load %arg10[%get3A_24, %get3A_25] : memref<1x128xf32, #tpu.memory_space<vmem>>, vector<1x128xf32>
    %reduce_sum3A = arith.constant dense<0.000000e+00> : vector<1000xf32>
    %reduce_sum3A_27 = vector.multi_reduction <add>, %add3A_20, %reduce_sum3A [1] : vector<1000x128xf32> to vector<1000xf32>
    %broadcast_in_dim3A = vector.shape_cast %reduce_sum3A_27 : vector<1000xf32> to vector<1000x1xf32>
    %div3A = arith.constant 1.280000e+02 : f32
    %div3A_28 = vector.broadcast %div3A : f32 to vector<1000x1xf32>
    %div3A_29 = arith.divf %broadcast_in_dim3A, %div3A_28 : vector<1000x1xf32>
    %sub3A = vector.broadcast %div3A_29 : vector<1000x1xf32> to vector<1000x128xf32>
    %sub3A_30 = arith.subf %add3A_20, %sub3A : vector<1000x128xf32>
    %integer_pow3A = arith.mulf %sub3A_30, %sub3A_30 : vector<1000x128xf32>
    %reduce_sum3A_31 = arith.constant dense<0.000000e+00> : vector<1000xf32>
    %reduce_sum3A_32 = vector.multi_reduction <add>, %integer_pow3A, %reduce_sum3A_31 [1] : vector<1000x128xf32> to vector<1000xf32>
    %broadcast_in_dim3A_33 = vector.shape_cast %reduce_sum3A_32 : vector<1000xf32> to vector<1000x1xf32>
    %div3A_34 = arith.constant 1.280000e+02 : f32
    %div3A_35 = vector.broadcast %div3A_34 : f32 to vector<1000x1xf32>
    %div3A_36 = arith.divf %broadcast_in_dim3A_33, %div3A_35 : vector<1000x1xf32>
    %sub3A_37 = vector.broadcast %div3A_29 : vector<1000x1xf32> to vector<1000x128xf32>
    %sub3A_38 = arith.subf %add3A_20, %sub3A_37 : vector<1000x128xf32>
    %add3A_39 = arith.constant 9.99999974E-6 : f32
    %add3A_40 = vector.broadcast %add3A_39 : f32 to vector<1000x1xf32>
    %add3A_41 = arith.addf %div3A_36, %add3A_40 : vector<1000x1xf32>
    %rsqrt3A = math.rsqrt %add3A_41 : vector<1000x1xf32>
    %mul3A = vector.broadcast %rsqrt3A : vector<1000x1xf32> to vector<1000x128xf32>
    %mul3A_42 = arith.mulf %sub3A_38, %mul3A : vector<1000x128xf32>
    %mul3A_43 = vector.broadcast %get3A_23 : vector<1x128xf32> to vector<1000x128xf32>
    %mul3A_44 = arith.mulf %mul3A_42, %mul3A_43 : vector<1000x128xf32>
    %add3A_45 = vector.broadcast %get3A_26 : vector<1x128xf32> to vector<1000x128xf32>
    %add3A_46 = arith.addf %mul3A_44, %add3A_45 : vector<1000x128xf32>
    %get3A_47 = arith.constant 0 : index
    %get3A_48 = arith.constant 0 : index
    %get3A_49 = vector.load %arg5[%get3A_47, %get3A_48] : memref<128x256xf32, #tpu.memory_space<vmem>>, vector<128x256xf32>
    %dot_general3A_50 = arith.constant dense<0.000000e+00> : vector<1000x256xf32>
    %dot_general3A_51 = tpu.matmul %add3A_46, %get3A_49, %dot_general3A_50 {dimension_numbers = #tpu.dot_dimension_numbers<[1], [0], [0], [1], [0, 0, 1, 1], [], []>, transpose_lhs_hint = false} : vector<1000x128xf32>, vector<128x256xf32>, vector<1000x256xf32> -> vector<1000x256xf32>
    %get3A_52 = arith.constant 0 : index
    %get3A_53 = arith.constant 0 : index
    %get3A_54 = vector.load %arg6[%get3A_52, %get3A_53] : memref<1x256xf32, #tpu.memory_space<vmem>>, vector<1x256xf32>
    %add3A_55 = vector.broadcast %get3A_54 : vector<1x256xf32> to vector<1000x256xf32>
    %add3A_56 = arith.addf %dot_general3A_51, %add3A_55 : vector<1000x256xf32>
    %max3A = arith.constant 0.000000e+00 : f32
    %max3A_57 = vector.broadcast %max3A : f32 to vector<1000x256xf32>
    %max3A_58 = arith.maximumf %add3A_56, %max3A_57 : vector<1000x256xf32>
    %get3A_59 = arith.constant 0 : index
    %get3A_60 = arith.constant 0 : index
    %get3A_61 = vector.load %arg7[%get3A_59, %get3A_60] : memref<256x128xf32, #tpu.memory_space<vmem>>, vector<256x128xf32>
    %dot_general3A_62 = arith.constant dense<0.000000e+00> : vector<1000x128xf32>
    %dot_general3A_63 = tpu.matmul %max3A_58, %get3A_61, %dot_general3A_62 {dimension_numbers = #tpu.dot_dimension_numbers<[1], [0], [0], [1], [0, 0, 1, 1], [], []>, transpose_lhs_hint = false} : vector<1000x256xf32>, vector<256x128xf32>, vector<1000x128xf32> -> vector<1000x128xf32>
    %get3A_64 = arith.constant 0 : index
    %get3A_65 = arith.constant 0 : index
    %get3A_66 = vector.load %arg8[%get3A_64, %get3A_65] : memref<1x128xf32, #tpu.memory_space<vmem>>, vector<1x128xf32>
    %add3A_67 = vector.broadcast %get3A_66 : vector<1x128xf32> to vector<1000x128xf32>
    %add3A_68 = arith.addf %dot_general3A_63, %add3A_67 : vector<1000x128xf32>
    %add3A_69 = arith.addf %add3A_46, %add3A_68 : vector<1000x128xf32>
    %get3A_70 = arith.constant 0 : index
    %get3A_71 = arith.constant 0 : index
    %get3A_72 = vector.load %arg11[%get3A_70, %get3A_71] : memref<1x128xf32, #tpu.memory_space<vmem>>, vector<1x128xf32>
    %get3A_73 = arith.constant 0 : index
    %get3A_74 = arith.constant 0 : index
    %get3A_75 = vector.load %arg12[%get3A_73, %get3A_74] : memref<1x128xf32, #tpu.memory_space<vmem>>, vector<1x128xf32>
    %reduce_sum3A_76 = arith.constant dense<0.000000e+00> : vector<1000xf32>
    %reduce_sum3A_77 = vector.multi_reduction <add>, %add3A_69, %reduce_sum3A_76 [1] : vector<1000x128xf32> to vector<1000xf32>
    %broadcast_in_dim3A_78 = vector.shape_cast %reduce_sum3A_77 : vector<1000xf32> to vector<1000x1xf32>
    %div3A_79 = arith.constant 1.280000e+02 : f32
    %div3A_80 = vector.broadcast %div3A_79 : f32 to vector<1000x1xf32>
    %div3A_81 = arith.divf %broadcast_in_dim3A_78, %div3A_80 : vector<1000x1xf32>
    %sub3A_82 = vector.broadcast %div3A_81 : vector<1000x1xf32> to vector<1000x128xf32>
    %sub3A_83 = arith.subf %add3A_69, %sub3A_82 : vector<1000x128xf32>
    %integer_pow3A_84 = arith.mulf %sub3A_83, %sub3A_83 : vector<1000x128xf32>
    %reduce_sum3A_85 = arith.constant dense<0.000000e+00> : vector<1000xf32>
    %reduce_sum3A_86 = vector.multi_reduction <add>, %integer_pow3A_84, %reduce_sum3A_85 [1] : vector<1000x128xf32> to vector<1000xf32>
    %broadcast_in_dim3A_87 = vector.shape_cast %reduce_sum3A_86 : vector<1000xf32> to vector<1000x1xf32>
    %div3A_88 = arith.constant 1.280000e+02 : f32
    %div3A_89 = vector.broadcast %div3A_88 : f32 to vector<1000x1xf32>
    %div3A_90 = arith.divf %broadcast_in_dim3A_87, %div3A_89 : vector<1000x1xf32>
    %sub3A_91 = vector.broadcast %div3A_81 : vector<1000x1xf32> to vector<1000x128xf32>
    %sub3A_92 = arith.subf %add3A_69, %sub3A_91 : vector<1000x128xf32>
    %add3A_93 = arith.constant 9.99999974E-6 : f32
    %add3A_94 = vector.broadcast %add3A_93 : f32 to vector<1000x1xf32>
    %add3A_95 = arith.addf %div3A_90, %add3A_94 : vector<1000x1xf32>
    %rsqrt3A_96 = math.rsqrt %add3A_95 : vector<1000x1xf32>
    %mul3A_97 = vector.broadcast %rsqrt3A_96 : vector<1000x1xf32> to vector<1000x128xf32>
    %mul3A_98 = arith.mulf %sub3A_92, %mul3A_97 : vector<1000x128xf32>
    %mul3A_99 = vector.broadcast %get3A_72 : vector<1x128xf32> to vector<1000x128xf32>
    %mul3A_100 = arith.mulf %mul3A_98, %mul3A_99 : vector<1000x128xf32>
    %add3A_101 = vector.broadcast %get3A_75 : vector<1x128xf32> to vector<1000x128xf32>
    %add3A_102 = arith.addf %mul3A_100, %add3A_101 : vector<1000x128xf32>
    %swap3A = arith.constant 0 : index
    %swap3A_103 = arith.constant 0 : index
    %swap3A_104 = vector.load %arg13[%swap3A, %swap3A_103] : memref<1000x128xf32, #tpu.memory_space<vmem>>, vector<1000x128xf32>
    tpu.vector_store %arg13[%swap3A, %swap3A_103], %add3A_102 {strides = array<i32>} : memref<1000x128xf32, #tpu.memory_space<vmem>>, vector<1000x128xf32>,
    return
  }
  func.func @transform_0(%arg0: i32) -> (i32, i32, i32) {
    %c0_i32 = arith.constant 0 : i32
    %c0_i32_0 = arith.constant 0 : i32
    %c0_i32_1 = arith.constant 0 : i32
    return %c0_i32, %arg0, %c0_i32_0 : i32, i32, i32
  }
  func.func @transform_1(%arg0: i32) -> (i32, i32) {
    %c0_i32 = arith.constant 0 : i32
    %c0_i32_0 = arith.constant 0 : i32
    return %arg0, %c0_i32 : i32, i32
  }
  func.func @transform_2(%arg0: i32) -> (i32, i32) {
    %c0_i32 = arith.constant 0 : i32
    %c0_i32_0 = arith.constant 0 : i32
    %c0_i32_1 = arith.constant 0 : i32
    return %c0_i32, %c0_i32_0 : i32, i32
  }
  func.func @transform_3(%arg0: i32) -> (i32, i32) {
    %c0_i32 = arith.constant 0 : i32
    %c0_i32_0 = arith.constant 0 : i32
    %c0_i32_1 = arith.constant 0 : i32
    return %c0_i32, %c0_i32_0 : i32, i32
  }
  func.func @transform_4(%arg0: i32) -> (i32, i32) {
    %c0_i32 = arith.constant 0 : i32
    %c0_i32_0 = arith.constant 0 : i32
    %c0_i32_1 = arith.constant 0 : i32
    return %c0_i32, %c0_i32_0 : i32, i32
  }
  func.func @transform_5(%arg0: i32) -> (i32, i32) {
    %c0_i32 = arith.constant 0 : i32
    %c0_i32_0 = arith.constant 0 : i32
    %c0_i32_1 = arith.constant 0 : i32
    return %c0_i32, %c0_i32_0 : i32, i32
  }
  func.func @transform_6(%arg0: i32) -> (i32, i32) {
    %c0_i32 = arith.constant 0 : i32
    %c0_i32_0 = arith.constant 0 : i32
    %c0_i32_1 = arith.constant 0 : i32
    return %c0_i32, %c0_i32_0 : i32, i32
  }
  func.func @transform_7(%arg0: i32) -> (i32, i32) {
    %c0_i32 = arith.constant 0 : i32
    %c0_i32_0 = arith.constant 0 : i32
    %c0_i32_1 = arith.constant 0 : i32
    return %c0_i32, %c0_i32_0 : i32, i32
  }
  func.func @transform_8(%arg0: i32) -> (i32, i32) {
    %c0_i32 = arith.constant 0 : i32
    %c0_i32_0 = arith.constant 0 : i32
    %c0_i32_1 = arith.constant 0 : i32
    return %c0_i32, %c0_i32_0 : i32, i32
  }
  func.func @transform_9(%arg0: i32) -> (i32, i32) {
    %c0_i32 = arith.constant 0 : i32
    %c0_i32_0 = arith.constant 0 : i32
    %c0_i32_1 = arith.constant 0 : i32
    return %c0_i32, %c0_i32_0 : i32, i32
  }
  func.func @transform_10(%arg0: i32) -> (i32, i32) {
    %c0_i32 = arith.constant 0 : i32
    %c0_i32_0 = arith.constant 0 : i32
    %c0_i32_1 = arith.constant 0 : i32
    return %c0_i32, %c0_i32_0 : i32, i32
  }
  func.func @transform_11(%arg0: i32) -> (i32, i32) {
    %c0_i32 = arith.constant 0 : i32
    %c0_i32_0 = arith.constant 0 : i32
    %c0_i32_1 = arith.constant 0 : i32
    return %c0_i32, %c0_i32_0 : i32, i32
  }
  func.func @transform_12(%arg0: i32) -> (i32, i32) {
    %c0_i32 = arith.constant 0 : i32
    %c0_i32_0 = arith.constant 0 : i32
    return %arg0, %c0_i32 : i32, i32
  }
}

module attributes {stable_mosaic.version = 14 : i64} {
  func.func @_ko_body(%arg0: i32, %arg1: memref<2x1000x64xf32, #tpu.memory_space<vmem>>, %arg2: memref<1000x128xf32, #tpu.memory_space<vmem>>, %arg3: memref<128x128xf32, #tpu.memory_space<vmem>>, %arg4: memref<1x128xf32, #tpu.memory_space<vmem>>, %arg5: memref<128x256xf32, #tpu.memory_space<vmem>>, %arg6: memref<1x256xf32, #tpu.memory_space<vmem>>, %arg7: memref<256x128xf32, #tpu.memory_space<vmem>>, %arg8: memref<1x128xf32, #tpu.memory_space<vmem>>, %arg9: memref<1x128xf32, #tpu.memory_space<vmem>>, %arg10: memref<1x128xf32, #tpu.memory_space<vmem>>, %arg11: memref<1x128xf32, #tpu.memory_space<vmem>>, %arg12: memref<1x128xf32, #tpu.memory_space<vmem>>, %arg13: memref<1000x128xf32, #tpu.memory_space<vmem>>) attributes {dimension_semantics = [#tpu.dimension_semantics<arbitrary>], iteration_bounds = array<i64: 10>, scalar_prefetch = 0 : i64, scratch_operands = 0 : i64, tpu.core_type = #tpu.core_type<tc>, window_params = [{transform_indices = @transform_0, window_bounds = array<i64: 2, 1000, 64>}, {transform_indices = @transform_1, window_bounds = array<i64: 1000, 128>}, {pipeline_mode = #tpu.pipeline_mode<synchronous>, transform_indices = @transform_2, window_bounds = array<i64: 128, 128>}, {pipeline_mode = #tpu.pipeline_mode<synchronous>, transform_indices = @transform_3, window_bounds = array<i64: 1, 128>}, {pipeline_mode = #tpu.pipeline_mode<synchronous>, transform_indices = @transform_4, window_bounds = array<i64: 128, 256>}, {pipeline_mode = #tpu.pipeline_mode<synchronous>, transform_indices = @transform_5, window_bounds = array<i64: 1, 256>}, {pipeline_mode = #tpu.pipeline_mode<synchronous>, transform_indices = @transform_6, window_bounds = array<i64: 256, 128>}, {pipeline_mode = #tpu.pipeline_mode<synchronous>, transform_indices = @transform_7, window_bounds = array<i64: 1, 128>}, {pipeline_mode = #tpu.pipeline_mode<synchronous>, transform_indices = @transform_8, window_bounds = array<i64: 1, 128>}, {pipeline_mode = #tpu.pipeline_mode<synchronous>, transform_indices = @transform_9, window_bounds = array<i64: 1, 128>}, {pipeline_mode = #tpu.pipeline_mode<synchronous>, transform_indices = @transform_10, window_bounds = array<i64: 1, 128>}, {pipeline_mode = #tpu.pipeline_mode<synchronous>, transform_indices = @transform_11, window_bounds = array<i64: 1, 128>}, {transform_indices = @transform_12, window_bounds = array<i64: 1000, 128>}]} {
    %get3A = arith.constant 0 : index
    %get3A_0 = arith.constant 0 : index
    %get3A_1 = arith.constant 0 : index
    %get3A_2 = vector.load %arg1[%get3A, %get3A_0, %get3A_1] : memref<2x1000x64xf32, #tpu.memory_space<vmem>>, vector<1x1000x64xf32>
    %get3A_3 = vector.shape_cast %get3A_2 : vector<1x1000x64xf32> to vector<1000x64xf32>
    %get3A_4 = arith.constant 1 : index
    %get3A_5 = arith.constant 0 : index
    %get3A_6 = arith.constant 0 : index
    %get3A_7 = vector.load %arg1[%get3A_4, %get3A_5, %get3A_6] : memref<2x1000x64xf32, #tpu.memory_space<vmem>>, vector<1x1000x64xf32>
    %get3A_8 = vector.shape_cast %get3A_7 : vector<1x1000x64xf32> to vector<1000x64xf32>
    %concatenate3A = tpu.concatenate %get3A_3, %get3A_8 in 1 : vector<1000x64xf32>, vector<1000x64xf32> -> vector<1000x128xf32>
    %get3A_9 = arith.constant 0 : index
    %get3A_10 = arith.constant 0 : index
    %get3A_11 = vector.load %arg3[%get3A_9, %get3A_10] : memref<128x128xf32, #tpu.memory_space<vmem>>, vector<128x128xf32>
    %dot_general3A = arith.constant dense<0.000000e+00> : vector<1000x128xf32>
    %dot_general3A_12 = tpu.matmul %concatenate3A, %get3A_11, %dot_general3A {dimension_numbers = #tpu.dot_dimension_numbers<[1], [0], [0], [1], [0, 0, 1, 1], [], []>, transpose_lhs_hint = false} : vector<1000x128xf32>, vector<128x128xf32>, vector<1000x128xf32> -> vector<1000x128xf32>
    %get3A_13 = arith.constant 0 : index
    %get3A_14 = arith.constant 0 : index
    %get3A_15 = vector.load %arg4[%get3A_13, %get3A_14] : memref<1x128xf32, #tpu.memory_space<vmem>>, vector<1x128xf32>
    %add3A = vector.broadcast %get3A_15 : vector<1x128xf32> to vector<1000x128xf32>
    %add3A_16 = arith.addf %dot_general3A_12, %add3A : vector<1000x128xf32>
    %get3A_17 = arith.constant 0 : index
    %get3A_18 = arith.constant 0 : index
    %get3A_19 = vector.load %arg2[%get3A_17, %get3A_18] : memref<1000x128xf32, #tpu.memory_space<vmem>>, vector<1000x128xf32>
    %add3A_20 = arith.addf %get3A_19, %add3A_16 : vector<1000x128xf32>
    %get3A_21 = arith.constant 0 : index
    %get3A_22 = arith.constant 0 : index
    %get3A_23 = vector.load %arg9[%get3A_21, %get3A_22] : memref<1x128xf32, #tpu.memory_space<vmem>>, vector<1x128xf32>
    %get3A_24 = arith.constant 0 : index
    %get3A_25 = arith.constant 0 : index
    %get3A_26 = vector.load %arg10[%get3A_24, %get3A_25] : memref<1x128xf32, #tpu.memory_space<vmem>>, vector<1x128xf32>
    %reduce_sum3A = arith.constant dense<0.000000e+00> : vector<1000xf32>
    %reduce_sum3A_27 = vector.multi_reduction <add>, %add3A_20, %reduce_sum3A [1] : vector<1000x128xf32> to vector<1000xf32>
    %broadcast_in_dim3A = vector.shape_cast %reduce_sum3A_27 : vector<1000xf32> to vector<1000x1xf32>
    %div3A = arith.constant 1.280000e+02 : f32
    %div3A_28 = vector.broadcast %div3A : f32 to vector<1000x1xf32>
    %div3A_29 = arith.divf %broadcast_in_dim3A, %div3A_28 : vector<1000x1xf32>
    %sub3A = vector.broadcast %div3A_29 : vector<1000x1xf32> to vector<1000x128xf32>
    %sub3A_30 = arith.subf %add3A_20, %sub3A : vector<1000x128xf32>
    %integer_pow3A = arith.mulf %sub3A_30, %sub3A_30 : vector<1000x128xf32>
    %reduce_sum3A_31 = arith.constant dense<0.000000e+00> : vector<1000xf32>
    %reduce_sum3A_32 = vector.multi_reduction <add>, %integer_pow3A, %reduce_sum3A_31 [1] : vector<1000x128xf32> to vector<1000xf32>
    %broadcast_in_dim3A_33 = vector.shape_cast %reduce_sum3A_32 : vector<1000xf32> to vector<1000x1xf32>
    %div3A_34 = arith.constant 1.280000e+02 : f32
    %div3A_35 = vector.broadcast %div3A_34 : f32 to vector<1000x1xf32>
    %div3A_36 = arith.divf %broadcast_in_dim3A_33, %div3A_35 : vector<1000x1xf32>
    %sub3A_37 = vector.broadcast %div3A_29 : vector<1000x1xf32> to vector<1000x128xf32>
    %sub3A_38 = arith.subf %add3A_20, %sub3A_37 : vector<1000x128xf32>
    %add3A_39 = arith.constant 9.99999974E-6 : f32
    %add3A_40 = vector.broadcast %add3A_39 : f32 to vector<1000x1xf32>
    %add3A_41 = arith.addf %div3A_36, %add3A_40 : vector<1000x1xf32>
    %rsqrt3A = math.rsqrt %add3A_41 : vector<1000x1xf32>
    %mul3A = vector.broadcast %rsqrt3A : vector<1000x1xf32> to vector<1000x128xf32>
    %mul3A_42 = arith.mulf %sub3A_38, %mul3A : vector<1000x128xf32>
    %mul3A_43 = vector.broadcast %get3A_23 : vector<1x128xf32> to vector<1000x128xf32>
    %mul3A_44 = arith.mulf %mul3A_42, %mul3A_43 : vector<1000x128xf32>
    %add3A_45 = vector.broadcast %get3A_26 : vector<1x128xf32> to vector<1000x128xf32>
    %add3A_46 = arith.addf %mul3A_44, %add3A_45 : vector<1000x128xf32>
    %get3A_47 = arith.constant 0 : index
    %get3A_48 = arith.constant 0 : index
    %get3A_49 = vector.load %arg5[%get3A_47, %get3A_48] : memref<128x256xf32, #tpu.memory_space<vmem>>, vector<128x256xf32>
    %dot_general3A_50 = arith.constant dense<0.000000e+00> : vector<1000x256xf32>
    %dot_general3A_51 = tpu.matmul %add3A_46, %get3A_49, %dot_general3A_50 {dimension_numbers = #tpu.dot_dimension_numbers<[1], [0], [0], [1], [0, 0, 1, 1], [], []>, transpose_lhs_hint = false} : vector<1000x128xf32>, vector<128x256xf32>, vector<1000x256xf32> -> vector<1000x256xf32>
    %get3A_52 = arith.constant 0 : index
    %get3A_53 = arith.constant 0 : index
    %get3A_54 = vector.load %arg6[%get3A_52, %get3A_53] : memref<1x256xf32, #tpu.memory_space<vmem>>, vector<1x256xf32>
    %add3A_55 = vector.broadcast %get3A_54 : vector<1x256xf32> to vector<1000x256xf32>
    %add3A_56 = arith.addf %dot_general3A_51, %add3A_55 : vector<1000x256xf32>
    %max3A = arith.constant 0.000000e+00 : f32
    %max3A_57 = vector.broadcast %max3A : f32 to vector<1000x256xf32>
    %max3A_58 = arith.maximumf %add3A_56, %max3A_57 : vector<1000x256xf32>
    %get3A_59 = arith.constant 0 : index
    %get3A_60 = arith.constant 0 : index
    %get3A_61 = vector.load %arg7[%get3A_59, %get3A_60] : memref<256x128xf32, #tpu.memory_space<vmem>>, vector<256x128xf32>
    %dot_general3A_62 = arith.constant dense<0.000000e+00> : vector<1000x128xf32>
    %dot_general3A_63 = tpu.matmul %max3A_58, %get3A_61, %dot_general3A_62 {dimension_numbers = #tpu.dot_dimension_numbers<[1], [0], [0], [1], [0, 0, 1, 1], [], []>, transpose_lhs_hint = false} : vector<1000x256xf32>, vector<256x128xf32>, vector<1000x128xf32> -> vector<1000x128xf32>
    %get3A_64 = arith.constant 0 : index
    %get3A_65 = arith.constant 0 : index
    %get3A_66 = vector.load %arg8[%get3A_64, %get3A_65] : memref<1x128xf32, #tpu.memory_space<vmem>>, vector<1x128xf32>
    %add3A_67 = vector.broadcast %get3A_66 : vector<1x128xf32> to vector<1000x128xf32>
    %add3A_68 = arith.addf %dot_general3A_63, %add3A_67 : vector<1000x128xf32>
    %add3A_69 = arith.addf %add3A_46, %add3A_68 : vector<1000x128xf32>
    %get3A_70 = arith.constant 0 : index
    %get3A_71 = arith.constant 0 : index
    %get3A_72 = vector.load %arg11[%get3A_70, %get3A_71] : memref<1x128xf32, #tpu.memory_space<vmem>>, vector<1x128xf32>
    %get3A_73 = arith.constant 0 : index
    %get3A_74 = arith.constant 0 : index
    %get3A_75 = vector.load %arg12[%get3A_73, %get3A_74] : memref<1x128xf32, #tpu.memory_space<vmem>>, vector<1x128xf32>
    %reduce_sum3A_76 = arith.constant dense<0.000000e+00> : vector<1000xf32>
    %reduce_sum3A_77 = vector.multi_reduction <add>, %add3A_69, %reduce_sum3A_76 [1] : vector<1000x128xf32> to vector<1000xf32>
    %broadcast_in_dim3A_78 = vector.shape_cast %reduce_sum3A_77 : vector<1000xf32> to vector<1000x1xf32>
    %div3A_79 = arith.constant 1.280000e+02 : f32
    %div3A_80 = vector.broadcast %div3A_79 : f32 to vector<1000x1xf32>
    %div3A_81 = arith.divf %broadcast_in_dim3A_78, %div3A_80 : vector<1000x1xf32>
    %sub3A_82 = vector.broadcast %div3A_81 : vector<1000x1xf32> to vector<1000x128xf32>
    %sub3A_83 = arith.subf %add3A_69, %sub3A_82 : vector<1000x128xf32>
    %integer_pow3A_84 = arith.mulf %sub3A_83, %sub3A_83 : vector<1000x128xf32>
    %reduce_sum3A_85 = arith.constant dense<0.000000e+00> : vector<1000xf32>
    %reduce_sum3A_86 = vector.multi_reduction <add>, %integer_pow3A_84, %reduce_sum3A_85 [1] : vector<1000x128xf32> to vector<1000xf32>
    %broadcast_in_dim3A_87 = vector.shape_cast %reduce_sum3A_86 : vector<1000xf32> to vector<1000x1xf32>
    %div3A_88 = arith.constant 1.280000e+02 : f32
    %div3A_89 = vector.broadcast %div3A_88 : f32 to vector<1000x1xf32>
    %div3A_90 = arith.divf %broadcast_in_dim3A_87, %div3A_89 : vector<1000x1xf32>
    %sub3A_91 = vector.broadcast %div3A_81 : vector<1000x1xf32> to vector<1000x128xf32>
    %sub3A_92 = arith.subf %add3A_69, %sub3A_91 : vector<1000x128xf32>
    %add3A_93 = arith.constant 9.99999974E-6 : f32
    %add3A_94 = vector.broadcast %add3A_93 : f32 to vector<1000x1xf32>
    %add3A_95 = arith.addf %div3A_90, %add3A_94 : vector<1000x1xf32>
    %rsqrt3A_96 = math.rsqrt %add3A_95 : vector<1000x1xf32>
    %mul3A_97 = vector.broadcast %rsqrt3A_96 : vector<1000x1xf32> to vector<1000x128xf32>
    %mul3A_98 = arith.mulf %sub3A_92, %mul3A_97 : vector<1000x128xf32>
    %mul3A_99 = vector.broadcast %get3A_72 : vector<1x128xf32> to vector<1000x128xf32>
    %mul3A_100 = arith.mulf %mul3A_98, %mul3A_99 : vector<1000x128xf32>
    %add3A_101 = vector.broadcast %get3A_75 : vector<1x128xf32> to vector<1000x128xf32>
    %add3A_102 = arith.addf %mul3A_100, %add3A_101 : vector<1000x128xf32>
    %swap3A = arith.constant 0 : index
    %swap3A_103 = arith.constant 0 : index
    %swap3A_104 = vector.load %arg13[%swap3A, %swap3A_103] : memref<1000x128xf32, #tpu.memory_space<vmem>>, vector<1000x128xf32>
    tpu.vector_store %arg13[%swap3A, %swap3A_103], %add3A_102 {strides = array<i32>} : memref<1000x128xf32, #tpu.memory_space<vmem>>, vector<1000x128xf32>,
    return
  }
  func.func @transform_0(%arg0: i32) -> (i32, i32, i32) {
    %c0_i32 = arith.constant 0 : i32
    %c0_i32_0 = arith.constant 0 : i32
    %c0_i32_1 = arith.constant 0 : i32
    return %c0_i32, %arg0, %c0_i32_0 : i32, i32, i32
  }
  func.func @transform_1(%arg0: i32) -> (i32, i32) {
    %c0_i32 = arith.constant 0 : i32
    %c0_i32_0 = arith.constant 0 : i32
    return %arg0, %c0_i32 : i32, i32
  }
  func.func @transform_2(%arg0: i32) -> (i32, i32) {
    %c0_i32 = arith.constant 0 : i32
    %c0_i32_0 = arith.constant 0 : i32
    %c0_i32_1 = arith.constant 0 : i32
    return %c0_i32, %c0_i32_0 : i32, i32
  }
  func.func @transform_3(%arg0: i32) -> (i32, i32) {
    %c0_i32 = arith.constant 0 : i32
    %c0_i32_0 = arith.constant 0 : i32
    %c0_i32_1 = arith.constant 0 : i32
    return %c0_i32, %c0_i32_0 : i32, i32
  }
  func.func @transform_4(%arg0: i32) -> (i32, i32) {
    %c0_i32 = arith.constant 0 : i32
    %c0_i32_0 = arith.constant 0 : i32
    %c0_i32_1 = arith.constant 0 : i32
    return %c0_i32, %c0_i32_0 : i32, i32
  }
  func.func @transform_5(%arg0: i32) -> (i32, i32) {
    %c0_i32 = arith.constant 0 : i32
    %c0_i32_0 = arith.constant 0 : i32
    %c0_i32_1 = arith.constant 0 : i32
    return %c0_i32, %c0_i32_0 : i32, i32
  }
  func.func @transform_6(%arg0: i32) -> (i32, i32) {
    %c0_i32 = arith.constant 0 : i32
    %c0_i32_0 = arith.constant 0 : i32
    %c0_i32_1 = arith.constant 0 : i32
    return %c0_i32, %c0_i32_0 : i32, i32
  }
  func.func @transform_7(%arg0: i32) -> (i32, i32) {
    %c0_i32 = arith.constant 0 : i32
    %c0_i32_0 = arith.constant 0 : i32
    %c0_i32_1 = arith.constant 0 : i32
    return %c0_i32, %c0_i32_0 : i32, i32
  }
  func.func @transform_8(%arg0: i32) -> (i32, i32) {
    %c0_i32 = arith.constant 0 : i32
    %c0_i32_0 = arith.constant 0 : i32
    %c0_i32_1 = arith.constant 0 : i32
    return %c0_i32, %c0_i32_0 : i32, i32
  }
  func.func @transform_9(%arg0: i32) -> (i32, i32) {
    %c0_i32 = arith.constant 0 : i32
    %c0_i32_0 = arith.constant 0 : i32
    %c0_i32_1 = arith.constant 0 : i32
    return %c0_i32, %c0_i32_0 : i32, i32
  }
  func.func @transform_10(%arg0: i32) -> (i32, i32) {
    %c0_i32 = arith.constant 0 : i32
    %c0_i32_0 = arith.constant 0 : i32
    %c0_i32_1 = arith.constant 0 : i32
    return %c0_i32, %c0_i32_0 : i32, i32
  }
  func.func @transform_11(%arg0: i32) -> (i32, i32) {
    %c0_i32 = arith.constant 0 : i32
    %c0_i32_0 = arith.constant 0 : i32
    %c0_i32_1 = arith.constant 0 : i32
    return %c0_i32, %c0_i32_0 : i32, i32
  }
  func.func @transform_12(%arg0: i32) -> (i32, i32) {
    %c0_i32 = arith.constant 0 : i32
    %c0_i32_0 = arith.constant 0 : i32
    return %arg0, %c0_i32 : i32, i32
  }
}

</mosaic_0001>

<sc_bundles>
// kernel: kernel.13.cloned.1.call-start
scs
__scs_entry_jumppad:
0x0: {  	(pc) =	sbr.rel $0x88, $3  }
0x1: {  	(tag) =	ssettag $0x0;
	lr =	simm.s32 $0x1  }
0x2: {  	[smem:$0x3F7B] =	sst lr;
	_ =	strace $0xD0000000  }
0x3: {  	_ = 	snop  }
0x4: {  	_ = 	snop  }
0x5: {  	_ = 	snop  }
0x6: {  	_ = 	snop  }
0x7: {  	_ = 	snop  }
__scs_overlays_trampoline_lowered:
0x8: {  	[smem:$0x3F8A] =	sst s0  }
0x9: {  	[smem:$0x3F8B] =	sst s1  }
0xa: {  	[smem:$0x3F8C] =	sst s2  }
0xb: {  	[smem:$0x3F8D] =	sst s3  }
0xc: {  	[smem:$0x3F8E] =	sst s4  }
0xd: {  	[smem:$0x3F8F] =	sst s5  }
0xe: {  	[smem:$0x3F90] =	sst s6  }
0xf: {  	[smem:$0x3F91] =	sst s7  }
0x10: {  	[smem:$0x3F92] =	sst s8  }
0x11: {  	[smem:$0x3F93] =	sst s9;
	s0 =	simm.s32 @!p0 $0x0  }
0x12: {  	s1 =	sld [smem:$0x3F79];
	s0 =	simm.s32 @p0 $0x1  }
0x13: {  	[smem:$0x3F94] =	sst s0;
	s0 =	simm.s32 @!p1 $0x0  }
0x14: {  	s2 =	sld [smem:$0x3F78];
	s0 =	simm.s32 @p1 $0x1  }
0x15: {  	[smem:$0x3F95] =	sst s0;
	s0 =	simm.s32 @!p2 $0x0  }
0x16: {  	s3 =	sld [smem:$0x3FDB];
	s0 =	simm.s32 @p2 $0x1  }
0x17: {  	s4 =	simm.s32 $0x1BF5;
	[smem:$0x3F97] =	sst s0  }
0x18: {  	s0 =	sld [smem:$0x3F7A];
	_ =	swait.ge [sflag:s4], $0x0  }
0x19: {  	s7 =	sld [smem:$0x3F7B]  }
0x1a: {  	s8 =	sadd.s32 $0xFFFFE003, lr  }
0x1b: {  	s9 =	sadd.s32 $0xFFFFFEF7, lr;
	s5 =	simm.s32 $0xFFFFFFFF;
	p2 =	slt.u32 s8, $0xFFFFF086  }
0x1c: {  	p1 =	slt.u32 s9, $0xF7A;
	s5 =	simm.s32 @!p2 $0x0  }
0x1d: {  	s5 =	simm.s32 @p1 $0x1;
	p0 =	seq.s32 s7, s2  }
0x1e: {  	s7 =	smul.u32 @!p0 $0xF7A, s2;
	p2 =	seq.s32 @!p0 s5, $0x0  }
0x1f: {  	s9 =	smul.u32 $0xF7A, s1;
	s8 =	simm.s32 @!p0 $0x1BF5;
	p2 =	por !p2, p0  }
0x20: {  	[sflag:s8] =	ssyncset.s32 @!p0 $0xFFFFF086;
	s6 =	sadd.s32 @!p0 s3, s7;
	s7 =	simm.s32 @!p0 $0x108  }
0x21: {  	s3 =	sadd.s32 s3, s9;
	s6 =	sadd.s32 @!p0 $0x88, s6;
	s7 =	simm.s32 @p2 $0x1082  }
0x22: {  	[simem:s7], [sflag:s8] =	dma.local @!p0 [hbm:s6], $0xF7A  }
0x23: {  	s9 =	sor.u32 $0xD0000000, s2;
	s6 =	simm.s32 $0x108;
	_ =	swait.ge @!p0 [sflag:s8], $0x0  }
0x24: {  	s3 =	sadd.s32 $0x88, s3;
	s6 =	simm.s32 @!p1 $0x1082;
	[sflag:s4] =	ssyncset.s32 $0xFFFFF086  }
0x25: {  	[simem:s6], [sflag:s4] =	dma.local [hbm:s3], $0xF7A  }
0x26: {  	[smem:$0x3F7B] =	sst s1;
	(tag) =	ssettag s2;
	_ =	strace s9  }
0x27: {  	s1 =	sld [smem:$0x3F8B]  }
0x28: {  	s2 =	sld [smem:$0x3F8C]  }
0x29: {  	s4 =	sld [smem:$0x3F8E]  }
0x2a: {  	p0 =	seq.s32 s5, $0x0;
	s5 =	sld [smem:$0x3F8F]  }
0x2b: {  	s6 =	sld [smem:$0x3F90]  }
0x2c: {  	s7 =	sld [smem:$0x3F91]  }
0x2d: {  	s3 =	simm.s32 $0x108;
	s8 =	sld [smem:$0x3F92]  }
0x2e: {  	s3 =	simm.s32 @!p0 $0x1082;
	s9 =	sld [smem:$0x3F93]  }
0x2f: {  	lr =	sadd.s32 s0, s3;
	s0 =	sld [smem:$0x3F8A]  }
0x30: {  	s3 =	sld [smem:$0x3F8D]  }
0x31: {  	[smem:$0x3F96] =	sst s10  }
0x32: {  	s10 =	sld [smem:$0x3F94];
	_ =	sdelay $0x3  }
0x33: {  	p0 =	seq.s32 s10, $0x1;
	s10 =	sld [smem:$0x3F96];
	_ =	sdelay $0x3  }
0x34: {  	[smem:$0x3F96] =	sst s10  }
0x35: {  	s10 =	sld [smem:$0x3F95];
	_ =	sdelay $0x3  }
0x36: {  	p1 =	seq.s32 s10, $0x1;
	s10 =	sld [smem:$0x3F96];
	_ =	sdelay $0x3  }
0x37: {  	[smem:$0x3F96] =	sst s10  }
0x38: {  	s10 =	sld [smem:$0x3F97]  }
0x39: {  	_ = 	snop;
	(pc) =	sbr.ind lr, $3  }
0x3a: {  	_ = 	snop  }
0x3b: {  	_ = 	snop  }
0x3c: {  	p2 =	seq.s32 s10, $0x1;
	s10 =	sld [smem:$0x3F96]  }
0x3d: {  	_ =	shalt  }
0x3e: {  	_ =	shalt  }
0x3f: {  	_ =	shalt  }
0x40: {  	_ =	shalt  }
0x41: {  	_ =	shalt  }
0x42: {  	_ =	shalt  }
0x43: {  	_ =	shalt  }
0x44: {  	_ =	shalt  }
0x45: {  	_ =	shalt  }
0x46: {  	_ =	shalt  }
0x47: {  	_ =	shalt  }
0x48: {  	_ =	shalt  }
0x49: {  	_ =	shalt  }
0x4a: {  	_ =	shalt  }
0x4b: {  	_ =	shalt  }
0x4c: {  	_ =	shalt  }
0x4d: {  	_ =	shalt  }
0x4e: {  	_ =	shalt  }
0x4f: {  	_ =	shalt  }
0x50: {  	_ =	shalt  }
0x51: {  	_ =	shalt  }
0x52: {  	_ =	shalt  }
0x53: {  	_ =	shalt  }
0x54: {  	_ =	shalt  }
0x55: {  	_ =	shalt  }
0x56: {  	_ =	shalt  }
0x57: {  	_ =	shalt  }
0x58: {  	_ =	shalt  }
0x59: {  	_ =	shalt  }
0x5a: {  	_ =	shalt  }
0x5b: {  	_ =	shalt  }
0x5c: {  	_ =	shalt  }
0x5d: {  	_ =	shalt  }
0x5e: {  	_ =	shalt  }
0x5f: {  	_ =	shalt  }
0x60: {  	_ =	shalt  }
0x61: {  	_ =	shalt  }
0x62: {  	_ =	shalt  }
0x63: {  	_ =	shalt  }
0x64: {  	_ =	shalt  }
0x65: {  	_ =	shalt  }
0x66: {  	_ =	shalt  }
0x67: {  	_ =	shalt  }
0x68: {  	_ =	shalt  }
0x69: {  	_ =	shalt  }
0x6a: {  	_ =	shalt  }
0x6b: {  	_ =	shalt  }
0x6c: {  	_ =	shalt  }
0x6d: {  	_ =	shalt  }
0x6e: {  	_ =	shalt  }
0x6f: {  	_ =	shalt  }
0x70: {  	_ =	shalt  }
0x71: {  	_ =	shalt  }
0x72: {  	_ =	shalt  }
0x73: {  	_ =	shalt  }
0x74: {  	_ =	shalt  }
0x75: {  	_ =	shalt  }
0x76: {  	_ =	shalt  }
0x77: {  	_ =	shalt  }
0x78: {  	_ =	shalt  }
0x79: {  	_ =	shalt  }
0x7a: {  	_ =	shalt  }
0x7b: {  	_ =	shalt  }
0x7c: {  	_ =	shalt  }
0x7d: {  	_ =	shalt  }
0x7e: {  	_ =	shalt  }
0x7f: {  	_ =	shalt  }
0x80: {  	_ =	shalt  }
0x81: {  	_ =	shalt  }
0x82: {  	_ =	shalt  }
0x83: {  	_ =	shalt  }
0x84: {  	_ =	shalt  }
0x85: {  	_ =	shalt  }
0x86: {  	_ =	shalt  }
0x87: {  	_ =	shalt  }
.Lfunc_end0:
.L_simem_size_0:
called_computation_lowered:
.L_overlay_start_0:
0x88: {  	s2 =	sld [smem:$0x3FD9]  }
0x89: {  	s3 =	sld [smem:$0x3FFE];
	_ =	sdelay $0x1  }
0x8a: {  	s1 =	srdreg.scid  }
0x8b: {  	s0 =	sand.u32 $0x1, s1  }
0x8c: {  	s16 =	sshll.u32 s0, $0xA;
	s2 =	sadd.s32 s3, s2  }
0x8d: {  	s2 =	sadd.s32 s2, s16  }
0x8e: {  	[smem:$0x3FA2] =	sst s2  }
0x8f: {  	_ = 	snop  }
0x90: {  	(tm) =	ssettm $0x1  }
0x91: {  	s17 =	sld [smem:$0x3FFB];
	_ =	sdelay $0x3  }
0x92: {  	_ =	strace s17  }
0x93: {  	s2 =	sld [smem:$0x3FFC];
	_ =	sdelay $0x3  }
0x94: {  	_ =	strace s2  }
0x95: {  	s2 =	sld [smem:$0x3FFD];
	_ =	sdelay $0x3  }
0x96: {  	_ =	strace s2  }
0x97: {  	_ =	strace $0x8FFFFFFF  }
0x98: {  	s18 =	sld [smem:$0x3FDB];
	_ =	sdelay $0x1  }
0x99: {  	s19 =	simm.s32 $_scs_section_size  }
0x9a: {  	s4 =	simm.s32 $_size__tile_overlayer_lowered;
	s5 =	simm.s32 $_tile_overlayer_lowered  }
0x9b: {  	s22 =	simm.s32 $0x1BFF;
	s21 =	sshll.u32 s5, $0x1;
	s2 =	sadd.s32 s19, s18  }
0x9c: {  	s6 =	simm.s32 $0x0;
	s20 =	sshll.u32 s4, $0x1;
	s4 =	sadd.s32 s21, s2  }
0x9d: {  	[timem:s6], [sflag:s22] =	dma.local [hbm:s4], s20  }
0x9e: {  	_ =	swait.ge [sflag:s22], s20  }
0x9f: {  	s3 =	ssub.s32 $0x0, s20;
	[sflag:s22] =	ssyncset.done $0x0  }
0xa0: {  	[sflag:s22] =	ssyncadd.s32 s3;
	_ =	sdelay $0x1  }
0xa1: {  	s23 =	simm.s32 $0x1B8B  }
0xa2: {  	_ =	swait.ge [sflag:s23], $0x1  }
0xa3: {  	[sflag:s23] =	ssyncset.done $0x0  }
0xa4: {  	s25 =	simm.s32 $0x1B8E;
	s24 =	sld [smem:$0x3FFE];
	[sflag:s23] =	ssyncadd.s32 $0xFFFFFFFF  }
0xa5: {  	s26 =	simm.s32 $execute0_lowered;
	[smem:$0x3FD2] =	sst s25  }
0xa6: {  	s4 =	sshll.u32 s26, $0x1;
	_ =	strace $0x80000046;
	[dreg:$0x1] =	wrdreg $0xFFFFFFFF  }
0xa7: {  	s28 =	simm.s32 $_size_execute0_lowered;
	s2 =	sadd.s32 s2, s4;
	[dreg:$0x0] =	wrdreg $0x0  }
0xa8: {  	s4 =	sshll.u32 s28, $0x1;
	[dreg:$0x2] =	wrdreg s2  }
0xa9: {  	[dreg:$0x3] =	wrdreg s4  }
0xaa: {  	[dreg:$0x4] =	wrdreg $0xC0  }
0xab: {  	_ =	task [dreg:s6], $0x5FFFF  }
0xac: {  	[dreg:$0x1] =	wrdreg $0xFFFFFFFF  }
0xad: {  	[dreg:$0x0] =	wrdreg $0x60  }
0xae: {  	[dreg:$0x2] =	wrdreg s24  }
0xaf: {  	[dreg:$0x3] =	wrdreg $0x9  }
0xb0: {  	_ =	task.clear_ibuf [dreg:s6], $0x4FFFF;
	_ =	strace $0x90000046  }
0xb1: {  	s29 =	simm.s32 $0x9;
	_ =	strace $0x80000048  }
0xb2: {  	_ =	swait.ge [sflag:s29], $0x1  }
0xb3: {  	[sflag:s29] =	ssyncadd.s32 $0xFFFFFFFF  }
0xb4: {  	_ =	strace $0x90000048  }
0xb5: {  	_ =	sfence  }
0xb6: {  	s30 =	sld [smem:$0x0];
	_ =	sdelay $0x2  }
0xb7: {  	s31 =	sshll.u32 s1, $0xD;
	s1 =	sshrl.u32 s1, $0x2  }
0xb8: {  	s3 =	sand.u32 $0x4000, s31;
	s1 =	sadd.s32 s1, s30  }
0xb9: {  	s0 =	sor.u32 s3, s0;
	s1 =	sshll.u32 s1, $0x11  }
0xba: {  	s0 =	sor.u32 s1, s0  }
0xbb: {  	s0 =	sadd.s32 $0x8F2B, s0  }
0xbc: {  	[sflag:s0] =	ssyncadd.remote.s32 $0x1  }
0xbd: {  	_ =	sfence.sel $0xFFFF  }
0xbe: {  	[dreg:$0x0] =	wrdreg $0xFFFFFFFF;
	(pc) =	sbr.abs _section_cstart, $3  }
0xbf: {  	[dreg:$0x1] =	wrdreg $0xFFFFFFFF  }
0xc0: {  	_ =	task.clear_ibuf [dreg:s6], $0x2FFFF;
	_ =	strace $0x9FFFFFFF  }
0xc1: {  	(tm) =	ssettm $0x7FFFFFFF  }
tec
execute0_lowered:
.L_overlay_start_1:
0x0: {  	(tag) =	ssettag $0x1  }
0x1: {  	s7 =	rddreg [dreg:$0x0]  }
0x2: {  	s0 =	rddreg [dreg:$0x1]  }
0x3: {  	s1 =	simm.s32 $0x0;
	s2 =	srdreg.scid;
	s12 =	simm.s32 $0x9D00  }
0x4: {  	s13 =	simm.s32 $0x9D80;
	s14 =	simm.s32 $0x9E00;
	s15 =	simm.s32 $0x0  }
0x5: {  	[smem:$0x7FF] =	sst s1;
	s3 =	sadd.s32 $0x11E00, s7;
	s8 =	sand.u32 $0x1, s2  }
0x6: {  	s4 =	sadd.s32 $0x8000, s7;
	s2 =	stileid.u32;
	s5 =	sadd.s32 $0x6C00, s7  }
0x7: {  	s6 =	sadd.s32 $0x1BC00, s7;
	s7 =	sadd.s32 $0x25A00, s7;
	s9 =	ssub.s32 $0x2, s8  }
0x8: {  	_ =	strace $0x80000047;
	s11 =	sshll.u32 s2, $0x1;
	s10 =	sshrl.u32 s9, $0x1  }
0x9: {  	s8 =	sor.u32 s8, s11;
	s11 =	simm.s32 $0x9C80;
	s9 =	ssub.s32 s9, s10  }
0xa: {  	s8 =	smul.u32 $0x4F, s8;
	s10 =	simm.s32 $0x1;
	s9 =	smax.u32 s9, $0x1  }
.LBB2_1:
0xb: {  	[tilespmem:s1], [sflag:$0x1] =	stream.linear.gather [hbm4b:s5+s1], $0x9C80, $0x38;
	[tilespmem:$0x9E80] =	vst v63  }
0xc: {  	_ =	swait.ge [sflag:s10], $0x9C80  }
0xd: {  	[sflag:s10] =	ssyncset.done $0x0  }
0xe: {  	s16 =	simm.s32 $0x0;
	[sflag:s10] =	ssyncadd.s32 $0xFFFF6380  }
.LBB2_2:
0xf: {  	s17 =	sadd.s32 s8, s16  }
0x10: {  	s17 =	sshll.u32 s17, $0x4  }
0x11: {  	s19 =	simm.s32 $0x0;
	s18 =	sadd.s32 s3, s17  }
0x12: {  	[tilespmem:s11], [sflag:$0x1] =	stream.linear.gather [hbm4b:s18+s19], $0x80, $0x38;
	[tilespmem:$0x9E80] =	vst v63  }
0x13: {  	_ =	swait.ge [sflag:s10], $0x80  }
0x14: {  	[sflag:s10] =	ssyncset.done $0x0  }
0x15: {  	s31 =	sadd.s32 s4, s17;
	[sflag:s10] =	ssyncadd.s32 $0xFFFFFF80  }
0x16: {  	[tilespmem:s12], [sflag:$0x1] =	stream.linear.gather [hbm4b:s31+s19], $0x80, $0x38;
	[tilespmem:$0x9E80] =	vst v63  }
0x17: {  	_ =	swait.ge [sflag:s10], $0x80  }
0x18: {  	[sflag:s10] =	ssyncset.done $0x0  }
0x19: {  	s18 =	simm.s32 $0x0;
	[sflag:s10] =	ssyncadd.s32 $0xFFFFFF80  }
0x1a: {  	v0 =	vld [tilespmem:s18+$0x9D00]  }
0x1b: {  	v1 =	vld [tilespmem:s18+$0x9C80];
	_ =	sdelay $0x3  }
0x1c: {  	vm0 =	vlt.s32 v0, $0x270F  }
0x1d: {  	v0 =	vnsel vm0, $0x270F, v0  }
0x1e: {  	v2 =	vadd.s32 $0x4E20, v0  }
0x1f: {  	v0 =	vadd.s32 $0x7530, v0  }
0x20: {  	v3 =	vld.idx.msk [tilespmem:v1+s1+$0x0], $0xffff;
	v1 =	vadd.s32 $0x2710, v1;
	_ =	sdelay $0x2  }
0x21: {  	v2 =	vld.idx.msk [tilespmem:v2+s1+$0x0], $0xffff  }
0x22: {  	v0 =	vld.idx.msk [tilespmem:v0+s1+$0x0], $0xffff  }
0x23: {  	v1 =	vld.idx.msk [tilespmem:v1+s1+$0x0], $0xffff;
	_ =	sdelay $0x2  }
0x24: {  	v2 =	vadd.f32 v2, v3;
	_ =	sdelay $0x1  }
0x25: {  	v1 =	vadd.f32 v0, v1;
	v3 =	vmul.f32 $2.000000030e-01, v2  }
0x26: {  	vm13 =	vgt.f32 v2, $0.0e+00  }
0x27: {  	v2 =	vsel vm13, v2, v3;
	v3 =	vmul.f32 $2.000000030e-01, v1  }
0x28: {  	vm14 =	vgt.f32 v1, $0.0e+00  }
0x29: {  	v2 =	vmul.f32 $1.442695020e+00, v2;
	v1 =	vsel vm14, v1, v3  }
0x2a: {  	v1 =	vmul.f32 $1.442695020e+00, v1  }
0x2b: {  	(erf) = vpow2.f32 v2  }
0x2c: {  	s19 =	simm.s32 $0x10;
	(erf) = vpow2.f32 v1  }
0x2d: {  	v2 =	vld [tilespmem:s19+$0x9D00]  }
0x2e: {  	v0 =	vld [tilespmem:s19+$0x9C80];
	_ =	sdelay $0x3  }
0x2f: {  	vm15 =	vlt.s32 v2, $0x270F  }
0x30: {  	v1 =	vnsel vm15, $0x270F, v2;
	v2 =	vadd.s32 $0x2710, v0  }
0x31: {  	s20 =	simm.s32 $0x80;
	v3 =	vadd.s32 $0x4E20, v1;
	v1 =	vadd.s32 $0x7530, v1;
	v4 =	vpop (erf)  }
.LBB2_3:
0x32: {  	p0 =	sne.s32 s20, $0x1C0;
	[tilespmem:s18+$0x9D80] =	vst v4;
	v4 =	vpop (erf);
	s21 =	smov.u32 s20;
	s20 =	sadd.s32 $0x40, s20  }
0x33: {  	[tilespmem:s18+$0x9E00] =	vst v4;
	s18 =	smov.u32 s19  }
0x34: {  	v0 =	vld.idx.msk [tilespmem:v0+s1+$0x0], $0xffff  }
0x35: {  	v2 =	vld.idx.msk [tilespmem:v2+s1+$0x0], $0xffff  }
0x36: {  	v3 =	vld.idx.msk [tilespmem:v3+s1+$0x0], $0xffff  }
0x37: {  	v1 =	vld.idx.msk [tilespmem:v1+s1+$0x0], $0xffff;
	_ =	sdelay $0x4  }
0x38: {  	v0 =	vadd.f32 v3, v0  }
0x39: {  	v1 =	vadd.f32 v1, v2  }
0x3a: {  	v2 =	vmul.f32 $2.000000030e-01, v0  }
0x3b: {  	vm0 =	vgt.f32 v0, $0.0e+00;
	vm1 =	vgt.f32 v1, $0.0e+00;
	v3 =	vmul.f32 $2.000000030e-01, v1  }
0x3c: {  	v0 =	vsel vm0, v0, v2  }
0x3d: {  	v1 =	vsel vm1, v1, v3;
	v0 =	vmul.f32 $1.442695020e+00, v0  }
0x3e: {  	v1 =	vmul.f32 $1.442695020e+00, v1  }
0x3f: {  	(erf) = vpow2.f32 v0  }
0x40: {  	s19 =	sshra.s32 s21, $0x2;
	(erf) = vpow2.f32 v1  }
0x41: {  	v1 =	vld [tilespmem:s19+$0x9D00]  }
0x42: {  	v0 =	vld [tilespmem:s19+$0x9C80];
	_ =	sdelay $0x1  }
.Ltmp0:
0x43: {  	(pc) =	sbr.rel @p0 .LBB2_3-.Ltmp0, $4  }
0x44: {  	_ = 	snop  }
0x45: {  	vm0 =	vlt.s32 v1, $0x270F  }
0x46: {  	v1 =	vnsel vm0, $0x270F, v1;
	v2 =	vadd.s32 $0x2710, v0  }
0x47: {  	v3 =	vadd.s32 $0x4E20, v1;
	v1 =	vadd.s32 $0x7530, v1;
	v4 =	vpop (erf)  }
0x48: {  	_ =	sdelay $0x1  }
0x49: {  	[tilespmem:s18+$0x9D80] =	vst v4;
	v60 =	vpop (erf)  }
0x4a: {  	[tilespmem:s18+$0x9E00] =	vst v60  }
0x4b: {  	v0 =	vld.idx.msk [tilespmem:v0+s1+$0x0], $0xffff  }
0x4c: {  	v2 =	vld.idx.msk [tilespmem:v2+s1+$0x0], $0xffff  }
0x4d: {  	v3 =	vld.idx.msk [tilespmem:v3+s1+$0x0], $0xffff  }
0x4e: {  	v1 =	vld.idx.msk [tilespmem:v1+s1+$0x0], $0xffff;
	_ =	sdelay $0x3  }
0x4f: {  	v0 =	vadd.f32 v3, v0  }
0x50: {  	v1 =	vadd.f32 v1, v2  }
0x51: {  	v61 =	vmul.f32 $2.000000030e-01, v0  }
0x52: {  	vm0 =	vgt.f32 v0, $0.0e+00;
	v62 =	vmul.f32 $2.000000030e-01, v1  }
0x53: {  	vm1 =	vgt.f32 v1, $0.0e+00;
	v0 =	vsel vm0, v0, v61  }
0x54: {  	v1 =	vsel vm1, v1, v62;
	v0 =	vmul.f32 $1.442695020e+00, v0  }
0x55: {  	v1 =	vmul.f32 $1.442695020e+00, v1  }
0x56: {  	(erf) = vpow2.f32 v0  }
0x57: {  	(erf) = vpow2.f32 v1;
	_ =	sdelay $0x7  }
0x58: {  	v0 =	vpop (erf)  }
0x59: {  	[tilespmem:s19+$0x9D80] =	vst v0;
	v63 =	vpop (erf)  }
0x5a: {  	s30 =	sadd.s32 s6, s17;
	[tilespmem:s19+$0x9E00] =	vst v63  }
0x5b: {  	[hbm4b:s30+s1] =	stream.linear.scatter [tilespmem:s13], [sflag:$0x1], $0x80, $0x38;
	[tilespmem:$0x9E80] =	vst v63  }
0x5c: {  	s16 =	sadd.s32 $0x1, s16;
	_ =	swait.ge [sflag:s10], $0x80  }
0x5d: {  	p0 =	sne.s32 s16, $0x4F;
	[sflag:s10] =	ssyncset.done $0x0  }
.Ltmp1:
0x5e: {  	s31 =	sadd.s32 s7, s17;
	[sflag:s10] =	ssyncadd.s32 $0xFFFFFF80;
	(pc) =	sbr.rel @p0 .LBB2_2-.Ltmp1, $4  }
0x5f: {  	[hbm4b:s31+s1] =	stream.linear.scatter [tilespmem:s14], [sflag:$0x1], $0x80, $0x38;
	[tilespmem:$0x9E80] =	vst v63  }
0x60: {  	_ =	swait.ge [sflag:s10], $0x80  }
0x61: {  	[sflag:s10] =	ssyncset.done $0x0  }
0x62: {  	[sflag:s10] =	ssyncadd.s32 $0xFFFFFF80  }
0x63: {  	s15 =	sadd.s32 $0x1, s15  }
0x64: {  	p0 =	sne.s32 s15, s9  }
.Ltmp2:
0x65: {  	_ = 	snop;
	(pc) =	sbr.rel @p0 .LBB2_1-.Ltmp2, $1  }
0x66: {  	_ =	sdelay $0x3  }
0x67: {  	_ =	sfence.sel $0x180000  }
0x68: {  	[bflag:$0x0] =	sbarrier.arrive $0xFFFF  }
0x69: {  	p0 =	sne.s32 s2, $0x0;
	_ =	strace $0x90000047  }
0x6a: {  	s0 =	sadd.s32 @!p0 $0x100000, s0;
	[bflag:$0x2] =	sbarrier.arrive $0xFFFF  }
0x6b: {  	[sflag:s0] =	ssyncadd.tile.s32 @!p0 $0x1;
	_ =	shalt  }
.Lfunc_end2:
_tile_overlayer_lowered:
.L_overlay_start_2:
0x6c: {  	(tag) =	ssettag $0x2  }
0x6d: {  	s0 =	rddreg [dreg:$0x0];
	s2 =	stileid.u32  }
0x6e: {  	s1 =	rddreg [dreg:$0x1];
	p0 =	sne.s32 s2, $0x0  }
0x6f: {  	s3 =	rddreg [dreg:$0x2];
	[bflag:$0x3] =	sbarrier.arrive $0xFFFF;
	s2 =	simm.s32 @!p0 $0x1C01  }
0x70: {  	[timem:s3], [sflag:s2] =	dma.local @!p0 [hbm:s0], s1  }
0x71: {  	s0 =	simm.s32 @!p0 $0x1  }
0x72: {  	_ =	swait.ge @!p0 [sflag:s0], s1  }
0x73: {  	s1 =	ssub.s32 @!p0 $0x0, s1;
	[sflag:s0] =	ssyncset.done @!p0 $0x0  }
0x74: {  	[sflag:s0] =	ssyncadd.s32 @!p0 s1  }
0x75: {  	[bflag:$0x3] =	sbarrier.arrive $0xFFFF  }
0x76: {  	_ =	shalt  }

// kernel: kernel.16.cloned.1.call-start
scs
__scs_entry_jumppad:
0x0: {  	(pc) =	sbr.rel $0x88, $3  }
0x1: {  	(tag) =	ssettag $0x0;
	lr =	simm.s32 $0x1  }
0x2: {  	[smem:$0x3F7B] =	sst lr;
	_ =	strace $0xD0000000  }
0x3: {  	_ = 	snop  }
0x4: {  	_ = 	snop  }
0x5: {  	_ = 	snop  }
0x6: {  	_ = 	snop  }
0x7: {  	_ = 	snop  }
__scs_overlays_trampoline_lowered:
0x8: {  	[smem:$0x3F8A] =	sst s0  }
0x9: {  	[smem:$0x3F8B] =	sst s1  }
0xa: {  	[smem:$0x3F8C] =	sst s2  }
0xb: {  	[smem:$0x3F8D] =	sst s3  }
0xc: {  	[smem:$0x3F8E] =	sst s4  }
0xd: {  	[smem:$0x3F8F] =	sst s5  }
0xe: {  	[smem:$0x3F90] =	sst s6  }
0xf: {  	[smem:$0x3F91] =	sst s7  }
0x10: {  	[smem:$0x3F92] =	sst s8  }
0x11: {  	[smem:$0x3F93] =	sst s9;
	s0 =	simm.s32 @!p0 $0x0  }
0x12: {  	s1 =	sld [smem:$0x3F79];
	s0 =	simm.s32 @p0 $0x1  }
0x13: {  	[smem:$0x3F94] =	sst s0;
	s0 =	simm.s32 @!p1 $0x0  }
0x14: {  	s2 =	sld [smem:$0x3F78];
	s0 =	simm.s32 @p1 $0x1  }
0x15: {  	[smem:$0x3F95] =	sst s0;
	s0 =	simm.s32 @!p2 $0x0  }
0x16: {  	s3 =	sld [smem:$0x3FDB];
	s0 =	simm.s32 @p2 $0x1  }
0x17: {  	s4 =	simm.s32 $0x1BF5;
	[smem:$0x3F97] =	sst s0  }
0x18: {  	s0 =	sld [smem:$0x3F7A];
	_ =	swait.ge [sflag:s4], $0x0  }
0x19: {  	s7 =	sld [smem:$0x3F7B]  }
0x1a: {  	s8 =	sadd.s32 $0xFFFFE003, lr  }
0x1b: {  	s9 =	sadd.s32 $0xFFFFFEF7, lr;
	s5 =	simm.s32 $0xFFFFFFFF;
	p2 =	slt.u32 s8, $0xFFFFF086  }
0x1c: {  	p1 =	slt.u32 s9, $0xF7A;
	s5 =	simm.s32 @!p2 $0x0  }
0x1d: {  	s5 =	simm.s32 @p1 $0x1;
	p0 =	seq.s32 s7, s2  }
0x1e: {  	s7 =	smul.u32 @!p0 $0xF7A, s2;
	p2 =	seq.s32 @!p0 s5, $0x0  }
0x1f: {  	s9 =	smul.u32 $0xF7A, s1;
	s8 =	simm.s32 @!p0 $0x1BF5;
	p2 =	por !p2, p0  }
0x20: {  	[sflag:s8] =	ssyncset.s32 @!p0 $0xFFFFF086;
	s6 =	sadd.s32 @!p0 s3, s7;
	s7 =	simm.s32 @!p0 $0x108  }
0x21: {  	s3 =	sadd.s32 s3, s9;
	s6 =	sadd.s32 @!p0 $0x88, s6;
	s7 =	simm.s32 @p2 $0x1082  }
0x22: {  	[simem:s7], [sflag:s8] =	dma.local @!p0 [hbm:s6], $0xF7A  }
0x23: {  	s9 =	sor.u32 $0xD0000000, s2;
	s6 =	simm.s32 $0x108;
	_ =	swait.ge @!p0 [sflag:s8], $0x0  }
0x24: {  	s3 =	sadd.s32 $0x88, s3;
	s6 =	simm.s32 @!p1 $0x1082;
	[sflag:s4] =	ssyncset.s32 $0xFFFFF086  }
0x25: {  	[simem:s6], [sflag:s4] =	dma.local [hbm:s3], $0xF7A  }
0x26: {  	[smem:$0x3F7B] =	sst s1;
	(tag) =	ssettag s2;
	_ =	strace s9  }
0x27: {  	s1 =	sld [smem:$0x3F8B]  }
0x28: {  	s2 =	sld [smem:$0x3F8C]  }
0x29: {  	s4 =	sld [smem:$0x3F8E]  }
0x2a: {  	p0 =	seq.s32 s5, $0x0;
	s5 =	sld [smem:$0x3F8F]  }
0x2b: {  	s6 =	sld [smem:$0x3F90]  }
0x2c: {  	s7 =	sld [smem:$0x3F91]  }
0x2d: {  	s3 =	simm.s32 $0x108;
	s8 =	sld [smem:$0x3F92]  }
0x2e: {  	s3 =	simm.s32 @!p0 $0x1082;
	s9 =	sld [smem:$0x3F93]  }
0x2f: {  	lr =	sadd.s32 s0, s3;
	s0 =	sld [smem:$0x3F8A]  }
0x30: {  	s3 =	sld [smem:$0x3F8D]  }
0x31: {  	[smem:$0x3F96] =	sst s10  }
0x32: {  	s10 =	sld [smem:$0x3F94];
	_ =	sdelay $0x3  }
0x33: {  	p0 =	seq.s32 s10, $0x1;
	s10 =	sld [smem:$0x3F96];
	_ =	sdelay $0x3  }
0x34: {  	[smem:$0x3F96] =	sst s10  }
0x35: {  	s10 =	sld [smem:$0x3F95];
	_ =	sdelay $0x3  }
0x36: {  	p1 =	seq.s32 s10, $0x1;
	s10 =	sld [smem:$0x3F96];
	_ =	sdelay $0x3  }
0x37: {  	[smem:$0x3F96] =	sst s10  }
0x38: {  	s10 =	sld [smem:$0x3F97]  }
0x39: {  	_ = 	snop;
	(pc) =	sbr.ind lr, $3  }
0x3a: {  	_ = 	snop  }
0x3b: {  	_ = 	snop  }
0x3c: {  	p2 =	seq.s32 s10, $0x1;
	s10 =	sld [smem:$0x3F96]  }
0x3d: {  	_ =	shalt  }
0x3e: {  	_ =	shalt  }
0x3f: {  	_ =	shalt  }
0x40: {  	_ =	shalt  }
0x41: {  	_ =	shalt  }
0x42: {  	_ =	shalt  }
0x43: {  	_ =	shalt  }
0x44: {  	_ =	shalt  }
0x45: {  	_ =	shalt  }
0x46: {  	_ =	shalt  }
0x47: {  	_ =	shalt  }
0x48: {  	_ =	shalt  }
0x49: {  	_ =	shalt  }
0x4a: {  	_ =	shalt  }
0x4b: {  	_ =	shalt  }
0x4c: {  	_ =	shalt  }
0x4d: {  	_ =	shalt  }
0x4e: {  	_ =	shalt  }
0x4f: {  	_ =	shalt  }
0x50: {  	_ =	shalt  }
0x51: {  	_ =	shalt  }
0x52: {  	_ =	shalt  }
0x53: {  	_ =	shalt  }
0x54: {  	_ =	shalt  }
0x55: {  	_ =	shalt  }
0x56: {  	_ =	shalt  }
0x57: {  	_ =	shalt  }
0x58: {  	_ =	shalt  }
0x59: {  	_ =	shalt  }
0x5a: {  	_ =	shalt  }
0x5b: {  	_ =	shalt  }
0x5c: {  	_ =	shalt  }
0x5d: {  	_ =	shalt  }
0x5e: {  	_ =	shalt  }
0x5f: {  	_ =	shalt  }
0x60: {  	_ =	shalt  }
0x61: {  	_ =	shalt  }
0x62: {  	_ =	shalt  }
0x63: {  	_ =	shalt  }
0x64: {  	_ =	shalt  }
0x65: {  	_ =	shalt  }
0x66: {  	_ =	shalt  }
0x67: {  	_ =	shalt  }
0x68: {  	_ =	shalt  }
0x69: {  	_ =	shalt  }
0x6a: {  	_ =	shalt  }
0x6b: {  	_ =	shalt  }
0x6c: {  	_ =	shalt  }
0x6d: {  	_ =	shalt  }
0x6e: {  	_ =	shalt  }
0x6f: {  	_ =	shalt  }
0x70: {  	_ =	shalt  }
0x71: {  	_ =	shalt  }
0x72: {  	_ =	shalt  }
0x73: {  	_ =	shalt  }
0x74: {  	_ =	shalt  }
0x75: {  	_ =	shalt  }
0x76: {  	_ =	shalt  }
0x77: {  	_ =	shalt  }
0x78: {  	_ =	shalt  }
0x79: {  	_ =	shalt  }
0x7a: {  	_ =	shalt  }
0x7b: {  	_ =	shalt  }
0x7c: {  	_ =	shalt  }
0x7d: {  	_ =	shalt  }
0x7e: {  	_ =	shalt  }
0x7f: {  	_ =	shalt  }
0x80: {  	_ =	shalt  }
0x81: {  	_ =	shalt  }
0x82: {  	_ =	shalt  }
0x83: {  	_ =	shalt  }
0x84: {  	_ =	shalt  }
0x85: {  	_ =	shalt  }
0x86: {  	_ =	shalt  }
0x87: {  	_ =	shalt  }
.Lfunc_end0:
.L_simem_size_0:
called_computation.1_lowered:
.L_overlay_start_0:
0x88: {  	s2 =	sld [smem:$0x3FD9]  }
0x89: {  	s3 =	sld [smem:$0x3FFE];
	_ =	sdelay $0x1  }
0x8a: {  	s1 =	srdreg.scid  }
0x8b: {  	s0 =	sand.u32 $0x1, s1  }
0x8c: {  	s17 =	sshll.u32 s0, $0xA;
	s2 =	sadd.s32 s3, s2  }
0x8d: {  	s2 =	sadd.s32 s2, s17  }
0x8e: {  	[smem:$0x3FA2] =	sst s2  }
0x8f: {  	_ = 	snop  }
0x90: {  	s18 =	sld [smem:$0x3FD0];
	(tm) =	ssettm $0x1  }
0x91: {  	s19 =	sld [smem:$0x3FFB];
	_ =	sdelay $0x3  }
0x92: {  	_ =	strace s19  }
0x93: {  	s2 =	sld [smem:$0x3FFC];
	_ =	sdelay $0x3  }
0x94: {  	_ =	strace s2  }
0x95: {  	s2 =	sld [smem:$0x3FFD];
	_ =	sdelay $0x3  }
0x96: {  	_ =	strace s2  }
0x97: {  	_ =	strace $0x8FFFFFFF  }
0x98: {  	s20 =	sld [smem:$0x3FDB];
	_ =	sdelay $0x1  }
0x99: {  	s4 =	simm.s32 $_scs_section_size  }
0x9a: {  	s5 =	simm.s32 $_size__tile_overlayer_lowered;
	s6 =	simm.s32 $_tile_overlayer_lowered  }
0x9b: {  	s7 =	simm.s32 $0x1BFF;
	s21 =	sshll.u32 s6, $0x1;
	s4 =	sadd.s32 s4, s20  }
0x9c: {  	s22 =	simm.s32 $0x0;
	s5 =	sshll.u32 s5, $0x1;
	s6 =	sadd.s32 s21, s4  }
0x9d: {  	[timem:s22], [sflag:s7] =	dma.local [hbm:s6], s5  }
0x9e: {  	_ =	swait.ge [sflag:s7], s5  }
0x9f: {  	s5 =	ssub.s32 $0x0, s5;
	[sflag:s7] =	ssyncset.done $0x0  }
0xa0: {  	[sflag:s7] =	ssyncadd.s32 s5;
	_ =	sdelay $0x1  }
0xa1: {  	s23 =	simm.s32 $0x1B8B  }
0xa2: {  	_ =	swait.ge [sflag:s23], $0x1  }
0xa3: {  	[sflag:s23] =	ssyncset.done $0x0  }
0xa4: {  	[sflag:s23] =	ssyncadd.s32 $0xFFFFFFFF  }
0xa5: {  	s5 =	sld [smem:$0x0]  }
0xa6: {  	s6 =	sand.u32 $0xFFFFFFFE, s1  }
0xa7: {  	p0 =	sne.s32 s1, s6  }
0xa8: {  	s6 =	sshll.u32 @p0 s6, $0xE  }
0xa9: {  	s6 =	sadd.s32 @p0 $0x11B8D, s6;
	s7 =	sshll.u32 @p0 s5, $0x11  }
0xaa: {  	s6 =	sor.u32 @p0 s7, s6  }
0xab: {  	[sflag:s6] =	ssyncadd.remote.s32 @p0 $0x1;
	_ =	sdelay $0x1  }
0xac: {  	s6 =	simm.s32 @p0 $0x1B8D  }
0xad: {  	_ =	swait.eq @p0 [sflag:s6], $0x1  }
0xae: {  	[sflag:s6] =	ssyncadd.s32 @p0 $0xFFFFFFFF  }
0xaf: {  	s7 =	sshll.u32 @!p0 s1, $0xE  }
0xb0: {  	s7 =	sor.u32 @!p0 $0x4000, s7;
	s6 =	simm.s32 @!p0 $0x1B8D  }
0xb1: {  	s5 =	sshll.u32 @!p0 s5, $0x11;
	s7 =	sadd.s32 @!p0 $0x11B8D, s7;
	_ =	swait.eq @!p0 [sflag:s6], $0x1  }
0xb2: {  	s5 =	sor.u32 @!p0 s5, s7;
	[sflag:s6] =	ssyncadd.s32 @!p0 $0xFFFFFFFF  }
0xb3: {  	s25 =	simm.s32 $0x1B8E;
	s24 =	sld [smem:$0x3FFE];
	[sflag:s5] =	ssyncadd.remote.s32 @!p0 $0x1  }
0xb4: {  	s26 =	simm.s32 $execute0_lowered;
	[smem:$0x3FD2] =	sst s25  }
0xb5: {  	s6 =	sshll.u32 s26, $0x1;
	_ =	strace $0x8000004C;
	[dreg:$0x1] =	wrdreg $0xFFFFFFFF  }
0xb6: {  	s28 =	simm.s32 $_size_execute0_lowered;
	s4 =	sadd.s32 s4, s6;
	[dreg:$0x0] =	wrdreg $0x0  }
0xb7: {  	s6 =	sshll.u32 s28, $0x1;
	[dreg:$0x2] =	wrdreg s4  }
0xb8: {  	[dreg:$0x3] =	wrdreg s6  }
0xb9: {  	[dreg:$0x4] =	wrdreg $0xC0  }
0xba: {  	_ =	task [dreg:s22], $0x5FFFF  }
0xbb: {  	[dreg:$0x1] =	wrdreg $0xFFFFFFFF  }
0xbc: {  	[dreg:$0x0] =	wrdreg $0x60  }
0xbd: {  	[dreg:$0x2] =	wrdreg s24  }
0xbe: {  	[dreg:$0x3] =	wrdreg s18  }
0xbf: {  	[dreg:$0x4] =	wrdreg $0x42800  }
0xc0: {  	[dreg:$0x5] =	wrdreg $0x9  }
0xc1: {  	_ =	task.clear_ibuf [dreg:s22], $0x6FFFF;
	_ =	strace $0x9000004C  }
0xc2: {  	s29 =	simm.s32 $0x9;
	_ =	strace $0x8000004E  }
0xc3: {  	_ =	swait.ge [sflag:s29], $0x1  }
0xc4: {  	[sflag:s29] =	ssyncadd.s32 $0xFFFFFFFF  }
0xc5: {  	_ =	strace $0x9000004E  }
0xc6: {  	_ =	sfence  }
0xc7: {  	s30 =	sld [smem:$0x0];
	_ =	sdelay $0x2  }
0xc8: {  	s31 =	sshll.u32 s1, $0xD;
	s1 =	sshrl.u32 s1, $0x2  }
0xc9: {  	s4 =	sand.u32 $0x4000, s31;
	s1 =	sadd.s32 s1, s30  }
0xca: {  	s0 =	sor.u32 s4, s0;
	s1 =	sshll.u32 s1, $0x11  }
0xcb: {  	s0 =	sor.u32 s1, s0  }
0xcc: {  	s0 =	sadd.s32 $0x8F2B, s0  }
0xcd: {  	[sflag:s0] =	ssyncadd.remote.s32 $0x1  }
0xce: {  	_ =	sfence.sel $0xFFFF  }
0xcf: {  	[dreg:$0x0] =	wrdreg $0xFFFFFFFF;
	(pc) =	sbr.abs _section_cstart, $3  }
0xd0: {  	[dreg:$0x1] =	wrdreg $0xFFFFFFFF  }
0xd1: {  	_ =	task.clear_ibuf [dreg:s22], $0x2FFFF;
	_ =	strace $0x9FFFFFFF  }
0xd2: {  	(tm) =	ssettm $0x7FFFFFFF  }
0xd3: {  	_ =	shalt  }
tec
execute0_lowered:
.L_overlay_start_1:
0x0: {  	(tag) =	ssettag $0x1  }
0x1: {  	s9 =	rddreg [dreg:$0x0]  }
0x2: {  	s1 =	rddreg [dreg:$0x1]  }
0x3: {  	s2 =	rddreg [dreg:$0x2]  }
0x4: {  	s0 =	rddreg [dreg:$0x3];
	s3 =	simm.s32 $0x0  }
0x5: {  	s6 =	srdreg.scid;
	s15 =	simm.s32 $0x180;
	s16 =	simm.s32 $0x2  }
0x6: {  	s17 =	simm.s32 $0x4180;
	s18 =	simm.s32 $0x4200;
	s19 =	simm.s32 $0x1  }
0x7: {  	s20 =	simm.s32 $0x0;
	[smem:$0x7FF] =	sst s3;
	s4 =	sadd.s32 $0x11E00, s9  }
0x8: {  	s5 =	sadd.s32 $0x8000, s9;
	s10 =	sand.u32 $0x1, s6;
	s7 =	sadd.s32 $0x1BC00, s9  }
0x9: {  	s8 =	sadd.s32 $0x25A00, s9;
	s6 =	stileid.u32;
	_ =	strace $0x8000004D  }
0xa: {  	s11 =	smul.u32 $0x28000, s10;
	s12 =	ssub.s32 $0x2, s10;
	s30 =	sshll.u32 s6, $0x1  }
0xb: {  	s31 =	sshll.u32 s6, $0xB;
	s13 =	sshrl.u32 s12, $0x1;
	s10 =	sor.u32 s10, s30  }
0xc: {  	s14 =	sadd.s32 s11, s9;
	s29 =	ssub.s32 s12, s13;
	s9 =	sshll.u32 s6, $0x7  }
0xd: {  	s10 =	smul.u32 $0x4F, s10;
	s13 =	simm.s32 $0x80;
	s12 =	sadd.s32 s31, s14  }
0xe: {  	v0 =	vimm.f32 $0.0e+00;
	v1 =	vlaneseq.u32;
	s11 =	smax.u32 s29, $0x1;
	s14 =	simm.s32 $0x100;
	s12 =	sadd.s32 $0x7F800, s12  }
.LBB2_1:
0xf: {  	s21 =	simm.s32 $0x0;
	s22 =	simm.s32 $0x200  }
.LBB2_2:
0x10: {  	p0 =	sne.s32 s22, $0xFE00;
	[tilespmem:s21+$0x1F0] =	vst v0  }
0x11: {  	[tilespmem:s21+$0x180] =	vst v0  }
0x12: {  	[tilespmem:s21+$0x190] =	vst v0  }
.Ltmp0:
0x13: {  	[tilespmem:s21+$0x1A0] =	vst v0;
	(pc) =	sbr.rel @p0 .LBB2_2-.Ltmp0, $4  }
0x14: {  	[tilespmem:s21+$0x1B0] =	vst v0  }
0x15: {  	[tilespmem:s21+$0x1C0] =	vst v0  }
0x16: {  	[tilespmem:s21+$0x1D0] =	vst v0  }
0x17: {  	[tilespmem:s21+$0x1E0] =	vst v0;
	s21 =	sshra.s32 s22, $0x2;
	s22 =	sadd.s32 $0x200, s22  }
0x18: {  	[tilespmem:s21+$0x1F0] =	vst v0  }
0x19: {  	[tilespmem:s21+$0x180] =	vst v0  }
0x1a: {  	[tilespmem:s21+$0x190] =	vst v0  }
0x1b: {  	[tilespmem:s21+$0x1A0] =	vst v0  }
0x1c: {  	[tilespmem:s21+$0x1B0] =	vst v0  }
0x1d: {  	[tilespmem:s21+$0x1C0] =	vst v0  }
0x1e: {  	[tilespmem:s21+$0x1D0] =	vst v0;
	s22 =	sadd.s32 $0x0, s9  }
0x1f: {  	[tilespmem:s21+$0x1E0] =	vst v0;
	v2 =	vor.u32 s22, v1;
	s26 =	sadd.s32 $0x70, s22  }
0x20: {  	s23 =	sadd.s32 $0x60, s22;
	[tilespmem:$0x100] =	vst v2;
	v2 =	vor.u32 s26, v1  }
0x21: {  	s30 =	sadd.s32 $0x30, s22;
	v3 =	vor.u32 s23, v1;
	[tilespmem:$0x170] =	vst v2  }
0x22: {  	s28 =	sadd.s32 $0x50, s22;
	v4 =	vor.u32 s30, v1;
	[tilespmem:$0x160] =	vst v3  }
0x23: {  	s29 =	sadd.s32 $0x40, s22;
	v2 =	vor.u32 s28, v1;
	[tilespmem:$0x130] =	vst v4  }
0x24: {  	s31 =	sadd.s32 $0x20, s22;
	v3 =	vor.u32 s29, v1;
	[tilespmem:$0x150] =	vst v2  }
0x25: {  	s21 =	simm.s32 $0x800;
	s22 =	sadd.s32 $0x10, s22;
	[tilespmem:$0x140] =	vst v3;
	v2 =	vor.u32 s31, v1  }
.LBB2_4:
0x26: {  	p0 =	sne.s32 s21, $0x2000;
	v3 =	vor.u32 s22, v1;
	[tilespmem:$0x120] =	vst v2  }
0x27: {  	[tilespmem:$0x110] =	vst v3;
	[spmem:s2] =	stream.indirect.scatter [tilespmem:s15], [sflag:$0x2], $0x80, s14, s13, $0xb8  }
0x28: {  	_ =	swait.ge [sflag:s16], $0x4000  }
0x29: {  	s22 =	sadd.s32 s21, s9;
	[sflag:s16] =	ssyncset.done $0x0  }
0x2a: {  	v2 =	vor.u32 s22, v1;
	s23 =	sadd.s32 $0x70, s22;
	[sflag:s16] =	ssyncadd.s32 $0xFFFFC000  }
0x2b: {  	s24 =	sadd.s32 $0x60, s22;
	[tilespmem:$0x100] =	vst v2;
	v2 =	vor.u32 s23, v1  }
.Ltmp1:
0x2c: {  	v3 =	vor.u32 s24, v1;
	s23 =	sadd.s32 $0x50, s22;
	[tilespmem:$0x170] =	vst v2;
	(pc) =	sbr.rel @p0 .LBB2_4-.Ltmp1, $4  }
0x2d: {  	s24 =	sadd.s32 $0x40, s22;
	v2 =	vor.u32 s23, v1;
	[tilespmem:$0x160] =	vst v3  }
0x2e: {  	s23 =	sadd.s32 $0x30, s22;
	v3 =	vor.u32 s24, v1;
	[tilespmem:$0x150] =	vst v2  }
0x2f: {  	s24 =	sadd.s32 $0x20, s22;
	v4 =	vor.u32 s23, v1;
	[tilespmem:$0x140] =	vst v3  }
0x30: {  	s21 =	sadd.s32 $0x800, s21;
	s22 =	sadd.s32 $0x10, s22;
	v2 =	vor.u32 s24, v1;
	[tilespmem:$0x130] =	vst v4  }
0x31: {  	v3 =	vor.u32 s22, v1;
	[tilespmem:$0x120] =	vst v2  }
0x32: {  	[tilespmem:$0x110] =	vst v3  }
0x33: {  	[spmem:s2] =	stream.indirect.scatter [tilespmem:s15], [sflag:$0x2], $0x80, s14, s13, $0xb8;
	[tilespmem:$0x18280] =	vst v63  }
0x34: {  	_ =	swait.ge [sflag:s16], $0x4000  }
0x35: {  	[sflag:s16] =	ssyncset.done $0x0  }
0x36: {  	[sflag:s16] =	ssyncadd.s32 $0xFFFFC000  }
0x37: {  	s21 =	simm.s32 $0x0;
	s22 =	simm.s32 $0x0;
	[bflag:$0x0] =	sbarrier.arrive $0xFFFF  }
.LBB2_6:
0x38: {  	s23 =	sadd.s32 s10, s22  }
0x39: {  	s23 =	sshll.u32 s23, $0x4  }
0x3a: {  	s24 =	sadd.s32 s4, s23  }
0x3b: {  	[tilespmem:s21], [sflag:$0x2] =	stream.linear.gather [hbm4b:s24+s21], $0x80, $0x38;
	[tilespmem:$0x18280] =	vst v63  }
0x3c: {  	_ =	swait.ge [sflag:s16], $0x80  }
0x3d: {  	[sflag:s16] =	ssyncset.done $0x0  }
0x3e: {  	s28 =	sadd.s32 s5, s23;
	[sflag:s16] =	ssyncadd.s32 $0xFFFFFF80  }
0x3f: {  	[tilespmem:s13], [sflag:$0x2] =	stream.linear.gather [hbm4b:s28+s21], $0x80, $0x38;
	[tilespmem:$0x18280] =	vst v63  }
0x40: {  	_ =	swait.ge [sflag:s16], $0x80  }
0x41: {  	[sflag:s16] =	ssyncset.done $0x0  }
0x42: {  	[sflag:s16] =	ssyncadd.s32 $0xFFFFFF80  }
0x43: {  	[tilespmem:s15], [sflag:$0x1] =	stream.indirect.gather [hbm4b:s1+s13], $0x80, s21, s13, $0xb8;
	[tilespmem:$0x18280] =	vst v63  }
0x44: {  	s29 =	sadd.s32 s7, s23  }
0x45: {  	[tilespmem:s17], [sflag:$0x2] =	stream.linear.gather [hbm4b:s29+s21], $0x80, $0x38;
	[tilespmem:$0x18280] =	vst v63  }
0x46: {  	_ =	swait.ge [sflag:s16], $0x80  }
0x47: {  	[sflag:s16] =	ssyncset.done $0x0  }
0x48: {  	s23 =	sadd.s32 s8, s23;
	[sflag:s16] =	ssyncadd.s32 $0xFFFFFF80  }
0x49: {  	[tilespmem:s18], [sflag:$0x2] =	stream.linear.gather [hbm4b:s23+s21], $0x80, $0x38;
	[tilespmem:$0x18280] =	vst v63  }
0x4a: {  	_ =	swait.ge [sflag:s16], $0x80  }
0x4b: {  	[sflag:s16] =	ssyncset.done $0x0  }
0x4c: {  	[sflag:s16] =	ssyncadd.s32 $0xFFFFFF80  }
0x4d: {  	_ =	swait.ge [sflag:s19], $0x4000  }
0x4e: {  	[sflag:s19] =	ssyncset.done $0x0  }
0x4f: {  	s30 =	simm.s32 $0x0;
	[sflag:s19] =	ssyncadd.s32 $0xFFFFC000  }
0x50: {  	s31 =	simm.s32 $0x0;
	v3 =	vld [tilespmem:s30+$0x4180]  }
0x51: {  	s23 =	sand.u32 $0x3FFFF800, s31;
	v2 =	vld [tilespmem:s30+$0x4200]  }
0x52: {  	v4 =	vld [tilespmem:s23+$0x180]  }
0x53: {  	v5 =	vld [tilespmem:s23+$0x190]  }
0x54: {  	v6 =	vld [tilespmem:s23+$0x1A0]  }
0x55: {  	v8 =	vld [tilespmem:s23+$0x1B0];
	v7 =	vbroadcast v3, $0x0  }
0x56: {  	v9 =	vld [tilespmem:s23+$0x1C0]  }
0x57: {  	v10 =	vld [tilespmem:s23+$0x1D0];
	v4 =	vmul.f32 v4, v7  }
0x58: {  	v11 =	vld [tilespmem:s23+$0x1E0];
	v5 =	vmul.f32 v5, v7  }
0x59: {  	v57 =	vld [tilespmem:s23+$0x230];
	v12 =	vbroadcast v2, $0x0;
	v6 =	vmul.f32 v6, v7;
	[tilespmem:s23+$0x180] =	vst v4  }
0x5a: {  	v59 =	vld [tilespmem:s23+$0x240];
	v7 =	vmul.f32 v8, v7;
	[tilespmem:s23+$0x190] =	vst v5  }
0x5b: {  	v61 =	vld [tilespmem:s23+$0x250];
	v54 =	vmul.f32 v9, v12;
	[tilespmem:s23+$0x1A0] =	vst v6  }
0x5c: {  	v51 =	vld [tilespmem:s23+$0x1F0];
	v60 =	vbroadcast v3, $0x1;
	v56 =	vmul.f32 v10, v12;
	[tilespmem:s23+$0x1B0] =	vst v7  }
0x5d: {  	v52 =	vld [tilespmem:s23+$0x200];
	v17 =	vbroadcast v2, $0x1;
	v58 =	vmul.f32 v11, v12;
	[tilespmem:s23+$0x1C0] =	vst v54  }
0x5e: {  	v53 =	vld [tilespmem:s23+$0x210];
	v8 =	vmul.f32 v57, v60;
	[tilespmem:s23+$0x1D0] =	vst v56  }
0x5f: {  	v55 =	vld [tilespmem:s23+$0x220];
	v9 =	vmul.f32 v59, v17;
	[tilespmem:s23+$0x1E0] =	vst v58  }
0x60: {  	v19 =	vld [tilespmem:s23+$0x2A0];
	v10 =	vmul.f32 v61, v17;
	[tilespmem:s23+$0x230] =	vst v8  }
0x61: {  	v20 =	vld [tilespmem:s23+$0x2B0];
	v4 =	vmul.f32 v51, v12;
	[tilespmem:s23+$0x240] =	vst v9  }
0x62: {  	v21 =	vld [tilespmem:s23+$0x2C0];
	v5 =	vmul.f32 v52, v60;
	[tilespmem:s23+$0x250] =	vst v10  }
0x63: {  	v62 =	vld [tilespmem:s23+$0x260];
	v22 =	vbroadcast v3, $0x2;
	v6 =	vmul.f32 v53, v60;
	[tilespmem:s23+$0x1F0] =	vst v4  }
0x64: {  	v63 =	vld [tilespmem:s23+$0x270];
	v7 =	vmul.f32 v55, v60;
	[tilespmem:s23+$0x200] =	vst v5  }
0x65: {  	v16 =	vld [tilespmem:s23+$0x280];
	v27 =	vbroadcast v2, $0x2;
	v8 =	vmul.f32 v19, v22;
	[tilespmem:s23+$0x210] =	vst v6  }
0x66: {  	v18 =	vld [tilespmem:s23+$0x290];
	v9 =	vmul.f32 v20, v22;
	[tilespmem:s23+$0x220] =	vst v7  }
0x67: {  	v28 =	vld [tilespmem:s23+$0x310];
	v10 =	vmul.f32 v21, v27;
	[tilespmem:s23+$0x2A0] =	vst v8  }
0x68: {  	v29 =	vld [tilespmem:s23+$0x320];
	v4 =	vmul.f32 v62, v17;
	[tilespmem:s23+$0x2B0] =	vst v9  }
0x69: {  	v30 =	vld [tilespmem:s23+$0x330];
	v5 =	vmul.f32 v63, v17;
	[tilespmem:s23+$0x2C0] =	vst v10  }
0x6a: {  	v23 =	vld [tilespmem:s23+$0x2D0];
	v32 =	vbroadcast v3, $0x3;
	v6 =	vmul.f32 v16, v22;
	[tilespmem:s23+$0x260] =	vst v4  }
0x6b: {  	v24 =	vld [tilespmem:s23+$0x2E0];
	v7 =	vmul.f32 v18, v22;
	[tilespmem:s23+$0x270] =	vst v5  }
0x6c: {  	v25 =	vld [tilespmem:s23+$0x2F0];
	v8 =	vmul.f32 v28, v32;
	[tilespmem:s23+$0x280] =	vst v6  }
0x6d: {  	v26 =	vld [tilespmem:s23+$0x300];
	v9 =	vmul.f32 v29, v32;
	[tilespmem:s23+$0x290] =	vst v7  }
0x6e: {  	v36 =	vld [tilespmem:s23+$0x380];
	v10 =	vmul.f32 v30, v32;
	[tilespmem:s23+$0x310] =	vst v8  }
0x6f: {  	v38 =	vld [tilespmem:s23+$0x390];
	v4 =	vmul.f32 v23, v27;
	[tilespmem:s23+$0x320] =	vst v9  }
0x70: {  	v39 =	vld [tilespmem:s23+$0x3A0];
	v5 =	vmul.f32 v24, v27;
	[tilespmem:s23+$0x330] =	vst v10  }
0x71: {  	v31 =	vld [tilespmem:s23+$0x340];
	v42 =	vbroadcast v3, $0x4;
	v6 =	vmul.f32 v25, v27;
	[tilespmem:s23+$0x2D0] =	vst v4  }
0x72: {  	v33 =	vld [tilespmem:s23+$0x350];
	v7 =	vmul.f32 v26, v32;
	[tilespmem:s23+$0x2E0] =	vst v5  }
0x73: {  	v34 =	vld [tilespmem:s23+$0x360];
	v8 =	vmul.f32 v36, v42;
	[tilespmem:s23+$0x2F0] =	vst v6  }
0x74: {  	v35 =	vld [tilespmem:s23+$0x370];
	v37 =	vbroadcast v2, $0x3;
	v9 =	vmul.f32 v38, v42;
	[tilespmem:s23+$0x300] =	vst v7  }
0x75: {  	v45 =	vld [tilespmem:s23+$0x3F0];
	v10 =	vmul.f32 v39, v42;
	[tilespmem:s23+$0x380] =	vst v8  }
0x76: {  	v46 =	vld [tilespmem:s23+$0x400];
	v4 =	vmul.f32 v31, v37;
	[tilespmem:s23+$0x390] =	vst v9  }
0x77: {  	v48 =	vld [tilespmem:s23+$0x410];
	v5 =	vmul.f32 v33, v37;
	[tilespmem:s23+$0x3A0] =	vst v10  }
0x78: {  	v40 =	vld [tilespmem:s23+$0x3B0];
	v47 =	vbroadcast v2, $0x4;
	v6 =	vmul.f32 v34, v37;
	[tilespmem:s23+$0x340] =	vst v4  }
0x79: {  	v41 =	vld [tilespmem:s23+$0x3C0];
	v52 =	vbroadcast v3, $0x5;
	v7 =	vmul.f32 v35, v37;
	[tilespmem:s23+$0x350] =	vst v5  }
0x7a: {  	v43 =	vld [tilespmem:s23+$0x3D0];
	v8 =	vmul.f32 v45, v47;
	[tilespmem:s23+$0x360] =	vst v6  }
0x7b: {  	v44 =	vld [tilespmem:s23+$0x3E0];
	v9 =	vmul.f32 v46, v52;
	[tilespmem:s23+$0x370] =	vst v7  }
0x7c: {  	v54 =	vld [tilespmem:s23+$0x460];
	v10 =	vmul.f32 v48, v52;
	[tilespmem:s23+$0x3F0] =	vst v8  }
0x7d: {  	v55 =	vld [tilespmem:s23+$0x470];
	v4 =	vmul.f32 v40, v42;
	[tilespmem:s23+$0x400] =	vst v9  }
0x7e: {  	v56 =	vld [tilespmem:s23+$0x480];
	v5 =	vmul.f32 v41, v47;
	[tilespmem:s23+$0x410] =	vst v10  }
0x7f: {  	v57 =	vbroadcast v2, $0x5;
	v36 =	vld [tilespmem:s23+$0x5E0];
	v6 =	vmul.f32 v43, v47;
	[tilespmem:s23+$0x3B0] =	vst v4  }
0x80: {  	v49 =	vld [tilespmem:s23+$0x420];
	v7 =	vmul.f32 v44, v47;
	[tilespmem:s23+$0x3C0] =	vst v5  }
0x81: {  	v50 =	vld [tilespmem:s23+$0x430];
	v62 =	vbroadcast v3, $0x6;
	v8 =	vmul.f32 v54, v57;
	[tilespmem:s23+$0x3D0] =	vst v6  }
0x82: {  	v51 =	vld [tilespmem:s23+$0x440];
	v39 =	vbroadcast v2, $0x8;
	v9 =	vmul.f32 v55, v57;
	[tilespmem:s23+$0x3E0] =	vst v7  }
0x83: {  	v53 =	vld [tilespmem:s23+$0x450];
	v10 =	vmul.f32 v56, v62;
	[tilespmem:s23+$0x460] =	vst v8  }
0x84: {  	v63 =	vld [tilespmem:s23+$0x4D0];
	v43 =	vmul.f32 v36, v39;
	[tilespmem:s23+$0x470] =	vst v9  }
0x85: {  	v16 =	vld [tilespmem:s23+$0x4E0];
	v4 =	vmul.f32 v49, v52;
	[tilespmem:s23+$0x480] =	vst v10  }
0x86: {  	v17 =	vld [tilespmem:s23+$0x4F0];
	v5 =	vmul.f32 v50, v52;
	[tilespmem:s23+$0x5E0] =	vst v43  }
0x87: {  	v19 =	vbroadcast v2, $0x6;
	v45 =	vld [tilespmem:s23+$0x660];
	v6 =	vmul.f32 v51, v57;
	[tilespmem:s23+$0x420] =	vst v4  }
0x88: {  	v58 =	vld [tilespmem:s23+$0x490];
	v7 =	vmul.f32 v53, v57;
	[tilespmem:s23+$0x430] =	vst v5  }
0x89: {  	v59 =	vld [tilespmem:s23+$0x4A0];
	v8 =	vmul.f32 v63, v19;
	[tilespmem:s23+$0x440] =	vst v6  }
0x8a: {  	v60 =	vld [tilespmem:s23+$0x4B0];
	v48 =	vbroadcast v2, $0x9;
	v9 =	vmul.f32 v16, v19;
	[tilespmem:s23+$0x450] =	vst v7  }
0x8b: {  	v61 =	vld [tilespmem:s23+$0x4C0];
	v10 =	vmul.f32 v17, v19;
	[tilespmem:s23+$0x4D0] =	vst v8  }
0x8c: {  	v23 =	vld [tilespmem:s23+$0x540];
	v11 =	vmul.f32 v45, v48;
	[tilespmem:s23+$0x4E0] =	vst v9  }
0x8d: {  	v25 =	vld [tilespmem:s23+$0x550];
	v4 =	vmul.f32 v58, v62;
	[tilespmem:s23+$0x4F0] =	vst v10  }
0x8e: {  	v26 =	vld [tilespmem:s23+$0x560];
	v5 =	vmul.f32 v59, v62;
	[tilespmem:s23+$0x660] =	vst v11  }
0x8f: {  	v18 =	vld [tilespmem:s23+$0x500];
	v29 =	vbroadcast v2, $0x7;
	v6 =	vmul.f32 v60, v62;
	[tilespmem:s23+$0x490] =	vst v4  }
0x90: {  	v20 =	vld [tilespmem:s23+$0x510];
	v7 =	vmul.f32 v61, v19;
	[tilespmem:s23+$0x4A0] =	vst v5  }
0x91: {  	v21 =	vld [tilespmem:s23+$0x520];
	v8 =	vmul.f32 v23, v29;
	[tilespmem:s23+$0x4B0] =	vst v6  }
0x92: {  	v22 =	vld [tilespmem:s23+$0x530];
	v24 =	vbroadcast v3, $0x7;
	v9 =	vmul.f32 v25, v29;
	[tilespmem:s23+$0x4C0] =	vst v7  }
0x93: {  	v32 =	vld [tilespmem:s23+$0x5B0];
	v10 =	vmul.f32 v26, v29;
	[tilespmem:s23+$0x540] =	vst v8  }
0x94: {  	v33 =	vld [tilespmem:s23+$0x5C0];
	v4 =	vmul.f32 v18, v24;
	[tilespmem:s23+$0x550] =	vst v9  }
0x95: {  	v35 =	vld [tilespmem:s23+$0x5D0];
	v5 =	vmul.f32 v20, v24;
	[tilespmem:s23+$0x560] =	vst v10  }
0x96: {  	v34 =	vbroadcast v3, $0x8;
	v53 =	vld [tilespmem:s23+$0x6E0];
	v6 =	vmul.f32 v21, v24;
	[tilespmem:s23+$0x500] =	vst v4  }
0x97: {  	v27 =	vld [tilespmem:s23+$0x570];
	v7 =	vmul.f32 v22, v24;
	[tilespmem:s23+$0x510] =	vst v5  }
0x98: {  	v28 =	vld [tilespmem:s23+$0x580];
	v8 =	vmul.f32 v32, v34;
	[tilespmem:s23+$0x520] =	vst v6  }
0x99: {  	v30 =	vld [tilespmem:s23+$0x590];
	v56 =	vbroadcast v2, $0xA;
	v9 =	vmul.f32 v33, v39;
	[tilespmem:s23+$0x530] =	vst v7  }
0x9a: {  	v31 =	vld [tilespmem:s23+$0x5A0];
	v10 =	vmul.f32 v35, v39;
	[tilespmem:s23+$0x5B0] =	vst v8  }
0x9b: {  	v42 =	vld [tilespmem:s23+$0x640];
	v11 =	vmul.f32 v53, v56;
	[tilespmem:s23+$0x5C0] =	vst v9  }
0x9c: {  	v44 =	vld [tilespmem:s23+$0x650];
	v4 =	vmul.f32 v27, v29;
	[tilespmem:s23+$0x5D0] =	vst v10  }
0x9d: {  	v61 =	vld [tilespmem:s23+$0x750];
	v5 =	vmul.f32 v28, v34;
	[tilespmem:s23+$0x6E0] =	vst v11  }
0x9e: {  	v37 =	vld [tilespmem:s23+$0x5F0];
	v6 =	vmul.f32 v30, v34;
	[tilespmem:s23+$0x570] =	vst v4  }
0x9f: {  	v51 =	vld [tilespmem:s23+$0x6C0];
	v7 =	vmul.f32 v31, v34;
	[tilespmem:s23+$0x580] =	vst v5  }
0xa0: {  	v52 =	vld [tilespmem:s23+$0x6D0];
	v17 =	vbroadcast v2, $0xB;
	v9 =	vmul.f32 v42, v48;
	[tilespmem:s23+$0x590] =	vst v6  }
0xa1: {  	v21 =	vld [tilespmem:s23+$0x800];
	v10 =	vmul.f32 v44, v48;
	[tilespmem:s23+$0x5A0] =	vst v7  }
0xa2: {  	v35 =	vld [tilespmem:s23+$0x7C0];
	v11 =	vmul.f32 v61, v17;
	[tilespmem:s23+$0x640] =	vst v9  }
0xa3: {  	v38 =	vld [tilespmem:s23+$0x600];
	v5 =	vmul.f32 v37, v39;
	[tilespmem:s23+$0x650] =	vst v10  }
0xa4: {  	v15 =	vbroadcast v3, $0xD;
	v40 =	vld [tilespmem:s23+$0x610];
	v9 =	vmul.f32 v51, v56;
	[tilespmem:s23+$0x750] =	vst v11  }
0xa5: {  	v41 =	vld [tilespmem:s23+$0x620];
	v26 =	vbroadcast v2, $0xC;
	v10 =	vmul.f32 v52, v56;
	[tilespmem:s23+$0x5F0] =	vst v5  }
0xa6: {  	v46 =	vld [tilespmem:s23+$0x670];
	v4 =	vbroadcast v3, $0x9;
	v11 =	vmul.f32 v21, v15;
	[tilespmem:s23+$0x6C0] =	vst v9  }
0xa7: {  	v59 =	vld [tilespmem:s23+$0x730];
	v43 =	vmul.f32 v35, v26;
	[tilespmem:s23+$0x6D0] =	vst v10  }
0xa8: {  	v60 =	vld [tilespmem:s23+$0x740];
	v6 =	vmul.f32 v38, v4;
	[tilespmem:s23+$0x800] =	vst v11  }
0xa9: {  	v13 =	vbroadcast v3, $0xA;
	v33 =	vld [tilespmem:s23+$0x8A0];
	v7 =	vmul.f32 v40, v4;
	[tilespmem:s23+$0x7C0] =	vst v43  }
0xaa: {  	v14 =	vbroadcast v3, $0xB;
	v53 =	vld [tilespmem:s23+$0x920];
	v8 =	vmul.f32 v41, v4;
	[tilespmem:s23+$0x600] =	vst v6  }
0xab: {  	v36 =	vbroadcast v3, $0xE;
	v28 =	vld [tilespmem:s23+$0x850];
	v5 =	vmul.f32 v46, v48;
	[tilespmem:s23+$0x610] =	vst v7  }
0xac: {  	v22 =	vbroadcast v3, $0xC;
	v30 =	vld [tilespmem:s23+$0x880];
	v9 =	vmul.f32 v59, v14;
	[tilespmem:s23+$0x620] =	vst v8  }
0xad: {  	v47 =	vld [tilespmem:s23+$0x680];
	v3 =	vbroadcast v3, $0xF;
	v10 =	vmul.f32 v60, v17;
	[tilespmem:s23+$0x670] =	vst v5  }
0xae: {  	v49 =	vld [tilespmem:s23+$0x690];
	v32 =	vbroadcast v2, $0xD;
	v40 =	vmul.f32 v33, v36;
	[tilespmem:s23+$0x730] =	vst v9  }
0xaf: {  	v50 =	vld [tilespmem:s23+$0x6A0];
	v60 =	vmul.f32 v53, v3;
	[tilespmem:s23+$0x740] =	vst v10  }
0xb0: {  	v54 =	vld [tilespmem:s23+$0x700];
	v34 =	vmul.f32 v28, v32;
	[tilespmem:s23+$0x8A0] =	vst v40  }
0xb1: {  	v19 =	vld [tilespmem:s23+$0x7B0];
	v11 =	vmul.f32 v30, v36;
	[tilespmem:s23+$0x920] =	vst v60  }
0xb2: {  	v20 =	vld [tilespmem:s23+$0x7E0];
	v6 =	vmul.f32 v47, v13;
	[tilespmem:s23+$0x850] =	vst v34  }
0xb3: {  	v42 =	vld [tilespmem:s23+$0x6B0];
	v7 =	vmul.f32 v49, v13;
	[tilespmem:s23+$0x880] =	vst v11  }
0xb4: {  	v39 =	vld [tilespmem:s23+$0x8D0];
	v8 =	vmul.f32 v50, v13;
	[tilespmem:s23+$0x680] =	vst v6  }
0xb5: {  	v55 =	vld [tilespmem:s23+$0x710];
	v5 =	vmul.f32 v54, v14;
	[tilespmem:s23+$0x690] =	vst v7  }
0xb6: {  	v57 =	vld [tilespmem:s23+$0x6F0];
	v9 =	vmul.f32 v19, v22;
	[tilespmem:s23+$0x6A0] =	vst v8  }
0xb7: {  	v45 =	vbroadcast v2, $0xE;
	v58 =	vld [tilespmem:s23+$0x720];
	v10 =	vmul.f32 v20, v26;
	[tilespmem:s23+$0x700] =	vst v5  }
0xb8: {  	v62 =	vld [tilespmem:s23+$0x760];
	v13 =	vmul.f32 v42, v13;
	[tilespmem:s23+$0x7B0] =	vst v9  }
0xb9: {  	v29 =	vld [tilespmem:s23+$0x870];
	v49 =	vmul.f32 v39, v45;
	[tilespmem:s23+$0x7E0] =	vst v10  }
0xba: {  	v44 =	vld [tilespmem:s23+$0x7D0];
	v6 =	vmul.f32 v55, v14;
	[tilespmem:s23+$0x6B0] =	vst v13  }
0xbb: {  	v52 =	vld [tilespmem:s23+$0x910];
	v7 =	vmul.f32 v57, v56;
	[tilespmem:s23+$0x8D0] =	vst v49  }
0xbc: {  	v38 =	vld [tilespmem:s23+$0x8C0];
	v8 =	vmul.f32 v58, v14;
	[tilespmem:s23+$0x710] =	vst v6  }
0xbd: {  	v41 =	vld [tilespmem:s23+$0x8E0];
	v5 =	vmul.f32 v62, v17;
	[tilespmem:s23+$0x6F0] =	vst v7  }
0xbe: {  	v63 =	vld [tilespmem:s23+$0x770];
	v10 =	vmul.f32 v29, v32;
	[tilespmem:s23+$0x720] =	vst v8  }
0xbf: {  	v16 =	vld [tilespmem:s23+$0x780];
	v9 =	vmul.f32 v44, v26;
	[tilespmem:s23+$0x760] =	vst v5  }
0xc0: {  	v18 =	vld [tilespmem:s23+$0x790];
	v58 =	vmul.f32 v52, v3;
	[tilespmem:s23+$0x870] =	vst v10  }
0xc1: {  	v23 =	vld [tilespmem:s23+$0x810];
	v47 =	vmul.f32 v38, v45;
	[tilespmem:s23+$0x7D0] =	vst v9  }
0xc2: {  	v59 =	vld [tilespmem:s23+$0x950];
	v51 =	vmul.f32 v41, v45;
	[tilespmem:s23+$0x910] =	vst v58  }
0xc3: {  	v24 =	vld [tilespmem:s23+$0x820];
	v6 =	vmul.f32 v63, v17;
	[tilespmem:s23+$0x8C0] =	vst v47  }
0xc4: {  	v25 =	vld [tilespmem:s23+$0x830];
	v7 =	vmul.f32 v16, v22;
	[tilespmem:s23+$0x8E0] =	vst v51  }
0xc5: {  	v2 =	vbroadcast v2, $0xF;
	v27 =	vld [tilespmem:s23+$0x840];
	v8 =	vmul.f32 v18, v22;
	[tilespmem:s23+$0x770] =	vst v6  }
0xc6: {  	v31 =	vld [tilespmem:s23+$0x890];
	v5 =	vmul.f32 v23, v15;
	[tilespmem:s23+$0x780] =	vst v7  }
0xc7: {  	v55 =	vld [tilespmem:s23+$0x630];
	v63 =	vmul.f32 v59, v2;
	[tilespmem:s23+$0x790] =	vst v8  }
0xc8: {  	v37 =	vld [tilespmem:s23+$0x8B0];
	v6 =	vmul.f32 v24, v15;
	[tilespmem:s23+$0x810] =	vst v5  }
0xc9: {  	v46 =	vld [tilespmem:s23+$0x7F0];
	v7 =	vmul.f32 v25, v15;
	[tilespmem:s23+$0x950] =	vst v63  }
0xca: {  	v50 =	vld [tilespmem:s23+$0x900];
	v8 =	vmul.f32 v27, v32;
	[tilespmem:s23+$0x820] =	vst v6  }
0xcb: {  	v54 =	vld [tilespmem:s23+$0x930];
	v5 =	vmul.f32 v31, v36;
	[tilespmem:s23+$0x830] =	vst v7  }
0xcc: {  	v16 =	vld [tilespmem:s23+$0x7A0];
	v4 =	vmul.f32 v55, v4;
	[tilespmem:s23+$0x840] =	vst v8  }
0xcd: {  	v48 =	vld [tilespmem:s23+$0x8F0];
	[tilespmem:s23+$0x890] =	vst v5;
	v7 =	vmul.f32 v37, v36  }
0xce: {  	v57 =	vld [tilespmem:s23+$0x940];
	v5 =	vmul.f32 v46, v26;
	[tilespmem:s23+$0x630] =	vst v4  }
0xcf: {  	v56 =	vld [tilespmem:s23+$0x860];
	v8 =	vmul.f32 v50, v3;
	[tilespmem:s23+$0x8B0] =	vst v7  }
0xd0: {  	v61 =	vld [tilespmem:s23+$0x960];
	v3 =	vmul.f32 v54, v3;
	[tilespmem:s23+$0x7F0] =	vst v5  }
0xd1: {  	v14 =	vmul.f32 v16, v22;
	[tilespmem:s23+$0x900] =	vst v8  }
0xd2: {  	v62 =	vld [tilespmem:s23+$0x970];
	v7 =	vmul.f32 v48, v45;
	[tilespmem:s23+$0x930] =	vst v3  }
0xd3: {  	v3 =	vmul.f32 v57, v2;
	[tilespmem:s23+$0x7A0] =	vst v14  }
0xd4: {  	v5 =	vmul.f32 v56, v32;
	[tilespmem:s23+$0x8F0] =	vst v7  }
0xd5: {  	[tilespmem:s23+$0x940] =	vst v3;
	v3 =	vmul.f32 v61, v2  }
0xd6: {  	[tilespmem:s23+$0x860] =	vst v5  }
0xd7: {  	s24 =	simm.s32 $0x1;
	v2 =	vmul.f32 v62, v2;
	[tilespmem:s23+$0x960] =	vst v3  }
.LBB2_7:
0xd8: {  	s25 =	sshll.u32 s24, $0x4  }
0xd9: {  	p0 =	sne.s32 s24, $0x7;
	[tilespmem:s23+$0x970] =	vst v2;
	s23 =	smov.u32 s24;
	s24 =	sadd.s32 $0x1, s24  }
0xda: {  	v3 =	vld [tilespmem:s25+$0x4180];
	s23 =	sshll.u32 s23, $0xB  }
0xdb: {  	v2 =	vld [tilespmem:s25+$0x4200];
	s23 =	sand.u32 $0x3FFFF800, s23  }
0xdc: {  	v5 =	vld [tilespmem:s23+$0x180]  }
0xdd: {  	v6 =	vld [tilespmem:s23+$0x190]  }
0xde: {  	v7 =	vld [tilespmem:s23+$0x1A0]  }
0xdf: {  	v8 =	vbroadcast v3, $0x0;
	v9 =	vld [tilespmem:s23+$0x1B0];
	v4 =	vbroadcast v3, $0x4  }
0xe0: {  	v10 =	vld [tilespmem:s23+$0x1C0]  }
0xe1: {  	v5 =	vmul.f32 v5, v8;
	v11 =	vld [tilespmem:s23+$0x1D0]  }
0xe2: {  	v6 =	vmul.f32 v6, v8;
	v12 =	vld [tilespmem:s23+$0x1E0]  }
0xe3: {  	[tilespmem:s23+$0x180] =	vst v5;
	v5 =	vmul.f32 v7, v8;
	v7 =	vbroadcast v2, $0x0;
	v13 =	vld [tilespmem:s23+$0x1F0]  }
0xe4: {  	[tilespmem:s23+$0x190] =	vst v6;
	v6 =	vmul.f32 v9, v8;
	v8 =	vld [tilespmem:s23+$0x200]  }
0xe5: {  	[tilespmem:s23+$0x1A0] =	vst v5;
	v5 =	vmul.f32 v10, v7;
	v9 =	vld [tilespmem:s23+$0x210]  }
0xe6: {  	[tilespmem:s23+$0x1B0] =	vst v6;
	v6 =	vmul.f32 v11, v7;
	v10 =	vld [tilespmem:s23+$0x220]  }
0xe7: {  	v11 =	vbroadcast v3, $0x1;
	[tilespmem:s23+$0x1C0] =	vst v5;
	v5 =	vmul.f32 v12, v7;
	v12 =	vld [tilespmem:s23+$0x230]  }
0xe8: {  	[tilespmem:s23+$0x1D0] =	vst v6;
	v6 =	vmul.f32 v13, v7;
	v7 =	vld [tilespmem:s23+$0x240]  }
0xe9: {  	[tilespmem:s23+$0x1E0] =	vst v5;
	v5 =	vmul.f32 v8, v11;
	v8 =	vld [tilespmem:s23+$0x250]  }
0xea: {  	[tilespmem:s23+$0x1F0] =	vst v6;
	v6 =	vmul.f32 v9, v11;
	v9 =	vld [tilespmem:s23+$0x260]  }
0xeb: {  	[tilespmem:s23+$0x200] =	vst v5;
	v5 =	vmul.f32 v10, v11;
	v10 =	vbroadcast v2, $0x1;
	v13 =	vld [tilespmem:s23+$0x270]  }
0xec: {  	[tilespmem:s23+$0x210] =	vst v6;
	v6 =	vmul.f32 v12, v11;
	v11 =	vld [tilespmem:s23+$0x280]  }
0xed: {  	[tilespmem:s23+$0x220] =	vst v5;
	v5 =	vmul.f32 v7, v10;
	v7 =	vld [tilespmem:s23+$0x290]  }
0xee: {  	[tilespmem:s23+$0x230] =	vst v6;
	v6 =	vmul.f32 v8, v10;
	v8 =	vld [tilespmem:s23+$0x2A0]  }
0xef: {  	[tilespmem:s23+$0x240] =	vst v5;
	v5 =	vmul.f32 v9, v10;
	v9 =	vbroadcast v3, $0x2;
	v12 =	vld [tilespmem:s23+$0x2B0]  }
0xf0: {  	[tilespmem:s23+$0x250] =	vst v6;
	v6 =	vmul.f32 v13, v10;
	v10 =	vld [tilespmem:s23+$0x2C0]  }
0xf1: {  	[tilespmem:s23+$0x260] =	vst v5;
	v5 =	vmul.f32 v11, v9;
	v11 =	vld [tilespmem:s23+$0x2D0]  }
0xf2: {  	[tilespmem:s23+$0x270] =	vst v6;
	v6 =	vmul.f32 v7, v9;
	v7 =	vld [tilespmem:s23+$0x2E0]  }
0xf3: {  	[tilespmem:s23+$0x280] =	vst v5;
	v5 =	vmul.f32 v8, v9;
	v8 =	vbroadcast v2, $0x2;
	v13 =	vld [tilespmem:s23+$0x2F0]  }
0xf4: {  	[tilespmem:s23+$0x290] =	vst v6;
	v6 =	vmul.f32 v12, v9;
	v9 =	vld [tilespmem:s23+$0x300]  }
0xf5: {  	[tilespmem:s23+$0x2A0] =	vst v5;
	v5 =	vmul.f32 v10, v8;
	v10 =	vld [tilespmem:s23+$0x310]  }
0xf6: {  	[tilespmem:s23+$0x2B0] =	vst v6;
	v6 =	vmul.f32 v11, v8;
	v11 =	vld [tilespmem:s23+$0x320]  }
0xf7: {  	[tilespmem:s23+$0x2C0] =	vst v5;
	v5 =	vmul.f32 v7, v8;
	v7 =	vbroadcast v3, $0x3;
	v12 =	vld [tilespmem:s23+$0x330]  }
0xf8: {  	[tilespmem:s23+$0x2D0] =	vst v6;
	v6 =	vmul.f32 v13, v8;
	v8 =	vld [tilespmem:s23+$0x340]  }
0xf9: {  	[tilespmem:s23+$0x2E0] =	vst v5;
	v5 =	vmul.f32 v9, v7;
	v9 =	vld [tilespmem:s23+$0x350]  }
0xfa: {  	[tilespmem:s23+$0x2F0] =	vst v6;
	v6 =	vmul.f32 v10, v7;
	v10 =	vld [tilespmem:s23+$0x360]  }
0xfb: {  	[tilespmem:s23+$0x300] =	vst v5;
	v5 =	vmul.f32 v11, v7;
	v11 =	vbroadcast v2, $0x3;
	v13 =	vld [tilespmem:s23+$0x370]  }
0xfc: {  	[tilespmem:s23+$0x310] =	vst v6;
	v6 =	vmul.f32 v12, v7;
	v7 =	vld [tilespmem:s23+$0x380]  }
0xfd: {  	[tilespmem:s23+$0x320] =	vst v5;
	v5 =	vmul.f32 v8, v11;
	v8 =	vld [tilespmem:s23+$0x390]  }
0xfe: {  	[tilespmem:s23+$0x330] =	vst v6;
	v6 =	vmul.f32 v9, v11;
	v9 =	vld [tilespmem:s23+$0x3A0]  }
0xff: {  	[tilespmem:s23+$0x340] =	vst v5;
	v5 =	vmul.f32 v10, v11;
	v10 =	vld [tilespmem:s23+$0x3B0]  }
0x100: {  	[tilespmem:s23+$0x350] =	vst v6;
	v6 =	vmul.f32 v13, v11;
	v11 =	vld [tilespmem:s23+$0x3C0]  }
0x101: {  	[tilespmem:s23+$0x360] =	vst v5;
	v5 =	vmul.f32 v7, v4;
	v7 =	vld [tilespmem:s23+$0x3D0]  }
0x102: {  	[tilespmem:s23+$0x370] =	vst v6;
	v6 =	vmul.f32 v8, v4;
	v8 =	vld [tilespmem:s23+$0x3E0]  }
0x103: {  	[tilespmem:s23+$0x380] =	vst v5;
	v5 =	vmul.f32 v9, v4;
	v9 =	vbroadcast v2, $0x4;
	v12 =	vld [tilespmem:s23+$0x3F0]  }
0x104: {  	[tilespmem:s23+$0x390] =	vst v6;
	v4 =	vmul.f32 v10, v4;
	v6 =	vld [tilespmem:s23+$0x400]  }
0x105: {  	[tilespmem:s23+$0x3A0] =	vst v5;
	v5 =	vmul.f32 v11, v9;
	v10 =	vld [tilespmem:s23+$0x410]  }
0x106: {  	[tilespmem:s23+$0x3B0] =	vst v4;
	v4 =	vmul.f32 v7, v9;
	v7 =	vld [tilespmem:s23+$0x420]  }
0x107: {  	[tilespmem:s23+$0x3C0] =	vst v5;
	v5 =	vmul.f32 v8, v9;
	v8 =	vbroadcast v3, $0x5;
	v11 =	vld [tilespmem:s23+$0x430]  }
0x108: {  	[tilespmem:s23+$0x3D0] =	vst v4;
	v4 =	vmul.f32 v12, v9;
	v9 =	vld [tilespmem:s23+$0x440]  }
0x109: {  	[tilespmem:s23+$0x3E0] =	vst v5;
	v5 =	vmul.f32 v6, v8;
	v6 =	vld [tilespmem:s23+$0x450]  }
0x10a: {  	[tilespmem:s23+$0x3F0] =	vst v4;
	v4 =	vmul.f32 v10, v8;
	v10 =	vld [tilespmem:s23+$0x460]  }
0x10b: {  	[tilespmem:s23+$0x400] =	vst v5;
	v5 =	vmul.f32 v7, v8;
	v7 =	vbroadcast v2, $0x5;
	v12 =	vld [tilespmem:s23+$0x470]  }
0x10c: {  	[tilespmem:s23+$0x410] =	vst v4;
	v4 =	vmul.f32 v11, v8;
	v8 =	vld [tilespmem:s23+$0x480]  }
0x10d: {  	[tilespmem:s23+$0x420] =	vst v5;
	v5 =	vmul.f32 v9, v7;
	v9 =	vld [tilespmem:s23+$0x490]  }
0x10e: {  	[tilespmem:s23+$0x430] =	vst v4;
	v4 =	vmul.f32 v6, v7;
	v6 =	vld [tilespmem:s23+$0x4A0]  }
0x10f: {  	[tilespmem:s23+$0x440] =	vst v5;
	v5 =	vmul.f32 v10, v7;
	v10 =	vbroadcast v3, $0x6;
	v11 =	vld [tilespmem:s23+$0x4B0]  }
0x110: {  	[tilespmem:s23+$0x450] =	vst v4;
	v4 =	vmul.f32 v12, v7;
	v7 =	vld [tilespmem:s23+$0x4C0]  }
0x111: {  	[tilespmem:s23+$0x460] =	vst v5;
	v5 =	vmul.f32 v8, v10;
	v8 =	vld [tilespmem:s23+$0x4D0]  }
0x112: {  	[tilespmem:s23+$0x470] =	vst v4;
	v4 =	vmul.f32 v9, v10;
	v9 =	vld [tilespmem:s23+$0x4E0]  }
0x113: {  	[tilespmem:s23+$0x480] =	vst v5;
	v5 =	vmul.f32 v6, v10;
	v6 =	vbroadcast v2, $0x6;
	v12 =	vld [tilespmem:s23+$0x4F0]  }
0x114: {  	[tilespmem:s23+$0x490] =	vst v4;
	v4 =	vmul.f32 v11, v10;
	v10 =	vld [tilespmem:s23+$0x500]  }
0x115: {  	[tilespmem:s23+$0x4A0] =	vst v5;
	v5 =	vmul.f32 v7, v6;
	v7 =	vld [tilespmem:s23+$0x510]  }
0x116: {  	[tilespmem:s23+$0x4B0] =	vst v4;
	v4 =	vmul.f32 v8, v6;
	v8 =	vld [tilespmem:s23+$0x520]  }
0x117: {  	[tilespmem:s23+$0x4C0] =	vst v5;
	v5 =	vmul.f32 v9, v6;
	v9 =	vbroadcast v3, $0x7;
	v11 =	vld [tilespmem:s23+$0x530]  }
0x118: {  	[tilespmem:s23+$0x4D0] =	vst v4;
	v4 =	vmul.f32 v12, v6;
	v6 =	vld [tilespmem:s23+$0x540]  }
0x119: {  	[tilespmem:s23+$0x4E0] =	vst v5;
	v5 =	vmul.f32 v10, v9;
	v10 =	vld [tilespmem:s23+$0x550]  }
0x11a: {  	[tilespmem:s23+$0x4F0] =	vst v4;
	v4 =	vmul.f32 v7, v9;
	v7 =	vld [tilespmem:s23+$0x560]  }
0x11b: {  	[tilespmem:s23+$0x500] =	vst v5;
	v5 =	vmul.f32 v8, v9;
	v8 =	vbroadcast v2, $0x7;
	v12 =	vld [tilespmem:s23+$0x570]  }
0x11c: {  	[tilespmem:s23+$0x510] =	vst v4;
	v4 =	vmul.f32 v11, v9;
	v9 =	vld [tilespmem:s23+$0x580]  }
0x11d: {  	[tilespmem:s23+$0x520] =	vst v5;
	v5 =	vmul.f32 v6, v8;
	v6 =	vld [tilespmem:s23+$0x590]  }
0x11e: {  	[tilespmem:s23+$0x530] =	vst v4;
	v4 =	vmul.f32 v10, v8;
	v10 =	vld [tilespmem:s23+$0x5A0]  }
0x11f: {  	[tilespmem:s23+$0x540] =	vst v5;
	v5 =	vmul.f32 v7, v8;
	v7 =	vbroadcast v3, $0x8;
	v11 =	vld [tilespmem:s23+$0x5B0]  }
0x120: {  	[tilespmem:s23+$0x550] =	vst v4;
	v4 =	vmul.f32 v12, v8;
	v8 =	vld [tilespmem:s23+$0x5C0]  }
0x121: {  	[tilespmem:s23+$0x560] =	vst v5;
	v5 =	vmul.f32 v9, v7;
	v9 =	vld [tilespmem:s23+$0x5D0]  }
0x122: {  	[tilespmem:s23+$0x570] =	vst v4;
	v4 =	vmul.f32 v6, v7;
	v6 =	vld [tilespmem:s23+$0x5E0]  }
0x123: {  	[tilespmem:s23+$0x580] =	vst v5;
	v5 =	vmul.f32 v10, v7;
	v10 =	vbroadcast v2, $0x8;
	v12 =	vld [tilespmem:s23+$0x5F0]  }
0x124: {  	[tilespmem:s23+$0x590] =	vst v4;
	v4 =	vmul.f32 v11, v7;
	v7 =	vld [tilespmem:s23+$0x600]  }
0x125: {  	[tilespmem:s23+$0x5A0] =	vst v5;
	v5 =	vmul.f32 v8, v10;
	v8 =	vld [tilespmem:s23+$0x610]  }
0x126: {  	[tilespmem:s23+$0x5B0] =	vst v4;
	v9 =	vmul.f32 v9, v10;
	v11 =	vld [tilespmem:s23+$0x620]  }
0x127: {  	v4 =	vbroadcast v3, $0x9;
	[tilespmem:s23+$0x5C0] =	vst v5;
	v5 =	vmul.f32 v6, v10;
	v6 =	vld [tilespmem:s23+$0x640]  }
0x128: {  	[tilespmem:s23+$0x5D0] =	vst v9;
	v9 =	vmul.f32 v12, v10;
	v10 =	vld [tilespmem:s23+$0x650]  }
0x129: {  	[tilespmem:s23+$0x5E0] =	vst v5;
	v5 =	vmul.f32 v7, v4;
	v7 =	vld [tilespmem:s23+$0x660]  }
0x12a: {  	[tilespmem:s23+$0x5F0] =	vst v9;
	v8 =	vmul.f32 v8, v4;
	v9 =	vbroadcast v2, $0x9;
	v12 =	vld [tilespmem:s23+$0x670]  }
0x12b: {  	[tilespmem:s23+$0x600] =	vst v5;
	v5 =	vmul.f32 v11, v4;
	v11 =	vld [tilespmem:s23+$0x680]  }
0x12c: {  	[tilespmem:s23+$0x610] =	vst v8;
	v6 =	vmul.f32 v6, v9;
	v8 =	vld [tilespmem:s23+$0x690]  }
0x12d: {  	[tilespmem:s23+$0x620] =	vst v5;
	v10 =	vmul.f32 v10, v9;
	v13 =	vld [tilespmem:s23+$0x6A0]  }
0x12e: {  	v5 =	vbroadcast v3, $0xA;
	[tilespmem:s23+$0x640] =	vst v6;
	v6 =	vmul.f32 v7, v9;
	v7 =	vld [tilespmem:s23+$0x6C0]  }
0x12f: {  	[tilespmem:s23+$0x650] =	vst v10;
	v9 =	vmul.f32 v12, v9;
	v10 =	vld [tilespmem:s23+$0x6D0]  }
0x130: {  	[tilespmem:s23+$0x660] =	vst v6;
	v6 =	vmul.f32 v11, v5;
	v11 =	vld [tilespmem:s23+$0x6E0]  }
0x131: {  	[tilespmem:s23+$0x670] =	vst v9;
	v8 =	vmul.f32 v8, v5;
	v9 =	vbroadcast v2, $0xA;
	v12 =	vld [tilespmem:s23+$0x700]  }
0x132: {  	[tilespmem:s23+$0x680] =	vst v6;
	v6 =	vmul.f32 v13, v5;
	v13 =	vld [tilespmem:s23+$0x710]  }
0x133: {  	[tilespmem:s23+$0x690] =	vst v8;
	v7 =	vmul.f32 v7, v9;
	v8 =	vld [tilespmem:s23+$0x6F0]  }
0x134: {  	[tilespmem:s23+$0x6A0] =	vst v6;
	v6 =	vmul.f32 v10, v9;
	v10 =	vbroadcast v3, $0xB;
	v14 =	vld [tilespmem:s23+$0x720]  }
0x135: {  	[tilespmem:s23+$0x6C0] =	vst v7;
	v7 =	vmul.f32 v11, v9;
	v11 =	vld [tilespmem:s23+$0x730]  }
0x136: {  	[tilespmem:s23+$0x6D0] =	vst v6;
	v6 =	vmul.f32 v12, v10;
	v12 =	vld [tilespmem:s23+$0x740]  }
0x137: {  	[tilespmem:s23+$0x6E0] =	vst v7;
	v7 =	vmul.f32 v13, v10;
	v13 =	vld [tilespmem:s23+$0x750]  }
0x138: {  	v8 =	vmul.f32 v8, v9;
	[tilespmem:s23+$0x700] =	vst v6;
	v6 =	vld [tilespmem:s23+$0x760]  }
0x139: {  	v9 =	vbroadcast v2, $0xB;
	[tilespmem:s23+$0x710] =	vst v7;
	v7 =	vmul.f32 v14, v10;
	v14 =	vld [tilespmem:s23+$0x770]  }
0x13a: {  	[tilespmem:s23+$0x6F0] =	vst v8;
	v8 =	vmul.f32 v11, v10;
	v10 =	vld [tilespmem:s23+$0x780]  }
0x13b: {  	[tilespmem:s23+$0x720] =	vst v7;
	v7 =	vmul.f32 v12, v9;
	v11 =	vld [tilespmem:s23+$0x790]  }
0x13c: {  	[tilespmem:s23+$0x730] =	vst v8;
	v8 =	vmul.f32 v13, v9;
	v12 =	vld [tilespmem:s23+$0x7B0]  }
0x13d: {  	[tilespmem:s23+$0x740] =	vst v7;
	v6 =	vmul.f32 v6, v9;
	v7 =	vbroadcast v3, $0xC;
	v13 =	vld [tilespmem:s23+$0x7E0]  }
0x13e: {  	[tilespmem:s23+$0x750] =	vst v8;
	v8 =	vmul.f32 v14, v9;
	v9 =	vld [tilespmem:s23+$0x800]  }
0x13f: {  	[tilespmem:s23+$0x760] =	vst v6;
	v6 =	vmul.f32 v10, v7;
	v10 =	vld [tilespmem:s23+$0x810]  }
0x140: {  	[tilespmem:s23+$0x770] =	vst v8;
	v8 =	vmul.f32 v11, v7;
	v11 =	vbroadcast v2, $0xC;
	v14 =	vld [tilespmem:s23+$0x820]  }
0x141: {  	[tilespmem:s23+$0x780] =	vst v6;
	v6 =	vmul.f32 v12, v7;
	v12 =	vbroadcast v3, $0xD;
	v15 =	vld [tilespmem:s23+$0x830]  }
0x142: {  	[tilespmem:s23+$0x790] =	vst v8;
	v8 =	vmul.f32 v13, v11;
	v13 =	vld [tilespmem:s23+$0x840]  }
0x143: {  	[tilespmem:s23+$0x7B0] =	vst v6;
	v6 =	vmul.f32 v9, v12;
	v9 =	vld [tilespmem:s23+$0x850]  }
0x144: {  	[tilespmem:s23+$0x7E0] =	vst v8;
	v8 =	vmul.f32 v10, v12;
	v10 =	vld [tilespmem:s23+$0x870]  }
0x145: {  	[tilespmem:s23+$0x800] =	vst v6;
	v6 =	vmul.f32 v14, v12;
	v14 =	vbroadcast v2, $0xD;
	v16 =	vld [tilespmem:s23+$0x880]  }
0x146: {  	[tilespmem:s23+$0x810] =	vst v8;
	v8 =	vmul.f32 v15, v12;
	v12 =	vld [tilespmem:s23+$0x890]  }
0x147: {  	[tilespmem:s23+$0x820] =	vst v6;
	v6 =	vmul.f32 v13, v14;
	v13 =	vld [tilespmem:s23+$0x8A0]  }
0x148: {  	v15 =	vld [tilespmem:s23+$0x7A0];
	[tilespmem:s23+$0x830] =	vst v8;
	v8 =	vmul.f32 v9, v14;
	v9 =	vbroadcast v3, $0xE  }
0x149: {  	v17 =	vld [tilespmem:s23+$0x7C0];
	[tilespmem:s23+$0x840] =	vst v6;
	v6 =	vmul.f32 v10, v14  }
0x14a: {  	[tilespmem:s23+$0x850] =	vst v8;
	v8 =	vmul.f32 v16, v9;
	v10 =	vld [tilespmem:s23+$0x8B0]  }
0x14b: {  	[tilespmem:s23+$0x870] =	vst v6;
	v6 =	vmul.f32 v12, v9;
	v12 =	vld [tilespmem:s23+$0x8C0]  }
0x14c: {  	[tilespmem:s23+$0x880] =	vst v8;
	v8 =	vmul.f32 v13, v9;
	v13 =	vld [tilespmem:s23+$0x8D0]  }
0x14d: {  	v7 =	vmul.f32 v15, v7;
	[tilespmem:s23+$0x890] =	vst v6;
	v6 =	vld [tilespmem:s23+$0x8E0]  }
0x14e: {  	v15 =	vld [tilespmem:s23+$0x6B0];
	v16 =	vmul.f32 v17, v11;
	[tilespmem:s23+$0x8A0] =	vst v8;
	v8 =	vbroadcast v2, $0xE  }
0x14f: {  	[tilespmem:s23+$0x7A0] =	vst v7;
	v7 =	vld [tilespmem:s23+$0x7D0];
	v9 =	vmul.f32 v10, v9  }
0x150: {  	[tilespmem:s23+$0x7C0] =	vst v16;
	v10 =	vld [tilespmem:s23+$0x7F0];
	v12 =	vmul.f32 v12, v8  }
0x151: {  	[tilespmem:s23+$0x8B0] =	vst v9;
	v9 =	vmul.f32 v13, v8;
	v13 =	vld [tilespmem:s23+$0x8F0]  }
0x152: {  	[tilespmem:s23+$0x8C0] =	vst v12;
	v6 =	vmul.f32 v6, v8;
	v12 =	vld [tilespmem:s23+$0x900]  }
0x153: {  	v5 =	vmul.f32 v15, v5;
	[tilespmem:s23+$0x8D0] =	vst v9;
	v9 =	vld [tilespmem:s23+$0x910]  }
0x154: {  	v7 =	vmul.f32 v7, v11;
	[tilespmem:s23+$0x8E0] =	vst v6;
	v6 =	vld [tilespmem:s23+$0x920]  }
0x155: {  	v3 =	vbroadcast v3, $0xF;
	[tilespmem:s23+$0x6B0] =	vst v5;
	v5 =	vmul.f32 v10, v11;
	v10 =	vld [tilespmem:s23+$0x930]  }
0x156: {  	v11 =	vld [tilespmem:s23+$0x630];
	[tilespmem:s23+$0x7D0] =	vst v7;
	v7 =	vmul.f32 v13, v8  }
0x157: {  	[tilespmem:s23+$0x7F0] =	vst v5;
	v5 =	vld [tilespmem:s23+$0x860];
	v8 =	vmul.f32 v12, v3  }
0x158: {  	[tilespmem:s23+$0x8F0] =	vst v7;
	v7 =	vmul.f32 v9, v3;
	v9 =	vld [tilespmem:s23+$0x940]  }
0x159: {  	[tilespmem:s23+$0x900] =	vst v8;
	v6 =	vmul.f32 v6, v3;
	v8 =	vld [tilespmem:s23+$0x950]  }
0x15a: {  	[tilespmem:s23+$0x910] =	vst v7;
	v3 =	vmul.f32 v10, v3;
	v7 =	vld [tilespmem:s23+$0x960]  }
0x15b: {  	v2 =	vbroadcast v2, $0xF;
	v4 =	vmul.f32 v11, v4;
	[tilespmem:s23+$0x920] =	vst v6;
	v6 =	vld [tilespmem:s23+$0x970]  }
0x15c: {  	v5 =	vmul.f32 v5, v14;
	[tilespmem:s23+$0x930] =	vst v3  }
.Ltmp2:
0x15d: {  	[tilespmem:s23+$0x630] =	vst v4;
	v3 =	vmul.f32 v9, v2;
	(pc) =	sbr.rel @p0 .LBB2_7-.Ltmp2, $4  }
0x15e: {  	[tilespmem:s23+$0x860] =	vst v5;
	v4 =	vmul.f32 v8, v2  }
0x15f: {  	[tilespmem:s23+$0x940] =	vst v3;
	v3 =	vmul.f32 v7, v2  }
0x160: {  	[tilespmem:s23+$0x950] =	vst v4;
	v2 =	vmul.f32 v6, v2  }
0x161: {  	[tilespmem:s23+$0x960] =	vst v3  }
0x162: {  	s22 =	sadd.s32 $0x1, s22  }
0x163: {  	p0 =	sne.s32 s22, $0x4F  }
.Ltmp3:
0x164: {  	[tilespmem:s23+$0x970] =	vst v2;
	(pc) =	sbr.rel @p0 .LBB2_6-.Ltmp3, $4  }
0x165: {  	[spmem:s2] =	stream.indirect.scatter.add.f32 [tilespmem:s15], [sflag:$0x2], $0x80, s13, s13, $0xb8;
	[tilespmem:$0x18280] =	vst v63  }
0x166: {  	_ =	swait.ge [sflag:s16], $0x4000  }
0x167: {  	[sflag:s16] =	ssyncset.done $0x0  }
0x168: {  	[sflag:s16] =	ssyncadd.s32 $0xFFFFC000  }
0x169: {  	s21 =	sadd.s32 $0x0, s9  }
0x16a: {  	[bflag:$0x0] =	sbarrier.arrive $0xFFFF;
	v2 =	vor.u32 s21, v1;
	s22 =	sadd.s32 $0x10, s21  }
0x16b: {  	s23 =	sadd.s32 $0x20, s21;
	[tilespmem:$0x100] =	vst v2;
	v2 =	vor.u32 s22, v1  }
0x16c: {  	s28 =	sadd.s32 $0x70, s21;
	v3 =	vor.u32 s23, v1;
	[tilespmem:$0x110] =	vst v2  }
0x16d: {  	s30 =	sadd.s32 $0x40, s21;
	v2 =	vor.u32 s28, v1;
	[tilespmem:$0x120] =	vst v3  }
0x16e: {  	s29 =	sadd.s32 $0x50, s21;
	v3 =	vor.u32 s30, v1;
	[tilespmem:$0x170] =	vst v2  }
0x16f: {  	s31 =	sadd.s32 $0x60, s21;
	s21 =	sadd.s32 $0x30, s21;
	v2 =	vor.u32 s29, v1;
	[tilespmem:$0x140] =	vst v3  }
0x170: {  	v3 =	vor.u32 s21, v1;
	[tilespmem:$0x150] =	vst v2  }
0x171: {  	v2 =	vor.u32 s31, v1;
	[tilespmem:$0x130] =	vst v3  }
0x172: {  	s23 =	smov.u32 s12;
	s22 =	smov.u32 s12;
	s21 =	simm.s32 $0x800;
	[tilespmem:$0x160] =	vst v2  }
0x173: {  	[tilespmem:s15], [sflag:$0x1] =	stream.indirect.gather [spmem:s2], $0x80, s14, s13, $0xb8;
	[tilespmem:$0x18280] =	vst v63  }
.LBB2_10:
0x174: {  	p0 =	sne.s32 s21, $0x2000;
	_ =	swait.ge [sflag:s19], $0x4000;
	s23 =	sadd.s32 $0x8000, s23  }
0x175: {  	s24 =	smov.u32 s21;
	s21 =	sadd.s32 $0x800, s21;
	[sflag:s19] =	ssyncset.done $0x0  }
0x176: {  	[sflag:s19] =	ssyncadd.s32 $0xFFFFC000  }
0x177: {  	[hbm4b:s22+s3] =	stream.linear.scatter [tilespmem:s15], [sflag:$0x2], $0x4000, $0x38;
	[tilespmem:$0x18280] =	vst v63  }
0x178: {  	s22 =	smov.u32 s23;
	_ =	swait.ge [sflag:s16], $0x4000  }
0x179: {  	s24 =	sadd.s32 s24, s9;
	[sflag:s16] =	ssyncset.done $0x0  }
0x17a: {  	v2 =	vor.u32 s24, v1;
	s25 =	sadd.s32 $0x10, s24;
	s26 =	sadd.s32 $0x20, s24;
	[sflag:s16] =	ssyncadd.s32 $0xFFFFC000  }
0x17b: {  	s28 =	sadd.s32 $0x70, s24;
	v3 =	vor.u32 s26, v1;
	s26 =	sadd.s32 $0x50, s24;
	[tilespmem:$0x100] =	vst v2;
	v2 =	vor.u32 s25, v1;
	s25 =	sadd.s32 $0x40, s24  }
0x17c: {  	s29 =	sadd.s32 $0x30, s24;
	v5 =	vor.u32 s28, v1;
	v4 =	vor.u32 s26, v1;
	s24 =	sadd.s32 $0x60, s24;
	[tilespmem:$0x110] =	vst v2;
	v2 =	vor.u32 s25, v1  }
0x17d: {  	v6 =	vor.u32 s29, v1;
	v7 =	vor.u32 s24, v1;
	[tilespmem:$0x170] =	vst v5  }
0x17e: {  	[tilespmem:$0x120] =	vst v3  }
.Ltmp4:
0x17f: {  	[tilespmem:$0x150] =	vst v4;
	(pc) =	sbr.rel @p0 .LBB2_10-.Ltmp4, $4  }
0x180: {  	[tilespmem:$0x140] =	vst v2  }
0x181: {  	[tilespmem:$0x160] =	vst v7  }
0x182: {  	[tilespmem:$0x130] =	vst v6  }
0x183: {  	[tilespmem:s15], [sflag:$0x1] =	stream.indirect.gather [spmem:s2], $0x80, s14, s13, $0xb8;
	[tilespmem:$0x18280] =	vst v63  }
0x184: {  	_ =	swait.ge [sflag:s19], $0x4000;
	s20 =	sadd.s32 $0x1, s20  }
0x185: {  	[sflag:s19] =	ssyncset.done $0x0;
	p0 =	sne.s32 s20, s11  }
.Ltmp5:
0x186: {  	[sflag:s19] =	ssyncadd.s32 $0xFFFFC000;
	(pc) =	sbr.rel @p0 .LBB2_1-.Ltmp5, $4  }
0x187: {  	[hbm4b:s22+s3] =	stream.linear.scatter [tilespmem:s15], [sflag:$0x2], $0x4000, $0x38;
	[tilespmem:$0x18280] =	vst v63  }
0x188: {  	_ =	swait.ge [sflag:s16], $0x4000  }
0x189: {  	[sflag:s16] =	ssyncset.done $0x0  }
0x18a: {  	[sflag:s16] =	ssyncadd.s32 $0xFFFFC000  }
0x18b: {  	_ =	sfence.sel $0x180000  }
0x18c: {  	[bflag:$0x0] =	sbarrier.arrive $0xFFFF  }
0x18d: {  	p0 =	sne.s32 s6, $0x0;
	_ =	strace $0x9000004D  }
0x18e: {  	s0 =	sadd.s32 @!p0 $0x100000, s0;
	[bflag:$0x2] =	sbarrier.arrive $0xFFFF  }
0x18f: {  	[sflag:s0] =	ssyncadd.tile.s32 @!p0 $0x1;
	_ =	shalt  }
.Lfunc_end2:
_tile_overlayer_lowered:
.L_overlay_start_2:
0x190: {  	(tag) =	ssettag $0x2  }
0x191: {  	s0 =	rddreg [dreg:$0x0];
	s2 =	stileid.u32  }
0x192: {  	s1 =	rddreg [dreg:$0x1];
	p0 =	sne.s32 s2, $0x0  }
0x193: {  	s3 =	rddreg [dreg:$0x2];
	[bflag:$0x3] =	sbarrier.arrive $0xFFFF;
	s2 =	simm.s32 @!p0 $0x1C02  }
0x194: {  	[timem:s3], [sflag:s2] =	dma.local @!p0 [hbm:s0], s1  }
0x195: {  	s0 =	simm.s32 @!p0 $0x2  }
0x196: {  	_ =	swait.ge @!p0 [sflag:s0], s1  }
0x197: {  	s1 =	ssub.s32 @!p0 $0x0, s1;
	[sflag:s0] =	ssyncset.done @!p0 $0x0  }
0x198: {  	[sflag:s0] =	ssyncadd.s32 @!p0 s1  }
0x199: {  	[bflag:$0x3] =	sbarrier.arrive $0xFFFF  }
0x19a: {  	_ =	shalt  }

// kernel: kernel.19.cloned.1.call-start
scs
__scs_entry_jumppad:
0x0: {  	(pc) =	sbr.rel $0x88, $3  }
0x1: {  	(tag) =	ssettag $0x0;
	lr =	simm.s32 $0x1  }
0x2: {  	[smem:$0x3F7B] =	sst lr;
	_ =	strace $0xD0000000  }
0x3: {  	_ = 	snop  }
0x4: {  	_ = 	snop  }
0x5: {  	_ = 	snop  }
0x6: {  	_ = 	snop  }
0x7: {  	_ = 	snop  }
__scs_overlays_trampoline_lowered:
0x8: {  	[smem:$0x3F8A] =	sst s0  }
0x9: {  	[smem:$0x3F8B] =	sst s1  }
0xa: {  	[smem:$0x3F8C] =	sst s2  }
0xb: {  	[smem:$0x3F8D] =	sst s3  }
0xc: {  	[smem:$0x3F8E] =	sst s4  }
0xd: {  	[smem:$0x3F8F] =	sst s5  }
0xe: {  	[smem:$0x3F90] =	sst s6  }
0xf: {  	[smem:$0x3F91] =	sst s7  }
0x10: {  	[smem:$0x3F92] =	sst s8  }
0x11: {  	[smem:$0x3F93] =	sst s9;
	s0 =	simm.s32 @!p0 $0x0  }
0x12: {  	s1 =	sld [smem:$0x3F79];
	s0 =	simm.s32 @p0 $0x1  }
0x13: {  	[smem:$0x3F94] =	sst s0;
	s0 =	simm.s32 @!p1 $0x0  }
0x14: {  	s2 =	sld [smem:$0x3F78];
	s0 =	simm.s32 @p1 $0x1  }
0x15: {  	[smem:$0x3F95] =	sst s0;
	s0 =	simm.s32 @!p2 $0x0  }
0x16: {  	s3 =	sld [smem:$0x3FDB];
	s0 =	simm.s32 @p2 $0x1  }
0x17: {  	s4 =	simm.s32 $0x1BF5;
	[smem:$0x3F97] =	sst s0  }
0x18: {  	s0 =	sld [smem:$0x3F7A];
	_ =	swait.ge [sflag:s4], $0x0  }
0x19: {  	s7 =	sld [smem:$0x3F7B]  }
0x1a: {  	s8 =	sadd.s32 $0xFFFFE003, lr  }
0x1b: {  	s9 =	sadd.s32 $0xFFFFFEF7, lr;
	s5 =	simm.s32 $0xFFFFFFFF;
	p2 =	slt.u32 s8, $0xFFFFF086  }
0x1c: {  	p1 =	slt.u32 s9, $0xF7A;
	s5 =	simm.s32 @!p2 $0x0  }
0x1d: {  	s5 =	simm.s32 @p1 $0x1;
	p0 =	seq.s32 s7, s2  }
0x1e: {  	s7 =	smul.u32 @!p0 $0xF7A, s2;
	p2 =	seq.s32 @!p0 s5, $0x0  }
0x1f: {  	s9 =	smul.u32 $0xF7A, s1;
	s8 =	simm.s32 @!p0 $0x1BF5;
	p2 =	por !p2, p0  }
0x20: {  	[sflag:s8] =	ssyncset.s32 @!p0 $0xFFFFF086;
	s6 =	sadd.s32 @!p0 s3, s7;
	s7 =	simm.s32 @!p0 $0x108  }
0x21: {  	s3 =	sadd.s32 s3, s9;
	s6 =	sadd.s32 @!p0 $0x88, s6;
	s7 =	simm.s32 @p2 $0x1082  }
0x22: {  	[simem:s7], [sflag:s8] =	dma.local @!p0 [hbm:s6], $0xF7A  }
0x23: {  	s9 =	sor.u32 $0xD0000000, s2;
	s6 =	simm.s32 $0x108;
	_ =	swait.ge @!p0 [sflag:s8], $0x0  }
0x24: {  	s3 =	sadd.s32 $0x88, s3;
	s6 =	simm.s32 @!p1 $0x1082;
	[sflag:s4] =	ssyncset.s32 $0xFFFFF086  }
0x25: {  	[simem:s6], [sflag:s4] =	dma.local [hbm:s3], $0xF7A  }
0x26: {  	[smem:$0x3F7B] =	sst s1;
	(tag) =	ssettag s2;
	_ =	strace s9  }
0x27: {  	s1 =	sld [smem:$0x3F8B]  }
0x28: {  	s2 =	sld [smem:$0x3F8C]  }
0x29: {  	s4 =	sld [smem:$0x3F8E]  }
0x2a: {  	p0 =	seq.s32 s5, $0x0;
	s5 =	sld [smem:$0x3F8F]  }
0x2b: {  	s6 =	sld [smem:$0x3F90]  }
0x2c: {  	s7 =	sld [smem:$0x3F91]  }
0x2d: {  	s3 =	simm.s32 $0x108;
	s8 =	sld [smem:$0x3F92]  }
0x2e: {  	s3 =	simm.s32 @!p0 $0x1082;
	s9 =	sld [smem:$0x3F93]  }
0x2f: {  	lr =	sadd.s32 s0, s3;
	s0 =	sld [smem:$0x3F8A]  }
0x30: {  	s3 =	sld [smem:$0x3F8D]  }
0x31: {  	[smem:$0x3F96] =	sst s10  }
0x32: {  	s10 =	sld [smem:$0x3F94];
	_ =	sdelay $0x3  }
0x33: {  	p0 =	seq.s32 s10, $0x1;
	s10 =	sld [smem:$0x3F96];
	_ =	sdelay $0x3  }
0x34: {  	[smem:$0x3F96] =	sst s10  }
0x35: {  	s10 =	sld [smem:$0x3F95];
	_ =	sdelay $0x3  }
0x36: {  	p1 =	seq.s32 s10, $0x1;
	s10 =	sld [smem:$0x3F96];
	_ =	sdelay $0x3  }
0x37: {  	[smem:$0x3F96] =	sst s10  }
0x38: {  	s10 =	sld [smem:$0x3F97]  }
0x39: {  	_ = 	snop;
	(pc) =	sbr.ind lr, $3  }
0x3a: {  	_ = 	snop  }
0x3b: {  	_ = 	snop  }
0x3c: {  	p2 =	seq.s32 s10, $0x1;
	s10 =	sld [smem:$0x3F96]  }
0x3d: {  	_ =	shalt  }
0x3e: {  	_ =	shalt  }
0x3f: {  	_ =	shalt  }
0x40: {  	_ =	shalt  }
0x41: {  	_ =	shalt  }
0x42: {  	_ =	shalt  }
0x43: {  	_ =	shalt  }
0x44: {  	_ =	shalt  }
0x45: {  	_ =	shalt  }
0x46: {  	_ =	shalt  }
0x47: {  	_ =	shalt  }
0x48: {  	_ =	shalt  }
0x49: {  	_ =	shalt  }
0x4a: {  	_ =	shalt  }
0x4b: {  	_ =	shalt  }
0x4c: {  	_ =	shalt  }
0x4d: {  	_ =	shalt  }
0x4e: {  	_ =	shalt  }
0x4f: {  	_ =	shalt  }
0x50: {  	_ =	shalt  }
0x51: {  	_ =	shalt  }
0x52: {  	_ =	shalt  }
0x53: {  	_ =	shalt  }
0x54: {  	_ =	shalt  }
0x55: {  	_ =	shalt  }
0x56: {  	_ =	shalt  }
0x57: {  	_ =	shalt  }
0x58: {  	_ =	shalt  }
0x59: {  	_ =	shalt  }
0x5a: {  	_ =	shalt  }
0x5b: {  	_ =	shalt  }
0x5c: {  	_ =	shalt  }
0x5d: {  	_ =	shalt  }
0x5e: {  	_ =	shalt  }
0x5f: {  	_ =	shalt  }
0x60: {  	_ =	shalt  }
0x61: {  	_ =	shalt  }
0x62: {  	_ =	shalt  }
0x63: {  	_ =	shalt  }
0x64: {  	_ =	shalt  }
0x65: {  	_ =	shalt  }
0x66: {  	_ =	shalt  }
0x67: {  	_ =	shalt  }
0x68: {  	_ =	shalt  }
0x69: {  	_ =	shalt  }
0x6a: {  	_ =	shalt  }
0x6b: {  	_ =	shalt  }
0x6c: {  	_ =	shalt  }
0x6d: {  	_ =	shalt  }
0x6e: {  	_ =	shalt  }
0x6f: {  	_ =	shalt  }
0x70: {  	_ =	shalt  }
0x71: {  	_ =	shalt  }
0x72: {  	_ =	shalt  }
0x73: {  	_ =	shalt  }
0x74: {  	_ =	shalt  }
0x75: {  	_ =	shalt  }
0x76: {  	_ =	shalt  }
0x77: {  	_ =	shalt  }
0x78: {  	_ =	shalt  }
0x79: {  	_ =	shalt  }
0x7a: {  	_ =	shalt  }
0x7b: {  	_ =	shalt  }
0x7c: {  	_ =	shalt  }
0x7d: {  	_ =	shalt  }
0x7e: {  	_ =	shalt  }
0x7f: {  	_ =	shalt  }
0x80: {  	_ =	shalt  }
0x81: {  	_ =	shalt  }
0x82: {  	_ =	shalt  }
0x83: {  	_ =	shalt  }
0x84: {  	_ =	shalt  }
0x85: {  	_ =	shalt  }
0x86: {  	_ =	shalt  }
0x87: {  	_ =	shalt  }
.Lfunc_end0:
.L_simem_size_0:
called_computation.2_lowered:
.L_overlay_start_0:
0x88: {  	s2 =	sld [smem:$0x3FD9]  }
0x89: {  	s3 =	sld [smem:$0x3FFE];
	_ =	sdelay $0x1  }
0x8a: {  	s1 =	srdreg.scid  }
0x8b: {  	s0 =	sand.u32 $0x1, s1  }
0x8c: {  	s16 =	sshll.u32 s0, $0xA;
	s2 =	sadd.s32 s3, s2  }
0x8d: {  	s2 =	sadd.s32 s2, s16  }
0x8e: {  	[smem:$0x3FA2] =	sst s2  }
0x8f: {  	_ = 	snop  }
0x90: {  	(tm) =	ssettm $0x1  }
0x91: {  	s17 =	sld [smem:$0x3FFB];
	_ =	sdelay $0x3  }
0x92: {  	_ =	strace s17  }
0x93: {  	s2 =	sld [smem:$0x3FFC];
	_ =	sdelay $0x3  }
0x94: {  	_ =	strace s2  }
0x95: {  	s2 =	sld [smem:$0x3FFD];
	_ =	sdelay $0x3  }
0x96: {  	_ =	strace s2  }
0x97: {  	_ =	strace $0x8FFFFFFF  }
0x98: {  	s18 =	sld [smem:$0x3FDB];
	_ =	sdelay $0x1  }
0x99: {  	s19 =	simm.s32 $_scs_section_size  }
0x9a: {  	s4 =	simm.s32 $_size__tile_overlayer_lowered;
	s5 =	simm.s32 $_tile_overlayer_lowered  }
0x9b: {  	s22 =	simm.s32 $0x1BFF;
	s21 =	sshll.u32 s5, $0x1;
	s2 =	sadd.s32 s19, s18  }
0x9c: {  	s6 =	simm.s32 $0x0;
	s20 =	sshll.u32 s4, $0x1;
	s4 =	sadd.s32 s21, s2  }
0x9d: {  	[timem:s6], [sflag:s22] =	dma.local [hbm:s4], s20  }
0x9e: {  	_ =	swait.ge [sflag:s22], s20  }
0x9f: {  	s3 =	ssub.s32 $0x0, s20;
	[sflag:s22] =	ssyncset.done $0x0  }
0xa0: {  	[sflag:s22] =	ssyncadd.s32 s3;
	_ =	sdelay $0x1  }
0xa1: {  	s23 =	simm.s32 $0x1B8B  }
0xa2: {  	_ =	swait.ge [sflag:s23], $0x1  }
0xa3: {  	[sflag:s23] =	ssyncset.done $0x0  }
0xa4: {  	s25 =	simm.s32 $0x1B8E;
	s24 =	sld [smem:$0x3FFE];
	[sflag:s23] =	ssyncadd.s32 $0xFFFFFFFF  }
0xa5: {  	s26 =	simm.s32 $execute0_lowered;
	[smem:$0x3FD2] =	sst s25  }
0xa6: {  	s4 =	sshll.u32 s26, $0x1;
	_ =	strace $0x80000049;
	[dreg:$0x1] =	wrdreg $0xFFFFFFFF  }
0xa7: {  	s28 =	simm.s32 $_size_execute0_lowered;
	s2 =	sadd.s32 s2, s4;
	[dreg:$0x0] =	wrdreg $0x0  }
0xa8: {  	s4 =	sshll.u32 s28, $0x1;
	[dreg:$0x2] =	wrdreg s2  }
0xa9: {  	[dreg:$0x3] =	wrdreg s4  }
0xaa: {  	[dreg:$0x4] =	wrdreg $0xC0  }
0xab: {  	_ =	task [dreg:s6], $0x5FFFF  }
0xac: {  	[dreg:$0x1] =	wrdreg $0xFFFFFFFF  }
0xad: {  	[dreg:$0x0] =	wrdreg $0x60  }
0xae: {  	[dreg:$0x2] =	wrdreg s24  }
0xaf: {  	[dreg:$0x3] =	wrdreg $0x42000  }
0xb0: {  	[dreg:$0x4] =	wrdreg $0xA  }
0xb1: {  	_ =	task.clear_ibuf [dreg:s6], $0x5FFFF;
	_ =	strace $0x90000049  }
0xb2: {  	s29 =	simm.s32 $0xA;
	_ =	strace $0x8000004B  }
0xb3: {  	_ =	swait.ge [sflag:s29], $0x1  }
0xb4: {  	[sflag:s29] =	ssyncadd.s32 $0xFFFFFFFF  }
0xb5: {  	_ =	strace $0x9000004B  }
0xb6: {  	_ =	sfence  }
0xb7: {  	s30 =	sld [smem:$0x0];
	_ =	sdelay $0x2  }
0xb8: {  	s31 =	sshll.u32 s1, $0xD;
	s1 =	sshrl.u32 s1, $0x2  }
0xb9: {  	s3 =	sand.u32 $0x4000, s31;
	s1 =	sadd.s32 s1, s30  }
0xba: {  	s0 =	sor.u32 s3, s0;
	s1 =	sshll.u32 s1, $0x11  }
0xbb: {  	s0 =	sor.u32 s1, s0  }
0xbc: {  	s0 =	sadd.s32 $0x8F2B, s0  }
0xbd: {  	[sflag:s0] =	ssyncadd.remote.s32 $0x1  }
0xbe: {  	_ =	sfence.sel $0xFFFF  }
0xbf: {  	[dreg:$0x0] =	wrdreg $0xFFFFFFFF;
	(pc) =	sbr.abs _section_cstart, $3  }
0xc0: {  	[dreg:$0x1] =	wrdreg $0xFFFFFFFF  }
0xc1: {  	_ =	task.clear_ibuf [dreg:s6], $0x2FFFF;
	_ =	strace $0x9FFFFFFF  }
0xc2: {  	(tm) =	ssettm $0x7FFFFFFF  }
0xc3: {  	_ =	shalt  }
tec
execute0_lowered:
.L_overlay_start_1:
0x0: {  	(tag) =	ssettag $0x1  }
0x1: {  	s7 =	rddreg [dreg:$0x0]  }
0x2: {  	s1 =	rddreg [dreg:$0x1]  }
0x3: {  	s0 =	rddreg [dreg:$0x2];
	s2 =	simm.s32 $0x0;
	s3 =	srdreg.scid  }
0x4: {  	s12 =	simm.s32 $0x100;
	s13 =	simm.s32 $0x2;
	s14 =	simm.s32 $0x4100  }
0x5: {  	s15 =	simm.s32 $0x4180;
	s16 =	simm.s32 $0x1;
	s17 =	simm.s32 $0x0  }
0x6: {  	[smem:$0x7FF] =	sst s2;
	s8 =	sand.u32 $0x1, s3;
	s4 =	sadd.s32 $0x8000, s7  }
0x7: {  	s5 =	sadd.s32 $0x1BC00, s7;
	s6 =	sadd.s32 $0x25A00, s7;
	s3 =	stileid.u32  }
0x8: {  	_ =	strace $0x8000004A;
	s9 =	smul.u32 $0x28000, s8;
	s10 =	ssub.s32 $0x2, s8  }
0x9: {  	s11 =	sshll.u32 s3, $0x1;
	s31 =	sshll.u32 s3, $0xB;
	s30 =	sshrl.u32 s10, $0x1  }
0xa: {  	s8 =	sor.u32 s8, s11;
	s9 =	sadd.s32 s9, s7;
	s10 =	ssub.s32 s10, s30  }
0xb: {  	v0 =	vimm.f32 $0.0e+00;
	vm0 =	vcmask $0x300;
	vm1 =	vcmask $0x704;
	s7 =	sshll.u32 s3, $0x7;
	s8 =	smul.u32 $0x4F, s8;
	s11 =	sadd.s32 s31, s9  }
0xc: {  	v2 =	vlaneseq.u32;
	v1 =	vsel vm0, $0x3F800000, v0;
	v3 =	vsel vm1, $0x3F800000, v0;
	s9 =	smax.u32 s10, $0x1;
	s10 =	sadd.s32 $0x2F800, s11;
	s11 =	simm.s32 $0x80  }
.LBB2_1:
0xd: {  	s18 =	simm.s32 $0x0;
	s19 =	simm.s32 $0x200  }
.LBB2_2:
0xe: {  	p0 =	sne.s32 s19, $0xFE00;
	[tilespmem:s18+$0x170] =	vst v0  }
0xf: {  	[tilespmem:s18+$0x100] =	vst v0  }
0x10: {  	[tilespmem:s18+$0x110] =	vst v0  }
.Ltmp0:
0x11: {  	[tilespmem:s18+$0x120] =	vst v0;
	(pc) =	sbr.rel @p0 .LBB2_2-.Ltmp0, $4  }
0x12: {  	[tilespmem:s18+$0x130] =	vst v0  }
0x13: {  	[tilespmem:s18+$0x140] =	vst v0  }
0x14: {  	[tilespmem:s18+$0x150] =	vst v0  }
0x15: {  	[tilespmem:s18+$0x160] =	vst v0;
	s18 =	sshra.s32 s19, $0x2;
	s19 =	sadd.s32 $0x200, s19  }
0x16: {  	[tilespmem:s18+$0x170] =	vst v0  }
0x17: {  	[tilespmem:s18+$0x100] =	vst v0  }
0x18: {  	[tilespmem:s18+$0x110] =	vst v0  }
0x19: {  	[tilespmem:s18+$0x120] =	vst v0  }
0x1a: {  	[tilespmem:s18+$0x130] =	vst v0  }
0x1b: {  	[tilespmem:s18+$0x140] =	vst v0  }
0x1c: {  	[tilespmem:s18+$0x150] =	vst v0;
	s19 =	sadd.s32 $0x0, s7  }
0x1d: {  	[tilespmem:s18+$0x160] =	vst v0;
	v4 =	vor.u32 s19, v2;
	s26 =	sadd.s32 $0x70, s19  }
0x1e: {  	s20 =	sadd.s32 $0x60, s19;
	[tilespmem:$0x80] =	vst v4;
	v4 =	vor.u32 s26, v2  }
0x1f: {  	s30 =	sadd.s32 $0x30, s19;
	v5 =	vor.u32 s20, v2;
	[tilespmem:$0xF0] =	vst v4  }
0x20: {  	s28 =	sadd.s32 $0x50, s19;
	v6 =	vor.u32 s30, v2;
	[tilespmem:$0xE0] =	vst v5  }
0x21: {  	s29 =	sadd.s32 $0x40, s19;
	v4 =	vor.u32 s28, v2;
	[tilespmem:$0xB0] =	vst v6  }
0x22: {  	s31 =	sadd.s32 $0x20, s19;
	v5 =	vor.u32 s29, v2;
	[tilespmem:$0xD0] =	vst v4  }
0x23: {  	s18 =	simm.s32 $0x800;
	s19 =	sadd.s32 $0x10, s19;
	[tilespmem:$0xC0] =	vst v5;
	v4 =	vor.u32 s31, v2  }
.LBB2_4:
0x24: {  	p0 =	sne.s32 s18, $0x2000;
	v5 =	vor.u32 s19, v2;
	[tilespmem:$0xA0] =	vst v4  }
0x25: {  	[tilespmem:$0x90] =	vst v5;
	[spmem:s1] =	stream.indirect.scatter [tilespmem:s12], [sflag:$0x2], $0x80, s11, s11, $0xb8  }
0x26: {  	_ =	swait.ge [sflag:s13], $0x4000  }
0x27: {  	s19 =	sadd.s32 s18, s7;
	[sflag:s13] =	ssyncset.done $0x0  }
0x28: {  	v4 =	vor.u32 s19, v2;
	s20 =	sadd.s32 $0x70, s19;
	[sflag:s13] =	ssyncadd.s32 $0xFFFFC000  }
0x29: {  	s21 =	sadd.s32 $0x60, s19;
	[tilespmem:$0x80] =	vst v4;
	v4 =	vor.u32 s20, v2  }
.Ltmp1:
0x2a: {  	v5 =	vor.u32 s21, v2;
	s20 =	sadd.s32 $0x50, s19;
	[tilespmem:$0xF0] =	vst v4;
	(pc) =	sbr.rel @p0 .LBB2_4-.Ltmp1, $4  }
0x2b: {  	s21 =	sadd.s32 $0x40, s19;
	v4 =	vor.u32 s20, v2;
	[tilespmem:$0xE0] =	vst v5  }
0x2c: {  	s20 =	sadd.s32 $0x30, s19;
	v5 =	vor.u32 s21, v2;
	[tilespmem:$0xD0] =	vst v4  }
0x2d: {  	s21 =	sadd.s32 $0x20, s19;
	v6 =	vor.u32 s20, v2;
	[tilespmem:$0xC0] =	vst v5  }
0x2e: {  	s18 =	sadd.s32 $0x800, s18;
	s19 =	sadd.s32 $0x10, s19;
	v4 =	vor.u32 s21, v2;
	[tilespmem:$0xB0] =	vst v6  }
0x2f: {  	v5 =	vor.u32 s19, v2;
	[tilespmem:$0xA0] =	vst v4  }
0x30: {  	[tilespmem:$0x90] =	vst v5  }
0x31: {  	[spmem:s1] =	stream.indirect.scatter [tilespmem:s12], [sflag:$0x2], $0x80, s11, s11, $0xb8;
	[tilespmem:$0x18200] =	vst v63  }
0x32: {  	_ =	swait.ge [sflag:s13], $0x4000  }
0x33: {  	[sflag:s13] =	ssyncset.done $0x0  }
0x34: {  	[sflag:s13] =	ssyncadd.s32 $0xFFFFC000  }
0x35: {  	s18 =	simm.s32 $0x0;
	s19 =	simm.s32 $0x0;
	[bflag:$0x0] =	sbarrier.arrive $0xFFFF  }
.LBB2_6:
0x36: {  	s20 =	sadd.s32 s8, s19  }
0x37: {  	s20 =	sshll.u32 s20, $0x4  }
0x38: {  	s21 =	sadd.s32 s4, s20  }
0x39: {  	[tilespmem:s18], [sflag:$0x2] =	stream.linear.gather [hbm4b:s21+s18], $0x80, $0x38;
	[tilespmem:$0x18200] =	vst v63  }
0x3a: {  	_ =	swait.ge [sflag:s13], $0x80  }
0x3b: {  	[sflag:s13] =	ssyncset.done $0x0  }
0x3c: {  	s30 =	sadd.s32 s5, s20;
	[sflag:s13] =	ssyncadd.s32 $0xFFFFFF80  }
0x3d: {  	[tilespmem:s14], [sflag:$0x2] =	stream.linear.gather [hbm4b:s30+s18], $0x80, $0x38;
	[tilespmem:$0x18200] =	vst v63  }
0x3e: {  	_ =	swait.ge [sflag:s13], $0x80  }
0x3f: {  	[sflag:s13] =	ssyncset.done $0x0  }
0x40: {  	s20 =	sadd.s32 s6, s20;
	[sflag:s13] =	ssyncadd.s32 $0xFFFFFF80  }
0x41: {  	[tilespmem:s15], [sflag:$0x2] =	stream.linear.gather [hbm4b:s20+s18], $0x80, $0x38;
	[tilespmem:$0x18200] =	vst v63  }
0x42: {  	_ =	swait.ge [sflag:s13], $0x80  }
0x43: {  	[sflag:s13] =	ssyncset.done $0x0  }
0x44: {  	s31 =	simm.s32 $0x0;
	[sflag:s13] =	ssyncadd.s32 $0xFFFFFF80  }
0x45: {  	v4 =	vld [tilespmem:s31+$0x4100]  }
0x46: {  	v5 =	vld [tilespmem:s31+$0x4180];
	_ =	sdelay $0x3  }
0x47: {  	v6 =	vbroadcast v4, $0x1;
	v7 =	vbroadcast v4, $0x3  }
0x48: {  	v8 =	vbroadcast v4, $0x2;
	v9 =	vbroadcast v5, $0x2  }
0x49: {  	v10 =	vbroadcast v5, $0x1;
	v11 =	vbroadcast v5, $0x3  }
0x4a: {  	v12 =	vbroadcast v4, $0x4;
	v13 =	vbroadcast v5, $0x4  }
0x4b: {  	v14 =	vbroadcast v4, $0x5;
	v15 =	vbroadcast v5, $0x5  }
0x4c: {  	v16 =	vbroadcast v4, $0x6;
	v17 =	vbroadcast v5, $0x6  }
0x4d: {  	v18 =	vbroadcast v4, $0x7;
	v19 =	vbroadcast v5, $0x7  }
0x4e: {  	v20 =	vbroadcast v4, $0x8;
	v21 =	vbroadcast v5, $0x8  }
0x4f: {  	v22 =	vbroadcast v4, $0x9;
	v23 =	vbroadcast v5, $0x9  }
0x50: {  	v24 =	vbroadcast v4, $0xA;
	v45 =	vbroadcast v5, $0xA  }
0x51: {  	v47 =	vbroadcast v4, $0xB;
	v49 =	vbroadcast v5, $0xB  }
0x52: {  	v51 =	vbroadcast v4, $0xC;
	v52 =	vbroadcast v5, $0xC  }
0x53: {  	v53 =	vbroadcast v4, $0xD;
	v54 =	vbroadcast v5, $0xD  }
0x54: {  	v55 =	vbroadcast v4, $0xE;
	v57 =	vbroadcast v5, $0xE  }
0x55: {  	v59 =	vbroadcast v4, $0xF;
	v61 =	vbroadcast v5, $0xF  }
0x56: {  	v4 =	vbroadcast v4, $0x0;
	v5 =	vbroadcast v5, $0x0  }
0x57: {  	v8 =	vmul.f32 v1, v8;
	v9 =	vmul.f32 v3, v9  }
0x58: {  	v6 =	vmul.f32 v1, v6;
	v10 =	vmul.f32 v3, v10  }
0x59: {  	v7 =	vmul.f32 v1, v7;
	v11 =	vmul.f32 v3, v11;
	v8 =	vadd.f32 v9, v8  }
0x5a: {  	s20 =	simm.s32 $0x500;
	v4 =	vmul.f32 v1, v4;
	v5 =	vmul.f32 v3, v5;
	v6 =	vadd.f32 v10, v6  }
0x5b: {  	v12 =	vmul.f32 v1, v12;
	v13 =	vmul.f32 v3, v13;
	v7 =	vadd.f32 v11, v7;
	[tilespmem:s20+$0xFFFFFD00] =	vst v8  }
0x5c: {  	v14 =	vmul.f32 v1, v14;
	v15 =	vmul.f32 v3, v15;
	v4 =	vadd.f32 v5, v4;
	[tilespmem:s20+$0xFFFFFC80] =	vst v6  }
0x5d: {  	v16 =	vmul.f32 v1, v16;
	v17 =	vmul.f32 v3, v17;
	v6 =	vadd.f32 v13, v12;
	[tilespmem:s20+$0xFFFFFD80] =	vst v7  }
0x5e: {  	v18 =	vmul.f32 v1, v18;
	v19 =	vmul.f32 v3, v19;
	v7 =	vadd.f32 v15, v14;
	[tilespmem:s20+$0xFFFFFC00] =	vst v4  }
0x5f: {  	v20 =	vmul.f32 v1, v20;
	v21 =	vmul.f32 v3, v21;
	[tilespmem:s20+$0xFFFFFE00] =	vst v6;
	v6 =	vadd.f32 v17, v16  }
0x60: {  	v22 =	vmul.f32 v1, v22;
	v44 =	vmul.f32 v3, v23;
	[tilespmem:s20+$0xFFFFFE80] =	vst v7;
	v7 =	vadd.f32 v19, v18  }
0x61: {  	v46 =	vmul.f32 v1, v24;
	v48 =	vmul.f32 v3, v45;
	[tilespmem:s20+$0xFFFFFF00] =	vst v6;
	v6 =	vadd.f32 v21, v20  }
0x62: {  	v50 =	vmul.f32 v1, v47;
	v11 =	vmul.f32 v3, v49;
	[tilespmem:s20+$0xFFFFFF80] =	vst v7;
	v7 =	vadd.f32 v44, v22  }
0x63: {  	v13 =	vmul.f32 v1, v51;
	v14 =	vmul.f32 v3, v52;
	[tilespmem:s20+$0x0] =	vst v6;
	v6 =	vadd.f32 v48, v46  }
0x64: {  	v56 =	vmul.f32 v3, v54;
	v15 =	vmul.f32 v1, v53;
	[tilespmem:s20+$0x80] =	vst v7;
	v7 =	vadd.f32 v11, v50  }
0x65: {  	v58 =	vmul.f32 v1, v55;
	v60 =	vmul.f32 v3, v57;
	[tilespmem:s20+$0x100] =	vst v6;
	v6 =	vadd.f32 v14, v13  }
0x66: {  	v62 =	vmul.f32 v1, v59;
	v63 =	vmul.f32 v3, v61;
	[tilespmem:s20+$0x180] =	vst v7;
	v7 =	vadd.f32 v56, v15  }
0x67: {  	[tilespmem:s20+$0x200] =	vst v6;
	v6 =	vadd.f32 v60, v58  }
0x68: {  	[tilespmem:s20+$0x280] =	vst v7;
	v7 =	vadd.f32 v63, v62  }
0x69: {  	[tilespmem:s20+$0x300] =	vst v6  }
0x6a: {  	s22 =	simm.s32 $0x10;
	[tilespmem:s20+$0x380] =	vst v7  }
0x6b: {  	s21 =	simm.s32 $0x80;
	v4 =	vld [tilespmem:s22+$0x4100]  }
.LBB2_7:
0x6c: {  	p0 =	sne.s32 s21, $0x1C0;
	v5 =	vld [tilespmem:s22+$0x4180];
	_ =	sdelay $0x3  }
0x6d: {  	v6 =	vbroadcast v4, $0x1;
	v7 =	vbroadcast v4, $0x3  }
0x6e: {  	v8 =	vbroadcast v4, $0x2;
	v9 =	vbroadcast v5, $0x2  }
0x6f: {  	v10 =	vbroadcast v5, $0x1;
	v6 =	vmul.f32 v1, v6  }
0x70: {  	v8 =	vmul.f32 v1, v8;
	v9 =	vmul.f32 v3, v9  }
0x71: {  	v11 =	vbroadcast v5, $0x3;
	v10 =	vmul.f32 v3, v10  }
0x72: {  	v7 =	vmul.f32 v1, v7;
	v8 =	vadd.f32 v9, v8;
	v9 =	vbroadcast v4, $0x4  }
0x73: {  	s20 =	sadd.s32 $0x800, s20;
	v6 =	vadd.f32 v10, v6;
	v10 =	vmul.f32 v3, v11;
	v11 =	vbroadcast v5, $0x4  }
0x74: {  	[tilespmem:s20+$0xFFFFFD00] =	vst v8;
	v8 =	vmul.f32 v1, v9;
	v9 =	vbroadcast v4, $0x5  }
0x75: {  	[tilespmem:s20+$0xFFFFFC80] =	vst v6;
	v6 =	vadd.f32 v10, v7;
	v7 =	vmul.f32 v3, v11;
	v10 =	vbroadcast v5, $0x5  }
0x76: {  	v11 =	vbroadcast v4, $0x6;
	v9 =	vmul.f32 v1, v9  }
0x77: {  	[tilespmem:s20+$0xFFFFFD80] =	vst v6;
	v6 =	vadd.f32 v7, v8;
	v7 =	vmul.f32 v3, v10;
	v8 =	vbroadcast v5, $0x6  }
0x78: {  	v10 =	vmul.f32 v1, v11;
	v11 =	vbroadcast v4, $0x7  }
0x79: {  	[tilespmem:s20+$0xFFFFFE00] =	vst v6;
	v6 =	vadd.f32 v7, v9;
	v7 =	vmul.f32 v3, v8;
	v8 =	vbroadcast v5, $0x7  }
0x7a: {  	v9 =	vmul.f32 v1, v11;
	v11 =	vbroadcast v4, $0x8  }
0x7b: {  	[tilespmem:s20+$0xFFFFFE80] =	vst v6;
	v6 =	vadd.f32 v7, v10;
	v7 =	vmul.f32 v3, v8;
	v8 =	vbroadcast v5, $0x8  }
0x7c: {  	v10 =	vmul.f32 v1, v11;
	v11 =	vbroadcast v4, $0x9  }
0x7d: {  	[tilespmem:s20+$0xFFFFFF00] =	vst v6;
	v6 =	vadd.f32 v7, v9;
	v7 =	vmul.f32 v3, v8;
	v8 =	vbroadcast v5, $0x9  }
0x7e: {  	v9 =	vmul.f32 v1, v11;
	v11 =	vbroadcast v4, $0xA  }
0x7f: {  	[tilespmem:s20+$0xFFFFFF80] =	vst v6;
	v6 =	vadd.f32 v7, v10;
	v7 =	vmul.f32 v3, v8;
	v8 =	vbroadcast v5, $0xA  }
0x80: {  	v10 =	vmul.f32 v1, v11;
	v11 =	vbroadcast v4, $0xB  }
0x81: {  	[tilespmem:s20+$0x0] =	vst v6;
	v6 =	vadd.f32 v7, v9;
	v7 =	vmul.f32 v3, v8;
	v8 =	vbroadcast v5, $0xB  }
0x82: {  	v9 =	vmul.f32 v1, v11;
	v11 =	vbroadcast v4, $0xC  }
0x83: {  	[tilespmem:s20+$0x80] =	vst v6;
	v6 =	vadd.f32 v7, v10;
	v7 =	vmul.f32 v3, v8;
	v8 =	vbroadcast v5, $0xC  }
0x84: {  	v10 =	vmul.f32 v1, v11;
	v11 =	vbroadcast v4, $0xD  }
0x85: {  	[tilespmem:s20+$0x100] =	vst v6;
	v6 =	vadd.f32 v7, v9;
	v7 =	vmul.f32 v3, v8;
	v8 =	vbroadcast v5, $0xD  }
0x86: {  	v9 =	vmul.f32 v1, v11;
	v11 =	vbroadcast v4, $0xE  }
0x87: {  	[tilespmem:s20+$0x180] =	vst v6;
	v6 =	vadd.f32 v7, v10;
	v7 =	vmul.f32 v3, v8;
	v8 =	vbroadcast v5, $0xE  }
0x88: {  	v10 =	vmul.f32 v1, v11;
	v11 =	vbroadcast v4, $0xF  }
0x89: {  	[tilespmem:s20+$0x200] =	vst v6;
	v6 =	vadd.f32 v7, v9;
	v7 =	vmul.f32 v3, v8;
	v8 =	vbroadcast v5, $0xF  }
0x8a: {  	v4 =	vbroadcast v4, $0x0;
	v9 =	vmul.f32 v1, v11  }
0x8b: {  	v5 =	vbroadcast v5, $0x0;
	[tilespmem:s20+$0x280] =	vst v6;
	v6 =	vadd.f32 v7, v10;
	v7 =	vmul.f32 v3, v8  }
0x8c: {  	v4 =	vmul.f32 v1, v4  }
0x8d: {  	v5 =	vmul.f32 v3, v5;
	[tilespmem:s20+$0x300] =	vst v6;
	v6 =	vadd.f32 v7, v9  }
.Ltmp2:
0x8e: {  	(pc) =	sbr.rel @p0 .LBB2_7-.Ltmp2, $3  }
0x8f: {  	v4 =	vadd.f32 v5, v4;
	[tilespmem:s20+$0x380] =	vst v6;
	_ =	sdelay $0x1  }
0x90: {  	s22 =	sshra.s32 s21, $0x2;
	[tilespmem:s20+$0xFFFFFC00] =	vst v4  }
0x91: {  	s21 =	sadd.s32 $0x40, s21;
	v4 =	vld [tilespmem:s22+$0x4100]  }
0x92: {  	_ =	sdelay $0x3  }
0x93: {  	v6 =	vbroadcast v4, $0x1;
	v7 =	vbroadcast v4, $0x3  }
0x94: {  	v8 =	vbroadcast v4, $0x2;
	v12 =	vbroadcast v4, $0x4  }
0x95: {  	v14 =	vbroadcast v4, $0x5;
	v16 =	vbroadcast v4, $0x6  }
0x96: {  	v5 =	vld [tilespmem:s22+$0x4180];
	v18 =	vbroadcast v4, $0x7;
	v20 =	vbroadcast v4, $0x8  }
0x97: {  	v22 =	vbroadcast v4, $0x9;
	v24 =	vbroadcast v4, $0xA  }
0x98: {  	v35 =	vbroadcast v4, $0xB;
	v40 =	vbroadcast v4, $0xC  }
0x99: {  	v44 =	vbroadcast v4, $0xD;
	v48 =	vbroadcast v4, $0xE  }
0x9a: {  	v54 =	vbroadcast v4, $0xF;
	v4 =	vbroadcast v4, $0x0  }
0x9b: {  	v9 =	vbroadcast v5, $0x2;
	v10 =	vbroadcast v5, $0x1  }
0x9c: {  	v11 =	vbroadcast v5, $0x3;
	v13 =	vbroadcast v5, $0x4  }
0x9d: {  	v15 =	vbroadcast v5, $0x5;
	v17 =	vbroadcast v5, $0x6  }
0x9e: {  	v19 =	vbroadcast v5, $0x7;
	v21 =	vbroadcast v5, $0x8  }
0x9f: {  	v23 =	vbroadcast v5, $0x9;
	v33 =	vbroadcast v5, $0xA  }
0xa0: {  	v37 =	vbroadcast v5, $0xB;
	v42 =	vbroadcast v5, $0xC  }
0xa1: {  	v46 =	vbroadcast v5, $0xD;
	v51 =	vbroadcast v5, $0xE  }
0xa2: {  	v57 =	vbroadcast v5, $0xF;
	v5 =	vbroadcast v5, $0x0  }
0xa3: {  	v8 =	vmul.f32 v1, v8;
	v9 =	vmul.f32 v3, v9  }
0xa4: {  	v6 =	vmul.f32 v1, v6;
	v10 =	vmul.f32 v3, v10  }
0xa5: {  	v7 =	vmul.f32 v1, v7;
	v11 =	vmul.f32 v3, v11;
	v8 =	vadd.f32 v9, v8  }
0xa6: {  	s20 =	sadd.s32 $0x800, s20;
	v12 =	vmul.f32 v1, v12;
	v13 =	vmul.f32 v3, v13;
	v6 =	vadd.f32 v10, v6  }
0xa7: {  	v14 =	vmul.f32 v1, v14;
	v15 =	vmul.f32 v3, v15;
	v7 =	vadd.f32 v11, v7;
	[tilespmem:s20+$0xFFFFFD00] =	vst v8  }
0xa8: {  	v16 =	vmul.f32 v1, v16;
	v17 =	vmul.f32 v3, v17;
	v38 =	vadd.f32 v13, v12;
	[tilespmem:s20+$0xFFFFFC80] =	vst v6  }
0xa9: {  	v18 =	vmul.f32 v1, v18;
	v19 =	vmul.f32 v3, v19;
	v41 =	vadd.f32 v15, v14;
	[tilespmem:s20+$0xFFFFFD80] =	vst v7  }
0xaa: {  	v20 =	vmul.f32 v1, v20;
	v21 =	vmul.f32 v3, v21;
	v43 =	vadd.f32 v17, v16;
	[tilespmem:s20+$0xFFFFFE00] =	vst v38  }
0xab: {  	v22 =	vmul.f32 v1, v22;
	v32 =	vmul.f32 v3, v23;
	v45 =	vadd.f32 v19, v18;
	[tilespmem:s20+$0xFFFFFE80] =	vst v41  }
0xac: {  	v34 =	vmul.f32 v1, v24;
	v36 =	vmul.f32 v3, v33;
	v47 =	vadd.f32 v21, v20;
	[tilespmem:s20+$0xFFFFFF00] =	vst v43  }
0xad: {  	v53 =	vmul.f32 v1, v48;
	v56 =	vmul.f32 v3, v51;
	v49 =	vadd.f32 v32, v22;
	[tilespmem:s20+$0xFFFFFF80] =	vst v45  }
0xae: {  	v60 =	vmul.f32 v1, v54;
	v61 =	vmul.f32 v3, v57;
	v52 =	vadd.f32 v36, v34;
	[tilespmem:s20+$0x0] =	vst v47  }
0xaf: {  	v4 =	vmul.f32 v1, v4;
	v5 =	vmul.f32 v3, v5;
	v62 =	vadd.f32 v56, v53;
	[tilespmem:s20+$0x80] =	vst v49  }
0xb0: {  	v39 =	vmul.f32 v1, v35;
	v11 =	vmul.f32 v3, v37;
	v63 =	vadd.f32 v61, v60;
	[tilespmem:s20+$0x100] =	vst v52  }
0xb1: {  	v13 =	vmul.f32 v1, v40;
	v14 =	vmul.f32 v3, v42;
	v4 =	vadd.f32 v5, v4;
	[tilespmem:s20+$0x300] =	vst v62  }
0xb2: {  	v50 =	vmul.f32 v3, v46;
	v15 =	vmul.f32 v1, v44;
	v55 =	vadd.f32 v11, v39;
	[tilespmem:s20+$0x380] =	vst v63  }
0xb3: {  	v58 =	vadd.f32 v14, v13;
	[tilespmem:s20+$0xFFFFFC00] =	vst v4  }
0xb4: {  	s19 =	sadd.s32 $0x1, s19;
	v59 =	vadd.f32 v50, v15;
	[tilespmem:s20+$0x180] =	vst v55  }
0xb5: {  	p0 =	sne.s32 s19, $0x4F;
	[tilespmem:s20+$0x200] =	vst v58  }
.Ltmp3:
0xb6: {  	[tilespmem:s20+$0x280] =	vst v59;
	(pc) =	sbr.rel @p0 .LBB2_6-.Ltmp3, $4  }
0xb7: {  	[spmem:s1] =	stream.indirect.scatter.add.f32 [tilespmem:s12], [sflag:$0x2], $0x80, s2, s11, $0xb8;
	[tilespmem:$0x18200] =	vst v63  }
0xb8: {  	_ =	swait.ge [sflag:s13], $0x4000  }
0xb9: {  	[sflag:s13] =	ssyncset.done $0x0  }
0xba: {  	[sflag:s13] =	ssyncadd.s32 $0xFFFFC000  }
0xbb: {  	s18 =	sadd.s32 $0x0, s7  }
0xbc: {  	[bflag:$0x0] =	sbarrier.arrive $0xFFFF;
	v4 =	vor.u32 s18, v2;
	s19 =	sadd.s32 $0x10, s18  }
0xbd: {  	s20 =	sadd.s32 $0x20, s18;
	[tilespmem:$0x80] =	vst v4;
	v4 =	vor.u32 s19, v2  }
0xbe: {  	s28 =	sadd.s32 $0x70, s18;
	v5 =	vor.u32 s20, v2;
	[tilespmem:$0x90] =	vst v4  }
0xbf: {  	s30 =	sadd.s32 $0x40, s18;
	v4 =	vor.u32 s28, v2;
	[tilespmem:$0xA0] =	vst v5  }
0xc0: {  	s29 =	sadd.s32 $0x50, s18;
	v5 =	vor.u32 s30, v2;
	[tilespmem:$0xF0] =	vst v4  }
0xc1: {  	s31 =	sadd.s32 $0x60, s18;
	s18 =	sadd.s32 $0x30, s18;
	v4 =	vor.u32 s29, v2;
	[tilespmem:$0xC0] =	vst v5  }
0xc2: {  	v5 =	vor.u32 s18, v2;
	[tilespmem:$0xD0] =	vst v4  }
0xc3: {  	v4 =	vor.u32 s31, v2;
	[tilespmem:$0xB0] =	vst v5  }
0xc4: {  	s20 =	smov.u32 s10;
	s19 =	smov.u32 s10;
	s18 =	simm.s32 $0x800;
	[tilespmem:$0xE0] =	vst v4  }
0xc5: {  	[tilespmem:s12], [sflag:$0x1] =	stream.indirect.gather [spmem:s1], $0x80, s11, s11, $0xb8;
	[tilespmem:$0x18200] =	vst v63  }
.LBB2_10:
0xc6: {  	p0 =	sne.s32 s18, $0x2000;
	_ =	swait.ge [sflag:s16], $0x4000;
	s20 =	sadd.s32 $0x8000, s20  }
0xc7: {  	s21 =	smov.u32 s18;
	s18 =	sadd.s32 $0x800, s18;
	[sflag:s16] =	ssyncset.done $0x0  }
0xc8: {  	[sflag:s16] =	ssyncadd.s32 $0xFFFFC000  }
0xc9: {  	[hbm4b:s19+s2] =	stream.linear.scatter [tilespmem:s12], [sflag:$0x2], $0x4000, $0x38;
	[tilespmem:$0x18200] =	vst v63  }
0xca: {  	s19 =	smov.u32 s20;
	_ =	swait.ge [sflag:s13], $0x4000  }
0xcb: {  	s21 =	sadd.s32 s21, s7;
	[sflag:s13] =	ssyncset.done $0x0  }
0xcc: {  	v4 =	vor.u32 s21, v2;
	s22 =	sadd.s32 $0x10, s21;
	s23 =	sadd.s32 $0x20, s21;
	[sflag:s13] =	ssyncadd.s32 $0xFFFFC000  }
0xcd: {  	s24 =	sadd.s32 $0x70, s21;
	v5 =	vor.u32 s23, v2;
	s23 =	sadd.s32 $0x50, s21;
	[tilespmem:$0x80] =	vst v4;
	v4 =	vor.u32 s22, v2;
	s22 =	sadd.s32 $0x40, s21  }
0xce: {  	s25 =	sadd.s32 $0x30, s21;
	v7 =	vor.u32 s24, v2;
	v6 =	vor.u32 s23, v2;
	s21 =	sadd.s32 $0x60, s21;
	[tilespmem:$0x90] =	vst v4;
	v4 =	vor.u32 s22, v2  }
0xcf: {  	v8 =	vor.u32 s25, v2;
	v9 =	vor.u32 s21, v2;
	[tilespmem:$0xF0] =	vst v7  }
0xd0: {  	[tilespmem:$0xA0] =	vst v5  }
.Ltmp4:
0xd1: {  	[tilespmem:$0xD0] =	vst v6;
	(pc) =	sbr.rel @p0 .LBB2_10-.Ltmp4, $4  }
0xd2: {  	[tilespmem:$0xC0] =	vst v4  }
0xd3: {  	[tilespmem:$0xE0] =	vst v9  }
0xd4: {  	[tilespmem:$0xB0] =	vst v8  }
0xd5: {  	[tilespmem:s12], [sflag:$0x1] =	stream.indirect.gather [spmem:s1], $0x80, s11, s11, $0xb8;
	[tilespmem:$0x18200] =	vst v63  }
0xd6: {  	_ =	swait.ge [sflag:s16], $0x4000;
	s17 =	sadd.s32 $0x1, s17  }
0xd7: {  	[sflag:s16] =	ssyncset.done $0x0;
	p0 =	sne.s32 s17, s9  }
.Ltmp5:
0xd8: {  	[sflag:s16] =	ssyncadd.s32 $0xFFFFC000;
	(pc) =	sbr.rel @p0 .LBB2_1-.Ltmp5, $4  }
0xd9: {  	[hbm4b:s19+s2] =	stream.linear.scatter [tilespmem:s12], [sflag:$0x2], $0x4000, $0x38;
	[tilespmem:$0x18200] =	vst v63  }
0xda: {  	_ =	swait.ge [sflag:s13], $0x4000  }
0xdb: {  	[sflag:s13] =	ssyncset.done $0x0  }
0xdc: {  	[sflag:s13] =	ssyncadd.s32 $0xFFFFC000  }
0xdd: {  	_ =	sfence.sel $0x180000  }
0xde: {  	[bflag:$0x0] =	sbarrier.arrive $0xFFFF  }
0xdf: {  	p0 =	sne.s32 s3, $0x0;
	_ =	strace $0x9000004A  }
0xe0: {  	s0 =	sadd.s32 @!p0 $0x100000, s0;
	[bflag:$0x2] =	sbarrier.arrive $0xFFFF  }
0xe1: {  	[sflag:s0] =	ssyncadd.tile.s32 @!p0 $0x1;
	_ =	shalt  }
.Lfunc_end2:
_tile_overlayer_lowered:
.L_overlay_start_2:
0xe2: {  	(tag) =	ssettag $0x2  }
0xe3: {  	s0 =	rddreg [dreg:$0x0];
	s2 =	stileid.u32  }
0xe4: {  	s1 =	rddreg [dreg:$0x1];
	p0 =	sne.s32 s2, $0x0  }
0xe5: {  	s3 =	rddreg [dreg:$0x2];
	[bflag:$0x3] =	sbarrier.arrive $0xFFFF;
	s2 =	simm.s32 @!p0 $0x1C02  }
0xe6: {  	[timem:s3], [sflag:s2] =	dma.local @!p0 [hbm:s0], s1  }
0xe7: {  	s0 =	simm.s32 @!p0 $0x2  }
0xe8: {  	_ =	swait.ge @!p0 [sflag:s0], s1  }
0xe9: {  	s1 =	ssub.s32 @!p0 $0x0, s1;
	[sflag:s0] =	ssyncset.done @!p0 $0x0  }
0xea: {  	[sflag:s0] =	ssyncadd.s32 @!p0 s1  }
0xeb: {  	[bflag:$0x3] =	sbarrier.arrive $0xFFFF  }
0xec: {  	_ =	shalt  }

</sc_bundles>
